<compile_context>
chip_gen: v7x
topology: tpu7x:2x2x1
jax: 0.10.2.dev20260603
libtpu: 0.0.44.dev20260713+nightly
codegen_flags: <defaults>
</compile_context>

<pallas_src>
import functools

import jax
import jax.numpy as jnp
from jax import lax
from jax.experimental import pallas as pl
from jax.experimental.pallas import tpu as pltpu
from jax.experimental.pallas import tpu_sc as plsc

NUM_CLASSES = 81
TOP_K = 200
CONF_THRESH = 0.01
VAR0 = 0.1
VAR1 = 0.2
BATCH = 8
P = 20000

L = 16
NW = 32
TASKS = BATCH * NUM_CLASSES
ROW_ITERS = P // L
NBUCKET = 256
HI_CAP = 224
FIN_CAP = 224
GHALF = 112
OUT_ROW = TOP_K * 5
SHIFTS = (18, 10, 2, 0)


def _scan_buckets(hist_ref, acc0):
    def body(k, carry):
        acc, beta, above, cntb = carry
        b = 255 - k
        h = hist_ref[pl.ds(b * L, L)]
        cnt = jnp.sum(h)
        crossed = (acc < TOP_K) & (acc + cnt >= TOP_K)
        beta = jnp.where(crossed, b, beta)
        above = jnp.where(crossed, acc, above)
        cntb = jnp.where(crossed, cnt, cntb)
        return acc + cnt, beta, above, cntb

    _, beta, above, cntb = lax.fori_loop(
        0, NBUCKET, body, (acc0, jnp.int32(0), acc0, jnp.int32(0)))
    return beta, above, cntb


def _clear(ref, n_words):
    z = jnp.zeros((L,), jnp.int32)
    def body(i, _):
        ref[pl.ds(i * L, L)] = z
        return 0
    lax.fori_loop(0, n_words // L, body, 0)


def _clear_f32(ref, n_words):
    z = jnp.zeros((L,), jnp.float32)
    def body(i, _):
        ref[pl.ds(i * L, L)] = z
        return 0
    lax.fori_loop(0, n_words // L, body, 0)


def _body(conf_hbm, comb_hbm, out_hbm,
          scores_v, keys_a, idx_a, keys_b, idx_b, hist_v,
          keys_h, idx_h, keys_f, idx_f, lidx_v,
          rows_v, stage_v, sem):
    lanes = lax.iota(jnp.int32, L)
    ones = jnp.ones((L,), jnp.int32)
    wid = lax.axis_index("s") * 2 + lax.axis_index("c")
    t_start = jnp.minimum(wid, 8) * 21 + jnp.maximum(wid - 8, 0) * 20
    t_end = t_start + jnp.where(wid < 8, 21, 20)

    def run_task(t, _):
        b = t // NUM_CLASSES
        pltpu.sync_copy(conf_hbm.at[t], scores_v)

        _clear(hist_v, NBUCKET * L)
        def hist0(j, _):
            s = scores_v[pl.ds(j * L, L)]
            k = jnp.where(s > CONF_THRESH, lax.bitcast_convert_type(s, jnp.int32), 0)
            bucket = lax.shift_right_logical(k, SHIFTS[0]) & 0xFF
            plsc.addupdate_scatter(hist_v, [bucket * L + lanes], ones)
            return 0
        lax.fori_loop(0, ROW_ITERS, hist0, 0)

        beta, above, cntb = _scan_buckets(hist_v, jnp.int32(0))

        def part0(j, carry):
            hi_off, mid_off = carry
            s = scores_v[pl.ds(j * L, L)]
            k = jnp.where(s > CONF_THRESH, lax.bitcast_convert_type(s, jnp.int32), 0)
            idx = j * L + lanes
            bucket = lax.shift_right_logical(k, SHIFTS[0]) & 0xFF
            m_hi = bucket > beta
            m_mid = bucket == beta
            plsc.store_compressed(keys_h.at[pl.ds(hi_off, L)], k, mask=m_hi)
            plsc.store_compressed(idx_h.at[pl.ds(hi_off, L)], idx, mask=m_hi)
            plsc.store_compressed(keys_a.at[pl.ds(mid_off, L)], k, mask=m_mid)
            plsc.store_compressed(idx_a.at[pl.ds(mid_off, L)], idx, mask=m_mid)
            return (hi_off + jnp.sum(jnp.where(m_hi, 1, 0)),
                    mid_off + jnp.sum(jnp.where(m_mid, 1, 0)))
        hi_n, mid_n = lax.fori_loop(0, ROW_ITERS, part0, (jnp.int32(0), jnp.int32(0)))

        def refine(src_k, src_i, dst_k, dst_i, shift, a_n, m_n):
            n_it = (m_n + (L - 1)) // L
            need = a_n + m_n > TOP_K

            def level(_):
                _clear(hist_v, NBUCKET * L)
                def histj(j, _):
                    k = src_k[pl.ds(j * L, L)]
                    msk = j * L + lanes < m_n
                    bucket = lax.shift_right_logical(k, shift) & 0xFF
                    plsc.addupdate_scatter(hist_v, [bucket * L + lanes], ones,
                                           mask=msk)
                    return 0
                lax.fori_loop(0, n_it, histj, 0)
                beta_l, above_l, _ = _scan_buckets(hist_v, a_n)

                def partj(j, carry):
                    hi_off, mid_off = carry
                    k = src_k[pl.ds(j * L, L)]
                    idx = src_i[pl.ds(j * L, L)]
                    msk = j * L + lanes < m_n
                    bucket = lax.shift_right_logical(k, shift) & 0xFF
                    m_hi = (bucket > beta_l) & msk
                    m_mid = (bucket == beta_l) & msk
                    plsc.store_compressed(keys_h.at[pl.ds(hi_off, L)], k, mask=m_hi)
                    plsc.store_compressed(idx_h.at[pl.ds(hi_off, L)], idx, mask=m_hi)
                    plsc.store_compressed(dst_k.at[pl.ds(mid_off, L)], k, mask=m_mid)
                    plsc.store_compressed(dst_i.at[pl.ds(mid_off, L)], idx, mask=m_mid)
                    return (hi_off + jnp.sum(jnp.where(m_hi, 1, 0)),
                            mid_off + jnp.sum(jnp.where(m_mid, 1, 0)))
                _, new_m = lax.fori_loop(0, n_it, partj, (a_n, jnp.int32(0)))
                return above_l, new_m

            def passthrough(_):
                def cpj(j, _):
                    msk = j * L + lanes < m_n
                    k = src_k[pl.ds(j * L, L)]
                    idx = src_i[pl.ds(j * L, L)]
                    dst_k[pl.ds(j * L, L)] = k
                    dst_i[pl.ds(j * L, L)] = idx
                    return 0
                lax.fori_loop(0, n_it, cpj, 0)
                return a_n, m_n

            return lax.cond(need, level, passthrough, 0)

        a1, m1 = refine(keys_a, idx_a, keys_b, idx_b, SHIFTS[1], above, mid_n)
        a2, m2 = refine(keys_b, idx_b, keys_a, idx_a, SHIFTS[2], a1, m1)
        a3, m3 = refine(keys_a, idx_a, keys_b, idx_b, SHIFTS[3], a2, m2)

        def fin_hi(j, _):
            msk = j * L + lanes < a3
            keys_f[pl.ds(j * L, L)] = jnp.where(msk, keys_h[pl.ds(j * L, L)], 0)
            idx_f[pl.ds(j * L, L)] = jnp.where(msk, idx_h[pl.ds(j * L, L)], 0)
            return 0
        lax.fori_loop(0, FIN_CAP // L, fin_hi, 0)
        n_mid_take = TOP_K - a3
        def fin_mid(j, _):
            pos = j * L + lanes
            msk = pos < n_mid_take
            k = keys_b[pl.ds(j * L, L)]
            idx = idx_b[pl.ds(j * L, L)]
            plsc.store_scatter(keys_f, [a3 + pos], k, mask=msk)
            plsc.store_scatter(idx_f, [a3 + pos], idx, mask=msk)
            return 0
        lax.fori_loop(0, (n_mid_take + (L - 1)) // L, fin_mid, 0)

        for j in range(FIN_CAP // L):
            idx = idx_f[pl.ds(j * L, L)]
            r, col = j // (GHALF // L), (j % (GHALF // L)) * L
            lidx_v[r, pl.ds(col, L)] = idx + b * P
        for r in range(2):
            pltpu.async_copy(comb_hbm.at[lidx_v.at[r]],
                             rows_v.at[pl.ds(r * GHALF, GHALF)], sem).wait()

        _clear_f32(stage_v, OUT_ROW + 8)
        def rank_tile(i, _):
            ki = keys_f[pl.ds(i * L, L)]
            pos_i = i * L + lanes
            def rj(jt, acc):
                kt = keys_f[pl.ds(jt * L, L)]
                base = jt * L
                for l in range(L):
                    kj = kt[l]
                    gt = jnp.where(kj > ki, 1, 0)
                    eqb = jnp.where((kj == ki) & (base + l < pos_i), 1, 0)
                    acc = acc + gt + eqb
                return acc
            rank = lax.fori_loop(0, FIN_CAP // L, rj, jnp.zeros((L,), jnp.int32))

            c0 = jnp.zeros((L,), jnp.int32)
            lx = plsc.load_gather(rows_v, [pos_i, c0])
            ly = plsc.load_gather(rows_v, [pos_i, c0 + 1])
            lw = plsc.load_gather(rows_v, [pos_i, c0 + 2])
            lh = plsc.load_gather(rows_v, [pos_i, c0 + 3])
            px = plsc.load_gather(rows_v, [pos_i, c0 + 4])
            py = plsc.load_gather(rows_v, [pos_i, c0 + 5])
            pw = plsc.load_gather(rows_v, [pos_i, c0 + 6])
            ph = plsc.load_gather(rows_v, [pos_i, c0 + 7])
            cx = px + lx * VAR0 * pw
            cy = py + ly * VAR0 * ph
            w = pw * jnp.exp(lw * VAR1)
            h = ph * jnp.exp(lh * VAR1)
            val = lax.bitcast_convert_type(ki, jnp.float32)
            valid = (val > CONF_THRESH) & (pos_i < TOP_K)
            r5 = rank * 5
            plsc.store_scatter(stage_v, [r5], val, mask=valid)
            plsc.store_scatter(stage_v, [r5 + 1], cx - w * 0.5, mask=valid)
            plsc.store_scatter(stage_v, [r5 + 2], cy - h * 0.5, mask=valid)
            plsc.store_scatter(stage_v, [r5 + 3], cx + w * 0.5, mask=valid)
            plsc.store_scatter(stage_v, [r5 + 4], cy + h * 0.5, mask=valid)
            return 0
        lax.fori_loop(0, FIN_CAP // L, rank_tile, 0)

        pltpu.sync_copy(stage_v.at[pl.ds(0, OUT_ROW)], out_hbm.at[t])
        return 0

    lax.fori_loop(t_start, t_end, run_task, 0)


@jax.jit
def _detect_sc(conf_t, comb):
    mesh = plsc.VectorSubcoreMesh(core_axis_name="c", subcore_axis_name="s",
                                  num_cores=2, num_subcores=16)
    return pl.kernel(
        _body,
        out_type=jax.ShapeDtypeStruct((TASKS, OUT_ROW), jnp.float32),
        mesh=mesh,
        compiler_params=pltpu.CompilerParams(
            needs_layout_passes=False, use_tc_tiling_on_sc=False),
        scratch_types=[
            pltpu.VMEM((P,), jnp.float32),
            pltpu.VMEM((P + L,), jnp.int32),
            pltpu.VMEM((P + L,), jnp.int32),
            pltpu.VMEM((P + L,), jnp.int32),
            pltpu.VMEM((P + L,), jnp.int32),
            pltpu.VMEM((NBUCKET * L,), jnp.int32),
            pltpu.VMEM((HI_CAP,), jnp.int32),
            pltpu.VMEM((HI_CAP,), jnp.int32),
            pltpu.VMEM((FIN_CAP,), jnp.int32),
            pltpu.VMEM((FIN_CAP,), jnp.int32),
            pltpu.VMEM((2, GHALF), jnp.int32),
            pltpu.VMEM((FIN_CAP, 8), jnp.float32),
            pltpu.VMEM((OUT_ROW + 8,), jnp.float32),
            pltpu.SemaphoreType.DMA,
        ],
    )(conf_t, comb)


def kernel(loc_data, conf_data, prior_data):
    conf_t = jnp.transpose(conf_data, (0, 2, 1)).reshape(TASKS, P)
    pb = jnp.broadcast_to(prior_data, (BATCH, P, 4))
    comb = jnp.concatenate([loc_data, pb], axis=-1).reshape(BATCH * P, 8)
    out = _detect_sc(conf_t, comb)
    return out.reshape(BATCH, NUM_CLASSES, TOP_K, 5)

# --- scband reference (transcript-rebuilt; emitter-appended) ---
"""Pipeline reference for scband-detect-42752104464942 (READ-ONLY COPY).

The authoritative reference and input builder live on the scoring server;
editing this copy changes nothing except your own understanding.
"""

import jax, jax.numpy as jnp
import numpy as np

NUM_CLASSES = 81
TOP_K = 200
CONF_THRESH = 0.01
VARIANCE = (0.1, 0.2)
BATCH = 8
NUM_PRIORS = 20000


def setup_inputs(seed: int = 0):
    key = jax.random.key(seed)
    k1, k2, k3 = jax.random.split(key, 3)
    loc_data = jax.random.normal(k1, (BATCH, NUM_PRIORS, 4), dtype=jnp.float32)
    conf_data = jax.random.uniform(k2, (BATCH, NUM_PRIORS, NUM_CLASSES), dtype=jnp.float32)
    prior_data = jax.random.uniform(k3, (1, NUM_PRIORS, 4), dtype=jnp.float32)
    return {"loc_data": loc_data, "conf_data": conf_data, "prior_data": prior_data}


def decode(loc, priors, variances):
    # standard SSD box decoding
    xy = priors[:, :2] + loc[:, :2] * variances[0] * priors[:, 2:]
    wh = priors[:, 2:] * jnp.exp(loc[:, 2:] * variances[1])
    return jnp.concatenate([xy - wh / 2.0, xy + wh / 2.0], axis=1)


def reference(loc_data, conf_data, prior_data):
    num = loc_data.shape[0]
    priors = prior_data[0]
    num_priors = priors.shape[0]
    # conf_preds: [B, C, P]
    conf_preds = jnp.transpose(conf_data.reshape(num, num_priors, -1), (0, 2, 1))

    def per_image(loc_i, conf_i):
        decoded = decode(loc_i, priors, VARIANCE)  # [P, 4]

        def per_class(scores_cl):
            # conf-threshold mask, then top_k over priors (fixed-shape analogue
            # of the dynamic boolean-mask + topk in the torch code)
            masked = jnp.where(scores_cl > CONF_THRESH, scores_cl, -jnp.inf)
            top_vals, top_idx = jax.lax.top_k(masked, TOP_K)
            boxes = jnp.take(decoded, top_idx, axis=0)  # [top_k, 4]
            valid = (top_vals > CONF_THRESH)[:, None]
            row = jnp.concatenate([top_vals[:, None], boxes], axis=1)  # [top_k, 5]
            return jnp.where(valid, row, 0.0)

        return jax.vmap(per_class)(conf_i)  # [C, top_k, 5]

    return jax.vmap(per_image)(loc_data, conf_preds)  # [B, C, top_k, 5]

if __name__ == "__main__":
    import jax
    _d = setup_inputs()
    print(jax.jit(kernel)(*tuple(_d.values())))

</pallas_src>

<mosaic_0001>
#map = affine_map<(d0, d1) -> (0, 0)>
module attributes {stable_mosaic.version = 14 : i64} {
  func.func @_body(%arg0: i32, %arg1: i32, %arg2: memref<648x20000xf32, #tpu.memory_space<hbm>>, %arg3: memref<160000x8xf32, #tpu.memory_space<hbm>>, %arg4: memref<648x1000xf32, #tpu.memory_space<hbm>>, %arg5: memref<20000xf32, #tpu.memory_space<vmem>>, %arg6: memref<20016xi32, #tpu.memory_space<vmem>>, %arg7: memref<20016xi32, #tpu.memory_space<vmem>>, %arg8: memref<20016xi32, #tpu.memory_space<vmem>>, %arg9: memref<20016xi32, #tpu.memory_space<vmem>>, %arg10: memref<4096xi32, #tpu.memory_space<vmem>>, %arg11: memref<224xi32, #tpu.memory_space<vmem>>, %arg12: memref<224xi32, #tpu.memory_space<vmem>>, %arg13: memref<224xi32, #tpu.memory_space<vmem>>, %arg14: memref<224xi32, #tpu.memory_space<vmem>>, %arg15: memref<2x112xi32, #tpu.memory_space<vmem>>, %arg16: memref<224x8xf32, #tpu.memory_space<vmem>>, %arg17: memref<1008xf32, #tpu.memory_space<vmem>>, %arg18: memref<!tpu.dma_semaphore, #tpu.memory_space<semaphore_mem>>) attributes {dimension_semantics = [#tpu.dimension_semantics<core_parallel>, #tpu.dimension_semantics<subcore_parallel>], iteration_bounds = array<i64: 2, 16>, scalar_prefetch = 0 : i64, scratch_operands = 14 : i64, tpu.core_type = #tpu.core_type<sc_vector_subcore>, window_params = [{transform_indices = #map}, {transform_indices = #map}, {transform_indices = #map}]} {
    %iota3A = tpu.iota {dimensions = array<i32: 0>} : vector<16xi32>
    %broadcast_in_dim3A = arith.constant 1 : i32
    %broadcast_in_dim3A_0 = vector.broadcast %broadcast_in_dim3A : i32 to vector<16xi32>
    %mul3A = arith.constant 2 : i32
    %mul3A_1 = arith.muli %arg1, %mul3A : i32
    %add3A = arith.addi %mul3A_1, %arg0 : i32
    %min3A = arith.constant 8 : i32
    %min3A_2 = arith.minsi %add3A, %min3A : i32
    %mul3A_3 = arith.constant 21 : i32
    %mul3A_4 = arith.muli %min3A_2, %mul3A_3 : i32
    %sub3A = arith.constant 8 : i32
    %sub3A_5 = arith.subi %add3A, %sub3A : i32
    %max3A = arith.constant 0 : i32
    %max3A_6 = arith.maxsi %sub3A_5, %max3A : i32
    %mul3A_7 = arith.constant 20 : i32
    %mul3A_8 = arith.muli %max3A_6, %mul3A_7 : i32
    %add3A_9 = arith.addi %mul3A_4, %mul3A_8 : i32
    %lt3A = arith.constant 8 : i32
    %lt3A_10 = arith.cmpi slt, %add3A, %lt3A : i32
    %jit3A = arith.constant 21 : i32
    %jit3A_11 = arith.constant 20 : i32
    %select_n3A = arith.select %lt3A_10, %jit3A, %jit3A_11 : i32
    %add3A_12 = arith.addi %add3A_9, %select_n3A : i32
    %while3A = arith.constant 0 : i32
    %while3A_13 = arith.subi %add3A_12, %add3A_9 : i32
    %while3A_14 = arith.addi %add3A_9, %while3A_13 : i32
    %while3A_15 = arith.constant 1 : i32
    %while3A_16 = arith.divsi %while3A_13, %while3A_15 : i32
    %while3A_17 = arith.muli %while3A_16, %while3A_15 : i32
    %while3A_18 = arith.addi %add3A_9, %while3A_17 : i32
    %while3A_19 = arith.constant 1 : i32
    %while3A_20 = scf.for %while3A_23 = %add3A_9 to %while3A_18 step %while3A_19 iter_args(%while3A_24 = %while3A) -> (i32)  : i32 {
      %jit3A_25 = arith.constant 81 : i32
      %div3A = arith.divsi %while3A_23, %jit3A_25 : i32
      %sign3A = arith.constant 0 : i32
      %sign3A_26 = arith.cmpi sgt, %while3A_23, %sign3A : i32
      %sign3A_27 = arith.extui %sign3A_26 : i1 to i32
      %sign3A_28 = arith.constant 0 : i32
      %sign3A_29 = arith.cmpi slt, %while3A_23, %sign3A_28 : i32
      %sign3A_30 = arith.extui %sign3A_29 : i1 to i32
      %sign3A_31 = arith.subi %sign3A_27, %sign3A_30 : i32
      %sign3A_32 = arith.constant 0 : i32
      %sign3A_33 = arith.cmpi sgt, %jit3A_25, %sign3A_32 : i32
      %sign3A_34 = arith.extui %sign3A_33 : i1 to i32
      %sign3A_35 = arith.constant 0 : i32
      %sign3A_36 = arith.cmpi slt, %jit3A_25, %sign3A_35 : i32
      %sign3A_37 = arith.extui %sign3A_36 : i1 to i32
      %sign3A_38 = arith.subi %sign3A_34, %sign3A_37 : i32
      %ne3A = arith.cmpi ne, %sign3A_31, %sign3A_38 : i32
      %rem3A = arith.remsi %while3A_23, %jit3A_25 : i32
      %ne3A_39 = arith.constant 0 : i32
      %ne3A_40 = arith.cmpi ne, %rem3A, %ne3A_39 : i32
      %and3A = arith.andi %ne3A, %ne3A_40 : i1
      %sub3A_41 = arith.constant 1 : i32
      %sub3A_42 = arith.subi %div3A, %sub3A_41 : i32
      %select_n3A_43 = arith.select %and3A, %sub3A_42, %div3A : i32
      "tpu.region"() ({
        %run_scoped3A = tpu.sem_alloc : memref<!tpu.dma_semaphore, #tpu.memory_space<semaphore_mem>>
        %dma_start3A_416 = arith.constant 0 : i32
        %dma_start3A_417 = tpu.memref_slice %arg2[%while3A_23, %dma_start3A_416] : memref<648x20000xf32, #tpu.memory_space<hbm>> -> memref<1x20000xf32, #tpu.memory_space<hbm>>
        %dma_start3A_418 = tpu.memref_squeeze %dma_start3A_417 : memref<1x20000xf32, #tpu.memory_space<hbm>> -> memref<20000xf32, #tpu.memory_space<hbm>>
        %dma_start3A_419 = arith.constant 0 : i32
        %dma_start3A_420 = tpu.memref_slice %arg2[%while3A_23, %dma_start3A_419] : memref<648x20000xf32, #tpu.memory_space<hbm>> -> memref<1x20000xf32, #tpu.memory_space<hbm>>
        %dma_start3A_421 = tpu.memref_squeeze %dma_start3A_420 : memref<1x20000xf32, #tpu.memory_space<hbm>> -> memref<20000xf32, #tpu.memory_space<hbm>>
        tpu.enqueue_dma source(%dma_start3A_421 : memref<20000xf32, #tpu.memory_space<hbm>>) target(%arg5 : memref<20000xf32, #tpu.memory_space<vmem>>) target_semaphore(%run_scoped3A : memref<!tpu.dma_semaphore, #tpu.memory_space<semaphore_mem>>)
        %dma_wait3A_422 = arith.constant 0 : i32
        %dma_wait3A_423 = tpu.memref_slice %arg2[%while3A_23, %dma_wait3A_422] : memref<648x20000xf32, #tpu.memory_space<hbm>> -> memref<1x20000xf32, #tpu.memory_space<hbm>>
        %dma_wait3A_424 = tpu.memref_squeeze %dma_wait3A_423 : memref<1x20000xf32, #tpu.memory_space<hbm>> -> memref<20000xf32, #tpu.memory_space<hbm>>
        %dma_wait3A_425 = arith.constant 0 : i32
        %dma_wait3A_426 = tpu.memref_slice %arg2[%while3A_23, %dma_wait3A_425] : memref<648x20000xf32, #tpu.memory_space<hbm>> -> memref<1x20000xf32, #tpu.memory_space<hbm>>
        %dma_wait3A_427 = tpu.memref_squeeze %dma_wait3A_426 : memref<1x20000xf32, #tpu.memory_space<hbm>> -> memref<20000xf32, #tpu.memory_space<hbm>>
        tpu.wait_dma2 semaphore(%run_scoped3A : memref<!tpu.dma_semaphore, #tpu.memory_space<semaphore_mem>>) src(%dma_wait3A_427 : memref<20000xf32, #tpu.memory_space<hbm>>) dst(%arg5 : memref<20000xf32, #tpu.memory_space<vmem>>)
        tpu.yield
      }) : () -> ()
      %broadcast_in_dim3A_44 = arith.constant 0 : i32
      %broadcast_in_dim3A_45 = vector.broadcast %broadcast_in_dim3A_44 : i32 to vector<16xi32>
      %scan3A = arith.constant 0 : i32
      %scan3A_46 = arith.constant 0 : i32
      %scan3A_47 = arith.constant 256 : i32
      %scan3A_48 = arith.addi %scan3A_46, %scan3A_47 : i32
      %scan3A_49 = arith.constant 1 : i32
      %scan3A_50 = scf.for %scan3A_416 = %scan3A_46 to %scan3A_48 step %scan3A_49 iter_args(%scan3A_417 = %scan3A) -> (i32)  : i32 {
        %mul3A_418 = arith.constant 16 : i32
        %mul3A_419 = arith.muli %scan3A_416, %mul3A_418 : i32
        %swap3A_420 = arith.index_cast %mul3A_419 : i32 to index
        %swap3A_421 = tpu.vector_load %arg10[%swap3A_420] {strides = array<i32>} : memref<4096xi32, #tpu.memory_space<vmem>>, vector<16xi32>,
        tpu.vector_store %arg10[%swap3A_420], %broadcast_in_dim3A_45 {strides = array<i32>} : memref<4096xi32, #tpu.memory_space<vmem>>, vector<16xi32>,
        %scan3A_422 = arith.constant 0 : i32
        scf.yield %scan3A_422 : i32
      }
      %scan3A_51 = arith.constant 256 : i32
      %scan3A_52 = arith.constant 0 : i32
      %scan3A_53 = arith.constant 0 : i32
      %scan3A_54 = arith.constant 1250 : i32
      %scan3A_55 = arith.addi %scan3A_53, %scan3A_54 : i32
      %scan3A_56 = arith.constant 1 : i32
      %scan3A_57 = scf.for %scan3A_416 = %scan3A_53 to %scan3A_55 step %scan3A_56 iter_args(%scan3A_417 = %scan3A_52) -> (i32)  : i32 {
        %mul3A_418 = arith.constant 16 : i32
        %mul3A_419 = arith.muli %scan3A_416, %mul3A_418 : i32
        %get3A_420 = arith.index_cast %mul3A_419 : i32 to index
        %get3A_421 = tpu.vector_load %arg5[%get3A_420] {strides = array<i32>} : memref<20000xf32, #tpu.memory_space<vmem>>, vector<16xf32>,
        %gt3A_422 = arith.constant 0.00999999977 : f32
        %gt3A_423 = vector.broadcast %gt3A_422 : f32 to vector<16xf32>
        %gt3A_424 = arith.cmpf ogt, %get3A_421, %gt3A_423 : vector<16xf32>
        %bitcast_convert_type3A = tpu.bitcast %get3A_421 : vector<16xf32> -> vector<16xi32>
        %jit3A_425 = arith.constant 0 : i32
        %broadcast_in_dim3A_426 = vector.broadcast %jit3A_425 : i32 to vector<16xi32>
        %select_n3A_427 = arith.select %gt3A_424, %bitcast_convert_type3A, %broadcast_in_dim3A_426 : vector<16xi1>, vector<16xi32>
        %shift_right_logical3A = arith.constant 18 : i32
        %shift_right_logical3A_428 = vector.broadcast %shift_right_logical3A : i32 to vector<16xi32>
        %shift_right_logical3A_429 = arith.shrui %select_n3A_427, %shift_right_logical3A_428 : vector<16xi32>
        %and3A_430 = arith.constant 255 : i32
        %and3A_431 = vector.broadcast %and3A_430 : i32 to vector<16xi32>
        %and3A_432 = arith.andi %shift_right_logical3A_429, %and3A_431 : vector<16xi32>
        %mul3A_433 = arith.constant 16 : i32
        %mul3A_434 = vector.broadcast %mul3A_433 : i32 to vector<16xi32>
        %mul3A_435 = arith.muli %and3A_432, %mul3A_434 : vector<16xi32>
        %add3A_436 = arith.addi %mul3A_435, %iota3A : vector<16xi32>
        tpu.vector_store_idx %arg10[%add3A_436], %broadcast_in_dim3A_0 {add = true} : memref<4096xi32, #tpu.memory_space<vmem>>[vector<16xi32>], vector<16xi32>,
        %scan3A_437 = arith.constant 0 : i32
        scf.yield %scan3A_437 : i32
      }
      %scan3A_58 = arith.constant 1250 : i32
      %scan3A_59 = arith.constant 0 : i32
      %scan3A_60 = arith.constant 0 : i32
      %scan3A_61 = arith.constant 0 : i32
      %scan3A_62 = arith.constant 0 : i32
      %scan3A_63 = arith.constant 0 : i32
      %scan3A_64 = arith.constant 256 : i32
      %scan3A_65 = arith.addi %scan3A_63, %scan3A_64 : i32
      %scan3A_66 = arith.constant 1 : i32
      %scan3A_67:4 = scf.for %scan3A_416 = %scan3A_63 to %scan3A_65 step %scan3A_66 iter_args(%scan3A_417 = %scan3A_59, %scan3A_418 = %scan3A_60, %scan3A_419 = %scan3A_61, %scan3A_420 = %scan3A_62) -> (i32, i32, i32, i32)  : i32 {
        %sub3A_421 = arith.constant 255 : i32
        %sub3A_422 = arith.subi %sub3A_421, %scan3A_416 : i32
        %mul3A_423 = arith.constant 16 : i32
        %mul3A_424 = arith.muli %sub3A_422, %mul3A_423 : i32
        %get3A_425 = arith.index_cast %mul3A_424 : i32 to index
        %get3A_426 = tpu.vector_load %arg10[%get3A_425] {strides = array<i32>} : memref<4096xi32, #tpu.memory_space<vmem>>, vector<16xi32>,
        %reduce_sum3A = arith.constant true
        %reduce_sum3A_427 = vector.broadcast %reduce_sum3A : i1 to vector<16xi1>
        %reduce_sum3A_428 = tpu.scan <sum>, %get3A_426 masked %reduce_sum3A_427 : vector<16xi32>, vector<16xi1> -> vector<16xi32>
        %reduce_sum3A_429 = vector.extract %reduce_sum3A_428[15] : i32 from vector<16xi32>
        %lt3A_430 = arith.constant 200 : i32
        %lt3A_431 = arith.cmpi slt, %scan3A_417, %lt3A_430 : i32
        %add3A_432 = arith.addi %scan3A_417, %reduce_sum3A_429 : i32
        %ge3A = arith.constant 200 : i32
        %ge3A_433 = arith.cmpi sge, %add3A_432, %ge3A : i32
        %and3A_434 = arith.andi %lt3A_431, %ge3A_433 : i1
        %select_n3A_435 = arith.select %and3A_434, %sub3A_422, %scan3A_418 : i32
        %select_n3A_436 = arith.select %and3A_434, %scan3A_417, %scan3A_419 : i32
        %select_n3A_437 = arith.select %and3A_434, %reduce_sum3A_429, %scan3A_420 : i32
        %add3A_438 = arith.addi %scan3A_417, %reduce_sum3A_429 : i32
        scf.yield %add3A_438, %select_n3A_435, %select_n3A_436, %select_n3A_437 : i32, i32, i32, i32
      }
      %scan3A_68 = arith.constant 256 : i32
      %scan3A_69 = arith.constant 0 : i32
      %scan3A_70 = arith.constant 0 : i32
      %scan3A_71 = arith.constant 0 : i32
      %scan3A_72 = arith.constant 1250 : i32
      %scan3A_73 = arith.addi %scan3A_71, %scan3A_72 : i32
      %scan3A_74 = arith.constant 1 : i32
      %scan3A_75:2 = scf.for %scan3A_416 = %scan3A_71 to %scan3A_73 step %scan3A_74 iter_args(%scan3A_417 = %scan3A_69, %scan3A_418 = %scan3A_70) -> (i32, i32)  : i32 {
        %mul3A_419 = arith.constant 16 : i32
        %mul3A_420 = arith.muli %scan3A_416, %mul3A_419 : i32
        %get3A_421 = arith.index_cast %mul3A_420 : i32 to index
        %get3A_422 = tpu.vector_load %arg5[%get3A_421] {strides = array<i32>} : memref<20000xf32, #tpu.memory_space<vmem>>, vector<16xf32>,
        %gt3A_423 = arith.constant 0.00999999977 : f32
        %gt3A_424 = vector.broadcast %gt3A_423 : f32 to vector<16xf32>
        %gt3A_425 = arith.cmpf ogt, %get3A_422, %gt3A_424 : vector<16xf32>
        %bitcast_convert_type3A = tpu.bitcast %get3A_422 : vector<16xf32> -> vector<16xi32>
        %jit3A_426 = arith.constant 0 : i32
        %broadcast_in_dim3A_427 = vector.broadcast %jit3A_426 : i32 to vector<16xi32>
        %select_n3A_428 = arith.select %gt3A_425, %bitcast_convert_type3A, %broadcast_in_dim3A_427 : vector<16xi1>, vector<16xi32>
        %mul3A_429 = arith.constant 16 : i32
        %mul3A_430 = arith.muli %scan3A_416, %mul3A_429 : i32
        %add3A_431 = vector.broadcast %mul3A_430 : i32 to vector<16xi32>
        %add3A_432 = arith.addi %add3A_431, %iota3A : vector<16xi32>
        %shift_right_logical3A = arith.constant 18 : i32
        %shift_right_logical3A_433 = vector.broadcast %shift_right_logical3A : i32 to vector<16xi32>
        %shift_right_logical3A_434 = arith.shrui %select_n3A_428, %shift_right_logical3A_433 : vector<16xi32>
        %and3A_435 = arith.constant 255 : i32
        %and3A_436 = vector.broadcast %and3A_435 : i32 to vector<16xi32>
        %and3A_437 = arith.andi %shift_right_logical3A_434, %and3A_436 : vector<16xi32>
        %gt3A_438 = vector.broadcast %scan3A_67#1 : i32 to vector<16xi32>
        %gt3A_439 = arith.cmpi sgt, %and3A_437, %gt3A_438 : vector<16xi32>
        %eq3A = vector.broadcast %scan3A_67#1 : i32 to vector<16xi32>
        %eq3A_440 = arith.cmpi eq, %and3A_437, %eq3A : vector<16xi32>
        %swap3A_441 = arith.index_cast %scan3A_417 : i32 to index
        %swap3A_442 = tpu.vector_load %arg11[%swap3A_441] masked %gt3A_439 {strides = array<i32>} : memref<224xi32, #tpu.memory_space<vmem>>, vector<16xi32>, vector<16xi1>
        tpu.vector_store %arg11[%swap3A_441], %select_n3A_428 masked %gt3A_439 {strides = array<i32>} : memref<224xi32, #tpu.memory_space<vmem>>, vector<16xi32>, vector<16xi1>
        %swap3A_443 = arith.index_cast %scan3A_417 : i32 to index
        %swap3A_444 = tpu.vector_load %arg12[%swap3A_443] masked %gt3A_439 {strides = array<i32>} : memref<224xi32, #tpu.memory_space<vmem>>, vector<16xi32>, vector<16xi1>
        tpu.vector_store %arg12[%swap3A_443], %add3A_432 masked %gt3A_439 {strides = array<i32>} : memref<224xi32, #tpu.memory_space<vmem>>, vector<16xi32>, vector<16xi1>
        %swap3A_445 = arith.index_cast %scan3A_418 : i32 to index
        %swap3A_446 = tpu.vector_load %arg6[%swap3A_445] masked %eq3A_440 {strides = array<i32>} : memref<20016xi32, #tpu.memory_space<vmem>>, vector<16xi32>, vector<16xi1>
        tpu.vector_store %arg6[%swap3A_445], %select_n3A_428 masked %eq3A_440 {strides = array<i32>} : memref<20016xi32, #tpu.memory_space<vmem>>, vector<16xi32>, vector<16xi1>
        %swap3A_447 = arith.index_cast %scan3A_418 : i32 to index
        %swap3A_448 = tpu.vector_load %arg7[%swap3A_447] masked %eq3A_440 {strides = array<i32>} : memref<20016xi32, #tpu.memory_space<vmem>>, vector<16xi32>, vector<16xi1>
        tpu.vector_store %arg7[%swap3A_447], %add3A_432 masked %eq3A_440 {strides = array<i32>} : memref<20016xi32, #tpu.memory_space<vmem>>, vector<16xi32>, vector<16xi1>
        %jit3A_449 = arith.constant 1 : i32
        %jit3A_450 = arith.constant 0 : i32
        %broadcast_in_dim3A_451 = vector.broadcast %jit3A_449 : i32 to vector<16xi32>
        %broadcast_in_dim3A_452 = vector.broadcast %jit3A_450 : i32 to vector<16xi32>
        %select_n3A_453 = arith.select %gt3A_439, %broadcast_in_dim3A_451, %broadcast_in_dim3A_452 : vector<16xi1>, vector<16xi32>
        %reduce_sum3A = arith.constant true
        %reduce_sum3A_454 = vector.broadcast %reduce_sum3A : i1 to vector<16xi1>
        %reduce_sum3A_455 = tpu.scan <sum>, %select_n3A_453 masked %reduce_sum3A_454 : vector<16xi32>, vector<16xi1> -> vector<16xi32>
        %reduce_sum3A_456 = vector.extract %reduce_sum3A_455[15] : i32 from vector<16xi32>
        %add3A_457 = arith.addi %scan3A_417, %reduce_sum3A_456 : i32
        %jit3A_458 = arith.constant 1 : i32
        %jit3A_459 = arith.constant 0 : i32
        %broadcast_in_dim3A_460 = vector.broadcast %jit3A_458 : i32 to vector<16xi32>
        %broadcast_in_dim3A_461 = vector.broadcast %jit3A_459 : i32 to vector<16xi32>
        %select_n3A_462 = arith.select %eq3A_440, %broadcast_in_dim3A_460, %broadcast_in_dim3A_461 : vector<16xi1>, vector<16xi32>
        %reduce_sum3A_463 = arith.constant true
        %reduce_sum3A_464 = vector.broadcast %reduce_sum3A_463 : i1 to vector<16xi1>
        %reduce_sum3A_465 = tpu.scan <sum>, %select_n3A_462 masked %reduce_sum3A_464 : vector<16xi32>, vector<16xi1> -> vector<16xi32>
        %reduce_sum3A_466 = vector.extract %reduce_sum3A_465[15] : i32 from vector<16xi32>
        %add3A_467 = arith.addi %scan3A_418, %reduce_sum3A_466 : i32
        scf.yield %add3A_457, %add3A_467 : i32, i32
      }
      %scan3A_76 = arith.constant 1250 : i32
      %add3A_77 = arith.constant 15 : i32
      %add3A_78 = arith.addi %scan3A_75#1, %add3A_77 : i32
      %jit3A_79 = arith.constant 16 : i32
      %div3A_80 = arith.divsi %add3A_78, %jit3A_79 : i32
      %sign3A_81 = arith.constant 0 : i32
      %sign3A_82 = arith.cmpi sgt, %add3A_78, %sign3A_81 : i32
      %sign3A_83 = arith.extui %sign3A_82 : i1 to i32
      %sign3A_84 = arith.constant 0 : i32
      %sign3A_85 = arith.cmpi slt, %add3A_78, %sign3A_84 : i32
      %sign3A_86 = arith.extui %sign3A_85 : i1 to i32
      %sign3A_87 = arith.subi %sign3A_83, %sign3A_86 : i32
      %sign3A_88 = arith.constant 0 : i32
      %sign3A_89 = arith.cmpi sgt, %jit3A_79, %sign3A_88 : i32
      %sign3A_90 = arith.extui %sign3A_89 : i1 to i32
      %sign3A_91 = arith.constant 0 : i32
      %sign3A_92 = arith.cmpi slt, %jit3A_79, %sign3A_91 : i32
      %sign3A_93 = arith.extui %sign3A_92 : i1 to i32
      %sign3A_94 = arith.subi %sign3A_90, %sign3A_93 : i32
      %ne3A_95 = arith.cmpi ne, %sign3A_87, %sign3A_94 : i32
      %rem3A_96 = arith.remsi %add3A_78, %jit3A_79 : i32
      %ne3A_97 = arith.constant 0 : i32
      %ne3A_98 = arith.cmpi ne, %rem3A_96, %ne3A_97 : i32
      %and3A_99 = arith.andi %ne3A_95, %ne3A_98 : i1
      %sub3A_100 = arith.constant 1 : i32
      %sub3A_101 = arith.subi %div3A_80, %sub3A_100 : i32
      %select_n3A_102 = arith.select %and3A_99, %sub3A_101, %div3A_80 : i32
      %add3A_103 = arith.addi %scan3A_67#2, %scan3A_75#1 : i32
      %gt3A = arith.constant 200 : i32
      %gt3A_104 = arith.cmpi sgt, %add3A_103, %gt3A : i32
      %convert_element_type3A = arith.extui %gt3A_104 : i1 to i32
      %cond3A = arith.constant 0 : i32
      %cond3A_105 = arith.constant 0 : i32
      %cond3A_106 = arith.cmpi ne, %convert_element_type3A, %cond3A_105 : i32
      %cond3A_107:2 = scf.if %cond3A_106 -> (i32, i32) {
        %broadcast_in_dim3A_416 = arith.constant 0 : i32
        %broadcast_in_dim3A_417 = vector.broadcast %broadcast_in_dim3A_416 : i32 to vector<16xi32>
        %scan3A_418 = arith.constant 0 : i32
        %scan3A_419 = arith.constant 0 : i32
        %scan3A_420 = arith.constant 256 : i32
        %scan3A_421 = arith.addi %scan3A_419, %scan3A_420 : i32
        %scan3A_422 = arith.constant 1 : i32
        %scan3A_423 = scf.for %scan3A_457 = %scan3A_419 to %scan3A_421 step %scan3A_422 iter_args(%scan3A_458 = %scan3A_418) -> (i32)  : i32 {
          %mul3A_459 = arith.constant 16 : i32
          %mul3A_460 = arith.muli %scan3A_457, %mul3A_459 : i32
          %swap3A_461 = arith.index_cast %mul3A_460 : i32 to index
          %swap3A_462 = tpu.vector_load %arg10[%swap3A_461] {strides = array<i32>} : memref<4096xi32, #tpu.memory_space<vmem>>, vector<16xi32>,
          tpu.vector_store %arg10[%swap3A_461], %broadcast_in_dim3A_417 {strides = array<i32>} : memref<4096xi32, #tpu.memory_space<vmem>>, vector<16xi32>,
          %scan3A_463 = arith.constant 0 : i32
          scf.yield %scan3A_463 : i32
        }
        %scan3A_424 = arith.constant 256 : i32
        %while3A_425 = arith.constant 0 : i32
        %while3A_426 = arith.constant 0 : i32
        %while3A_427 = arith.subi %select_n3A_102, %while3A_425 : i32
        %while3A_428 = arith.addi %while3A_425, %while3A_427 : i32
        %while3A_429 = arith.constant 1 : i32
        %while3A_430 = arith.divsi %while3A_427, %while3A_429 : i32
        %while3A_431 = arith.muli %while3A_430, %while3A_429 : i32
        %while3A_432 = arith.addi %while3A_425, %while3A_431 : i32
        %while3A_433 = arith.constant 1 : i32
        %while3A_434 = scf.for %while3A_457 = %while3A_425 to %while3A_432 step %while3A_433 iter_args(%while3A_458 = %while3A_426) -> (i32)  : i32 {
          %mul3A_459 = arith.constant 16 : i32
          %mul3A_460 = arith.muli %while3A_457, %mul3A_459 : i32
          %get3A_461 = arith.index_cast %mul3A_460 : i32 to index
          %get3A_462 = tpu.vector_load %arg6[%get3A_461] {strides = array<i32>} : memref<20016xi32, #tpu.memory_space<vmem>>, vector<16xi32>,
          %mul3A_463 = arith.constant 16 : i32
          %mul3A_464 = arith.muli %while3A_457, %mul3A_463 : i32
          %add3A_465 = vector.broadcast %mul3A_464 : i32 to vector<16xi32>
          %add3A_466 = arith.addi %add3A_465, %iota3A : vector<16xi32>
          %lt3A_467 = vector.broadcast %scan3A_75#1 : i32 to vector<16xi32>
          %lt3A_468 = arith.cmpi slt, %add3A_466, %lt3A_467 : vector<16xi32>
          %shift_right_logical3A = arith.constant 10 : i32
          %shift_right_logical3A_469 = vector.broadcast %shift_right_logical3A : i32 to vector<16xi32>
          %shift_right_logical3A_470 = arith.shrui %get3A_462, %shift_right_logical3A_469 : vector<16xi32>
          %and3A_471 = arith.constant 255 : i32
          %and3A_472 = vector.broadcast %and3A_471 : i32 to vector<16xi32>
          %and3A_473 = arith.andi %shift_right_logical3A_470, %and3A_472 : vector<16xi32>
          %mul3A_474 = arith.constant 16 : i32
          %mul3A_475 = vector.broadcast %mul3A_474 : i32 to vector<16xi32>
          %mul3A_476 = arith.muli %and3A_473, %mul3A_475 : vector<16xi32>
          %add3A_477 = arith.addi %mul3A_476, %iota3A : vector<16xi32>
          tpu.vector_store_idx %arg10[%add3A_477], %broadcast_in_dim3A_0 masked %lt3A_468 {add = true} : memref<4096xi32, #tpu.memory_space<vmem>>[vector<16xi32>], vector<16xi32>, vector<16xi1>
          %while3A_478 = arith.constant 0 : i32
          scf.yield %while3A_478 : i32
        }
        %while3A_435 = arith.constant 1 : i32
        %while3A_436 = scf.for %while3A_457 = %while3A_432 to %while3A_428 step %while3A_435 iter_args(%while3A_458 = %while3A_434) -> (i32)  : i32 {
          %mul3A_459 = arith.constant 16 : i32
          %mul3A_460 = arith.muli %while3A_457, %mul3A_459 : i32
          %get3A_461 = arith.index_cast %mul3A_460 : i32 to index
          %get3A_462 = tpu.vector_load %arg6[%get3A_461] {strides = array<i32>} : memref<20016xi32, #tpu.memory_space<vmem>>, vector<16xi32>,
          %mul3A_463 = arith.constant 16 : i32
          %mul3A_464 = arith.muli %while3A_457, %mul3A_463 : i32
          %add3A_465 = vector.broadcast %mul3A_464 : i32 to vector<16xi32>
          %add3A_466 = arith.addi %add3A_465, %iota3A : vector<16xi32>
          %lt3A_467 = vector.broadcast %scan3A_75#1 : i32 to vector<16xi32>
          %lt3A_468 = arith.cmpi slt, %add3A_466, %lt3A_467 : vector<16xi32>
          %shift_right_logical3A = arith.constant 10 : i32
          %shift_right_logical3A_469 = vector.broadcast %shift_right_logical3A : i32 to vector<16xi32>
          %shift_right_logical3A_470 = arith.shrui %get3A_462, %shift_right_logical3A_469 : vector<16xi32>
          %and3A_471 = arith.constant 255 : i32
          %and3A_472 = vector.broadcast %and3A_471 : i32 to vector<16xi32>
          %and3A_473 = arith.andi %shift_right_logical3A_470, %and3A_472 : vector<16xi32>
          %mul3A_474 = arith.constant 16 : i32
          %mul3A_475 = vector.broadcast %mul3A_474 : i32 to vector<16xi32>
          %mul3A_476 = arith.muli %and3A_473, %mul3A_475 : vector<16xi32>
          %add3A_477 = arith.addi %mul3A_476, %iota3A : vector<16xi32>
          tpu.vector_store_idx %arg10[%add3A_477], %broadcast_in_dim3A_0 masked %lt3A_468 {add = true} : memref<4096xi32, #tpu.memory_space<vmem>>[vector<16xi32>], vector<16xi32>, vector<16xi1>
          %while3A_478 = arith.constant 0 : i32
          scf.yield %while3A_478 : i32
        }
        %scan3A_437 = arith.constant 0 : i32
        %scan3A_438 = arith.constant 0 : i32
        %scan3A_439 = arith.constant 0 : i32
        %scan3A_440 = arith.constant 256 : i32
        %scan3A_441 = arith.addi %scan3A_439, %scan3A_440 : i32
        %scan3A_442 = arith.constant 1 : i32
        %scan3A_443:4 = scf.for %scan3A_457 = %scan3A_439 to %scan3A_441 step %scan3A_442 iter_args(%scan3A_458 = %scan3A_67#2, %scan3A_459 = %scan3A_437, %scan3A_460 = %scan3A_67#2, %scan3A_461 = %scan3A_438) -> (i32, i32, i32, i32)  : i32 {
          %sub3A_462 = arith.constant 255 : i32
          %sub3A_463 = arith.subi %sub3A_462, %scan3A_457 : i32
          %mul3A_464 = arith.constant 16 : i32
          %mul3A_465 = arith.muli %sub3A_463, %mul3A_464 : i32
          %get3A_466 = arith.index_cast %mul3A_465 : i32 to index
          %get3A_467 = tpu.vector_load %arg10[%get3A_466] {strides = array<i32>} : memref<4096xi32, #tpu.memory_space<vmem>>, vector<16xi32>,
          %reduce_sum3A = arith.constant true
          %reduce_sum3A_468 = vector.broadcast %reduce_sum3A : i1 to vector<16xi1>
          %reduce_sum3A_469 = tpu.scan <sum>, %get3A_467 masked %reduce_sum3A_468 : vector<16xi32>, vector<16xi1> -> vector<16xi32>
          %reduce_sum3A_470 = vector.extract %reduce_sum3A_469[15] : i32 from vector<16xi32>
          %lt3A_471 = arith.constant 200 : i32
          %lt3A_472 = arith.cmpi slt, %scan3A_458, %lt3A_471 : i32
          %add3A_473 = arith.addi %scan3A_458, %reduce_sum3A_470 : i32
          %ge3A = arith.constant 200 : i32
          %ge3A_474 = arith.cmpi sge, %add3A_473, %ge3A : i32
          %and3A_475 = arith.andi %lt3A_472, %ge3A_474 : i1
          %select_n3A_476 = arith.select %and3A_475, %sub3A_463, %scan3A_459 : i32
          %select_n3A_477 = arith.select %and3A_475, %scan3A_458, %scan3A_460 : i32
          %select_n3A_478 = arith.select %and3A_475, %reduce_sum3A_470, %scan3A_461 : i32
          %add3A_479 = arith.addi %scan3A_458, %reduce_sum3A_470 : i32
          scf.yield %add3A_479, %select_n3A_476, %select_n3A_477, %select_n3A_478 : i32, i32, i32, i32
        }
        %scan3A_444 = arith.constant 256 : i32
        %while3A_445 = arith.constant 0 : i32
        %while3A_446 = arith.constant 0 : i32
        %while3A_447 = arith.subi %select_n3A_102, %while3A_445 : i32
        %while3A_448 = arith.addi %while3A_445, %while3A_447 : i32
        %while3A_449 = arith.constant 1 : i32
        %while3A_450 = arith.divsi %while3A_447, %while3A_449 : i32
        %while3A_451 = arith.muli %while3A_450, %while3A_449 : i32
        %while3A_452 = arith.addi %while3A_445, %while3A_451 : i32
        %while3A_453 = arith.constant 1 : i32
        %while3A_454:2 = scf.for %while3A_457 = %while3A_445 to %while3A_452 step %while3A_453 iter_args(%while3A_458 = %scan3A_67#2, %while3A_459 = %while3A_446) -> (i32, i32)  : i32 {
          %mul3A_460 = arith.constant 16 : i32
          %mul3A_461 = arith.muli %while3A_457, %mul3A_460 : i32
          %get3A_462 = arith.index_cast %mul3A_461 : i32 to index
          %get3A_463 = tpu.vector_load %arg6[%get3A_462] {strides = array<i32>} : memref<20016xi32, #tpu.memory_space<vmem>>, vector<16xi32>,
          %mul3A_464 = arith.constant 16 : i32
          %mul3A_465 = arith.muli %while3A_457, %mul3A_464 : i32
          %get3A_466 = arith.index_cast %mul3A_465 : i32 to index
          %get3A_467 = tpu.vector_load %arg7[%get3A_466] {strides = array<i32>} : memref<20016xi32, #tpu.memory_space<vmem>>, vector<16xi32>,
          %mul3A_468 = arith.constant 16 : i32
          %mul3A_469 = arith.muli %while3A_457, %mul3A_468 : i32
          %add3A_470 = vector.broadcast %mul3A_469 : i32 to vector<16xi32>
          %add3A_471 = arith.addi %add3A_470, %iota3A : vector<16xi32>
          %lt3A_472 = vector.broadcast %scan3A_75#1 : i32 to vector<16xi32>
          %lt3A_473 = arith.cmpi slt, %add3A_471, %lt3A_472 : vector<16xi32>
          %shift_right_logical3A = arith.constant 10 : i32
          %shift_right_logical3A_474 = vector.broadcast %shift_right_logical3A : i32 to vector<16xi32>
          %shift_right_logical3A_475 = arith.shrui %get3A_463, %shift_right_logical3A_474 : vector<16xi32>
          %and3A_476 = arith.constant 255 : i32
          %and3A_477 = vector.broadcast %and3A_476 : i32 to vector<16xi32>
          %and3A_478 = arith.andi %shift_right_logical3A_475, %and3A_477 : vector<16xi32>
          %gt3A_479 = vector.broadcast %scan3A_443#1 : i32 to vector<16xi32>
          %gt3A_480 = arith.cmpi sgt, %and3A_478, %gt3A_479 : vector<16xi32>
          %and3A_481 = arith.andi %gt3A_480, %lt3A_473 : vector<16xi1>
          %eq3A = vector.broadcast %scan3A_443#1 : i32 to vector<16xi32>
          %eq3A_482 = arith.cmpi eq, %and3A_478, %eq3A : vector<16xi32>
          %and3A_483 = arith.andi %eq3A_482, %lt3A_473 : vector<16xi1>
          %swap3A_484 = arith.index_cast %while3A_458 : i32 to index
          %swap3A_485 = tpu.vector_load %arg11[%swap3A_484] masked %and3A_481 {strides = array<i32>} : memref<224xi32, #tpu.memory_space<vmem>>, vector<16xi32>, vector<16xi1>
          tpu.vector_store %arg11[%swap3A_484], %get3A_463 masked %and3A_481 {strides = array<i32>} : memref<224xi32, #tpu.memory_space<vmem>>, vector<16xi32>, vector<16xi1>
          %swap3A_486 = arith.index_cast %while3A_458 : i32 to index
          %swap3A_487 = tpu.vector_load %arg12[%swap3A_486] masked %and3A_481 {strides = array<i32>} : memref<224xi32, #tpu.memory_space<vmem>>, vector<16xi32>, vector<16xi1>
          tpu.vector_store %arg12[%swap3A_486], %get3A_467 masked %and3A_481 {strides = array<i32>} : memref<224xi32, #tpu.memory_space<vmem>>, vector<16xi32>, vector<16xi1>
          %swap3A_488 = arith.index_cast %while3A_459 : i32 to index
          %swap3A_489 = tpu.vector_load %arg8[%swap3A_488] masked %and3A_483 {strides = array<i32>} : memref<20016xi32, #tpu.memory_space<vmem>>, vector<16xi32>, vector<16xi1>
          tpu.vector_store %arg8[%swap3A_488], %get3A_463 masked %and3A_483 {strides = array<i32>} : memref<20016xi32, #tpu.memory_space<vmem>>, vector<16xi32>, vector<16xi1>
          %swap3A_490 = arith.index_cast %while3A_459 : i32 to index
          %swap3A_491 = tpu.vector_load %arg9[%swap3A_490] masked %and3A_483 {strides = array<i32>} : memref<20016xi32, #tpu.memory_space<vmem>>, vector<16xi32>, vector<16xi1>
          tpu.vector_store %arg9[%swap3A_490], %get3A_467 masked %and3A_483 {strides = array<i32>} : memref<20016xi32, #tpu.memory_space<vmem>>, vector<16xi32>, vector<16xi1>
          %jit3A_492 = arith.constant 1 : i32
          %jit3A_493 = arith.constant 0 : i32
          %broadcast_in_dim3A_494 = vector.broadcast %jit3A_492 : i32 to vector<16xi32>
          %broadcast_in_dim3A_495 = vector.broadcast %jit3A_493 : i32 to vector<16xi32>
          %select_n3A_496 = arith.select %and3A_481, %broadcast_in_dim3A_494, %broadcast_in_dim3A_495 : vector<16xi1>, vector<16xi32>
          %reduce_sum3A = arith.constant true
          %reduce_sum3A_497 = vector.broadcast %reduce_sum3A : i1 to vector<16xi1>
          %reduce_sum3A_498 = tpu.scan <sum>, %select_n3A_496 masked %reduce_sum3A_497 : vector<16xi32>, vector<16xi1> -> vector<16xi32>
          %reduce_sum3A_499 = vector.extract %reduce_sum3A_498[15] : i32 from vector<16xi32>
          %add3A_500 = arith.addi %while3A_458, %reduce_sum3A_499 : i32
          %jit3A_501 = arith.constant 1 : i32
          %jit3A_502 = arith.constant 0 : i32
          %broadcast_in_dim3A_503 = vector.broadcast %jit3A_501 : i32 to vector<16xi32>
          %broadcast_in_dim3A_504 = vector.broadcast %jit3A_502 : i32 to vector<16xi32>
          %select_n3A_505 = arith.select %and3A_483, %broadcast_in_dim3A_503, %broadcast_in_dim3A_504 : vector<16xi1>, vector<16xi32>
          %reduce_sum3A_506 = arith.constant true
          %reduce_sum3A_507 = vector.broadcast %reduce_sum3A_506 : i1 to vector<16xi1>
          %reduce_sum3A_508 = tpu.scan <sum>, %select_n3A_505 masked %reduce_sum3A_507 : vector<16xi32>, vector<16xi1> -> vector<16xi32>
          %reduce_sum3A_509 = vector.extract %reduce_sum3A_508[15] : i32 from vector<16xi32>
          %add3A_510 = arith.addi %while3A_459, %reduce_sum3A_509 : i32
          scf.yield %add3A_500, %add3A_510 : i32, i32
        }
        %while3A_455 = arith.constant 1 : i32
        %while3A_456:2 = scf.for %while3A_457 = %while3A_452 to %while3A_448 step %while3A_455 iter_args(%while3A_458 = %while3A_454#0, %while3A_459 = %while3A_454#1) -> (i32, i32)  : i32 {
          %mul3A_460 = arith.constant 16 : i32
          %mul3A_461 = arith.muli %while3A_457, %mul3A_460 : i32
          %get3A_462 = arith.index_cast %mul3A_461 : i32 to index
          %get3A_463 = tpu.vector_load %arg6[%get3A_462] {strides = array<i32>} : memref<20016xi32, #tpu.memory_space<vmem>>, vector<16xi32>,
          %mul3A_464 = arith.constant 16 : i32
          %mul3A_465 = arith.muli %while3A_457, %mul3A_464 : i32
          %get3A_466 = arith.index_cast %mul3A_465 : i32 to index
          %get3A_467 = tpu.vector_load %arg7[%get3A_466] {strides = array<i32>} : memref<20016xi32, #tpu.memory_space<vmem>>, vector<16xi32>,
          %mul3A_468 = arith.constant 16 : i32
          %mul3A_469 = arith.muli %while3A_457, %mul3A_468 : i32
          %add3A_470 = vector.broadcast %mul3A_469 : i32 to vector<16xi32>
          %add3A_471 = arith.addi %add3A_470, %iota3A : vector<16xi32>
          %lt3A_472 = vector.broadcast %scan3A_75#1 : i32 to vector<16xi32>
          %lt3A_473 = arith.cmpi slt, %add3A_471, %lt3A_472 : vector<16xi32>
          %shift_right_logical3A = arith.constant 10 : i32
          %shift_right_logical3A_474 = vector.broadcast %shift_right_logical3A : i32 to vector<16xi32>
          %shift_right_logical3A_475 = arith.shrui %get3A_463, %shift_right_logical3A_474 : vector<16xi32>
          %and3A_476 = arith.constant 255 : i32
          %and3A_477 = vector.broadcast %and3A_476 : i32 to vector<16xi32>
          %and3A_478 = arith.andi %shift_right_logical3A_475, %and3A_477 : vector<16xi32>
          %gt3A_479 = vector.broadcast %scan3A_443#1 : i32 to vector<16xi32>
          %gt3A_480 = arith.cmpi sgt, %and3A_478, %gt3A_479 : vector<16xi32>
          %and3A_481 = arith.andi %gt3A_480, %lt3A_473 : vector<16xi1>
          %eq3A = vector.broadcast %scan3A_443#1 : i32 to vector<16xi32>
          %eq3A_482 = arith.cmpi eq, %and3A_478, %eq3A : vector<16xi32>
          %and3A_483 = arith.andi %eq3A_482, %lt3A_473 : vector<16xi1>
          %swap3A_484 = arith.index_cast %while3A_458 : i32 to index
          %swap3A_485 = tpu.vector_load %arg11[%swap3A_484] masked %and3A_481 {strides = array<i32>} : memref<224xi32, #tpu.memory_space<vmem>>, vector<16xi32>, vector<16xi1>
          tpu.vector_store %arg11[%swap3A_484], %get3A_463 masked %and3A_481 {strides = array<i32>} : memref<224xi32, #tpu.memory_space<vmem>>, vector<16xi32>, vector<16xi1>
          %swap3A_486 = arith.index_cast %while3A_458 : i32 to index
          %swap3A_487 = tpu.vector_load %arg12[%swap3A_486] masked %and3A_481 {strides = array<i32>} : memref<224xi32, #tpu.memory_space<vmem>>, vector<16xi32>, vector<16xi1>
          tpu.vector_store %arg12[%swap3A_486], %get3A_467 masked %and3A_481 {strides = array<i32>} : memref<224xi32, #tpu.memory_space<vmem>>, vector<16xi32>, vector<16xi1>
          %swap3A_488 = arith.index_cast %while3A_459 : i32 to index
          %swap3A_489 = tpu.vector_load %arg8[%swap3A_488] masked %and3A_483 {strides = array<i32>} : memref<20016xi32, #tpu.memory_space<vmem>>, vector<16xi32>, vector<16xi1>
          tpu.vector_store %arg8[%swap3A_488], %get3A_463 masked %and3A_483 {strides = array<i32>} : memref<20016xi32, #tpu.memory_space<vmem>>, vector<16xi32>, vector<16xi1>
          %swap3A_490 = arith.index_cast %while3A_459 : i32 to index
          %swap3A_491 = tpu.vector_load %arg9[%swap3A_490] masked %and3A_483 {strides = array<i32>} : memref<20016xi32, #tpu.memory_space<vmem>>, vector<16xi32>, vector<16xi1>
          tpu.vector_store %arg9[%swap3A_490], %get3A_467 masked %and3A_483 {strides = array<i32>} : memref<20016xi32, #tpu.memory_space<vmem>>, vector<16xi32>, vector<16xi1>
          %jit3A_492 = arith.constant 1 : i32
          %jit3A_493 = arith.constant 0 : i32
          %broadcast_in_dim3A_494 = vector.broadcast %jit3A_492 : i32 to vector<16xi32>
          %broadcast_in_dim3A_495 = vector.broadcast %jit3A_493 : i32 to vector<16xi32>
          %select_n3A_496 = arith.select %and3A_481, %broadcast_in_dim3A_494, %broadcast_in_dim3A_495 : vector<16xi1>, vector<16xi32>
          %reduce_sum3A = arith.constant true
          %reduce_sum3A_497 = vector.broadcast %reduce_sum3A : i1 to vector<16xi1>
          %reduce_sum3A_498 = tpu.scan <sum>, %select_n3A_496 masked %reduce_sum3A_497 : vector<16xi32>, vector<16xi1> -> vector<16xi32>
          %reduce_sum3A_499 = vector.extract %reduce_sum3A_498[15] : i32 from vector<16xi32>
          %add3A_500 = arith.addi %while3A_458, %reduce_sum3A_499 : i32
          %jit3A_501 = arith.constant 1 : i32
          %jit3A_502 = arith.constant 0 : i32
          %broadcast_in_dim3A_503 = vector.broadcast %jit3A_501 : i32 to vector<16xi32>
          %broadcast_in_dim3A_504 = vector.broadcast %jit3A_502 : i32 to vector<16xi32>
          %select_n3A_505 = arith.select %and3A_483, %broadcast_in_dim3A_503, %broadcast_in_dim3A_504 : vector<16xi1>, vector<16xi32>
          %reduce_sum3A_506 = arith.constant true
          %reduce_sum3A_507 = vector.broadcast %reduce_sum3A_506 : i1 to vector<16xi1>
          %reduce_sum3A_508 = tpu.scan <sum>, %select_n3A_505 masked %reduce_sum3A_507 : vector<16xi32>, vector<16xi1> -> vector<16xi32>
          %reduce_sum3A_509 = vector.extract %reduce_sum3A_508[15] : i32 from vector<16xi32>
          %add3A_510 = arith.addi %while3A_459, %reduce_sum3A_509 : i32
          scf.yield %add3A_500, %add3A_510 : i32, i32
        }
        scf.yield %scan3A_443#2, %while3A_456#1 : i32, i32
      } else {
        %while3A_416 = arith.constant 0 : i32
        %while3A_417 = arith.constant 0 : i32
        %while3A_418 = arith.subi %select_n3A_102, %while3A_416 : i32
        %while3A_419 = arith.addi %while3A_416, %while3A_418 : i32
        %while3A_420 = arith.constant 1 : i32
        %while3A_421 = arith.divsi %while3A_418, %while3A_420 : i32
        %while3A_422 = arith.muli %while3A_421, %while3A_420 : i32
        %while3A_423 = arith.addi %while3A_416, %while3A_422 : i32
        %while3A_424 = arith.constant 1 : i32
        %while3A_425 = scf.for %while3A_428 = %while3A_416 to %while3A_423 step %while3A_424 iter_args(%while3A_429 = %while3A_417) -> (i32)  : i32 {
          %mul3A_430 = arith.constant 16 : i32
          %mul3A_431 = arith.muli %while3A_428, %mul3A_430 : i32
          %add3A_432 = vector.broadcast %mul3A_431 : i32 to vector<16xi32>
          %add3A_433 = arith.addi %add3A_432, %iota3A : vector<16xi32>
          %lt3A_434 = vector.broadcast %scan3A_75#1 : i32 to vector<16xi32>
          %lt3A_435 = arith.cmpi slt, %add3A_433, %lt3A_434 : vector<16xi32>
          %mul3A_436 = arith.constant 16 : i32
          %mul3A_437 = arith.muli %while3A_428, %mul3A_436 : i32
          %get3A_438 = arith.index_cast %mul3A_437 : i32 to index
          %get3A_439 = tpu.vector_load %arg6[%get3A_438] {strides = array<i32>} : memref<20016xi32, #tpu.memory_space<vmem>>, vector<16xi32>,
          %mul3A_440 = arith.constant 16 : i32
          %mul3A_441 = arith.muli %while3A_428, %mul3A_440 : i32
          %get3A_442 = arith.index_cast %mul3A_441 : i32 to index
          %get3A_443 = tpu.vector_load %arg7[%get3A_442] {strides = array<i32>} : memref<20016xi32, #tpu.memory_space<vmem>>, vector<16xi32>,
          %mul3A_444 = arith.constant 16 : i32
          %mul3A_445 = arith.muli %while3A_428, %mul3A_444 : i32
          %swap3A_446 = arith.index_cast %mul3A_445 : i32 to index
          %swap3A_447 = tpu.vector_load %arg8[%swap3A_446] {strides = array<i32>} : memref<20016xi32, #tpu.memory_space<vmem>>, vector<16xi32>,
          tpu.vector_store %arg8[%swap3A_446], %get3A_439 {strides = array<i32>} : memref<20016xi32, #tpu.memory_space<vmem>>, vector<16xi32>,
          %mul3A_448 = arith.constant 16 : i32
          %mul3A_449 = arith.muli %while3A_428, %mul3A_448 : i32
          %swap3A_450 = arith.index_cast %mul3A_449 : i32 to index
          %swap3A_451 = tpu.vector_load %arg9[%swap3A_450] {strides = array<i32>} : memref<20016xi32, #tpu.memory_space<vmem>>, vector<16xi32>,
          tpu.vector_store %arg9[%swap3A_450], %get3A_443 {strides = array<i32>} : memref<20016xi32, #tpu.memory_space<vmem>>, vector<16xi32>,
          %while3A_452 = arith.constant 0 : i32
          scf.yield %while3A_452 : i32
        }
        %while3A_426 = arith.constant 1 : i32
        %while3A_427 = scf.for %while3A_428 = %while3A_423 to %while3A_419 step %while3A_426 iter_args(%while3A_429 = %while3A_425) -> (i32)  : i32 {
          %mul3A_430 = arith.constant 16 : i32
          %mul3A_431 = arith.muli %while3A_428, %mul3A_430 : i32
          %add3A_432 = vector.broadcast %mul3A_431 : i32 to vector<16xi32>
          %add3A_433 = arith.addi %add3A_432, %iota3A : vector<16xi32>
          %lt3A_434 = vector.broadcast %scan3A_75#1 : i32 to vector<16xi32>
          %lt3A_435 = arith.cmpi slt, %add3A_433, %lt3A_434 : vector<16xi32>
          %mul3A_436 = arith.constant 16 : i32
          %mul3A_437 = arith.muli %while3A_428, %mul3A_436 : i32
          %get3A_438 = arith.index_cast %mul3A_437 : i32 to index
          %get3A_439 = tpu.vector_load %arg6[%get3A_438] {strides = array<i32>} : memref<20016xi32, #tpu.memory_space<vmem>>, vector<16xi32>,
          %mul3A_440 = arith.constant 16 : i32
          %mul3A_441 = arith.muli %while3A_428, %mul3A_440 : i32
          %get3A_442 = arith.index_cast %mul3A_441 : i32 to index
          %get3A_443 = tpu.vector_load %arg7[%get3A_442] {strides = array<i32>} : memref<20016xi32, #tpu.memory_space<vmem>>, vector<16xi32>,
          %mul3A_444 = arith.constant 16 : i32
          %mul3A_445 = arith.muli %while3A_428, %mul3A_444 : i32
          %swap3A_446 = arith.index_cast %mul3A_445 : i32 to index
          %swap3A_447 = tpu.vector_load %arg8[%swap3A_446] {strides = array<i32>} : memref<20016xi32, #tpu.memory_space<vmem>>, vector<16xi32>,
          tpu.vector_store %arg8[%swap3A_446], %get3A_439 {strides = array<i32>} : memref<20016xi32, #tpu.memory_space<vmem>>, vector<16xi32>,
          %mul3A_448 = arith.constant 16 : i32
          %mul3A_449 = arith.muli %while3A_428, %mul3A_448 : i32
          %swap3A_450 = arith.index_cast %mul3A_449 : i32 to index
          %swap3A_451 = tpu.vector_load %arg9[%swap3A_450] {strides = array<i32>} : memref<20016xi32, #tpu.memory_space<vmem>>, vector<16xi32>,
          tpu.vector_store %arg9[%swap3A_450], %get3A_443 {strides = array<i32>} : memref<20016xi32, #tpu.memory_space<vmem>>, vector<16xi32>,
          %while3A_452 = arith.constant 0 : i32
          scf.yield %while3A_452 : i32
        }
        scf.yield %scan3A_67#2, %scan3A_75#1 : i32, i32
      }
      %add3A_108 = arith.constant 15 : i32
      %add3A_109 = arith.addi %cond3A_107#1, %add3A_108 : i32
      %jit3A_110 = arith.constant 16 : i32
      %div3A_111 = arith.divsi %add3A_109, %jit3A_110 : i32
      %sign3A_112 = arith.constant 0 : i32
      %sign3A_113 = arith.cmpi sgt, %add3A_109, %sign3A_112 : i32
      %sign3A_114 = arith.extui %sign3A_113 : i1 to i32
      %sign3A_115 = arith.constant 0 : i32
      %sign3A_116 = arith.cmpi slt, %add3A_109, %sign3A_115 : i32
      %sign3A_117 = arith.extui %sign3A_116 : i1 to i32
      %sign3A_118 = arith.subi %sign3A_114, %sign3A_117 : i32
      %sign3A_119 = arith.constant 0 : i32
      %sign3A_120 = arith.cmpi sgt, %jit3A_110, %sign3A_119 : i32
      %sign3A_121 = arith.extui %sign3A_120 : i1 to i32
      %sign3A_122 = arith.constant 0 : i32
      %sign3A_123 = arith.cmpi slt, %jit3A_110, %sign3A_122 : i32
      %sign3A_124 = arith.extui %sign3A_123 : i1 to i32
      %sign3A_125 = arith.subi %sign3A_121, %sign3A_124 : i32
      %ne3A_126 = arith.cmpi ne, %sign3A_118, %sign3A_125 : i32
      %rem3A_127 = arith.remsi %add3A_109, %jit3A_110 : i32
      %ne3A_128 = arith.constant 0 : i32
      %ne3A_129 = arith.cmpi ne, %rem3A_127, %ne3A_128 : i32
      %and3A_130 = arith.andi %ne3A_126, %ne3A_129 : i1
      %sub3A_131 = arith.constant 1 : i32
      %sub3A_132 = arith.subi %div3A_111, %sub3A_131 : i32
      %select_n3A_133 = arith.select %and3A_130, %sub3A_132, %div3A_111 : i32
      %add3A_134 = arith.addi %cond3A_107#0, %cond3A_107#1 : i32
      %gt3A_135 = arith.constant 200 : i32
      %gt3A_136 = arith.cmpi sgt, %add3A_134, %gt3A_135 : i32
      %convert_element_type3A_137 = arith.extui %gt3A_136 : i1 to i32
      %cond3A_138 = arith.constant 0 : i32
      %cond3A_139 = arith.constant 0 : i32
      %cond3A_140 = arith.cmpi ne, %convert_element_type3A_137, %cond3A_139 : i32
      %cond3A_141:2 = scf.if %cond3A_140 -> (i32, i32) {
        %broadcast_in_dim3A_416 = arith.constant 0 : i32
        %broadcast_in_dim3A_417 = vector.broadcast %broadcast_in_dim3A_416 : i32 to vector<16xi32>
        %scan3A_418 = arith.constant 0 : i32
        %scan3A_419 = arith.constant 0 : i32
        %scan3A_420 = arith.constant 256 : i32
        %scan3A_421 = arith.addi %scan3A_419, %scan3A_420 : i32
        %scan3A_422 = arith.constant 1 : i32
        %scan3A_423 = scf.for %scan3A_457 = %scan3A_419 to %scan3A_421 step %scan3A_422 iter_args(%scan3A_458 = %scan3A_418) -> (i32)  : i32 {
          %mul3A_459 = arith.constant 16 : i32
          %mul3A_460 = arith.muli %scan3A_457, %mul3A_459 : i32
          %swap3A_461 = arith.index_cast %mul3A_460 : i32 to index
          %swap3A_462 = tpu.vector_load %arg10[%swap3A_461] {strides = array<i32>} : memref<4096xi32, #tpu.memory_space<vmem>>, vector<16xi32>,
          tpu.vector_store %arg10[%swap3A_461], %broadcast_in_dim3A_417 {strides = array<i32>} : memref<4096xi32, #tpu.memory_space<vmem>>, vector<16xi32>,
          %scan3A_463 = arith.constant 0 : i32
          scf.yield %scan3A_463 : i32
        }
        %scan3A_424 = arith.constant 256 : i32
        %while3A_425 = arith.constant 0 : i32
        %while3A_426 = arith.constant 0 : i32
        %while3A_427 = arith.subi %select_n3A_133, %while3A_425 : i32
        %while3A_428 = arith.addi %while3A_425, %while3A_427 : i32
        %while3A_429 = arith.constant 1 : i32
        %while3A_430 = arith.divsi %while3A_427, %while3A_429 : i32
        %while3A_431 = arith.muli %while3A_430, %while3A_429 : i32
        %while3A_432 = arith.addi %while3A_425, %while3A_431 : i32
        %while3A_433 = arith.constant 1 : i32
        %while3A_434 = scf.for %while3A_457 = %while3A_425 to %while3A_432 step %while3A_433 iter_args(%while3A_458 = %while3A_426) -> (i32)  : i32 {
          %mul3A_459 = arith.constant 16 : i32
          %mul3A_460 = arith.muli %while3A_457, %mul3A_459 : i32
          %get3A_461 = arith.index_cast %mul3A_460 : i32 to index
          %get3A_462 = tpu.vector_load %arg8[%get3A_461] {strides = array<i32>} : memref<20016xi32, #tpu.memory_space<vmem>>, vector<16xi32>,
          %mul3A_463 = arith.constant 16 : i32
          %mul3A_464 = arith.muli %while3A_457, %mul3A_463 : i32
          %add3A_465 = vector.broadcast %mul3A_464 : i32 to vector<16xi32>
          %add3A_466 = arith.addi %add3A_465, %iota3A : vector<16xi32>
          %lt3A_467 = vector.broadcast %cond3A_107#1 : i32 to vector<16xi32>
          %lt3A_468 = arith.cmpi slt, %add3A_466, %lt3A_467 : vector<16xi32>
          %shift_right_logical3A = arith.constant 2 : i32
          %shift_right_logical3A_469 = vector.broadcast %shift_right_logical3A : i32 to vector<16xi32>
          %shift_right_logical3A_470 = arith.shrui %get3A_462, %shift_right_logical3A_469 : vector<16xi32>
          %and3A_471 = arith.constant 255 : i32
          %and3A_472 = vector.broadcast %and3A_471 : i32 to vector<16xi32>
          %and3A_473 = arith.andi %shift_right_logical3A_470, %and3A_472 : vector<16xi32>
          %mul3A_474 = arith.constant 16 : i32
          %mul3A_475 = vector.broadcast %mul3A_474 : i32 to vector<16xi32>
          %mul3A_476 = arith.muli %and3A_473, %mul3A_475 : vector<16xi32>
          %add3A_477 = arith.addi %mul3A_476, %iota3A : vector<16xi32>
          tpu.vector_store_idx %arg10[%add3A_477], %broadcast_in_dim3A_0 masked %lt3A_468 {add = true} : memref<4096xi32, #tpu.memory_space<vmem>>[vector<16xi32>], vector<16xi32>, vector<16xi1>
          %while3A_478 = arith.constant 0 : i32
          scf.yield %while3A_478 : i32
        }
        %while3A_435 = arith.constant 1 : i32
        %while3A_436 = scf.for %while3A_457 = %while3A_432 to %while3A_428 step %while3A_435 iter_args(%while3A_458 = %while3A_434) -> (i32)  : i32 {
          %mul3A_459 = arith.constant 16 : i32
          %mul3A_460 = arith.muli %while3A_457, %mul3A_459 : i32
          %get3A_461 = arith.index_cast %mul3A_460 : i32 to index
          %get3A_462 = tpu.vector_load %arg8[%get3A_461] {strides = array<i32>} : memref<20016xi32, #tpu.memory_space<vmem>>, vector<16xi32>,
          %mul3A_463 = arith.constant 16 : i32
          %mul3A_464 = arith.muli %while3A_457, %mul3A_463 : i32
          %add3A_465 = vector.broadcast %mul3A_464 : i32 to vector<16xi32>
          %add3A_466 = arith.addi %add3A_465, %iota3A : vector<16xi32>
          %lt3A_467 = vector.broadcast %cond3A_107#1 : i32 to vector<16xi32>
          %lt3A_468 = arith.cmpi slt, %add3A_466, %lt3A_467 : vector<16xi32>
          %shift_right_logical3A = arith.constant 2 : i32
          %shift_right_logical3A_469 = vector.broadcast %shift_right_logical3A : i32 to vector<16xi32>
          %shift_right_logical3A_470 = arith.shrui %get3A_462, %shift_right_logical3A_469 : vector<16xi32>
          %and3A_471 = arith.constant 255 : i32
          %and3A_472 = vector.broadcast %and3A_471 : i32 to vector<16xi32>
          %and3A_473 = arith.andi %shift_right_logical3A_470, %and3A_472 : vector<16xi32>
          %mul3A_474 = arith.constant 16 : i32
          %mul3A_475 = vector.broadcast %mul3A_474 : i32 to vector<16xi32>
          %mul3A_476 = arith.muli %and3A_473, %mul3A_475 : vector<16xi32>
          %add3A_477 = arith.addi %mul3A_476, %iota3A : vector<16xi32>
          tpu.vector_store_idx %arg10[%add3A_477], %broadcast_in_dim3A_0 masked %lt3A_468 {add = true} : memref<4096xi32, #tpu.memory_space<vmem>>[vector<16xi32>], vector<16xi32>, vector<16xi1>
          %while3A_478 = arith.constant 0 : i32
          scf.yield %while3A_478 : i32
        }
        %scan3A_437 = arith.constant 0 : i32
        %scan3A_438 = arith.constant 0 : i32
        %scan3A_439 = arith.constant 0 : i32
        %scan3A_440 = arith.constant 256 : i32
        %scan3A_441 = arith.addi %scan3A_439, %scan3A_440 : i32
        %scan3A_442 = arith.constant 1 : i32
        %scan3A_443:4 = scf.for %scan3A_457 = %scan3A_439 to %scan3A_441 step %scan3A_442 iter_args(%scan3A_458 = %cond3A_107#0, %scan3A_459 = %scan3A_437, %scan3A_460 = %cond3A_107#0, %scan3A_461 = %scan3A_438) -> (i32, i32, i32, i32)  : i32 {
          %sub3A_462 = arith.constant 255 : i32
          %sub3A_463 = arith.subi %sub3A_462, %scan3A_457 : i32
          %mul3A_464 = arith.constant 16 : i32
          %mul3A_465 = arith.muli %sub3A_463, %mul3A_464 : i32
          %get3A_466 = arith.index_cast %mul3A_465 : i32 to index
          %get3A_467 = tpu.vector_load %arg10[%get3A_466] {strides = array<i32>} : memref<4096xi32, #tpu.memory_space<vmem>>, vector<16xi32>,
          %reduce_sum3A = arith.constant true
          %reduce_sum3A_468 = vector.broadcast %reduce_sum3A : i1 to vector<16xi1>
          %reduce_sum3A_469 = tpu.scan <sum>, %get3A_467 masked %reduce_sum3A_468 : vector<16xi32>, vector<16xi1> -> vector<16xi32>
          %reduce_sum3A_470 = vector.extract %reduce_sum3A_469[15] : i32 from vector<16xi32>
          %lt3A_471 = arith.constant 200 : i32
          %lt3A_472 = arith.cmpi slt, %scan3A_458, %lt3A_471 : i32
          %add3A_473 = arith.addi %scan3A_458, %reduce_sum3A_470 : i32
          %ge3A = arith.constant 200 : i32
          %ge3A_474 = arith.cmpi sge, %add3A_473, %ge3A : i32
          %and3A_475 = arith.andi %lt3A_472, %ge3A_474 : i1
          %select_n3A_476 = arith.select %and3A_475, %sub3A_463, %scan3A_459 : i32
          %select_n3A_477 = arith.select %and3A_475, %scan3A_458, %scan3A_460 : i32
          %select_n3A_478 = arith.select %and3A_475, %reduce_sum3A_470, %scan3A_461 : i32
          %add3A_479 = arith.addi %scan3A_458, %reduce_sum3A_470 : i32
          scf.yield %add3A_479, %select_n3A_476, %select_n3A_477, %select_n3A_478 : i32, i32, i32, i32
        }
        %scan3A_444 = arith.constant 256 : i32
        %while3A_445 = arith.constant 0 : i32
        %while3A_446 = arith.constant 0 : i32
        %while3A_447 = arith.subi %select_n3A_133, %while3A_445 : i32
        %while3A_448 = arith.addi %while3A_445, %while3A_447 : i32
        %while3A_449 = arith.constant 1 : i32
        %while3A_450 = arith.divsi %while3A_447, %while3A_449 : i32
        %while3A_451 = arith.muli %while3A_450, %while3A_449 : i32
        %while3A_452 = arith.addi %while3A_445, %while3A_451 : i32
        %while3A_453 = arith.constant 1 : i32
        %while3A_454:2 = scf.for %while3A_457 = %while3A_445 to %while3A_452 step %while3A_453 iter_args(%while3A_458 = %cond3A_107#0, %while3A_459 = %while3A_446) -> (i32, i32)  : i32 {
          %mul3A_460 = arith.constant 16 : i32
          %mul3A_461 = arith.muli %while3A_457, %mul3A_460 : i32
          %get3A_462 = arith.index_cast %mul3A_461 : i32 to index
          %get3A_463 = tpu.vector_load %arg8[%get3A_462] {strides = array<i32>} : memref<20016xi32, #tpu.memory_space<vmem>>, vector<16xi32>,
          %mul3A_464 = arith.constant 16 : i32
          %mul3A_465 = arith.muli %while3A_457, %mul3A_464 : i32
          %get3A_466 = arith.index_cast %mul3A_465 : i32 to index
          %get3A_467 = tpu.vector_load %arg9[%get3A_466] {strides = array<i32>} : memref<20016xi32, #tpu.memory_space<vmem>>, vector<16xi32>,
          %mul3A_468 = arith.constant 16 : i32
          %mul3A_469 = arith.muli %while3A_457, %mul3A_468 : i32
          %add3A_470 = vector.broadcast %mul3A_469 : i32 to vector<16xi32>
          %add3A_471 = arith.addi %add3A_470, %iota3A : vector<16xi32>
          %lt3A_472 = vector.broadcast %cond3A_107#1 : i32 to vector<16xi32>
          %lt3A_473 = arith.cmpi slt, %add3A_471, %lt3A_472 : vector<16xi32>
          %shift_right_logical3A = arith.constant 2 : i32
          %shift_right_logical3A_474 = vector.broadcast %shift_right_logical3A : i32 to vector<16xi32>
          %shift_right_logical3A_475 = arith.shrui %get3A_463, %shift_right_logical3A_474 : vector<16xi32>
          %and3A_476 = arith.constant 255 : i32
          %and3A_477 = vector.broadcast %and3A_476 : i32 to vector<16xi32>
          %and3A_478 = arith.andi %shift_right_logical3A_475, %and3A_477 : vector<16xi32>
          %gt3A_479 = vector.broadcast %scan3A_443#1 : i32 to vector<16xi32>
          %gt3A_480 = arith.cmpi sgt, %and3A_478, %gt3A_479 : vector<16xi32>
          %and3A_481 = arith.andi %gt3A_480, %lt3A_473 : vector<16xi1>
          %eq3A = vector.broadcast %scan3A_443#1 : i32 to vector<16xi32>
          %eq3A_482 = arith.cmpi eq, %and3A_478, %eq3A : vector<16xi32>
          %and3A_483 = arith.andi %eq3A_482, %lt3A_473 : vector<16xi1>
          %swap3A_484 = arith.index_cast %while3A_458 : i32 to index
          %swap3A_485 = tpu.vector_load %arg11[%swap3A_484] masked %and3A_481 {strides = array<i32>} : memref<224xi32, #tpu.memory_space<vmem>>, vector<16xi32>, vector<16xi1>
          tpu.vector_store %arg11[%swap3A_484], %get3A_463 masked %and3A_481 {strides = array<i32>} : memref<224xi32, #tpu.memory_space<vmem>>, vector<16xi32>, vector<16xi1>
          %swap3A_486 = arith.index_cast %while3A_458 : i32 to index
          %swap3A_487 = tpu.vector_load %arg12[%swap3A_486] masked %and3A_481 {strides = array<i32>} : memref<224xi32, #tpu.memory_space<vmem>>, vector<16xi32>, vector<16xi1>
          tpu.vector_store %arg12[%swap3A_486], %get3A_467 masked %and3A_481 {strides = array<i32>} : memref<224xi32, #tpu.memory_space<vmem>>, vector<16xi32>, vector<16xi1>
          %swap3A_488 = arith.index_cast %while3A_459 : i32 to index
          %swap3A_489 = tpu.vector_load %arg6[%swap3A_488] masked %and3A_483 {strides = array<i32>} : memref<20016xi32, #tpu.memory_space<vmem>>, vector<16xi32>, vector<16xi1>
          tpu.vector_store %arg6[%swap3A_488], %get3A_463 masked %and3A_483 {strides = array<i32>} : memref<20016xi32, #tpu.memory_space<vmem>>, vector<16xi32>, vector<16xi1>
          %swap3A_490 = arith.index_cast %while3A_459 : i32 to index
          %swap3A_491 = tpu.vector_load %arg7[%swap3A_490] masked %and3A_483 {strides = array<i32>} : memref<20016xi32, #tpu.memory_space<vmem>>, vector<16xi32>, vector<16xi1>
          tpu.vector_store %arg7[%swap3A_490], %get3A_467 masked %and3A_483 {strides = array<i32>} : memref<20016xi32, #tpu.memory_space<vmem>>, vector<16xi32>, vector<16xi1>
          %jit3A_492 = arith.constant 1 : i32
          %jit3A_493 = arith.constant 0 : i32
          %broadcast_in_dim3A_494 = vector.broadcast %jit3A_492 : i32 to vector<16xi32>
          %broadcast_in_dim3A_495 = vector.broadcast %jit3A_493 : i32 to vector<16xi32>
          %select_n3A_496 = arith.select %and3A_481, %broadcast_in_dim3A_494, %broadcast_in_dim3A_495 : vector<16xi1>, vector<16xi32>
          %reduce_sum3A = arith.constant true
          %reduce_sum3A_497 = vector.broadcast %reduce_sum3A : i1 to vector<16xi1>
          %reduce_sum3A_498 = tpu.scan <sum>, %select_n3A_496 masked %reduce_sum3A_497 : vector<16xi32>, vector<16xi1> -> vector<16xi32>
          %reduce_sum3A_499 = vector.extract %reduce_sum3A_498[15] : i32 from vector<16xi32>
          %add3A_500 = arith.addi %while3A_458, %reduce_sum3A_499 : i32
          %jit3A_501 = arith.constant 1 : i32
          %jit3A_502 = arith.constant 0 : i32
          %broadcast_in_dim3A_503 = vector.broadcast %jit3A_501 : i32 to vector<16xi32>
          %broadcast_in_dim3A_504 = vector.broadcast %jit3A_502 : i32 to vector<16xi32>
          %select_n3A_505 = arith.select %and3A_483, %broadcast_in_dim3A_503, %broadcast_in_dim3A_504 : vector<16xi1>, vector<16xi32>
          %reduce_sum3A_506 = arith.constant true
          %reduce_sum3A_507 = vector.broadcast %reduce_sum3A_506 : i1 to vector<16xi1>
          %reduce_sum3A_508 = tpu.scan <sum>, %select_n3A_505 masked %reduce_sum3A_507 : vector<16xi32>, vector<16xi1> -> vector<16xi32>
          %reduce_sum3A_509 = vector.extract %reduce_sum3A_508[15] : i32 from vector<16xi32>
          %add3A_510 = arith.addi %while3A_459, %reduce_sum3A_509 : i32
          scf.yield %add3A_500, %add3A_510 : i32, i32
        }
        %while3A_455 = arith.constant 1 : i32
        %while3A_456:2 = scf.for %while3A_457 = %while3A_452 to %while3A_448 step %while3A_455 iter_args(%while3A_458 = %while3A_454#0, %while3A_459 = %while3A_454#1) -> (i32, i32)  : i32 {
          %mul3A_460 = arith.constant 16 : i32
          %mul3A_461 = arith.muli %while3A_457, %mul3A_460 : i32
          %get3A_462 = arith.index_cast %mul3A_461 : i32 to index
          %get3A_463 = tpu.vector_load %arg8[%get3A_462] {strides = array<i32>} : memref<20016xi32, #tpu.memory_space<vmem>>, vector<16xi32>,
          %mul3A_464 = arith.constant 16 : i32
          %mul3A_465 = arith.muli %while3A_457, %mul3A_464 : i32
          %get3A_466 = arith.index_cast %mul3A_465 : i32 to index
          %get3A_467 = tpu.vector_load %arg9[%get3A_466] {strides = array<i32>} : memref<20016xi32, #tpu.memory_space<vmem>>, vector<16xi32>,
          %mul3A_468 = arith.constant 16 : i32
          %mul3A_469 = arith.muli %while3A_457, %mul3A_468 : i32
          %add3A_470 = vector.broadcast %mul3A_469 : i32 to vector<16xi32>
          %add3A_471 = arith.addi %add3A_470, %iota3A : vector<16xi32>
          %lt3A_472 = vector.broadcast %cond3A_107#1 : i32 to vector<16xi32>
          %lt3A_473 = arith.cmpi slt, %add3A_471, %lt3A_472 : vector<16xi32>
          %shift_right_logical3A = arith.constant 2 : i32
          %shift_right_logical3A_474 = vector.broadcast %shift_right_logical3A : i32 to vector<16xi32>
          %shift_right_logical3A_475 = arith.shrui %get3A_463, %shift_right_logical3A_474 : vector<16xi32>
          %and3A_476 = arith.constant 255 : i32
          %and3A_477 = vector.broadcast %and3A_476 : i32 to vector<16xi32>
          %and3A_478 = arith.andi %shift_right_logical3A_475, %and3A_477 : vector<16xi32>
          %gt3A_479 = vector.broadcast %scan3A_443#1 : i32 to vector<16xi32>
          %gt3A_480 = arith.cmpi sgt, %and3A_478, %gt3A_479 : vector<16xi32>
          %and3A_481 = arith.andi %gt3A_480, %lt3A_473 : vector<16xi1>
          %eq3A = vector.broadcast %scan3A_443#1 : i32 to vector<16xi32>
          %eq3A_482 = arith.cmpi eq, %and3A_478, %eq3A : vector<16xi32>
          %and3A_483 = arith.andi %eq3A_482, %lt3A_473 : vector<16xi1>
          %swap3A_484 = arith.index_cast %while3A_458 : i32 to index
          %swap3A_485 = tpu.vector_load %arg11[%swap3A_484] masked %and3A_481 {strides = array<i32>} : memref<224xi32, #tpu.memory_space<vmem>>, vector<16xi32>, vector<16xi1>
          tpu.vector_store %arg11[%swap3A_484], %get3A_463 masked %and3A_481 {strides = array<i32>} : memref<224xi32, #tpu.memory_space<vmem>>, vector<16xi32>, vector<16xi1>
          %swap3A_486 = arith.index_cast %while3A_458 : i32 to index
          %swap3A_487 = tpu.vector_load %arg12[%swap3A_486] masked %and3A_481 {strides = array<i32>} : memref<224xi32, #tpu.memory_space<vmem>>, vector<16xi32>, vector<16xi1>
          tpu.vector_store %arg12[%swap3A_486], %get3A_467 masked %and3A_481 {strides = array<i32>} : memref<224xi32, #tpu.memory_space<vmem>>, vector<16xi32>, vector<16xi1>
          %swap3A_488 = arith.index_cast %while3A_459 : i32 to index
          %swap3A_489 = tpu.vector_load %arg6[%swap3A_488] masked %and3A_483 {strides = array<i32>} : memref<20016xi32, #tpu.memory_space<vmem>>, vector<16xi32>, vector<16xi1>
          tpu.vector_store %arg6[%swap3A_488], %get3A_463 masked %and3A_483 {strides = array<i32>} : memref<20016xi32, #tpu.memory_space<vmem>>, vector<16xi32>, vector<16xi1>
          %swap3A_490 = arith.index_cast %while3A_459 : i32 to index
          %swap3A_491 = tpu.vector_load %arg7[%swap3A_490] masked %and3A_483 {strides = array<i32>} : memref<20016xi32, #tpu.memory_space<vmem>>, vector<16xi32>, vector<16xi1>
          tpu.vector_store %arg7[%swap3A_490], %get3A_467 masked %and3A_483 {strides = array<i32>} : memref<20016xi32, #tpu.memory_space<vmem>>, vector<16xi32>, vector<16xi1>
          %jit3A_492 = arith.constant 1 : i32
          %jit3A_493 = arith.constant 0 : i32
          %broadcast_in_dim3A_494 = vector.broadcast %jit3A_492 : i32 to vector<16xi32>
          %broadcast_in_dim3A_495 = vector.broadcast %jit3A_493 : i32 to vector<16xi32>
          %select_n3A_496 = arith.select %and3A_481, %broadcast_in_dim3A_494, %broadcast_in_dim3A_495 : vector<16xi1>, vector<16xi32>
          %reduce_sum3A = arith.constant true
          %reduce_sum3A_497 = vector.broadcast %reduce_sum3A : i1 to vector<16xi1>
          %reduce_sum3A_498 = tpu.scan <sum>, %select_n3A_496 masked %reduce_sum3A_497 : vector<16xi32>, vector<16xi1> -> vector<16xi32>
          %reduce_sum3A_499 = vector.extract %reduce_sum3A_498[15] : i32 from vector<16xi32>
          %add3A_500 = arith.addi %while3A_458, %reduce_sum3A_499 : i32
          %jit3A_501 = arith.constant 1 : i32
          %jit3A_502 = arith.constant 0 : i32
          %broadcast_in_dim3A_503 = vector.broadcast %jit3A_501 : i32 to vector<16xi32>
          %broadcast_in_dim3A_504 = vector.broadcast %jit3A_502 : i32 to vector<16xi32>
          %select_n3A_505 = arith.select %and3A_483, %broadcast_in_dim3A_503, %broadcast_in_dim3A_504 : vector<16xi1>, vector<16xi32>
          %reduce_sum3A_506 = arith.constant true
          %reduce_sum3A_507 = vector.broadcast %reduce_sum3A_506 : i1 to vector<16xi1>
          %reduce_sum3A_508 = tpu.scan <sum>, %select_n3A_505 masked %reduce_sum3A_507 : vector<16xi32>, vector<16xi1> -> vector<16xi32>
          %reduce_sum3A_509 = vector.extract %reduce_sum3A_508[15] : i32 from vector<16xi32>
          %add3A_510 = arith.addi %while3A_459, %reduce_sum3A_509 : i32
          scf.yield %add3A_500, %add3A_510 : i32, i32
        }
        scf.yield %scan3A_443#2, %while3A_456#1 : i32, i32
      } else {
        %while3A_416 = arith.constant 0 : i32
        %while3A_417 = arith.constant 0 : i32
        %while3A_418 = arith.subi %select_n3A_133, %while3A_416 : i32
        %while3A_419 = arith.addi %while3A_416, %while3A_418 : i32
        %while3A_420 = arith.constant 1 : i32
        %while3A_421 = arith.divsi %while3A_418, %while3A_420 : i32
        %while3A_422 = arith.muli %while3A_421, %while3A_420 : i32
        %while3A_423 = arith.addi %while3A_416, %while3A_422 : i32
        %while3A_424 = arith.constant 1 : i32
        %while3A_425 = scf.for %while3A_428 = %while3A_416 to %while3A_423 step %while3A_424 iter_args(%while3A_429 = %while3A_417) -> (i32)  : i32 {
          %mul3A_430 = arith.constant 16 : i32
          %mul3A_431 = arith.muli %while3A_428, %mul3A_430 : i32
          %add3A_432 = vector.broadcast %mul3A_431 : i32 to vector<16xi32>
          %add3A_433 = arith.addi %add3A_432, %iota3A : vector<16xi32>
          %lt3A_434 = vector.broadcast %cond3A_107#1 : i32 to vector<16xi32>
          %lt3A_435 = arith.cmpi slt, %add3A_433, %lt3A_434 : vector<16xi32>
          %mul3A_436 = arith.constant 16 : i32
          %mul3A_437 = arith.muli %while3A_428, %mul3A_436 : i32
          %get3A_438 = arith.index_cast %mul3A_437 : i32 to index
          %get3A_439 = tpu.vector_load %arg8[%get3A_438] {strides = array<i32>} : memref<20016xi32, #tpu.memory_space<vmem>>, vector<16xi32>,
          %mul3A_440 = arith.constant 16 : i32
          %mul3A_441 = arith.muli %while3A_428, %mul3A_440 : i32
          %get3A_442 = arith.index_cast %mul3A_441 : i32 to index
          %get3A_443 = tpu.vector_load %arg9[%get3A_442] {strides = array<i32>} : memref<20016xi32, #tpu.memory_space<vmem>>, vector<16xi32>,
          %mul3A_444 = arith.constant 16 : i32
          %mul3A_445 = arith.muli %while3A_428, %mul3A_444 : i32
          %swap3A_446 = arith.index_cast %mul3A_445 : i32 to index
          %swap3A_447 = tpu.vector_load %arg6[%swap3A_446] {strides = array<i32>} : memref<20016xi32, #tpu.memory_space<vmem>>, vector<16xi32>,
          tpu.vector_store %arg6[%swap3A_446], %get3A_439 {strides = array<i32>} : memref<20016xi32, #tpu.memory_space<vmem>>, vector<16xi32>,
          %mul3A_448 = arith.constant 16 : i32
          %mul3A_449 = arith.muli %while3A_428, %mul3A_448 : i32
          %swap3A_450 = arith.index_cast %mul3A_449 : i32 to index
          %swap3A_451 = tpu.vector_load %arg7[%swap3A_450] {strides = array<i32>} : memref<20016xi32, #tpu.memory_space<vmem>>, vector<16xi32>,
          tpu.vector_store %arg7[%swap3A_450], %get3A_443 {strides = array<i32>} : memref<20016xi32, #tpu.memory_space<vmem>>, vector<16xi32>,
          %while3A_452 = arith.constant 0 : i32
          scf.yield %while3A_452 : i32
        }
        %while3A_426 = arith.constant 1 : i32
        %while3A_427 = scf.for %while3A_428 = %while3A_423 to %while3A_419 step %while3A_426 iter_args(%while3A_429 = %while3A_425) -> (i32)  : i32 {
          %mul3A_430 = arith.constant 16 : i32
          %mul3A_431 = arith.muli %while3A_428, %mul3A_430 : i32
          %add3A_432 = vector.broadcast %mul3A_431 : i32 to vector<16xi32>
          %add3A_433 = arith.addi %add3A_432, %iota3A : vector<16xi32>
          %lt3A_434 = vector.broadcast %cond3A_107#1 : i32 to vector<16xi32>
          %lt3A_435 = arith.cmpi slt, %add3A_433, %lt3A_434 : vector<16xi32>
          %mul3A_436 = arith.constant 16 : i32
          %mul3A_437 = arith.muli %while3A_428, %mul3A_436 : i32
          %get3A_438 = arith.index_cast %mul3A_437 : i32 to index
          %get3A_439 = tpu.vector_load %arg8[%get3A_438] {strides = array<i32>} : memref<20016xi32, #tpu.memory_space<vmem>>, vector<16xi32>,
          %mul3A_440 = arith.constant 16 : i32
          %mul3A_441 = arith.muli %while3A_428, %mul3A_440 : i32
          %get3A_442 = arith.index_cast %mul3A_441 : i32 to index
          %get3A_443 = tpu.vector_load %arg9[%get3A_442] {strides = array<i32>} : memref<20016xi32, #tpu.memory_space<vmem>>, vector<16xi32>,
          %mul3A_444 = arith.constant 16 : i32
          %mul3A_445 = arith.muli %while3A_428, %mul3A_444 : i32
          %swap3A_446 = arith.index_cast %mul3A_445 : i32 to index
          %swap3A_447 = tpu.vector_load %arg6[%swap3A_446] {strides = array<i32>} : memref<20016xi32, #tpu.memory_space<vmem>>, vector<16xi32>,
          tpu.vector_store %arg6[%swap3A_446], %get3A_439 {strides = array<i32>} : memref<20016xi32, #tpu.memory_space<vmem>>, vector<16xi32>,
          %mul3A_448 = arith.constant 16 : i32
          %mul3A_449 = arith.muli %while3A_428, %mul3A_448 : i32
          %swap3A_450 = arith.index_cast %mul3A_449 : i32 to index
          %swap3A_451 = tpu.vector_load %arg7[%swap3A_450] {strides = array<i32>} : memref<20016xi32, #tpu.memory_space<vmem>>, vector<16xi32>,
          tpu.vector_store %arg7[%swap3A_450], %get3A_443 {strides = array<i32>} : memref<20016xi32, #tpu.memory_space<vmem>>, vector<16xi32>,
          %while3A_452 = arith.constant 0 : i32
          scf.yield %while3A_452 : i32
        }
        scf.yield %cond3A_107#0, %cond3A_107#1 : i32, i32
      }
      %add3A_142 = arith.constant 15 : i32
      %add3A_143 = arith.addi %cond3A_141#1, %add3A_142 : i32
      %jit3A_144 = arith.constant 16 : i32
      %div3A_145 = arith.divsi %add3A_143, %jit3A_144 : i32
      %sign3A_146 = arith.constant 0 : i32
      %sign3A_147 = arith.cmpi sgt, %add3A_143, %sign3A_146 : i32
      %sign3A_148 = arith.extui %sign3A_147 : i1 to i32
      %sign3A_149 = arith.constant 0 : i32
      %sign3A_150 = arith.cmpi slt, %add3A_143, %sign3A_149 : i32
      %sign3A_151 = arith.extui %sign3A_150 : i1 to i32
      %sign3A_152 = arith.subi %sign3A_148, %sign3A_151 : i32
      %sign3A_153 = arith.constant 0 : i32
      %sign3A_154 = arith.cmpi sgt, %jit3A_144, %sign3A_153 : i32
      %sign3A_155 = arith.extui %sign3A_154 : i1 to i32
      %sign3A_156 = arith.constant 0 : i32
      %sign3A_157 = arith.cmpi slt, %jit3A_144, %sign3A_156 : i32
      %sign3A_158 = arith.extui %sign3A_157 : i1 to i32
      %sign3A_159 = arith.subi %sign3A_155, %sign3A_158 : i32
      %ne3A_160 = arith.cmpi ne, %sign3A_152, %sign3A_159 : i32
      %rem3A_161 = arith.remsi %add3A_143, %jit3A_144 : i32
      %ne3A_162 = arith.constant 0 : i32
      %ne3A_163 = arith.cmpi ne, %rem3A_161, %ne3A_162 : i32
      %and3A_164 = arith.andi %ne3A_160, %ne3A_163 : i1
      %sub3A_165 = arith.constant 1 : i32
      %sub3A_166 = arith.subi %div3A_145, %sub3A_165 : i32
      %select_n3A_167 = arith.select %and3A_164, %sub3A_166, %div3A_145 : i32
      %add3A_168 = arith.addi %cond3A_141#0, %cond3A_141#1 : i32
      %gt3A_169 = arith.constant 200 : i32
      %gt3A_170 = arith.cmpi sgt, %add3A_168, %gt3A_169 : i32
      %convert_element_type3A_171 = arith.extui %gt3A_170 : i1 to i32
      %cond3A_172 = arith.constant 0 : i32
      %cond3A_173 = arith.constant 0 : i32
      %cond3A_174 = arith.cmpi ne, %convert_element_type3A_171, %cond3A_173 : i32
      %cond3A_175:2 = scf.if %cond3A_174 -> (i32, i32) {
        %broadcast_in_dim3A_416 = arith.constant 0 : i32
        %broadcast_in_dim3A_417 = vector.broadcast %broadcast_in_dim3A_416 : i32 to vector<16xi32>
        %scan3A_418 = arith.constant 0 : i32
        %scan3A_419 = arith.constant 0 : i32
        %scan3A_420 = arith.constant 256 : i32
        %scan3A_421 = arith.addi %scan3A_419, %scan3A_420 : i32
        %scan3A_422 = arith.constant 1 : i32
        %scan3A_423 = scf.for %scan3A_457 = %scan3A_419 to %scan3A_421 step %scan3A_422 iter_args(%scan3A_458 = %scan3A_418) -> (i32)  : i32 {
          %mul3A_459 = arith.constant 16 : i32
          %mul3A_460 = arith.muli %scan3A_457, %mul3A_459 : i32
          %swap3A_461 = arith.index_cast %mul3A_460 : i32 to index
          %swap3A_462 = tpu.vector_load %arg10[%swap3A_461] {strides = array<i32>} : memref<4096xi32, #tpu.memory_space<vmem>>, vector<16xi32>,
          tpu.vector_store %arg10[%swap3A_461], %broadcast_in_dim3A_417 {strides = array<i32>} : memref<4096xi32, #tpu.memory_space<vmem>>, vector<16xi32>,
          %scan3A_463 = arith.constant 0 : i32
          scf.yield %scan3A_463 : i32
        }
        %scan3A_424 = arith.constant 256 : i32
        %while3A_425 = arith.constant 0 : i32
        %while3A_426 = arith.constant 0 : i32
        %while3A_427 = arith.subi %select_n3A_167, %while3A_425 : i32
        %while3A_428 = arith.addi %while3A_425, %while3A_427 : i32
        %while3A_429 = arith.constant 1 : i32
        %while3A_430 = arith.divsi %while3A_427, %while3A_429 : i32
        %while3A_431 = arith.muli %while3A_430, %while3A_429 : i32
        %while3A_432 = arith.addi %while3A_425, %while3A_431 : i32
        %while3A_433 = arith.constant 1 : i32
        %while3A_434 = scf.for %while3A_457 = %while3A_425 to %while3A_432 step %while3A_433 iter_args(%while3A_458 = %while3A_426) -> (i32)  : i32 {
          %mul3A_459 = arith.constant 16 : i32
          %mul3A_460 = arith.muli %while3A_457, %mul3A_459 : i32
          %get3A_461 = arith.index_cast %mul3A_460 : i32 to index
          %get3A_462 = tpu.vector_load %arg6[%get3A_461] {strides = array<i32>} : memref<20016xi32, #tpu.memory_space<vmem>>, vector<16xi32>,
          %mul3A_463 = arith.constant 16 : i32
          %mul3A_464 = arith.muli %while3A_457, %mul3A_463 : i32
          %add3A_465 = vector.broadcast %mul3A_464 : i32 to vector<16xi32>
          %add3A_466 = arith.addi %add3A_465, %iota3A : vector<16xi32>
          %lt3A_467 = vector.broadcast %cond3A_141#1 : i32 to vector<16xi32>
          %lt3A_468 = arith.cmpi slt, %add3A_466, %lt3A_467 : vector<16xi32>
          %shift_right_logical3A = arith.constant 0 : i32
          %shift_right_logical3A_469 = vector.broadcast %shift_right_logical3A : i32 to vector<16xi32>
          %shift_right_logical3A_470 = arith.shrui %get3A_462, %shift_right_logical3A_469 : vector<16xi32>
          %and3A_471 = arith.constant 255 : i32
          %and3A_472 = vector.broadcast %and3A_471 : i32 to vector<16xi32>
          %and3A_473 = arith.andi %shift_right_logical3A_470, %and3A_472 : vector<16xi32>
          %mul3A_474 = arith.constant 16 : i32
          %mul3A_475 = vector.broadcast %mul3A_474 : i32 to vector<16xi32>
          %mul3A_476 = arith.muli %and3A_473, %mul3A_475 : vector<16xi32>
          %add3A_477 = arith.addi %mul3A_476, %iota3A : vector<16xi32>
          tpu.vector_store_idx %arg10[%add3A_477], %broadcast_in_dim3A_0 masked %lt3A_468 {add = true} : memref<4096xi32, #tpu.memory_space<vmem>>[vector<16xi32>], vector<16xi32>, vector<16xi1>
          %while3A_478 = arith.constant 0 : i32
          scf.yield %while3A_478 : i32
        }
        %while3A_435 = arith.constant 1 : i32
        %while3A_436 = scf.for %while3A_457 = %while3A_432 to %while3A_428 step %while3A_435 iter_args(%while3A_458 = %while3A_434) -> (i32)  : i32 {
          %mul3A_459 = arith.constant 16 : i32
          %mul3A_460 = arith.muli %while3A_457, %mul3A_459 : i32
          %get3A_461 = arith.index_cast %mul3A_460 : i32 to index
          %get3A_462 = tpu.vector_load %arg6[%get3A_461] {strides = array<i32>} : memref<20016xi32, #tpu.memory_space<vmem>>, vector<16xi32>,
          %mul3A_463 = arith.constant 16 : i32
          %mul3A_464 = arith.muli %while3A_457, %mul3A_463 : i32
          %add3A_465 = vector.broadcast %mul3A_464 : i32 to vector<16xi32>
          %add3A_466 = arith.addi %add3A_465, %iota3A : vector<16xi32>
          %lt3A_467 = vector.broadcast %cond3A_141#1 : i32 to vector<16xi32>
          %lt3A_468 = arith.cmpi slt, %add3A_466, %lt3A_467 : vector<16xi32>
          %shift_right_logical3A = arith.constant 0 : i32
          %shift_right_logical3A_469 = vector.broadcast %shift_right_logical3A : i32 to vector<16xi32>
          %shift_right_logical3A_470 = arith.shrui %get3A_462, %shift_right_logical3A_469 : vector<16xi32>
          %and3A_471 = arith.constant 255 : i32
          %and3A_472 = vector.broadcast %and3A_471 : i32 to vector<16xi32>
          %and3A_473 = arith.andi %shift_right_logical3A_470, %and3A_472 : vector<16xi32>
          %mul3A_474 = arith.constant 16 : i32
          %mul3A_475 = vector.broadcast %mul3A_474 : i32 to vector<16xi32>
          %mul3A_476 = arith.muli %and3A_473, %mul3A_475 : vector<16xi32>
          %add3A_477 = arith.addi %mul3A_476, %iota3A : vector<16xi32>
          tpu.vector_store_idx %arg10[%add3A_477], %broadcast_in_dim3A_0 masked %lt3A_468 {add = true} : memref<4096xi32, #tpu.memory_space<vmem>>[vector<16xi32>], vector<16xi32>, vector<16xi1>
          %while3A_478 = arith.constant 0 : i32
          scf.yield %while3A_478 : i32
        }
        %scan3A_437 = arith.constant 0 : i32
        %scan3A_438 = arith.constant 0 : i32
        %scan3A_439 = arith.constant 0 : i32
        %scan3A_440 = arith.constant 256 : i32
        %scan3A_441 = arith.addi %scan3A_439, %scan3A_440 : i32
        %scan3A_442 = arith.constant 1 : i32
        %scan3A_443:4 = scf.for %scan3A_457 = %scan3A_439 to %scan3A_441 step %scan3A_442 iter_args(%scan3A_458 = %cond3A_141#0, %scan3A_459 = %scan3A_437, %scan3A_460 = %cond3A_141#0, %scan3A_461 = %scan3A_438) -> (i32, i32, i32, i32)  : i32 {
          %sub3A_462 = arith.constant 255 : i32
          %sub3A_463 = arith.subi %sub3A_462, %scan3A_457 : i32
          %mul3A_464 = arith.constant 16 : i32
          %mul3A_465 = arith.muli %sub3A_463, %mul3A_464 : i32
          %get3A_466 = arith.index_cast %mul3A_465 : i32 to index
          %get3A_467 = tpu.vector_load %arg10[%get3A_466] {strides = array<i32>} : memref<4096xi32, #tpu.memory_space<vmem>>, vector<16xi32>,
          %reduce_sum3A = arith.constant true
          %reduce_sum3A_468 = vector.broadcast %reduce_sum3A : i1 to vector<16xi1>
          %reduce_sum3A_469 = tpu.scan <sum>, %get3A_467 masked %reduce_sum3A_468 : vector<16xi32>, vector<16xi1> -> vector<16xi32>
          %reduce_sum3A_470 = vector.extract %reduce_sum3A_469[15] : i32 from vector<16xi32>
          %lt3A_471 = arith.constant 200 : i32
          %lt3A_472 = arith.cmpi slt, %scan3A_458, %lt3A_471 : i32
          %add3A_473 = arith.addi %scan3A_458, %reduce_sum3A_470 : i32
          %ge3A = arith.constant 200 : i32
          %ge3A_474 = arith.cmpi sge, %add3A_473, %ge3A : i32
          %and3A_475 = arith.andi %lt3A_472, %ge3A_474 : i1
          %select_n3A_476 = arith.select %and3A_475, %sub3A_463, %scan3A_459 : i32
          %select_n3A_477 = arith.select %and3A_475, %scan3A_458, %scan3A_460 : i32
          %select_n3A_478 = arith.select %and3A_475, %reduce_sum3A_470, %scan3A_461 : i32
          %add3A_479 = arith.addi %scan3A_458, %reduce_sum3A_470 : i32
          scf.yield %add3A_479, %select_n3A_476, %select_n3A_477, %select_n3A_478 : i32, i32, i32, i32
        }
        %scan3A_444 = arith.constant 256 : i32
        %while3A_445 = arith.constant 0 : i32
        %while3A_446 = arith.constant 0 : i32
        %while3A_447 = arith.subi %select_n3A_167, %while3A_445 : i32
        %while3A_448 = arith.addi %while3A_445, %while3A_447 : i32
        %while3A_449 = arith.constant 1 : i32
        %while3A_450 = arith.divsi %while3A_447, %while3A_449 : i32
        %while3A_451 = arith.muli %while3A_450, %while3A_449 : i32
        %while3A_452 = arith.addi %while3A_445, %while3A_451 : i32
        %while3A_453 = arith.constant 1 : i32
        %while3A_454:2 = scf.for %while3A_457 = %while3A_445 to %while3A_452 step %while3A_453 iter_args(%while3A_458 = %cond3A_141#0, %while3A_459 = %while3A_446) -> (i32, i32)  : i32 {
          %mul3A_460 = arith.constant 16 : i32
          %mul3A_461 = arith.muli %while3A_457, %mul3A_460 : i32
          %get3A_462 = arith.index_cast %mul3A_461 : i32 to index
          %get3A_463 = tpu.vector_load %arg6[%get3A_462] {strides = array<i32>} : memref<20016xi32, #tpu.memory_space<vmem>>, vector<16xi32>,
          %mul3A_464 = arith.constant 16 : i32
          %mul3A_465 = arith.muli %while3A_457, %mul3A_464 : i32
          %get3A_466 = arith.index_cast %mul3A_465 : i32 to index
          %get3A_467 = tpu.vector_load %arg7[%get3A_466] {strides = array<i32>} : memref<20016xi32, #tpu.memory_space<vmem>>, vector<16xi32>,
          %mul3A_468 = arith.constant 16 : i32
          %mul3A_469 = arith.muli %while3A_457, %mul3A_468 : i32
          %add3A_470 = vector.broadcast %mul3A_469 : i32 to vector<16xi32>
          %add3A_471 = arith.addi %add3A_470, %iota3A : vector<16xi32>
          %lt3A_472 = vector.broadcast %cond3A_141#1 : i32 to vector<16xi32>
          %lt3A_473 = arith.cmpi slt, %add3A_471, %lt3A_472 : vector<16xi32>
          %shift_right_logical3A = arith.constant 0 : i32
          %shift_right_logical3A_474 = vector.broadcast %shift_right_logical3A : i32 to vector<16xi32>
          %shift_right_logical3A_475 = arith.shrui %get3A_463, %shift_right_logical3A_474 : vector<16xi32>
          %and3A_476 = arith.constant 255 : i32
          %and3A_477 = vector.broadcast %and3A_476 : i32 to vector<16xi32>
          %and3A_478 = arith.andi %shift_right_logical3A_475, %and3A_477 : vector<16xi32>
          %gt3A_479 = vector.broadcast %scan3A_443#1 : i32 to vector<16xi32>
          %gt3A_480 = arith.cmpi sgt, %and3A_478, %gt3A_479 : vector<16xi32>
          %and3A_481 = arith.andi %gt3A_480, %lt3A_473 : vector<16xi1>
          %eq3A = vector.broadcast %scan3A_443#1 : i32 to vector<16xi32>
          %eq3A_482 = arith.cmpi eq, %and3A_478, %eq3A : vector<16xi32>
          %and3A_483 = arith.andi %eq3A_482, %lt3A_473 : vector<16xi1>
          %swap3A_484 = arith.index_cast %while3A_458 : i32 to index
          %swap3A_485 = tpu.vector_load %arg11[%swap3A_484] masked %and3A_481 {strides = array<i32>} : memref<224xi32, #tpu.memory_space<vmem>>, vector<16xi32>, vector<16xi1>
          tpu.vector_store %arg11[%swap3A_484], %get3A_463 masked %and3A_481 {strides = array<i32>} : memref<224xi32, #tpu.memory_space<vmem>>, vector<16xi32>, vector<16xi1>
          %swap3A_486 = arith.index_cast %while3A_458 : i32 to index
          %swap3A_487 = tpu.vector_load %arg12[%swap3A_486] masked %and3A_481 {strides = array<i32>} : memref<224xi32, #tpu.memory_space<vmem>>, vector<16xi32>, vector<16xi1>
          tpu.vector_store %arg12[%swap3A_486], %get3A_467 masked %and3A_481 {strides = array<i32>} : memref<224xi32, #tpu.memory_space<vmem>>, vector<16xi32>, vector<16xi1>
          %swap3A_488 = arith.index_cast %while3A_459 : i32 to index
          %swap3A_489 = tpu.vector_load %arg8[%swap3A_488] masked %and3A_483 {strides = array<i32>} : memref<20016xi32, #tpu.memory_space<vmem>>, vector<16xi32>, vector<16xi1>
          tpu.vector_store %arg8[%swap3A_488], %get3A_463 masked %and3A_483 {strides = array<i32>} : memref<20016xi32, #tpu.memory_space<vmem>>, vector<16xi32>, vector<16xi1>
          %swap3A_490 = arith.index_cast %while3A_459 : i32 to index
          %swap3A_491 = tpu.vector_load %arg9[%swap3A_490] masked %and3A_483 {strides = array<i32>} : memref<20016xi32, #tpu.memory_space<vmem>>, vector<16xi32>, vector<16xi1>
          tpu.vector_store %arg9[%swap3A_490], %get3A_467 masked %and3A_483 {strides = array<i32>} : memref<20016xi32, #tpu.memory_space<vmem>>, vector<16xi32>, vector<16xi1>
          %jit3A_492 = arith.constant 1 : i32
          %jit3A_493 = arith.constant 0 : i32
          %broadcast_in_dim3A_494 = vector.broadcast %jit3A_492 : i32 to vector<16xi32>
          %broadcast_in_dim3A_495 = vector.broadcast %jit3A_493 : i32 to vector<16xi32>
          %select_n3A_496 = arith.select %and3A_481, %broadcast_in_dim3A_494, %broadcast_in_dim3A_495 : vector<16xi1>, vector<16xi32>
          %reduce_sum3A = arith.constant true
          %reduce_sum3A_497 = vector.broadcast %reduce_sum3A : i1 to vector<16xi1>
          %reduce_sum3A_498 = tpu.scan <sum>, %select_n3A_496 masked %reduce_sum3A_497 : vector<16xi32>, vector<16xi1> -> vector<16xi32>
          %reduce_sum3A_499 = vector.extract %reduce_sum3A_498[15] : i32 from vector<16xi32>
          %add3A_500 = arith.addi %while3A_458, %reduce_sum3A_499 : i32
          %jit3A_501 = arith.constant 1 : i32
          %jit3A_502 = arith.constant 0 : i32
          %broadcast_in_dim3A_503 = vector.broadcast %jit3A_501 : i32 to vector<16xi32>
          %broadcast_in_dim3A_504 = vector.broadcast %jit3A_502 : i32 to vector<16xi32>
          %select_n3A_505 = arith.select %and3A_483, %broadcast_in_dim3A_503, %broadcast_in_dim3A_504 : vector<16xi1>, vector<16xi32>
          %reduce_sum3A_506 = arith.constant true
          %reduce_sum3A_507 = vector.broadcast %reduce_sum3A_506 : i1 to vector<16xi1>
          %reduce_sum3A_508 = tpu.scan <sum>, %select_n3A_505 masked %reduce_sum3A_507 : vector<16xi32>, vector<16xi1> -> vector<16xi32>
          %reduce_sum3A_509 = vector.extract %reduce_sum3A_508[15] : i32 from vector<16xi32>
          %add3A_510 = arith.addi %while3A_459, %reduce_sum3A_509 : i32
          scf.yield %add3A_500, %add3A_510 : i32, i32
        }
        %while3A_455 = arith.constant 1 : i32
        %while3A_456:2 = scf.for %while3A_457 = %while3A_452 to %while3A_448 step %while3A_455 iter_args(%while3A_458 = %while3A_454#0, %while3A_459 = %while3A_454#1) -> (i32, i32)  : i32 {
          %mul3A_460 = arith.constant 16 : i32
          %mul3A_461 = arith.muli %while3A_457, %mul3A_460 : i32
          %get3A_462 = arith.index_cast %mul3A_461 : i32 to index
          %get3A_463 = tpu.vector_load %arg6[%get3A_462] {strides = array<i32>} : memref<20016xi32, #tpu.memory_space<vmem>>, vector<16xi32>,
          %mul3A_464 = arith.constant 16 : i32
          %mul3A_465 = arith.muli %while3A_457, %mul3A_464 : i32
          %get3A_466 = arith.index_cast %mul3A_465 : i32 to index
          %get3A_467 = tpu.vector_load %arg7[%get3A_466] {strides = array<i32>} : memref<20016xi32, #tpu.memory_space<vmem>>, vector<16xi32>,
          %mul3A_468 = arith.constant 16 : i32
          %mul3A_469 = arith.muli %while3A_457, %mul3A_468 : i32
          %add3A_470 = vector.broadcast %mul3A_469 : i32 to vector<16xi32>
          %add3A_471 = arith.addi %add3A_470, %iota3A : vector<16xi32>
          %lt3A_472 = vector.broadcast %cond3A_141#1 : i32 to vector<16xi32>
          %lt3A_473 = arith.cmpi slt, %add3A_471, %lt3A_472 : vector<16xi32>
          %shift_right_logical3A = arith.constant 0 : i32
          %shift_right_logical3A_474 = vector.broadcast %shift_right_logical3A : i32 to vector<16xi32>
          %shift_right_logical3A_475 = arith.shrui %get3A_463, %shift_right_logical3A_474 : vector<16xi32>
          %and3A_476 = arith.constant 255 : i32
          %and3A_477 = vector.broadcast %and3A_476 : i32 to vector<16xi32>
          %and3A_478 = arith.andi %shift_right_logical3A_475, %and3A_477 : vector<16xi32>
          %gt3A_479 = vector.broadcast %scan3A_443#1 : i32 to vector<16xi32>
          %gt3A_480 = arith.cmpi sgt, %and3A_478, %gt3A_479 : vector<16xi32>
          %and3A_481 = arith.andi %gt3A_480, %lt3A_473 : vector<16xi1>
          %eq3A = vector.broadcast %scan3A_443#1 : i32 to vector<16xi32>
          %eq3A_482 = arith.cmpi eq, %and3A_478, %eq3A : vector<16xi32>
          %and3A_483 = arith.andi %eq3A_482, %lt3A_473 : vector<16xi1>
          %swap3A_484 = arith.index_cast %while3A_458 : i32 to index
          %swap3A_485 = tpu.vector_load %arg11[%swap3A_484] masked %and3A_481 {strides = array<i32>} : memref<224xi32, #tpu.memory_space<vmem>>, vector<16xi32>, vector<16xi1>
          tpu.vector_store %arg11[%swap3A_484], %get3A_463 masked %and3A_481 {strides = array<i32>} : memref<224xi32, #tpu.memory_space<vmem>>, vector<16xi32>, vector<16xi1>
          %swap3A_486 = arith.index_cast %while3A_458 : i32 to index
          %swap3A_487 = tpu.vector_load %arg12[%swap3A_486] masked %and3A_481 {strides = array<i32>} : memref<224xi32, #tpu.memory_space<vmem>>, vector<16xi32>, vector<16xi1>
          tpu.vector_store %arg12[%swap3A_486], %get3A_467 masked %and3A_481 {strides = array<i32>} : memref<224xi32, #tpu.memory_space<vmem>>, vector<16xi32>, vector<16xi1>
          %swap3A_488 = arith.index_cast %while3A_459 : i32 to index
          %swap3A_489 = tpu.vector_load %arg8[%swap3A_488] masked %and3A_483 {strides = array<i32>} : memref<20016xi32, #tpu.memory_space<vmem>>, vector<16xi32>, vector<16xi1>
          tpu.vector_store %arg8[%swap3A_488], %get3A_463 masked %and3A_483 {strides = array<i32>} : memref<20016xi32, #tpu.memory_space<vmem>>, vector<16xi32>, vector<16xi1>
          %swap3A_490 = arith.index_cast %while3A_459 : i32 to index
          %swap3A_491 = tpu.vector_load %arg9[%swap3A_490] masked %and3A_483 {strides = array<i32>} : memref<20016xi32, #tpu.memory_space<vmem>>, vector<16xi32>, vector<16xi1>
          tpu.vector_store %arg9[%swap3A_490], %get3A_467 masked %and3A_483 {strides = array<i32>} : memref<20016xi32, #tpu.memory_space<vmem>>, vector<16xi32>, vector<16xi1>
          %jit3A_492 = arith.constant 1 : i32
          %jit3A_493 = arith.constant 0 : i32
          %broadcast_in_dim3A_494 = vector.broadcast %jit3A_492 : i32 to vector<16xi32>
          %broadcast_in_dim3A_495 = vector.broadcast %jit3A_493 : i32 to vector<16xi32>
          %select_n3A_496 = arith.select %and3A_481, %broadcast_in_dim3A_494, %broadcast_in_dim3A_495 : vector<16xi1>, vector<16xi32>
          %reduce_sum3A = arith.constant true
          %reduce_sum3A_497 = vector.broadcast %reduce_sum3A : i1 to vector<16xi1>
          %reduce_sum3A_498 = tpu.scan <sum>, %select_n3A_496 masked %reduce_sum3A_497 : vector<16xi32>, vector<16xi1> -> vector<16xi32>
          %reduce_sum3A_499 = vector.extract %reduce_sum3A_498[15] : i32 from vector<16xi32>
          %add3A_500 = arith.addi %while3A_458, %reduce_sum3A_499 : i32
          %jit3A_501 = arith.constant 1 : i32
          %jit3A_502 = arith.constant 0 : i32
          %broadcast_in_dim3A_503 = vector.broadcast %jit3A_501 : i32 to vector<16xi32>
          %broadcast_in_dim3A_504 = vector.broadcast %jit3A_502 : i32 to vector<16xi32>
          %select_n3A_505 = arith.select %and3A_483, %broadcast_in_dim3A_503, %broadcast_in_dim3A_504 : vector<16xi1>, vector<16xi32>
          %reduce_sum3A_506 = arith.constant true
          %reduce_sum3A_507 = vector.broadcast %reduce_sum3A_506 : i1 to vector<16xi1>
          %reduce_sum3A_508 = tpu.scan <sum>, %select_n3A_505 masked %reduce_sum3A_507 : vector<16xi32>, vector<16xi1> -> vector<16xi32>
          %reduce_sum3A_509 = vector.extract %reduce_sum3A_508[15] : i32 from vector<16xi32>
          %add3A_510 = arith.addi %while3A_459, %reduce_sum3A_509 : i32
          scf.yield %add3A_500, %add3A_510 : i32, i32
        }
        scf.yield %scan3A_443#2, %while3A_456#1 : i32, i32
      } else {
        %while3A_416 = arith.constant 0 : i32
        %while3A_417 = arith.constant 0 : i32
        %while3A_418 = arith.subi %select_n3A_167, %while3A_416 : i32
        %while3A_419 = arith.addi %while3A_416, %while3A_418 : i32
        %while3A_420 = arith.constant 1 : i32
        %while3A_421 = arith.divsi %while3A_418, %while3A_420 : i32
        %while3A_422 = arith.muli %while3A_421, %while3A_420 : i32
        %while3A_423 = arith.addi %while3A_416, %while3A_422 : i32
        %while3A_424 = arith.constant 1 : i32
        %while3A_425 = scf.for %while3A_428 = %while3A_416 to %while3A_423 step %while3A_424 iter_args(%while3A_429 = %while3A_417) -> (i32)  : i32 {
          %mul3A_430 = arith.constant 16 : i32
          %mul3A_431 = arith.muli %while3A_428, %mul3A_430 : i32
          %add3A_432 = vector.broadcast %mul3A_431 : i32 to vector<16xi32>
          %add3A_433 = arith.addi %add3A_432, %iota3A : vector<16xi32>
          %lt3A_434 = vector.broadcast %cond3A_141#1 : i32 to vector<16xi32>
          %lt3A_435 = arith.cmpi slt, %add3A_433, %lt3A_434 : vector<16xi32>
          %mul3A_436 = arith.constant 16 : i32
          %mul3A_437 = arith.muli %while3A_428, %mul3A_436 : i32
          %get3A_438 = arith.index_cast %mul3A_437 : i32 to index
          %get3A_439 = tpu.vector_load %arg6[%get3A_438] {strides = array<i32>} : memref<20016xi32, #tpu.memory_space<vmem>>, vector<16xi32>,
          %mul3A_440 = arith.constant 16 : i32
          %mul3A_441 = arith.muli %while3A_428, %mul3A_440 : i32
          %get3A_442 = arith.index_cast %mul3A_441 : i32 to index
          %get3A_443 = tpu.vector_load %arg7[%get3A_442] {strides = array<i32>} : memref<20016xi32, #tpu.memory_space<vmem>>, vector<16xi32>,
          %mul3A_444 = arith.constant 16 : i32
          %mul3A_445 = arith.muli %while3A_428, %mul3A_444 : i32
          %swap3A_446 = arith.index_cast %mul3A_445 : i32 to index
          %swap3A_447 = tpu.vector_load %arg8[%swap3A_446] {strides = array<i32>} : memref<20016xi32, #tpu.memory_space<vmem>>, vector<16xi32>,
          tpu.vector_store %arg8[%swap3A_446], %get3A_439 {strides = array<i32>} : memref<20016xi32, #tpu.memory_space<vmem>>, vector<16xi32>,
          %mul3A_448 = arith.constant 16 : i32
          %mul3A_449 = arith.muli %while3A_428, %mul3A_448 : i32
          %swap3A_450 = arith.index_cast %mul3A_449 : i32 to index
          %swap3A_451 = tpu.vector_load %arg9[%swap3A_450] {strides = array<i32>} : memref<20016xi32, #tpu.memory_space<vmem>>, vector<16xi32>,
          tpu.vector_store %arg9[%swap3A_450], %get3A_443 {strides = array<i32>} : memref<20016xi32, #tpu.memory_space<vmem>>, vector<16xi32>,
          %while3A_452 = arith.constant 0 : i32
          scf.yield %while3A_452 : i32
        }
        %while3A_426 = arith.constant 1 : i32
        %while3A_427 = scf.for %while3A_428 = %while3A_423 to %while3A_419 step %while3A_426 iter_args(%while3A_429 = %while3A_425) -> (i32)  : i32 {
          %mul3A_430 = arith.constant 16 : i32
          %mul3A_431 = arith.muli %while3A_428, %mul3A_430 : i32
          %add3A_432 = vector.broadcast %mul3A_431 : i32 to vector<16xi32>
          %add3A_433 = arith.addi %add3A_432, %iota3A : vector<16xi32>
          %lt3A_434 = vector.broadcast %cond3A_141#1 : i32 to vector<16xi32>
          %lt3A_435 = arith.cmpi slt, %add3A_433, %lt3A_434 : vector<16xi32>
          %mul3A_436 = arith.constant 16 : i32
          %mul3A_437 = arith.muli %while3A_428, %mul3A_436 : i32
          %get3A_438 = arith.index_cast %mul3A_437 : i32 to index
          %get3A_439 = tpu.vector_load %arg6[%get3A_438] {strides = array<i32>} : memref<20016xi32, #tpu.memory_space<vmem>>, vector<16xi32>,
          %mul3A_440 = arith.constant 16 : i32
          %mul3A_441 = arith.muli %while3A_428, %mul3A_440 : i32
          %get3A_442 = arith.index_cast %mul3A_441 : i32 to index
          %get3A_443 = tpu.vector_load %arg7[%get3A_442] {strides = array<i32>} : memref<20016xi32, #tpu.memory_space<vmem>>, vector<16xi32>,
          %mul3A_444 = arith.constant 16 : i32
          %mul3A_445 = arith.muli %while3A_428, %mul3A_444 : i32
          %swap3A_446 = arith.index_cast %mul3A_445 : i32 to index
          %swap3A_447 = tpu.vector_load %arg8[%swap3A_446] {strides = array<i32>} : memref<20016xi32, #tpu.memory_space<vmem>>, vector<16xi32>,
          tpu.vector_store %arg8[%swap3A_446], %get3A_439 {strides = array<i32>} : memref<20016xi32, #tpu.memory_space<vmem>>, vector<16xi32>,
          %mul3A_448 = arith.constant 16 : i32
          %mul3A_449 = arith.muli %while3A_428, %mul3A_448 : i32
          %swap3A_450 = arith.index_cast %mul3A_449 : i32 to index
          %swap3A_451 = tpu.vector_load %arg9[%swap3A_450] {strides = array<i32>} : memref<20016xi32, #tpu.memory_space<vmem>>, vector<16xi32>,
          tpu.vector_store %arg9[%swap3A_450], %get3A_443 {strides = array<i32>} : memref<20016xi32, #tpu.memory_space<vmem>>, vector<16xi32>,
          %while3A_452 = arith.constant 0 : i32
          scf.yield %while3A_452 : i32
        }
        scf.yield %cond3A_141#0, %cond3A_141#1 : i32, i32
      }
      %scan3A_176 = arith.constant 0 : i32
      %scan3A_177 = arith.constant 0 : i32
      %scan3A_178 = arith.constant 14 : i32
      %scan3A_179 = arith.addi %scan3A_177, %scan3A_178 : i32
      %scan3A_180 = arith.constant 1 : i32
      %scan3A_181 = scf.for %scan3A_416 = %scan3A_177 to %scan3A_179 step %scan3A_180 iter_args(%scan3A_417 = %scan3A_176) -> (i32)  : i32 {
        %mul3A_418 = arith.constant 16 : i32
        %mul3A_419 = arith.muli %scan3A_416, %mul3A_418 : i32
        %add3A_420 = vector.broadcast %mul3A_419 : i32 to vector<16xi32>
        %add3A_421 = arith.addi %add3A_420, %iota3A : vector<16xi32>
        %lt3A_422 = vector.broadcast %cond3A_175#0 : i32 to vector<16xi32>
        %lt3A_423 = arith.cmpi slt, %add3A_421, %lt3A_422 : vector<16xi32>
        %mul3A_424 = arith.constant 16 : i32
        %mul3A_425 = arith.muli %scan3A_416, %mul3A_424 : i32
        %get3A_426 = arith.index_cast %mul3A_425 : i32 to index
        %get3A_427 = tpu.vector_load %arg11[%get3A_426] {strides = array<i32>} : memref<224xi32, #tpu.memory_space<vmem>>, vector<16xi32>,
        %jit3A_428 = arith.constant 0 : i32
        %broadcast_in_dim3A_429 = vector.broadcast %jit3A_428 : i32 to vector<16xi32>
        %select_n3A_430 = arith.select %lt3A_423, %get3A_427, %broadcast_in_dim3A_429 : vector<16xi1>, vector<16xi32>
        %mul3A_431 = arith.constant 16 : i32
        %mul3A_432 = arith.muli %scan3A_416, %mul3A_431 : i32
        %swap3A_433 = arith.index_cast %mul3A_432 : i32 to index
        %swap3A_434 = tpu.vector_load %arg13[%swap3A_433] {strides = array<i32>} : memref<224xi32, #tpu.memory_space<vmem>>, vector<16xi32>,
        tpu.vector_store %arg13[%swap3A_433], %select_n3A_430 {strides = array<i32>} : memref<224xi32, #tpu.memory_space<vmem>>, vector<16xi32>,
        %mul3A_435 = arith.constant 16 : i32
        %mul3A_436 = arith.muli %scan3A_416, %mul3A_435 : i32
        %get3A_437 = arith.index_cast %mul3A_436 : i32 to index
        %get3A_438 = tpu.vector_load %arg12[%get3A_437] {strides = array<i32>} : memref<224xi32, #tpu.memory_space<vmem>>, vector<16xi32>,
        %jit3A_439 = arith.constant 0 : i32
        %broadcast_in_dim3A_440 = vector.broadcast %jit3A_439 : i32 to vector<16xi32>
        %select_n3A_441 = arith.select %lt3A_423, %get3A_438, %broadcast_in_dim3A_440 : vector<16xi1>, vector<16xi32>
        %mul3A_442 = arith.constant 16 : i32
        %mul3A_443 = arith.muli %scan3A_416, %mul3A_442 : i32
        %swap3A_444 = arith.index_cast %mul3A_443 : i32 to index
        %swap3A_445 = tpu.vector_load %arg14[%swap3A_444] {strides = array<i32>} : memref<224xi32, #tpu.memory_space<vmem>>, vector<16xi32>,
        tpu.vector_store %arg14[%swap3A_444], %select_n3A_441 {strides = array<i32>} : memref<224xi32, #tpu.memory_space<vmem>>, vector<16xi32>,
        %scan3A_446 = arith.constant 0 : i32
        scf.yield %scan3A_446 : i32
      }
      %scan3A_182 = arith.constant 14 : i32
      %sub3A_183 = arith.constant 200 : i32
      %sub3A_184 = arith.subi %sub3A_183, %cond3A_175#0 : i32
      %add3A_185 = arith.constant 15 : i32
      %add3A_186 = arith.addi %sub3A_184, %add3A_185 : i32
      %jit3A_187 = arith.constant 16 : i32
      %div3A_188 = arith.divsi %add3A_186, %jit3A_187 : i32
      %sign3A_189 = arith.constant 0 : i32
      %sign3A_190 = arith.cmpi sgt, %add3A_186, %sign3A_189 : i32
      %sign3A_191 = arith.extui %sign3A_190 : i1 to i32
      %sign3A_192 = arith.constant 0 : i32
      %sign3A_193 = arith.cmpi slt, %add3A_186, %sign3A_192 : i32
      %sign3A_194 = arith.extui %sign3A_193 : i1 to i32
      %sign3A_195 = arith.subi %sign3A_191, %sign3A_194 : i32
      %sign3A_196 = arith.constant 0 : i32
      %sign3A_197 = arith.cmpi sgt, %jit3A_187, %sign3A_196 : i32
      %sign3A_198 = arith.extui %sign3A_197 : i1 to i32
      %sign3A_199 = arith.constant 0 : i32
      %sign3A_200 = arith.cmpi slt, %jit3A_187, %sign3A_199 : i32
      %sign3A_201 = arith.extui %sign3A_200 : i1 to i32
      %sign3A_202 = arith.subi %sign3A_198, %sign3A_201 : i32
      %ne3A_203 = arith.cmpi ne, %sign3A_195, %sign3A_202 : i32
      %rem3A_204 = arith.remsi %add3A_186, %jit3A_187 : i32
      %ne3A_205 = arith.constant 0 : i32
      %ne3A_206 = arith.cmpi ne, %rem3A_204, %ne3A_205 : i32
      %and3A_207 = arith.andi %ne3A_203, %ne3A_206 : i1
      %sub3A_208 = arith.constant 1 : i32
      %sub3A_209 = arith.subi %div3A_188, %sub3A_208 : i32
      %select_n3A_210 = arith.select %and3A_207, %sub3A_209, %div3A_188 : i32
      %while3A_211 = arith.constant 0 : i32
      %while3A_212 = arith.constant 0 : i32
      %while3A_213 = arith.subi %select_n3A_210, %while3A_211 : i32
      %while3A_214 = arith.addi %while3A_211, %while3A_213 : i32
      %while3A_215 = arith.constant 1 : i32
      %while3A_216 = arith.divsi %while3A_213, %while3A_215 : i32
      %while3A_217 = arith.muli %while3A_216, %while3A_215 : i32
      %while3A_218 = arith.addi %while3A_211, %while3A_217 : i32
      %while3A_219 = arith.constant 1 : i32
      %while3A_220 = scf.for %while3A_416 = %while3A_211 to %while3A_218 step %while3A_219 iter_args(%while3A_417 = %while3A_212) -> (i32)  : i32 {
        %mul3A_418 = arith.constant 16 : i32
        %mul3A_419 = arith.muli %while3A_416, %mul3A_418 : i32
        %add3A_420 = vector.broadcast %mul3A_419 : i32 to vector<16xi32>
        %add3A_421 = arith.addi %add3A_420, %iota3A : vector<16xi32>
        %lt3A_422 = vector.broadcast %sub3A_184 : i32 to vector<16xi32>
        %lt3A_423 = arith.cmpi slt, %add3A_421, %lt3A_422 : vector<16xi32>
        %mul3A_424 = arith.constant 16 : i32
        %mul3A_425 = arith.muli %while3A_416, %mul3A_424 : i32
        %get3A_426 = arith.index_cast %mul3A_425 : i32 to index
        %get3A_427 = tpu.vector_load %arg8[%get3A_426] {strides = array<i32>} : memref<20016xi32, #tpu.memory_space<vmem>>, vector<16xi32>,
        %mul3A_428 = arith.constant 16 : i32
        %mul3A_429 = arith.muli %while3A_416, %mul3A_428 : i32
        %get3A_430 = arith.index_cast %mul3A_429 : i32 to index
        %get3A_431 = tpu.vector_load %arg9[%get3A_430] {strides = array<i32>} : memref<20016xi32, #tpu.memory_space<vmem>>, vector<16xi32>,
        %add3A_432 = vector.broadcast %cond3A_175#0 : i32 to vector<16xi32>
        %add3A_433 = arith.addi %add3A_432, %add3A_421 : vector<16xi32>
        tpu.vector_store_idx %arg13[%add3A_433], %get3A_427 masked %lt3A_423 : memref<224xi32, #tpu.memory_space<vmem>>[vector<16xi32>], vector<16xi32>, vector<16xi1>
        %add3A_434 = vector.broadcast %cond3A_175#0 : i32 to vector<16xi32>
        %add3A_435 = arith.addi %add3A_434, %add3A_421 : vector<16xi32>
        tpu.vector_store_idx %arg14[%add3A_435], %get3A_431 masked %lt3A_423 : memref<224xi32, #tpu.memory_space<vmem>>[vector<16xi32>], vector<16xi32>, vector<16xi1>
        %while3A_436 = arith.constant 0 : i32
        scf.yield %while3A_436 : i32
      }
      %while3A_221 = arith.constant 1 : i32
      %while3A_222 = scf.for %while3A_416 = %while3A_218 to %while3A_214 step %while3A_221 iter_args(%while3A_417 = %while3A_220) -> (i32)  : i32 {
        %mul3A_418 = arith.constant 16 : i32
        %mul3A_419 = arith.muli %while3A_416, %mul3A_418 : i32
        %add3A_420 = vector.broadcast %mul3A_419 : i32 to vector<16xi32>
        %add3A_421 = arith.addi %add3A_420, %iota3A : vector<16xi32>
        %lt3A_422 = vector.broadcast %sub3A_184 : i32 to vector<16xi32>
        %lt3A_423 = arith.cmpi slt, %add3A_421, %lt3A_422 : vector<16xi32>
        %mul3A_424 = arith.constant 16 : i32
        %mul3A_425 = arith.muli %while3A_416, %mul3A_424 : i32
        %get3A_426 = arith.index_cast %mul3A_425 : i32 to index
        %get3A_427 = tpu.vector_load %arg8[%get3A_426] {strides = array<i32>} : memref<20016xi32, #tpu.memory_space<vmem>>, vector<16xi32>,
        %mul3A_428 = arith.constant 16 : i32
        %mul3A_429 = arith.muli %while3A_416, %mul3A_428 : i32
        %get3A_430 = arith.index_cast %mul3A_429 : i32 to index
        %get3A_431 = tpu.vector_load %arg9[%get3A_430] {strides = array<i32>} : memref<20016xi32, #tpu.memory_space<vmem>>, vector<16xi32>,
        %add3A_432 = vector.broadcast %cond3A_175#0 : i32 to vector<16xi32>
        %add3A_433 = arith.addi %add3A_432, %add3A_421 : vector<16xi32>
        tpu.vector_store_idx %arg13[%add3A_433], %get3A_427 masked %lt3A_423 : memref<224xi32, #tpu.memory_space<vmem>>[vector<16xi32>], vector<16xi32>, vector<16xi1>
        %add3A_434 = vector.broadcast %cond3A_175#0 : i32 to vector<16xi32>
        %add3A_435 = arith.addi %add3A_434, %add3A_421 : vector<16xi32>
        tpu.vector_store_idx %arg14[%add3A_435], %get3A_431 masked %lt3A_423 : memref<224xi32, #tpu.memory_space<vmem>>[vector<16xi32>], vector<16xi32>, vector<16xi1>
        %while3A_436 = arith.constant 0 : i32
        scf.yield %while3A_436 : i32
      }
      %get3A = arith.constant 0 : index
      %get3A_223 = tpu.vector_load %arg14[%get3A] {strides = array<i32>} : memref<224xi32, #tpu.memory_space<vmem>>, vector<16xi32>,
      %mul3A_224 = arith.constant 20000 : i32
      %mul3A_225 = arith.muli %select_n3A_43, %mul3A_224 : i32
      %add3A_226 = vector.broadcast %mul3A_225 : i32 to vector<16xi32>
      %add3A_227 = arith.addi %get3A_223, %add3A_226 : vector<16xi32>
      %swap3A = arith.constant 0 : i32
      %swap3A_228 = arith.index_cast %swap3A : i32 to index
      %swap3A_229 = arith.constant 0 : index
      %swap3A_230 = tpu.vector_load %arg15[%swap3A_228, %swap3A_229] {strides = array<i32>} : memref<2x112xi32, #tpu.memory_space<vmem>>, vector<16xi32>,
      tpu.vector_store %arg15[%swap3A_228, %swap3A_229], %add3A_227 {strides = array<i32>} : memref<2x112xi32, #tpu.memory_space<vmem>>, vector<16xi32>,
      %get3A_231 = arith.constant 16 : index
      %get3A_232 = tpu.vector_load %arg14[%get3A_231] {strides = array<i32>} : memref<224xi32, #tpu.memory_space<vmem>>, vector<16xi32>,
      %mul3A_233 = arith.constant 20000 : i32
      %mul3A_234 = arith.muli %select_n3A_43, %mul3A_233 : i32
      %add3A_235 = vector.broadcast %mul3A_234 : i32 to vector<16xi32>
      %add3A_236 = arith.addi %get3A_232, %add3A_235 : vector<16xi32>
      %swap3A_237 = arith.constant 0 : i32
      %swap3A_238 = arith.index_cast %swap3A_237 : i32 to index
      %swap3A_239 = arith.constant 16 : index
      %swap3A_240 = tpu.vector_load %arg15[%swap3A_238, %swap3A_239] {strides = array<i32>} : memref<2x112xi32, #tpu.memory_space<vmem>>, vector<16xi32>,
      tpu.vector_store %arg15[%swap3A_238, %swap3A_239], %add3A_236 {strides = array<i32>} : memref<2x112xi32, #tpu.memory_space<vmem>>, vector<16xi32>,
      %get3A_241 = arith.constant 32 : index
      %get3A_242 = tpu.vector_load %arg14[%get3A_241] {strides = array<i32>} : memref<224xi32, #tpu.memory_space<vmem>>, vector<16xi32>,
      %mul3A_243 = arith.constant 20000 : i32
      %mul3A_244 = arith.muli %select_n3A_43, %mul3A_243 : i32
      %add3A_245 = vector.broadcast %mul3A_244 : i32 to vector<16xi32>
      %add3A_246 = arith.addi %get3A_242, %add3A_245 : vector<16xi32>
      %swap3A_247 = arith.constant 0 : i32
      %swap3A_248 = arith.index_cast %swap3A_247 : i32 to index
      %swap3A_249 = arith.constant 32 : index
      %swap3A_250 = tpu.vector_load %arg15[%swap3A_248, %swap3A_249] {strides = array<i32>} : memref<2x112xi32, #tpu.memory_space<vmem>>, vector<16xi32>,
      tpu.vector_store %arg15[%swap3A_248, %swap3A_249], %add3A_246 {strides = array<i32>} : memref<2x112xi32, #tpu.memory_space<vmem>>, vector<16xi32>,
      %get3A_251 = arith.constant 48 : index
      %get3A_252 = tpu.vector_load %arg14[%get3A_251] {strides = array<i32>} : memref<224xi32, #tpu.memory_space<vmem>>, vector<16xi32>,
      %mul3A_253 = arith.constant 20000 : i32
      %mul3A_254 = arith.muli %select_n3A_43, %mul3A_253 : i32
      %add3A_255 = vector.broadcast %mul3A_254 : i32 to vector<16xi32>
      %add3A_256 = arith.addi %get3A_252, %add3A_255 : vector<16xi32>
      %swap3A_257 = arith.constant 0 : i32
      %swap3A_258 = arith.index_cast %swap3A_257 : i32 to index
      %swap3A_259 = arith.constant 48 : index
      %swap3A_260 = tpu.vector_load %arg15[%swap3A_258, %swap3A_259] {strides = array<i32>} : memref<2x112xi32, #tpu.memory_space<vmem>>, vector<16xi32>,
      tpu.vector_store %arg15[%swap3A_258, %swap3A_259], %add3A_256 {strides = array<i32>} : memref<2x112xi32, #tpu.memory_space<vmem>>, vector<16xi32>,
      %get3A_261 = arith.constant 64 : index
      %get3A_262 = tpu.vector_load %arg14[%get3A_261] {strides = array<i32>} : memref<224xi32, #tpu.memory_space<vmem>>, vector<16xi32>,
      %mul3A_263 = arith.constant 20000 : i32
      %mul3A_264 = arith.muli %select_n3A_43, %mul3A_263 : i32
      %add3A_265 = vector.broadcast %mul3A_264 : i32 to vector<16xi32>
      %add3A_266 = arith.addi %get3A_262, %add3A_265 : vector<16xi32>
      %swap3A_267 = arith.constant 0 : i32
      %swap3A_268 = arith.index_cast %swap3A_267 : i32 to index
      %swap3A_269 = arith.constant 64 : index
      %swap3A_270 = tpu.vector_load %arg15[%swap3A_268, %swap3A_269] {strides = array<i32>} : memref<2x112xi32, #tpu.memory_space<vmem>>, vector<16xi32>,
      tpu.vector_store %arg15[%swap3A_268, %swap3A_269], %add3A_266 {strides = array<i32>} : memref<2x112xi32, #tpu.memory_space<vmem>>, vector<16xi32>,
      %get3A_271 = arith.constant 80 : index
      %get3A_272 = tpu.vector_load %arg14[%get3A_271] {strides = array<i32>} : memref<224xi32, #tpu.memory_space<vmem>>, vector<16xi32>,
      %mul3A_273 = arith.constant 20000 : i32
      %mul3A_274 = arith.muli %select_n3A_43, %mul3A_273 : i32
      %add3A_275 = vector.broadcast %mul3A_274 : i32 to vector<16xi32>
      %add3A_276 = arith.addi %get3A_272, %add3A_275 : vector<16xi32>
      %swap3A_277 = arith.constant 0 : i32
      %swap3A_278 = arith.index_cast %swap3A_277 : i32 to index
      %swap3A_279 = arith.constant 80 : index
      %swap3A_280 = tpu.vector_load %arg15[%swap3A_278, %swap3A_279] {strides = array<i32>} : memref<2x112xi32, #tpu.memory_space<vmem>>, vector<16xi32>,
      tpu.vector_store %arg15[%swap3A_278, %swap3A_279], %add3A_276 {strides = array<i32>} : memref<2x112xi32, #tpu.memory_space<vmem>>, vector<16xi32>,
      %get3A_281 = arith.constant 96 : index
      %get3A_282 = tpu.vector_load %arg14[%get3A_281] {strides = array<i32>} : memref<224xi32, #tpu.memory_space<vmem>>, vector<16xi32>,
      %mul3A_283 = arith.constant 20000 : i32
      %mul3A_284 = arith.muli %select_n3A_43, %mul3A_283 : i32
      %add3A_285 = vector.broadcast %mul3A_284 : i32 to vector<16xi32>
      %add3A_286 = arith.addi %get3A_282, %add3A_285 : vector<16xi32>
      %swap3A_287 = arith.constant 0 : i32
      %swap3A_288 = arith.index_cast %swap3A_287 : i32 to index
      %swap3A_289 = arith.constant 96 : index
      %swap3A_290 = tpu.vector_load %arg15[%swap3A_288, %swap3A_289] {strides = array<i32>} : memref<2x112xi32, #tpu.memory_space<vmem>>, vector<16xi32>,
      tpu.vector_store %arg15[%swap3A_288, %swap3A_289], %add3A_286 {strides = array<i32>} : memref<2x112xi32, #tpu.memory_space<vmem>>, vector<16xi32>,
      %get3A_291 = arith.constant 112 : index
      %get3A_292 = tpu.vector_load %arg14[%get3A_291] {strides = array<i32>} : memref<224xi32, #tpu.memory_space<vmem>>, vector<16xi32>,
      %mul3A_293 = arith.constant 20000 : i32
      %mul3A_294 = arith.muli %select_n3A_43, %mul3A_293 : i32
      %add3A_295 = vector.broadcast %mul3A_294 : i32 to vector<16xi32>
      %add3A_296 = arith.addi %get3A_292, %add3A_295 : vector<16xi32>
      %swap3A_297 = arith.constant 1 : i32
      %swap3A_298 = arith.index_cast %swap3A_297 : i32 to index
      %swap3A_299 = arith.constant 0 : index
      %swap3A_300 = tpu.vector_load %arg15[%swap3A_298, %swap3A_299] {strides = array<i32>} : memref<2x112xi32, #tpu.memory_space<vmem>>, vector<16xi32>,
      tpu.vector_store %arg15[%swap3A_298, %swap3A_299], %add3A_296 {strides = array<i32>} : memref<2x112xi32, #tpu.memory_space<vmem>>, vector<16xi32>,
      %get3A_301 = arith.constant 128 : index
      %get3A_302 = tpu.vector_load %arg14[%get3A_301] {strides = array<i32>} : memref<224xi32, #tpu.memory_space<vmem>>, vector<16xi32>,
      %mul3A_303 = arith.constant 20000 : i32
      %mul3A_304 = arith.muli %select_n3A_43, %mul3A_303 : i32
      %add3A_305 = vector.broadcast %mul3A_304 : i32 to vector<16xi32>
      %add3A_306 = arith.addi %get3A_302, %add3A_305 : vector<16xi32>
      %swap3A_307 = arith.constant 1 : i32
      %swap3A_308 = arith.index_cast %swap3A_307 : i32 to index
      %swap3A_309 = arith.constant 16 : index
      %swap3A_310 = tpu.vector_load %arg15[%swap3A_308, %swap3A_309] {strides = array<i32>} : memref<2x112xi32, #tpu.memory_space<vmem>>, vector<16xi32>,
      tpu.vector_store %arg15[%swap3A_308, %swap3A_309], %add3A_306 {strides = array<i32>} : memref<2x112xi32, #tpu.memory_space<vmem>>, vector<16xi32>,
      %get3A_311 = arith.constant 144 : index
      %get3A_312 = tpu.vector_load %arg14[%get3A_311] {strides = array<i32>} : memref<224xi32, #tpu.memory_space<vmem>>, vector<16xi32>,
      %mul3A_313 = arith.constant 20000 : i32
      %mul3A_314 = arith.muli %select_n3A_43, %mul3A_313 : i32
      %add3A_315 = vector.broadcast %mul3A_314 : i32 to vector<16xi32>
      %add3A_316 = arith.addi %get3A_312, %add3A_315 : vector<16xi32>
      %swap3A_317 = arith.constant 1 : i32
      %swap3A_318 = arith.index_cast %swap3A_317 : i32 to index
      %swap3A_319 = arith.constant 32 : index
      %swap3A_320 = tpu.vector_load %arg15[%swap3A_318, %swap3A_319] {strides = array<i32>} : memref<2x112xi32, #tpu.memory_space<vmem>>, vector<16xi32>,
      tpu.vector_store %arg15[%swap3A_318, %swap3A_319], %add3A_316 {strides = array<i32>} : memref<2x112xi32, #tpu.memory_space<vmem>>, vector<16xi32>,
      %get3A_321 = arith.constant 160 : index
      %get3A_322 = tpu.vector_load %arg14[%get3A_321] {strides = array<i32>} : memref<224xi32, #tpu.memory_space<vmem>>, vector<16xi32>,
      %mul3A_323 = arith.constant 20000 : i32
      %mul3A_324 = arith.muli %select_n3A_43, %mul3A_323 : i32
      %add3A_325 = vector.broadcast %mul3A_324 : i32 to vector<16xi32>
      %add3A_326 = arith.addi %get3A_322, %add3A_325 : vector<16xi32>
      %swap3A_327 = arith.constant 1 : i32
      %swap3A_328 = arith.index_cast %swap3A_327 : i32 to index
      %swap3A_329 = arith.constant 48 : index
      %swap3A_330 = tpu.vector_load %arg15[%swap3A_328, %swap3A_329] {strides = array<i32>} : memref<2x112xi32, #tpu.memory_space<vmem>>, vector<16xi32>,
      tpu.vector_store %arg15[%swap3A_328, %swap3A_329], %add3A_326 {strides = array<i32>} : memref<2x112xi32, #tpu.memory_space<vmem>>, vector<16xi32>,
      %get3A_331 = arith.constant 176 : index
      %get3A_332 = tpu.vector_load %arg14[%get3A_331] {strides = array<i32>} : memref<224xi32, #tpu.memory_space<vmem>>, vector<16xi32>,
      %mul3A_333 = arith.constant 20000 : i32
      %mul3A_334 = arith.muli %select_n3A_43, %mul3A_333 : i32
      %add3A_335 = vector.broadcast %mul3A_334 : i32 to vector<16xi32>
      %add3A_336 = arith.addi %get3A_332, %add3A_335 : vector<16xi32>
      %swap3A_337 = arith.constant 1 : i32
      %swap3A_338 = arith.index_cast %swap3A_337 : i32 to index
      %swap3A_339 = arith.constant 64 : index
      %swap3A_340 = tpu.vector_load %arg15[%swap3A_338, %swap3A_339] {strides = array<i32>} : memref<2x112xi32, #tpu.memory_space<vmem>>, vector<16xi32>,
      tpu.vector_store %arg15[%swap3A_338, %swap3A_339], %add3A_336 {strides = array<i32>} : memref<2x112xi32, #tpu.memory_space<vmem>>, vector<16xi32>,
      %get3A_341 = arith.constant 192 : index
      %get3A_342 = tpu.vector_load %arg14[%get3A_341] {strides = array<i32>} : memref<224xi32, #tpu.memory_space<vmem>>, vector<16xi32>,
      %mul3A_343 = arith.constant 20000 : i32
      %mul3A_344 = arith.muli %select_n3A_43, %mul3A_343 : i32
      %add3A_345 = vector.broadcast %mul3A_344 : i32 to vector<16xi32>
      %add3A_346 = arith.addi %get3A_342, %add3A_345 : vector<16xi32>
      %swap3A_347 = arith.constant 1 : i32
      %swap3A_348 = arith.index_cast %swap3A_347 : i32 to index
      %swap3A_349 = arith.constant 80 : index
      %swap3A_350 = tpu.vector_load %arg15[%swap3A_348, %swap3A_349] {strides = array<i32>} : memref<2x112xi32, #tpu.memory_space<vmem>>, vector<16xi32>,
      tpu.vector_store %arg15[%swap3A_348, %swap3A_349], %add3A_346 {strides = array<i32>} : memref<2x112xi32, #tpu.memory_space<vmem>>, vector<16xi32>,
      %get3A_351 = arith.constant 208 : index
      %get3A_352 = tpu.vector_load %arg14[%get3A_351] {strides = array<i32>} : memref<224xi32, #tpu.memory_space<vmem>>, vector<16xi32>,
      %mul3A_353 = arith.constant 20000 : i32
      %mul3A_354 = arith.muli %select_n3A_43, %mul3A_353 : i32
      %add3A_355 = vector.broadcast %mul3A_354 : i32 to vector<16xi32>
      %add3A_356 = arith.addi %get3A_352, %add3A_355 : vector<16xi32>
      %swap3A_357 = arith.constant 1 : i32
      %swap3A_358 = arith.index_cast %swap3A_357 : i32 to index
      %swap3A_359 = arith.constant 96 : index
      %swap3A_360 = tpu.vector_load %arg15[%swap3A_358, %swap3A_359] {strides = array<i32>} : memref<2x112xi32, #tpu.memory_space<vmem>>, vector<16xi32>,
      tpu.vector_store %arg15[%swap3A_358, %swap3A_359], %add3A_356 {strides = array<i32>} : memref<2x112xi32, #tpu.memory_space<vmem>>, vector<16xi32>,
      %dma_start3A = arith.constant 0 : i32
      %dma_start3A_361 = arith.constant 0 : i32
      %dma_start3A_362 = arith.constant 0 : i32
      %dma_start3A_363 = tpu.memref_slice %arg16[%dma_start3A_361, %dma_start3A_362] : memref<224x8xf32, #tpu.memory_space<vmem>> -> memref<112x8xf32, #tpu.memory_space<vmem>>
      %dma_start3A_364 = arith.constant 0 : i32
      %dma_start3A_365 = tpu.memref_slice %arg15[%dma_start3A, %dma_start3A_364] : memref<2x112xi32, #tpu.memory_space<vmem>> -> memref<1x112xi32, #tpu.memory_space<vmem>>
      %dma_start3A_366 = tpu.memref_squeeze %dma_start3A_365 : memref<1x112xi32, #tpu.memory_space<vmem>> -> memref<112xi32, #tpu.memory_space<vmem>>
      %dma_start3A_367 = arith.constant 0 : i32
      %dma_start3A_368 = arith.constant 0 : i32
      %dma_start3A_369 = tpu.memref_slice %arg3[%dma_start3A_367, %dma_start3A_368] : memref<160000x8xf32, #tpu.memory_space<hbm>> -> memref<160000x8xf32, #tpu.memory_space<hbm>>
      tpu.enqueue_indirect_dma source(%dma_start3A_369 : memref<160000x8xf32, #tpu.memory_space<hbm>>) target(%dma_start3A_363 : memref<112x8xf32, #tpu.memory_space<vmem>>) offsets(%dma_start3A_366 : memref<112xi32, #tpu.memory_space<vmem>>) semaphore(%arg18 : memref<!tpu.dma_semaphore, #tpu.memory_space<semaphore_mem>>)
      %dma_wait3A = arith.constant 0 : i32
      %dma_wait3A_370 = arith.constant 0 : i32
      %dma_wait3A_371 = arith.constant 0 : i32
      %dma_wait3A_372 = tpu.memref_slice %arg16[%dma_wait3A_370, %dma_wait3A_371] : memref<224x8xf32, #tpu.memory_space<vmem>> -> memref<112x8xf32, #tpu.memory_space<vmem>>
      %dma_wait3A_373 = arith.constant 0 : i32
      %dma_wait3A_374 = tpu.memref_slice %arg15[%dma_wait3A, %dma_wait3A_373] : memref<2x112xi32, #tpu.memory_space<vmem>> -> memref<1x112xi32, #tpu.memory_space<vmem>>
      %dma_wait3A_375 = tpu.memref_squeeze %dma_wait3A_374 : memref<1x112xi32, #tpu.memory_space<vmem>> -> memref<112xi32, #tpu.memory_space<vmem>>
      %dma_wait3A_376 = arith.constant 0 : i32
      %dma_wait3A_377 = arith.constant 0 : i32
      %dma_wait3A_378 = tpu.memref_slice %arg3[%dma_wait3A_376, %dma_wait3A_377] : memref<160000x8xf32, #tpu.memory_space<hbm>> -> memref<160000x8xf32, #tpu.memory_space<hbm>>
      tpu.wait_indirect_dma semaphore(%arg18 : memref<!tpu.dma_semaphore, #tpu.memory_space<semaphore_mem>>) src(%dma_wait3A_378 : memref<160000x8xf32, #tpu.memory_space<hbm>>) dst(%dma_wait3A_372 : memref<112x8xf32, #tpu.memory_space<vmem>>)
      %dma_start3A_379 = arith.constant 1 : i32
      %dma_start3A_380 = arith.constant 112 : i32
      %dma_start3A_381 = arith.constant 0 : i32
      %dma_start3A_382 = tpu.memref_slice %arg16[%dma_start3A_380, %dma_start3A_381] : memref<224x8xf32, #tpu.memory_space<vmem>> -> memref<112x8xf32, #tpu.memory_space<vmem>>
      %dma_start3A_383 = arith.constant 0 : i32
      %dma_start3A_384 = tpu.memref_slice %arg15[%dma_start3A_379, %dma_start3A_383] : memref<2x112xi32, #tpu.memory_space<vmem>> -> memref<1x112xi32, #tpu.memory_space<vmem>>
      %dma_start3A_385 = tpu.memref_squeeze %dma_start3A_384 : memref<1x112xi32, #tpu.memory_space<vmem>> -> memref<112xi32, #tpu.memory_space<vmem>>
      %dma_start3A_386 = arith.constant 0 : i32
      %dma_start3A_387 = arith.constant 0 : i32
      %dma_start3A_388 = tpu.memref_slice %arg3[%dma_start3A_386, %dma_start3A_387] : memref<160000x8xf32, #tpu.memory_space<hbm>> -> memref<160000x8xf32, #tpu.memory_space<hbm>>
      tpu.enqueue_indirect_dma source(%dma_start3A_388 : memref<160000x8xf32, #tpu.memory_space<hbm>>) target(%dma_start3A_382 : memref<112x8xf32, #tpu.memory_space<vmem>>) offsets(%dma_start3A_385 : memref<112xi32, #tpu.memory_space<vmem>>) semaphore(%arg18 : memref<!tpu.dma_semaphore, #tpu.memory_space<semaphore_mem>>)
      %dma_wait3A_389 = arith.constant 1 : i32
      %dma_wait3A_390 = arith.constant 112 : i32
      %dma_wait3A_391 = arith.constant 0 : i32
      %dma_wait3A_392 = tpu.memref_slice %arg16[%dma_wait3A_390, %dma_wait3A_391] : memref<224x8xf32, #tpu.memory_space<vmem>> -> memref<112x8xf32, #tpu.memory_space<vmem>>
      %dma_wait3A_393 = arith.constant 0 : i32
      %dma_wait3A_394 = tpu.memref_slice %arg15[%dma_wait3A_389, %dma_wait3A_393] : memref<2x112xi32, #tpu.memory_space<vmem>> -> memref<1x112xi32, #tpu.memory_space<vmem>>
      %dma_wait3A_395 = tpu.memref_squeeze %dma_wait3A_394 : memref<1x112xi32, #tpu.memory_space<vmem>> -> memref<112xi32, #tpu.memory_space<vmem>>
      %dma_wait3A_396 = arith.constant 0 : i32
      %dma_wait3A_397 = arith.constant 0 : i32
      %dma_wait3A_398 = tpu.memref_slice %arg3[%dma_wait3A_396, %dma_wait3A_397] : memref<160000x8xf32, #tpu.memory_space<hbm>> -> memref<160000x8xf32, #tpu.memory_space<hbm>>
      tpu.wait_indirect_dma semaphore(%arg18 : memref<!tpu.dma_semaphore, #tpu.memory_space<semaphore_mem>>) src(%dma_wait3A_398 : memref<160000x8xf32, #tpu.memory_space<hbm>>) dst(%dma_wait3A_392 : memref<112x8xf32, #tpu.memory_space<vmem>>)
      %broadcast_in_dim3A_399 = arith.constant 0.000000e+00 : f32
      %broadcast_in_dim3A_400 = vector.broadcast %broadcast_in_dim3A_399 : f32 to vector<16xf32>
      %scan3A_401 = arith.constant 0 : i32
      %scan3A_402 = arith.constant 0 : i32
      %scan3A_403 = arith.constant 63 : i32
      %scan3A_404 = arith.addi %scan3A_402, %scan3A_403 : i32
      %scan3A_405 = arith.constant 1 : i32
      %scan3A_406 = scf.for %scan3A_416 = %scan3A_402 to %scan3A_404 step %scan3A_405 iter_args(%scan3A_417 = %scan3A_401) -> (i32)  : i32 {
        %mul3A_418 = arith.constant 16 : i32
        %mul3A_419 = arith.muli %scan3A_416, %mul3A_418 : i32
        %swap3A_420 = arith.index_cast %mul3A_419 : i32 to index
        %swap3A_421 = tpu.vector_load %arg17[%swap3A_420] {strides = array<i32>} : memref<1008xf32, #tpu.memory_space<vmem>>, vector<16xf32>,
        tpu.vector_store %arg17[%swap3A_420], %broadcast_in_dim3A_400 {strides = array<i32>} : memref<1008xf32, #tpu.memory_space<vmem>>, vector<16xf32>,
        %scan3A_422 = arith.constant 0 : i32
        scf.yield %scan3A_422 : i32
      }
      %scan3A_407 = arith.constant 63 : i32
      %scan3A_408 = arith.constant 0 : i32
      %scan3A_409 = arith.constant 0 : i32
      %scan3A_410 = arith.constant 14 : i32
      %scan3A_411 = arith.addi %scan3A_409, %scan3A_410 : i32
      %scan3A_412 = arith.constant 1 : i32
      %scan3A_413 = scf.for %scan3A_416 = %scan3A_409 to %scan3A_411 step %scan3A_412 iter_args(%scan3A_417 = %scan3A_408) -> (i32)  : i32 {
        %mul3A_418 = arith.constant 16 : i32
        %mul3A_419 = arith.muli %scan3A_416, %mul3A_418 : i32
        %get3A_420 = arith.index_cast %mul3A_419 : i32 to index
        %get3A_421 = tpu.vector_load %arg13[%get3A_420] {strides = array<i32>} : memref<224xi32, #tpu.memory_space<vmem>>, vector<16xi32>,
        %mul3A_422 = arith.constant 16 : i32
        %mul3A_423 = arith.muli %scan3A_416, %mul3A_422 : i32
        %add3A_424 = vector.broadcast %mul3A_423 : i32 to vector<16xi32>
        %add3A_425 = arith.addi %add3A_424, %iota3A : vector<16xi32>
        %broadcast_in_dim3A_426 = arith.constant 0 : i32
        %broadcast_in_dim3A_427 = vector.broadcast %broadcast_in_dim3A_426 : i32 to vector<16xi32>
        %scan3A_428 = arith.constant 0 : i32
        %scan3A_429 = arith.constant 14 : i32
        %scan3A_430 = arith.addi %scan3A_428, %scan3A_429 : i32
        %scan3A_431 = arith.constant 1 : i32
        %scan3A_432 = scf.for %scan3A_522 = %scan3A_428 to %scan3A_430 step %scan3A_431 iter_args(%scan3A_523 = %broadcast_in_dim3A_427) -> (vector<16xi32>)  : i32 {
          %mul3A_524 = arith.constant 16 : i32
          %mul3A_525 = arith.muli %scan3A_522, %mul3A_524 : i32
          %get3A_526 = arith.index_cast %mul3A_525 : i32 to index
          %get3A_527 = tpu.vector_load %arg13[%get3A_526] {strides = array<i32>} : memref<224xi32, #tpu.memory_space<vmem>>, vector<16xi32>,
          %mul3A_528 = arith.constant 16 : i32
          %mul3A_529 = arith.muli %scan3A_522, %mul3A_528 : i32
          %slice3A = vector.extract_strided_slice %get3A_527 {offsets = [0], sizes = [1], strides = [1]} : vector<16xi32> to vector<1xi32>
          %squeeze3A = vector.extract %slice3A[0] : i32 from vector<1xi32>
          %gt3A_530 = vector.broadcast %squeeze3A : i32 to vector<16xi32>
          %gt3A_531 = arith.cmpi sgt, %gt3A_530, %get3A_421 : vector<16xi32>
          %jit3A_532 = arith.constant 1 : i32
          %jit3A_533 = arith.constant 0 : i32
          %broadcast_in_dim3A_534 = vector.broadcast %jit3A_532 : i32 to vector<16xi32>
          %broadcast_in_dim3A_535 = vector.broadcast %jit3A_533 : i32 to vector<16xi32>
          %select_n3A_536 = arith.select %gt3A_531, %broadcast_in_dim3A_534, %broadcast_in_dim3A_535 : vector<16xi1>, vector<16xi32>
          %eq3A = vector.broadcast %squeeze3A : i32 to vector<16xi32>
          %eq3A_537 = arith.cmpi eq, %eq3A, %get3A_421 : vector<16xi32>
          %add3A_538 = arith.constant 0 : i32
          %add3A_539 = arith.addi %mul3A_529, %add3A_538 : i32
          %lt3A_540 = vector.broadcast %add3A_539 : i32 to vector<16xi32>
          %lt3A_541 = arith.cmpi slt, %lt3A_540, %add3A_425 : vector<16xi32>
          %and3A_542 = arith.andi %eq3A_537, %lt3A_541 : vector<16xi1>
          %jit3A_543 = arith.constant 1 : i32
          %jit3A_544 = arith.constant 0 : i32
          %broadcast_in_dim3A_545 = vector.broadcast %jit3A_543 : i32 to vector<16xi32>
          %broadcast_in_dim3A_546 = vector.broadcast %jit3A_544 : i32 to vector<16xi32>
          %select_n3A_547 = arith.select %and3A_542, %broadcast_in_dim3A_545, %broadcast_in_dim3A_546 : vector<16xi1>, vector<16xi32>
          %add3A_548 = arith.addi %scan3A_523, %select_n3A_536 : vector<16xi32>
          %add3A_549 = arith.addi %add3A_548, %select_n3A_547 : vector<16xi32>
          %slice3A_550 = vector.extract_strided_slice %get3A_527 {offsets = [1], sizes = [1], strides = [1]} : vector<16xi32> to vector<1xi32>
          %squeeze3A_551 = vector.extract %slice3A_550[0] : i32 from vector<1xi32>
          %gt3A_552 = vector.broadcast %squeeze3A_551 : i32 to vector<16xi32>
          %gt3A_553 = arith.cmpi sgt, %gt3A_552, %get3A_421 : vector<16xi32>
          %jit3A_554 = arith.constant 1 : i32
          %jit3A_555 = arith.constant 0 : i32
          %broadcast_in_dim3A_556 = vector.broadcast %jit3A_554 : i32 to vector<16xi32>
          %broadcast_in_dim3A_557 = vector.broadcast %jit3A_555 : i32 to vector<16xi32>
          %select_n3A_558 = arith.select %gt3A_553, %broadcast_in_dim3A_556, %broadcast_in_dim3A_557 : vector<16xi1>, vector<16xi32>
          %eq3A_559 = vector.broadcast %squeeze3A_551 : i32 to vector<16xi32>
          %eq3A_560 = arith.cmpi eq, %eq3A_559, %get3A_421 : vector<16xi32>
          %add3A_561 = arith.constant 1 : i32
          %add3A_562 = arith.addi %mul3A_529, %add3A_561 : i32
          %lt3A_563 = vector.broadcast %add3A_562 : i32 to vector<16xi32>
          %lt3A_564 = arith.cmpi slt, %lt3A_563, %add3A_425 : vector<16xi32>
          %and3A_565 = arith.andi %eq3A_560, %lt3A_564 : vector<16xi1>
          %jit3A_566 = arith.constant 1 : i32
          %jit3A_567 = arith.constant 0 : i32
          %broadcast_in_dim3A_568 = vector.broadcast %jit3A_566 : i32 to vector<16xi32>
          %broadcast_in_dim3A_569 = vector.broadcast %jit3A_567 : i32 to vector<16xi32>
          %select_n3A_570 = arith.select %and3A_565, %broadcast_in_dim3A_568, %broadcast_in_dim3A_569 : vector<16xi1>, vector<16xi32>
          %add3A_571 = arith.addi %add3A_549, %select_n3A_558 : vector<16xi32>
          %add3A_572 = arith.addi %add3A_571, %select_n3A_570 : vector<16xi32>
          %slice3A_573 = vector.extract_strided_slice %get3A_527 {offsets = [2], sizes = [1], strides = [1]} : vector<16xi32> to vector<1xi32>
          %squeeze3A_574 = vector.extract %slice3A_573[0] : i32 from vector<1xi32>
          %gt3A_575 = vector.broadcast %squeeze3A_574 : i32 to vector<16xi32>
          %gt3A_576 = arith.cmpi sgt, %gt3A_575, %get3A_421 : vector<16xi32>
          %jit3A_577 = arith.constant 1 : i32
          %jit3A_578 = arith.constant 0 : i32
          %broadcast_in_dim3A_579 = vector.broadcast %jit3A_577 : i32 to vector<16xi32>
          %broadcast_in_dim3A_580 = vector.broadcast %jit3A_578 : i32 to vector<16xi32>
          %select_n3A_581 = arith.select %gt3A_576, %broadcast_in_dim3A_579, %broadcast_in_dim3A_580 : vector<16xi1>, vector<16xi32>
          %eq3A_582 = vector.broadcast %squeeze3A_574 : i32 to vector<16xi32>
          %eq3A_583 = arith.cmpi eq, %eq3A_582, %get3A_421 : vector<16xi32>
          %add3A_584 = arith.constant 2 : i32
          %add3A_585 = arith.addi %mul3A_529, %add3A_584 : i32
          %lt3A_586 = vector.broadcast %add3A_585 : i32 to vector<16xi32>
          %lt3A_587 = arith.cmpi slt, %lt3A_586, %add3A_425 : vector<16xi32>
          %and3A_588 = arith.andi %eq3A_583, %lt3A_587 : vector<16xi1>
          %jit3A_589 = arith.constant 1 : i32
          %jit3A_590 = arith.constant 0 : i32
          %broadcast_in_dim3A_591 = vector.broadcast %jit3A_589 : i32 to vector<16xi32>
          %broadcast_in_dim3A_592 = vector.broadcast %jit3A_590 : i32 to vector<16xi32>
          %select_n3A_593 = arith.select %and3A_588, %broadcast_in_dim3A_591, %broadcast_in_dim3A_592 : vector<16xi1>, vector<16xi32>
          %add3A_594 = arith.addi %add3A_572, %select_n3A_581 : vector<16xi32>
          %add3A_595 = arith.addi %add3A_594, %select_n3A_593 : vector<16xi32>
          %slice3A_596 = vector.extract_strided_slice %get3A_527 {offsets = [3], sizes = [1], strides = [1]} : vector<16xi32> to vector<1xi32>
          %squeeze3A_597 = vector.extract %slice3A_596[0] : i32 from vector<1xi32>
          %gt3A_598 = vector.broadcast %squeeze3A_597 : i32 to vector<16xi32>
          %gt3A_599 = arith.cmpi sgt, %gt3A_598, %get3A_421 : vector<16xi32>
          %jit3A_600 = arith.constant 1 : i32
          %jit3A_601 = arith.constant 0 : i32
          %broadcast_in_dim3A_602 = vector.broadcast %jit3A_600 : i32 to vector<16xi32>
          %broadcast_in_dim3A_603 = vector.broadcast %jit3A_601 : i32 to vector<16xi32>
          %select_n3A_604 = arith.select %gt3A_599, %broadcast_in_dim3A_602, %broadcast_in_dim3A_603 : vector<16xi1>, vector<16xi32>
          %eq3A_605 = vector.broadcast %squeeze3A_597 : i32 to vector<16xi32>
          %eq3A_606 = arith.cmpi eq, %eq3A_605, %get3A_421 : vector<16xi32>
          %add3A_607 = arith.constant 3 : i32
          %add3A_608 = arith.addi %mul3A_529, %add3A_607 : i32
          %lt3A_609 = vector.broadcast %add3A_608 : i32 to vector<16xi32>
          %lt3A_610 = arith.cmpi slt, %lt3A_609, %add3A_425 : vector<16xi32>
          %and3A_611 = arith.andi %eq3A_606, %lt3A_610 : vector<16xi1>
          %jit3A_612 = arith.constant 1 : i32
          %jit3A_613 = arith.constant 0 : i32
          %broadcast_in_dim3A_614 = vector.broadcast %jit3A_612 : i32 to vector<16xi32>
          %broadcast_in_dim3A_615 = vector.broadcast %jit3A_613 : i32 to vector<16xi32>
          %select_n3A_616 = arith.select %and3A_611, %broadcast_in_dim3A_614, %broadcast_in_dim3A_615 : vector<16xi1>, vector<16xi32>
          %add3A_617 = arith.addi %add3A_595, %select_n3A_604 : vector<16xi32>
          %add3A_618 = arith.addi %add3A_617, %select_n3A_616 : vector<16xi32>
          %slice3A_619 = vector.extract_strided_slice %get3A_527 {offsets = [4], sizes = [1], strides = [1]} : vector<16xi32> to vector<1xi32>
          %squeeze3A_620 = vector.extract %slice3A_619[0] : i32 from vector<1xi32>
          %gt3A_621 = vector.broadcast %squeeze3A_620 : i32 to vector<16xi32>
          %gt3A_622 = arith.cmpi sgt, %gt3A_621, %get3A_421 : vector<16xi32>
          %jit3A_623 = arith.constant 1 : i32
          %jit3A_624 = arith.constant 0 : i32
          %broadcast_in_dim3A_625 = vector.broadcast %jit3A_623 : i32 to vector<16xi32>
          %broadcast_in_dim3A_626 = vector.broadcast %jit3A_624 : i32 to vector<16xi32>
          %select_n3A_627 = arith.select %gt3A_622, %broadcast_in_dim3A_625, %broadcast_in_dim3A_626 : vector<16xi1>, vector<16xi32>
          %eq3A_628 = vector.broadcast %squeeze3A_620 : i32 to vector<16xi32>
          %eq3A_629 = arith.cmpi eq, %eq3A_628, %get3A_421 : vector<16xi32>
          %add3A_630 = arith.constant 4 : i32
          %add3A_631 = arith.addi %mul3A_529, %add3A_630 : i32
          %lt3A_632 = vector.broadcast %add3A_631 : i32 to vector<16xi32>
          %lt3A_633 = arith.cmpi slt, %lt3A_632, %add3A_425 : vector<16xi32>
          %and3A_634 = arith.andi %eq3A_629, %lt3A_633 : vector<16xi1>
          %jit3A_635 = arith.constant 1 : i32
          %jit3A_636 = arith.constant 0 : i32
          %broadcast_in_dim3A_637 = vector.broadcast %jit3A_635 : i32 to vector<16xi32>
          %broadcast_in_dim3A_638 = vector.broadcast %jit3A_636 : i32 to vector<16xi32>
          %select_n3A_639 = arith.select %and3A_634, %broadcast_in_dim3A_637, %broadcast_in_dim3A_638 : vector<16xi1>, vector<16xi32>
          %add3A_640 = arith.addi %add3A_618, %select_n3A_627 : vector<16xi32>
          %add3A_641 = arith.addi %add3A_640, %select_n3A_639 : vector<16xi32>
          %slice3A_642 = vector.extract_strided_slice %get3A_527 {offsets = [5], sizes = [1], strides = [1]} : vector<16xi32> to vector<1xi32>
          %squeeze3A_643 = vector.extract %slice3A_642[0] : i32 from vector<1xi32>
          %gt3A_644 = vector.broadcast %squeeze3A_643 : i32 to vector<16xi32>
          %gt3A_645 = arith.cmpi sgt, %gt3A_644, %get3A_421 : vector<16xi32>
          %jit3A_646 = arith.constant 1 : i32
          %jit3A_647 = arith.constant 0 : i32
          %broadcast_in_dim3A_648 = vector.broadcast %jit3A_646 : i32 to vector<16xi32>
          %broadcast_in_dim3A_649 = vector.broadcast %jit3A_647 : i32 to vector<16xi32>
          %select_n3A_650 = arith.select %gt3A_645, %broadcast_in_dim3A_648, %broadcast_in_dim3A_649 : vector<16xi1>, vector<16xi32>
          %eq3A_651 = vector.broadcast %squeeze3A_643 : i32 to vector<16xi32>
          %eq3A_652 = arith.cmpi eq, %eq3A_651, %get3A_421 : vector<16xi32>
          %add3A_653 = arith.constant 5 : i32
          %add3A_654 = arith.addi %mul3A_529, %add3A_653 : i32
          %lt3A_655 = vector.broadcast %add3A_654 : i32 to vector<16xi32>
          %lt3A_656 = arith.cmpi slt, %lt3A_655, %add3A_425 : vector<16xi32>
          %and3A_657 = arith.andi %eq3A_652, %lt3A_656 : vector<16xi1>
          %jit3A_658 = arith.constant 1 : i32
          %jit3A_659 = arith.constant 0 : i32
          %broadcast_in_dim3A_660 = vector.broadcast %jit3A_658 : i32 to vector<16xi32>
          %broadcast_in_dim3A_661 = vector.broadcast %jit3A_659 : i32 to vector<16xi32>
          %select_n3A_662 = arith.select %and3A_657, %broadcast_in_dim3A_660, %broadcast_in_dim3A_661 : vector<16xi1>, vector<16xi32>
          %add3A_663 = arith.addi %add3A_641, %select_n3A_650 : vector<16xi32>
          %add3A_664 = arith.addi %add3A_663, %select_n3A_662 : vector<16xi32>
          %slice3A_665 = vector.extract_strided_slice %get3A_527 {offsets = [6], sizes = [1], strides = [1]} : vector<16xi32> to vector<1xi32>
          %squeeze3A_666 = vector.extract %slice3A_665[0] : i32 from vector<1xi32>
          %gt3A_667 = vector.broadcast %squeeze3A_666 : i32 to vector<16xi32>
          %gt3A_668 = arith.cmpi sgt, %gt3A_667, %get3A_421 : vector<16xi32>
          %jit3A_669 = arith.constant 1 : i32
          %jit3A_670 = arith.constant 0 : i32
          %broadcast_in_dim3A_671 = vector.broadcast %jit3A_669 : i32 to vector<16xi32>
          %broadcast_in_dim3A_672 = vector.broadcast %jit3A_670 : i32 to vector<16xi32>
          %select_n3A_673 = arith.select %gt3A_668, %broadcast_in_dim3A_671, %broadcast_in_dim3A_672 : vector<16xi1>, vector<16xi32>
          %eq3A_674 = vector.broadcast %squeeze3A_666 : i32 to vector<16xi32>
          %eq3A_675 = arith.cmpi eq, %eq3A_674, %get3A_421 : vector<16xi32>
          %add3A_676 = arith.constant 6 : i32
          %add3A_677 = arith.addi %mul3A_529, %add3A_676 : i32
          %lt3A_678 = vector.broadcast %add3A_677 : i32 to vector<16xi32>
          %lt3A_679 = arith.cmpi slt, %lt3A_678, %add3A_425 : vector<16xi32>
          %and3A_680 = arith.andi %eq3A_675, %lt3A_679 : vector<16xi1>
          %jit3A_681 = arith.constant 1 : i32
          %jit3A_682 = arith.constant 0 : i32
          %broadcast_in_dim3A_683 = vector.broadcast %jit3A_681 : i32 to vector<16xi32>
          %broadcast_in_dim3A_684 = vector.broadcast %jit3A_682 : i32 to vector<16xi32>
          %select_n3A_685 = arith.select %and3A_680, %broadcast_in_dim3A_683, %broadcast_in_dim3A_684 : vector<16xi1>, vector<16xi32>
          %add3A_686 = arith.addi %add3A_664, %select_n3A_673 : vector<16xi32>
          %add3A_687 = arith.addi %add3A_686, %select_n3A_685 : vector<16xi32>
          %slice3A_688 = vector.extract_strided_slice %get3A_527 {offsets = [7], sizes = [1], strides = [1]} : vector<16xi32> to vector<1xi32>
          %squeeze3A_689 = vector.extract %slice3A_688[0] : i32 from vector<1xi32>
          %gt3A_690 = vector.broadcast %squeeze3A_689 : i32 to vector<16xi32>
          %gt3A_691 = arith.cmpi sgt, %gt3A_690, %get3A_421 : vector<16xi32>
          %jit3A_692 = arith.constant 1 : i32
          %jit3A_693 = arith.constant 0 : i32
          %broadcast_in_dim3A_694 = vector.broadcast %jit3A_692 : i32 to vector<16xi32>
          %broadcast_in_dim3A_695 = vector.broadcast %jit3A_693 : i32 to vector<16xi32>
          %select_n3A_696 = arith.select %gt3A_691, %broadcast_in_dim3A_694, %broadcast_in_dim3A_695 : vector<16xi1>, vector<16xi32>
          %eq3A_697 = vector.broadcast %squeeze3A_689 : i32 to vector<16xi32>
          %eq3A_698 = arith.cmpi eq, %eq3A_697, %get3A_421 : vector<16xi32>
          %add3A_699 = arith.constant 7 : i32
          %add3A_700 = arith.addi %mul3A_529, %add3A_699 : i32
          %lt3A_701 = vector.broadcast %add3A_700 : i32 to vector<16xi32>
          %lt3A_702 = arith.cmpi slt, %lt3A_701, %add3A_425 : vector<16xi32>
          %and3A_703 = arith.andi %eq3A_698, %lt3A_702 : vector<16xi1>
          %jit3A_704 = arith.constant 1 : i32
          %jit3A_705 = arith.constant 0 : i32
          %broadcast_in_dim3A_706 = vector.broadcast %jit3A_704 : i32 to vector<16xi32>
          %broadcast_in_dim3A_707 = vector.broadcast %jit3A_705 : i32 to vector<16xi32>
          %select_n3A_708 = arith.select %and3A_703, %broadcast_in_dim3A_706, %broadcast_in_dim3A_707 : vector<16xi1>, vector<16xi32>
          %add3A_709 = arith.addi %add3A_687, %select_n3A_696 : vector<16xi32>
          %add3A_710 = arith.addi %add3A_709, %select_n3A_708 : vector<16xi32>
          %slice3A_711 = vector.extract_strided_slice %get3A_527 {offsets = [8], sizes = [1], strides = [1]} : vector<16xi32> to vector<1xi32>
          %squeeze3A_712 = vector.extract %slice3A_711[0] : i32 from vector<1xi32>
          %gt3A_713 = vector.broadcast %squeeze3A_712 : i32 to vector<16xi32>
          %gt3A_714 = arith.cmpi sgt, %gt3A_713, %get3A_421 : vector<16xi32>
          %jit3A_715 = arith.constant 1 : i32
          %jit3A_716 = arith.constant 0 : i32
          %broadcast_in_dim3A_717 = vector.broadcast %jit3A_715 : i32 to vector<16xi32>
          %broadcast_in_dim3A_718 = vector.broadcast %jit3A_716 : i32 to vector<16xi32>
          %select_n3A_719 = arith.select %gt3A_714, %broadcast_in_dim3A_717, %broadcast_in_dim3A_718 : vector<16xi1>, vector<16xi32>
          %eq3A_720 = vector.broadcast %squeeze3A_712 : i32 to vector<16xi32>
          %eq3A_721 = arith.cmpi eq, %eq3A_720, %get3A_421 : vector<16xi32>
          %add3A_722 = arith.constant 8 : i32
          %add3A_723 = arith.addi %mul3A_529, %add3A_722 : i32
          %lt3A_724 = vector.broadcast %add3A_723 : i32 to vector<16xi32>
          %lt3A_725 = arith.cmpi slt, %lt3A_724, %add3A_425 : vector<16xi32>
          %and3A_726 = arith.andi %eq3A_721, %lt3A_725 : vector<16xi1>
          %jit3A_727 = arith.constant 1 : i32
          %jit3A_728 = arith.constant 0 : i32
          %broadcast_in_dim3A_729 = vector.broadcast %jit3A_727 : i32 to vector<16xi32>
          %broadcast_in_dim3A_730 = vector.broadcast %jit3A_728 : i32 to vector<16xi32>
          %select_n3A_731 = arith.select %and3A_726, %broadcast_in_dim3A_729, %broadcast_in_dim3A_730 : vector<16xi1>, vector<16xi32>
          %add3A_732 = arith.addi %add3A_710, %select_n3A_719 : vector<16xi32>
          %add3A_733 = arith.addi %add3A_732, %select_n3A_731 : vector<16xi32>
          %slice3A_734 = vector.extract_strided_slice %get3A_527 {offsets = [9], sizes = [1], strides = [1]} : vector<16xi32> to vector<1xi32>
          %squeeze3A_735 = vector.extract %slice3A_734[0] : i32 from vector<1xi32>
          %gt3A_736 = vector.broadcast %squeeze3A_735 : i32 to vector<16xi32>
          %gt3A_737 = arith.cmpi sgt, %gt3A_736, %get3A_421 : vector<16xi32>
          %jit3A_738 = arith.constant 1 : i32
          %jit3A_739 = arith.constant 0 : i32
          %broadcast_in_dim3A_740 = vector.broadcast %jit3A_738 : i32 to vector<16xi32>
          %broadcast_in_dim3A_741 = vector.broadcast %jit3A_739 : i32 to vector<16xi32>
          %select_n3A_742 = arith.select %gt3A_737, %broadcast_in_dim3A_740, %broadcast_in_dim3A_741 : vector<16xi1>, vector<16xi32>
          %eq3A_743 = vector.broadcast %squeeze3A_735 : i32 to vector<16xi32>
          %eq3A_744 = arith.cmpi eq, %eq3A_743, %get3A_421 : vector<16xi32>
          %add3A_745 = arith.constant 9 : i32
          %add3A_746 = arith.addi %mul3A_529, %add3A_745 : i32
          %lt3A_747 = vector.broadcast %add3A_746 : i32 to vector<16xi32>
          %lt3A_748 = arith.cmpi slt, %lt3A_747, %add3A_425 : vector<16xi32>
          %and3A_749 = arith.andi %eq3A_744, %lt3A_748 : vector<16xi1>
          %jit3A_750 = arith.constant 1 : i32
          %jit3A_751 = arith.constant 0 : i32
          %broadcast_in_dim3A_752 = vector.broadcast %jit3A_750 : i32 to vector<16xi32>
          %broadcast_in_dim3A_753 = vector.broadcast %jit3A_751 : i32 to vector<16xi32>
          %select_n3A_754 = arith.select %and3A_749, %broadcast_in_dim3A_752, %broadcast_in_dim3A_753 : vector<16xi1>, vector<16xi32>
          %add3A_755 = arith.addi %add3A_733, %select_n3A_742 : vector<16xi32>
          %add3A_756 = arith.addi %add3A_755, %select_n3A_754 : vector<16xi32>
          %slice3A_757 = vector.extract_strided_slice %get3A_527 {offsets = [10], sizes = [1], strides = [1]} : vector<16xi32> to vector<1xi32>
          %squeeze3A_758 = vector.extract %slice3A_757[0] : i32 from vector<1xi32>
          %gt3A_759 = vector.broadcast %squeeze3A_758 : i32 to vector<16xi32>
          %gt3A_760 = arith.cmpi sgt, %gt3A_759, %get3A_421 : vector<16xi32>
          %jit3A_761 = arith.constant 1 : i32
          %jit3A_762 = arith.constant 0 : i32
          %broadcast_in_dim3A_763 = vector.broadcast %jit3A_761 : i32 to vector<16xi32>
          %broadcast_in_dim3A_764 = vector.broadcast %jit3A_762 : i32 to vector<16xi32>
          %select_n3A_765 = arith.select %gt3A_760, %broadcast_in_dim3A_763, %broadcast_in_dim3A_764 : vector<16xi1>, vector<16xi32>
          %eq3A_766 = vector.broadcast %squeeze3A_758 : i32 to vector<16xi32>
          %eq3A_767 = arith.cmpi eq, %eq3A_766, %get3A_421 : vector<16xi32>
          %add3A_768 = arith.constant 10 : i32
          %add3A_769 = arith.addi %mul3A_529, %add3A_768 : i32
          %lt3A_770 = vector.broadcast %add3A_769 : i32 to vector<16xi32>
          %lt3A_771 = arith.cmpi slt, %lt3A_770, %add3A_425 : vector<16xi32>
          %and3A_772 = arith.andi %eq3A_767, %lt3A_771 : vector<16xi1>
          %jit3A_773 = arith.constant 1 : i32
          %jit3A_774 = arith.constant 0 : i32
          %broadcast_in_dim3A_775 = vector.broadcast %jit3A_773 : i32 to vector<16xi32>
          %broadcast_in_dim3A_776 = vector.broadcast %jit3A_774 : i32 to vector<16xi32>
          %select_n3A_777 = arith.select %and3A_772, %broadcast_in_dim3A_775, %broadcast_in_dim3A_776 : vector<16xi1>, vector<16xi32>
          %add3A_778 = arith.addi %add3A_756, %select_n3A_765 : vector<16xi32>
          %add3A_779 = arith.addi %add3A_778, %select_n3A_777 : vector<16xi32>
          %slice3A_780 = vector.extract_strided_slice %get3A_527 {offsets = [11], sizes = [1], strides = [1]} : vector<16xi32> to vector<1xi32>
          %squeeze3A_781 = vector.extract %slice3A_780[0] : i32 from vector<1xi32>
          %gt3A_782 = vector.broadcast %squeeze3A_781 : i32 to vector<16xi32>
          %gt3A_783 = arith.cmpi sgt, %gt3A_782, %get3A_421 : vector<16xi32>
          %jit3A_784 = arith.constant 1 : i32
          %jit3A_785 = arith.constant 0 : i32
          %broadcast_in_dim3A_786 = vector.broadcast %jit3A_784 : i32 to vector<16xi32>
          %broadcast_in_dim3A_787 = vector.broadcast %jit3A_785 : i32 to vector<16xi32>
          %select_n3A_788 = arith.select %gt3A_783, %broadcast_in_dim3A_786, %broadcast_in_dim3A_787 : vector<16xi1>, vector<16xi32>
          %eq3A_789 = vector.broadcast %squeeze3A_781 : i32 to vector<16xi32>
          %eq3A_790 = arith.cmpi eq, %eq3A_789, %get3A_421 : vector<16xi32>
          %add3A_791 = arith.constant 11 : i32
          %add3A_792 = arith.addi %mul3A_529, %add3A_791 : i32
          %lt3A_793 = vector.broadcast %add3A_792 : i32 to vector<16xi32>
          %lt3A_794 = arith.cmpi slt, %lt3A_793, %add3A_425 : vector<16xi32>
          %and3A_795 = arith.andi %eq3A_790, %lt3A_794 : vector<16xi1>
          %jit3A_796 = arith.constant 1 : i32
          %jit3A_797 = arith.constant 0 : i32
          %broadcast_in_dim3A_798 = vector.broadcast %jit3A_796 : i32 to vector<16xi32>
          %broadcast_in_dim3A_799 = vector.broadcast %jit3A_797 : i32 to vector<16xi32>
          %select_n3A_800 = arith.select %and3A_795, %broadcast_in_dim3A_798, %broadcast_in_dim3A_799 : vector<16xi1>, vector<16xi32>
          %add3A_801 = arith.addi %add3A_779, %select_n3A_788 : vector<16xi32>
          %add3A_802 = arith.addi %add3A_801, %select_n3A_800 : vector<16xi32>
          %slice3A_803 = vector.extract_strided_slice %get3A_527 {offsets = [12], sizes = [1], strides = [1]} : vector<16xi32> to vector<1xi32>
          %squeeze3A_804 = vector.extract %slice3A_803[0] : i32 from vector<1xi32>
          %gt3A_805 = vector.broadcast %squeeze3A_804 : i32 to vector<16xi32>
          %gt3A_806 = arith.cmpi sgt, %gt3A_805, %get3A_421 : vector<16xi32>
          %jit3A_807 = arith.constant 1 : i32
          %jit3A_808 = arith.constant 0 : i32
          %broadcast_in_dim3A_809 = vector.broadcast %jit3A_807 : i32 to vector<16xi32>
          %broadcast_in_dim3A_810 = vector.broadcast %jit3A_808 : i32 to vector<16xi32>
          %select_n3A_811 = arith.select %gt3A_806, %broadcast_in_dim3A_809, %broadcast_in_dim3A_810 : vector<16xi1>, vector<16xi32>
          %eq3A_812 = vector.broadcast %squeeze3A_804 : i32 to vector<16xi32>
          %eq3A_813 = arith.cmpi eq, %eq3A_812, %get3A_421 : vector<16xi32>
          %add3A_814 = arith.constant 12 : i32
          %add3A_815 = arith.addi %mul3A_529, %add3A_814 : i32
          %lt3A_816 = vector.broadcast %add3A_815 : i32 to vector<16xi32>
          %lt3A_817 = arith.cmpi slt, %lt3A_816, %add3A_425 : vector<16xi32>
          %and3A_818 = arith.andi %eq3A_813, %lt3A_817 : vector<16xi1>
          %jit3A_819 = arith.constant 1 : i32
          %jit3A_820 = arith.constant 0 : i32
          %broadcast_in_dim3A_821 = vector.broadcast %jit3A_819 : i32 to vector<16xi32>
          %broadcast_in_dim3A_822 = vector.broadcast %jit3A_820 : i32 to vector<16xi32>
          %select_n3A_823 = arith.select %and3A_818, %broadcast_in_dim3A_821, %broadcast_in_dim3A_822 : vector<16xi1>, vector<16xi32>
          %add3A_824 = arith.addi %add3A_802, %select_n3A_811 : vector<16xi32>
          %add3A_825 = arith.addi %add3A_824, %select_n3A_823 : vector<16xi32>
          %slice3A_826 = vector.extract_strided_slice %get3A_527 {offsets = [13], sizes = [1], strides = [1]} : vector<16xi32> to vector<1xi32>
          %squeeze3A_827 = vector.extract %slice3A_826[0] : i32 from vector<1xi32>
          %gt3A_828 = vector.broadcast %squeeze3A_827 : i32 to vector<16xi32>
          %gt3A_829 = arith.cmpi sgt, %gt3A_828, %get3A_421 : vector<16xi32>
          %jit3A_830 = arith.constant 1 : i32
          %jit3A_831 = arith.constant 0 : i32
          %broadcast_in_dim3A_832 = vector.broadcast %jit3A_830 : i32 to vector<16xi32>
          %broadcast_in_dim3A_833 = vector.broadcast %jit3A_831 : i32 to vector<16xi32>
          %select_n3A_834 = arith.select %gt3A_829, %broadcast_in_dim3A_832, %broadcast_in_dim3A_833 : vector<16xi1>, vector<16xi32>
          %eq3A_835 = vector.broadcast %squeeze3A_827 : i32 to vector<16xi32>
          %eq3A_836 = arith.cmpi eq, %eq3A_835, %get3A_421 : vector<16xi32>
          %add3A_837 = arith.constant 13 : i32
          %add3A_838 = arith.addi %mul3A_529, %add3A_837 : i32
          %lt3A_839 = vector.broadcast %add3A_838 : i32 to vector<16xi32>
          %lt3A_840 = arith.cmpi slt, %lt3A_839, %add3A_425 : vector<16xi32>
          %and3A_841 = arith.andi %eq3A_836, %lt3A_840 : vector<16xi1>
          %jit3A_842 = arith.constant 1 : i32
          %jit3A_843 = arith.constant 0 : i32
          %broadcast_in_dim3A_844 = vector.broadcast %jit3A_842 : i32 to vector<16xi32>
          %broadcast_in_dim3A_845 = vector.broadcast %jit3A_843 : i32 to vector<16xi32>
          %select_n3A_846 = arith.select %and3A_841, %broadcast_in_dim3A_844, %broadcast_in_dim3A_845 : vector<16xi1>, vector<16xi32>
          %add3A_847 = arith.addi %add3A_825, %select_n3A_834 : vector<16xi32>
          %add3A_848 = arith.addi %add3A_847, %select_n3A_846 : vector<16xi32>
          %slice3A_849 = vector.extract_strided_slice %get3A_527 {offsets = [14], sizes = [1], strides = [1]} : vector<16xi32> to vector<1xi32>
          %squeeze3A_850 = vector.extract %slice3A_849[0] : i32 from vector<1xi32>
          %gt3A_851 = vector.broadcast %squeeze3A_850 : i32 to vector<16xi32>
          %gt3A_852 = arith.cmpi sgt, %gt3A_851, %get3A_421 : vector<16xi32>
          %jit3A_853 = arith.constant 1 : i32
          %jit3A_854 = arith.constant 0 : i32
          %broadcast_in_dim3A_855 = vector.broadcast %jit3A_853 : i32 to vector<16xi32>
          %broadcast_in_dim3A_856 = vector.broadcast %jit3A_854 : i32 to vector<16xi32>
          %select_n3A_857 = arith.select %gt3A_852, %broadcast_in_dim3A_855, %broadcast_in_dim3A_856 : vector<16xi1>, vector<16xi32>
          %eq3A_858 = vector.broadcast %squeeze3A_850 : i32 to vector<16xi32>
          %eq3A_859 = arith.cmpi eq, %eq3A_858, %get3A_421 : vector<16xi32>
          %add3A_860 = arith.constant 14 : i32
          %add3A_861 = arith.addi %mul3A_529, %add3A_860 : i32
          %lt3A_862 = vector.broadcast %add3A_861 : i32 to vector<16xi32>
          %lt3A_863 = arith.cmpi slt, %lt3A_862, %add3A_425 : vector<16xi32>
          %and3A_864 = arith.andi %eq3A_859, %lt3A_863 : vector<16xi1>
          %jit3A_865 = arith.constant 1 : i32
          %jit3A_866 = arith.constant 0 : i32
          %broadcast_in_dim3A_867 = vector.broadcast %jit3A_865 : i32 to vector<16xi32>
          %broadcast_in_dim3A_868 = vector.broadcast %jit3A_866 : i32 to vector<16xi32>
          %select_n3A_869 = arith.select %and3A_864, %broadcast_in_dim3A_867, %broadcast_in_dim3A_868 : vector<16xi1>, vector<16xi32>
          %add3A_870 = arith.addi %add3A_848, %select_n3A_857 : vector<16xi32>
          %add3A_871 = arith.addi %add3A_870, %select_n3A_869 : vector<16xi32>
          %slice3A_872 = vector.extract_strided_slice %get3A_527 {offsets = [15], sizes = [1], strides = [1]} : vector<16xi32> to vector<1xi32>
          %squeeze3A_873 = vector.extract %slice3A_872[0] : i32 from vector<1xi32>
          %gt3A_874 = vector.broadcast %squeeze3A_873 : i32 to vector<16xi32>
          %gt3A_875 = arith.cmpi sgt, %gt3A_874, %get3A_421 : vector<16xi32>
          %jit3A_876 = arith.constant 1 : i32
          %jit3A_877 = arith.constant 0 : i32
          %broadcast_in_dim3A_878 = vector.broadcast %jit3A_876 : i32 to vector<16xi32>
          %broadcast_in_dim3A_879 = vector.broadcast %jit3A_877 : i32 to vector<16xi32>
          %select_n3A_880 = arith.select %gt3A_875, %broadcast_in_dim3A_878, %broadcast_in_dim3A_879 : vector<16xi1>, vector<16xi32>
          %eq3A_881 = vector.broadcast %squeeze3A_873 : i32 to vector<16xi32>
          %eq3A_882 = arith.cmpi eq, %eq3A_881, %get3A_421 : vector<16xi32>
          %add3A_883 = arith.constant 15 : i32
          %add3A_884 = arith.addi %mul3A_529, %add3A_883 : i32
          %lt3A_885 = vector.broadcast %add3A_884 : i32 to vector<16xi32>
          %lt3A_886 = arith.cmpi slt, %lt3A_885, %add3A_425 : vector<16xi32>
          %and3A_887 = arith.andi %eq3A_882, %lt3A_886 : vector<16xi1>
          %jit3A_888 = arith.constant 1 : i32
          %jit3A_889 = arith.constant 0 : i32
          %broadcast_in_dim3A_890 = vector.broadcast %jit3A_888 : i32 to vector<16xi32>
          %broadcast_in_dim3A_891 = vector.broadcast %jit3A_889 : i32 to vector<16xi32>
          %select_n3A_892 = arith.select %and3A_887, %broadcast_in_dim3A_890, %broadcast_in_dim3A_891 : vector<16xi1>, vector<16xi32>
          %add3A_893 = arith.addi %add3A_871, %select_n3A_880 : vector<16xi32>
          %add3A_894 = arith.addi %add3A_893, %select_n3A_892 : vector<16xi32>
          scf.yield %add3A_894 : vector<16xi32>
        }
        %scan3A_433 = arith.constant 14 : i32
        %broadcast_in_dim3A_434 = arith.constant 0 : i32
        %broadcast_in_dim3A_435 = vector.broadcast %broadcast_in_dim3A_434 : i32 to vector<16xi32>
        %gather3A = tpu.vector_load_idx %arg16[%add3A_425, %broadcast_in_dim3A_435] : memref<224x8xf32, #tpu.memory_space<vmem>>[vector<16xi32>, vector<16xi32>], vector<16xf32>,
        %add3A_436 = arith.constant 1 : i32
        %add3A_437 = vector.broadcast %add3A_436 : i32 to vector<16xi32>
        %add3A_438 = arith.addi %broadcast_in_dim3A_435, %add3A_437 : vector<16xi32>
        %gather3A_439 = tpu.vector_load_idx %arg16[%add3A_425, %add3A_438] : memref<224x8xf32, #tpu.memory_space<vmem>>[vector<16xi32>, vector<16xi32>], vector<16xf32>,
        %add3A_440 = arith.constant 2 : i32
        %add3A_441 = vector.broadcast %add3A_440 : i32 to vector<16xi32>
        %add3A_442 = arith.addi %broadcast_in_dim3A_435, %add3A_441 : vector<16xi32>
        %gather3A_443 = tpu.vector_load_idx %arg16[%add3A_425, %add3A_442] : memref<224x8xf32, #tpu.memory_space<vmem>>[vector<16xi32>, vector<16xi32>], vector<16xf32>,
        %add3A_444 = arith.constant 3 : i32
        %add3A_445 = vector.broadcast %add3A_444 : i32 to vector<16xi32>
        %add3A_446 = arith.addi %broadcast_in_dim3A_435, %add3A_445 : vector<16xi32>
        %gather3A_447 = tpu.vector_load_idx %arg16[%add3A_425, %add3A_446] : memref<224x8xf32, #tpu.memory_space<vmem>>[vector<16xi32>, vector<16xi32>], vector<16xf32>,
        %add3A_448 = arith.constant 4 : i32
        %add3A_449 = vector.broadcast %add3A_448 : i32 to vector<16xi32>
        %add3A_450 = arith.addi %broadcast_in_dim3A_435, %add3A_449 : vector<16xi32>
        %gather3A_451 = tpu.vector_load_idx %arg16[%add3A_425, %add3A_450] : memref<224x8xf32, #tpu.memory_space<vmem>>[vector<16xi32>, vector<16xi32>], vector<16xf32>,
        %add3A_452 = arith.constant 5 : i32
        %add3A_453 = vector.broadcast %add3A_452 : i32 to vector<16xi32>
        %add3A_454 = arith.addi %broadcast_in_dim3A_435, %add3A_453 : vector<16xi32>
        %gather3A_455 = tpu.vector_load_idx %arg16[%add3A_425, %add3A_454] : memref<224x8xf32, #tpu.memory_space<vmem>>[vector<16xi32>, vector<16xi32>], vector<16xf32>,
        %add3A_456 = arith.constant 6 : i32
        %add3A_457 = vector.broadcast %add3A_456 : i32 to vector<16xi32>
        %add3A_458 = arith.addi %broadcast_in_dim3A_435, %add3A_457 : vector<16xi32>
        %gather3A_459 = tpu.vector_load_idx %arg16[%add3A_425, %add3A_458] : memref<224x8xf32, #tpu.memory_space<vmem>>[vector<16xi32>, vector<16xi32>], vector<16xf32>,
        %add3A_460 = arith.constant 7 : i32
        %add3A_461 = vector.broadcast %add3A_460 : i32 to vector<16xi32>
        %add3A_462 = arith.addi %broadcast_in_dim3A_435, %add3A_461 : vector<16xi32>
        %gather3A_463 = tpu.vector_load_idx %arg16[%add3A_425, %add3A_462] : memref<224x8xf32, #tpu.memory_space<vmem>>[vector<16xi32>, vector<16xi32>], vector<16xf32>,
        %mul3A_464 = arith.constant 1.000000e-01 : f32
        %mul3A_465 = vector.broadcast %mul3A_464 : f32 to vector<16xf32>
        %mul3A_466 = arith.mulf %gather3A, %mul3A_465 : vector<16xf32>
        %mul3A_467 = arith.mulf %mul3A_466, %gather3A_459 : vector<16xf32>
        %add3A_468 = arith.addf %gather3A_451, %mul3A_467 : vector<16xf32>
        %mul3A_469 = arith.constant 1.000000e-01 : f32
        %mul3A_470 = vector.broadcast %mul3A_469 : f32 to vector<16xf32>
        %mul3A_471 = arith.mulf %gather3A_439, %mul3A_470 : vector<16xf32>
        %mul3A_472 = arith.mulf %mul3A_471, %gather3A_463 : vector<16xf32>
        %add3A_473 = arith.addf %gather3A_455, %mul3A_472 : vector<16xf32>
        %mul3A_474 = arith.constant 2.000000e-01 : f32
        %mul3A_475 = vector.broadcast %mul3A_474 : f32 to vector<16xf32>
        %mul3A_476 = arith.mulf %gather3A_443, %mul3A_475 : vector<16xf32>
        %exp3A = math.exp %mul3A_476 : vector<16xf32>
        %mul3A_477 = arith.mulf %gather3A_459, %exp3A : vector<16xf32>
        %mul3A_478 = arith.constant 2.000000e-01 : f32
        %mul3A_479 = vector.broadcast %mul3A_478 : f32 to vector<16xf32>
        %mul3A_480 = arith.mulf %gather3A_447, %mul3A_479 : vector<16xf32>
        %exp3A_481 = math.exp %mul3A_480 : vector<16xf32>
        %mul3A_482 = arith.mulf %gather3A_463, %exp3A_481 : vector<16xf32>
        %bitcast_convert_type3A = tpu.bitcast %get3A_421 : vector<16xi32> -> vector<16xf32>
        %gt3A_483 = arith.constant 0.00999999977 : f32
        %gt3A_484 = vector.broadcast %gt3A_483 : f32 to vector<16xf32>
        %gt3A_485 = arith.cmpf ogt, %bitcast_convert_type3A, %gt3A_484 : vector<16xf32>
        %lt3A_486 = arith.constant 200 : i32
        %lt3A_487 = vector.broadcast %lt3A_486 : i32 to vector<16xi32>
        %lt3A_488 = arith.cmpi slt, %add3A_425, %lt3A_487 : vector<16xi32>
        %and3A_489 = arith.andi %gt3A_485, %lt3A_488 : vector<16xi1>
        %mul3A_490 = arith.constant 5 : i32
        %mul3A_491 = vector.broadcast %mul3A_490 : i32 to vector<16xi32>
        %mul3A_492 = arith.muli %scan3A_432, %mul3A_491 : vector<16xi32>
        tpu.vector_store_idx %arg17[%mul3A_492], %bitcast_convert_type3A masked %and3A_489 : memref<1008xf32, #tpu.memory_space<vmem>>[vector<16xi32>], vector<16xf32>, vector<16xi1>
        %add3A_493 = arith.constant 1 : i32
        %add3A_494 = vector.broadcast %add3A_493 : i32 to vector<16xi32>
        %add3A_495 = arith.addi %mul3A_492, %add3A_494 : vector<16xi32>
        %mul3A_496 = arith.constant 5.000000e-01 : f32
        %mul3A_497 = vector.broadcast %mul3A_496 : f32 to vector<16xf32>
        %mul3A_498 = arith.mulf %mul3A_477, %mul3A_497 : vector<16xf32>
        %sub3A_499 = arith.subf %add3A_468, %mul3A_498 : vector<16xf32>
        tpu.vector_store_idx %arg17[%add3A_495], %sub3A_499 masked %and3A_489 : memref<1008xf32, #tpu.memory_space<vmem>>[vector<16xi32>], vector<16xf32>, vector<16xi1>
        %add3A_500 = arith.constant 2 : i32
        %add3A_501 = vector.broadcast %add3A_500 : i32 to vector<16xi32>
        %add3A_502 = arith.addi %mul3A_492, %add3A_501 : vector<16xi32>
        %mul3A_503 = arith.constant 5.000000e-01 : f32
        %mul3A_504 = vector.broadcast %mul3A_503 : f32 to vector<16xf32>
        %mul3A_505 = arith.mulf %mul3A_482, %mul3A_504 : vector<16xf32>
        %sub3A_506 = arith.subf %add3A_473, %mul3A_505 : vector<16xf32>
        tpu.vector_store_idx %arg17[%add3A_502], %sub3A_506 masked %and3A_489 : memref<1008xf32, #tpu.memory_space<vmem>>[vector<16xi32>], vector<16xf32>, vector<16xi1>
        %add3A_507 = arith.constant 3 : i32
        %add3A_508 = vector.broadcast %add3A_507 : i32 to vector<16xi32>
        %add3A_509 = arith.addi %mul3A_492, %add3A_508 : vector<16xi32>
        %mul3A_510 = arith.constant 5.000000e-01 : f32
        %mul3A_511 = vector.broadcast %mul3A_510 : f32 to vector<16xf32>
        %mul3A_512 = arith.mulf %mul3A_477, %mul3A_511 : vector<16xf32>
        %add3A_513 = arith.addf %add3A_468, %mul3A_512 : vector<16xf32>
        tpu.vector_store_idx %arg17[%add3A_509], %add3A_513 masked %and3A_489 : memref<1008xf32, #tpu.memory_space<vmem>>[vector<16xi32>], vector<16xf32>, vector<16xi1>
        %add3A_514 = arith.constant 4 : i32
        %add3A_515 = vector.broadcast %add3A_514 : i32 to vector<16xi32>
        %add3A_516 = arith.addi %mul3A_492, %add3A_515 : vector<16xi32>
        %mul3A_517 = arith.constant 5.000000e-01 : f32
        %mul3A_518 = vector.broadcast %mul3A_517 : f32 to vector<16xf32>
        %mul3A_519 = arith.mulf %mul3A_482, %mul3A_518 : vector<16xf32>
        %add3A_520 = arith.addf %add3A_473, %mul3A_519 : vector<16xf32>
        tpu.vector_store_idx %arg17[%add3A_516], %add3A_520 masked %and3A_489 : memref<1008xf32, #tpu.memory_space<vmem>>[vector<16xi32>], vector<16xf32>, vector<16xi1>
        %scan3A_521 = arith.constant 0 : i32
        scf.yield %scan3A_521 : i32
      }
      %scan3A_414 = arith.constant 14 : i32
      "tpu.region"() ({
        %run_scoped3A = tpu.sem_alloc : memref<!tpu.dma_semaphore, #tpu.memory_space<semaphore_mem>>
        %dma_start3A_416 = arith.constant 0 : i32
        %dma_start3A_417 = tpu.memref_slice %arg17[%dma_start3A_416] : memref<1008xf32, #tpu.memory_space<vmem>> -> memref<1000xf32, #tpu.memory_space<vmem>>
        %dma_start3A_418 = arith.constant 0 : i32
        %dma_start3A_419 = tpu.memref_slice %arg4[%while3A_23, %dma_start3A_418] : memref<648x1000xf32, #tpu.memory_space<hbm>> -> memref<1x1000xf32, #tpu.memory_space<hbm>>
        %dma_start3A_420 = tpu.memref_squeeze %dma_start3A_419 : memref<1x1000xf32, #tpu.memory_space<hbm>> -> memref<1000xf32, #tpu.memory_space<hbm>>
        %dma_start3A_421 = arith.constant 0 : i32
        %dma_start3A_422 = tpu.memref_slice %arg4[%while3A_23, %dma_start3A_421] : memref<648x1000xf32, #tpu.memory_space<hbm>> -> memref<1x1000xf32, #tpu.memory_space<hbm>>
        %dma_start3A_423 = tpu.memref_squeeze %dma_start3A_422 : memref<1x1000xf32, #tpu.memory_space<hbm>> -> memref<1000xf32, #tpu.memory_space<hbm>>
        %dma_start3A_424 = arith.constant 0 : i32
        %dma_start3A_425 = tpu.memref_slice %arg17[%dma_start3A_424] : memref<1008xf32, #tpu.memory_space<vmem>> -> memref<1000xf32, #tpu.memory_space<vmem>>
        tpu.enqueue_dma source(%dma_start3A_425 : memref<1000xf32, #tpu.memory_space<vmem>>) target(%dma_start3A_423 : memref<1000xf32, #tpu.memory_space<hbm>>) target_semaphore(%run_scoped3A : memref<!tpu.dma_semaphore, #tpu.memory_space<semaphore_mem>>)
        %dma_wait3A_426 = arith.constant 0 : i32
        %dma_wait3A_427 = tpu.memref_slice %arg17[%dma_wait3A_426] : memref<1008xf32, #tpu.memory_space<vmem>> -> memref<1000xf32, #tpu.memory_space<vmem>>
        %dma_wait3A_428 = arith.constant 0 : i32
        %dma_wait3A_429 = tpu.memref_slice %arg4[%while3A_23, %dma_wait3A_428] : memref<648x1000xf32, #tpu.memory_space<hbm>> -> memref<1x1000xf32, #tpu.memory_space<hbm>>
        %dma_wait3A_430 = tpu.memref_squeeze %dma_wait3A_429 : memref<1x1000xf32, #tpu.memory_space<hbm>> -> memref<1000xf32, #tpu.memory_space<hbm>>
        %dma_wait3A_431 = arith.constant 0 : i32
        %dma_wait3A_432 = tpu.memref_slice %arg4[%while3A_23, %dma_wait3A_431] : memref<648x1000xf32, #tpu.memory_space<hbm>> -> memref<1x1000xf32, #tpu.memory_space<hbm>>
        %dma_wait3A_433 = tpu.memref_squeeze %dma_wait3A_432 : memref<1x1000xf32, #tpu.memory_space<hbm>> -> memref<1000xf32, #tpu.memory_space<hbm>>
        %dma_wait3A_434 = arith.constant 0 : i32
        %dma_wait3A_435 = tpu.memref_slice %arg17[%dma_wait3A_434] : memref<1008xf32, #tpu.memory_space<vmem>> -> memref<1000xf32, #tpu.memory_space<vmem>>
        tpu.wait_dma2 semaphore(%run_scoped3A : memref<!tpu.dma_semaphore, #tpu.memory_space<semaphore_mem>>) src(%dma_wait3A_435 : memref<1000xf32, #tpu.memory_space<vmem>>) dst(%dma_wait3A_433 : memref<1000xf32, #tpu.memory_space<hbm>>)
        tpu.yield
      }) : () -> ()
      %while3A_415 = arith.constant 0 : i32
      scf.yield %while3A_415 : i32
    }
    %while3A_21 = arith.constant 1 : i32
    %while3A_22 = scf.for %while3A_23 = %while3A_18 to %while3A_14 step %while3A_21 iter_args(%while3A_24 = %while3A_20) -> (i32)  : i32 {
      %jit3A_25 = arith.constant 81 : i32
      %div3A = arith.divsi %while3A_23, %jit3A_25 : i32
      %sign3A = arith.constant 0 : i32
      %sign3A_26 = arith.cmpi sgt, %while3A_23, %sign3A : i32
      %sign3A_27 = arith.extui %sign3A_26 : i1 to i32
      %sign3A_28 = arith.constant 0 : i32
      %sign3A_29 = arith.cmpi slt, %while3A_23, %sign3A_28 : i32
      %sign3A_30 = arith.extui %sign3A_29 : i1 to i32
      %sign3A_31 = arith.subi %sign3A_27, %sign3A_30 : i32
      %sign3A_32 = arith.constant 0 : i32
      %sign3A_33 = arith.cmpi sgt, %jit3A_25, %sign3A_32 : i32
      %sign3A_34 = arith.extui %sign3A_33 : i1 to i32
      %sign3A_35 = arith.constant 0 : i32
      %sign3A_36 = arith.cmpi slt, %jit3A_25, %sign3A_35 : i32
      %sign3A_37 = arith.extui %sign3A_36 : i1 to i32
      %sign3A_38 = arith.subi %sign3A_34, %sign3A_37 : i32
      %ne3A = arith.cmpi ne, %sign3A_31, %sign3A_38 : i32
      %rem3A = arith.remsi %while3A_23, %jit3A_25 : i32
      %ne3A_39 = arith.constant 0 : i32
      %ne3A_40 = arith.cmpi ne, %rem3A, %ne3A_39 : i32
      %and3A = arith.andi %ne3A, %ne3A_40 : i1
      %sub3A_41 = arith.constant 1 : i32
      %sub3A_42 = arith.subi %div3A, %sub3A_41 : i32
      %select_n3A_43 = arith.select %and3A, %sub3A_42, %div3A : i32
      "tpu.region"() ({
        %run_scoped3A = tpu.sem_alloc : memref<!tpu.dma_semaphore, #tpu.memory_space<semaphore_mem>>
        %dma_start3A_416 = arith.constant 0 : i32
        %dma_start3A_417 = tpu.memref_slice %arg2[%while3A_23, %dma_start3A_416] : memref<648x20000xf32, #tpu.memory_space<hbm>> -> memref<1x20000xf32, #tpu.memory_space<hbm>>
        %dma_start3A_418 = tpu.memref_squeeze %dma_start3A_417 : memref<1x20000xf32, #tpu.memory_space<hbm>> -> memref<20000xf32, #tpu.memory_space<hbm>>
        %dma_start3A_419 = arith.constant 0 : i32
        %dma_start3A_420 = tpu.memref_slice %arg2[%while3A_23, %dma_start3A_419] : memref<648x20000xf32, #tpu.memory_space<hbm>> -> memref<1x20000xf32, #tpu.memory_space<hbm>>
        %dma_start3A_421 = tpu.memref_squeeze %dma_start3A_420 : memref<1x20000xf32, #tpu.memory_space<hbm>> -> memref<20000xf32, #tpu.memory_space<hbm>>
        tpu.enqueue_dma source(%dma_start3A_421 : memref<20000xf32, #tpu.memory_space<hbm>>) target(%arg5 : memref<20000xf32, #tpu.memory_space<vmem>>) target_semaphore(%run_scoped3A : memref<!tpu.dma_semaphore, #tpu.memory_space<semaphore_mem>>)
        %dma_wait3A_422 = arith.constant 0 : i32
        %dma_wait3A_423 = tpu.memref_slice %arg2[%while3A_23, %dma_wait3A_422] : memref<648x20000xf32, #tpu.memory_space<hbm>> -> memref<1x20000xf32, #tpu.memory_space<hbm>>
        %dma_wait3A_424 = tpu.memref_squeeze %dma_wait3A_423 : memref<1x20000xf32, #tpu.memory_space<hbm>> -> memref<20000xf32, #tpu.memory_space<hbm>>
        %dma_wait3A_425 = arith.constant 0 : i32
        %dma_wait3A_426 = tpu.memref_slice %arg2[%while3A_23, %dma_wait3A_425] : memref<648x20000xf32, #tpu.memory_space<hbm>> -> memref<1x20000xf32, #tpu.memory_space<hbm>>
        %dma_wait3A_427 = tpu.memref_squeeze %dma_wait3A_426 : memref<1x20000xf32, #tpu.memory_space<hbm>> -> memref<20000xf32, #tpu.memory_space<hbm>>
        tpu.wait_dma2 semaphore(%run_scoped3A : memref<!tpu.dma_semaphore, #tpu.memory_space<semaphore_mem>>) src(%dma_wait3A_427 : memref<20000xf32, #tpu.memory_space<hbm>>) dst(%arg5 : memref<20000xf32, #tpu.memory_space<vmem>>)
        tpu.yield
      }) : () -> ()
      %broadcast_in_dim3A_44 = arith.constant 0 : i32
      %broadcast_in_dim3A_45 = vector.broadcast %broadcast_in_dim3A_44 : i32 to vector<16xi32>
      %scan3A = arith.constant 0 : i32
      %scan3A_46 = arith.constant 0 : i32
      %scan3A_47 = arith.constant 256 : i32
      %scan3A_48 = arith.addi %scan3A_46, %scan3A_47 : i32
      %scan3A_49 = arith.constant 1 : i32
      %scan3A_50 = scf.for %scan3A_416 = %scan3A_46 to %scan3A_48 step %scan3A_49 iter_args(%scan3A_417 = %scan3A) -> (i32)  : i32 {
        %mul3A_418 = arith.constant 16 : i32
        %mul3A_419 = arith.muli %scan3A_416, %mul3A_418 : i32
        %swap3A_420 = arith.index_cast %mul3A_419 : i32 to index
        %swap3A_421 = tpu.vector_load %arg10[%swap3A_420] {strides = array<i32>} : memref<4096xi32, #tpu.memory_space<vmem>>, vector<16xi32>,
        tpu.vector_store %arg10[%swap3A_420], %broadcast_in_dim3A_45 {strides = array<i32>} : memref<4096xi32, #tpu.memory_space<vmem>>, vector<16xi32>,
        %scan3A_422 = arith.constant 0 : i32
        scf.yield %scan3A_422 : i32
      }
      %scan3A_51 = arith.constant 256 : i32
      %scan3A_52 = arith.constant 0 : i32
      %scan3A_53 = arith.constant 0 : i32
      %scan3A_54 = arith.constant 1250 : i32
      %scan3A_55 = arith.addi %scan3A_53, %scan3A_54 : i32
      %scan3A_56 = arith.constant 1 : i32
      %scan3A_57 = scf.for %scan3A_416 = %scan3A_53 to %scan3A_55 step %scan3A_56 iter_args(%scan3A_417 = %scan3A_52) -> (i32)  : i32 {
        %mul3A_418 = arith.constant 16 : i32
        %mul3A_419 = arith.muli %scan3A_416, %mul3A_418 : i32
        %get3A_420 = arith.index_cast %mul3A_419 : i32 to index
        %get3A_421 = tpu.vector_load %arg5[%get3A_420] {strides = array<i32>} : memref<20000xf32, #tpu.memory_space<vmem>>, vector<16xf32>,
        %gt3A_422 = arith.constant 0.00999999977 : f32
        %gt3A_423 = vector.broadcast %gt3A_422 : f32 to vector<16xf32>
        %gt3A_424 = arith.cmpf ogt, %get3A_421, %gt3A_423 : vector<16xf32>
        %bitcast_convert_type3A = tpu.bitcast %get3A_421 : vector<16xf32> -> vector<16xi32>
        %jit3A_425 = arith.constant 0 : i32
        %broadcast_in_dim3A_426 = vector.broadcast %jit3A_425 : i32 to vector<16xi32>
        %select_n3A_427 = arith.select %gt3A_424, %bitcast_convert_type3A, %broadcast_in_dim3A_426 : vector<16xi1>, vector<16xi32>
        %shift_right_logical3A = arith.constant 18 : i32
        %shift_right_logical3A_428 = vector.broadcast %shift_right_logical3A : i32 to vector<16xi32>
        %shift_right_logical3A_429 = arith.shrui %select_n3A_427, %shift_right_logical3A_428 : vector<16xi32>
        %and3A_430 = arith.constant 255 : i32
        %and3A_431 = vector.broadcast %and3A_430 : i32 to vector<16xi32>
        %and3A_432 = arith.andi %shift_right_logical3A_429, %and3A_431 : vector<16xi32>
        %mul3A_433 = arith.constant 16 : i32
        %mul3A_434 = vector.broadcast %mul3A_433 : i32 to vector<16xi32>
        %mul3A_435 = arith.muli %and3A_432, %mul3A_434 : vector<16xi32>
        %add3A_436 = arith.addi %mul3A_435, %iota3A : vector<16xi32>
        tpu.vector_store_idx %arg10[%add3A_436], %broadcast_in_dim3A_0 {add = true} : memref<4096xi32, #tpu.memory_space<vmem>>[vector<16xi32>], vector<16xi32>,
        %scan3A_437 = arith.constant 0 : i32
        scf.yield %scan3A_437 : i32
      }
      %scan3A_58 = arith.constant 1250 : i32
      %scan3A_59 = arith.constant 0 : i32
      %scan3A_60 = arith.constant 0 : i32
      %scan3A_61 = arith.constant 0 : i32
      %scan3A_62 = arith.constant 0 : i32
      %scan3A_63 = arith.constant 0 : i32
      %scan3A_64 = arith.constant 256 : i32
      %scan3A_65 = arith.addi %scan3A_63, %scan3A_64 : i32
      %scan3A_66 = arith.constant 1 : i32
      %scan3A_67:4 = scf.for %scan3A_416 = %scan3A_63 to %scan3A_65 step %scan3A_66 iter_args(%scan3A_417 = %scan3A_59, %scan3A_418 = %scan3A_60, %scan3A_419 = %scan3A_61, %scan3A_420 = %scan3A_62) -> (i32, i32, i32, i32)  : i32 {
        %sub3A_421 = arith.constant 255 : i32
        %sub3A_422 = arith.subi %sub3A_421, %scan3A_416 : i32
        %mul3A_423 = arith.constant 16 : i32
        %mul3A_424 = arith.muli %sub3A_422, %mul3A_423 : i32
        %get3A_425 = arith.index_cast %mul3A_424 : i32 to index
        %get3A_426 = tpu.vector_load %arg10[%get3A_425] {strides = array<i32>} : memref<4096xi32, #tpu.memory_space<vmem>>, vector<16xi32>,
        %reduce_sum3A = arith.constant true
        %reduce_sum3A_427 = vector.broadcast %reduce_sum3A : i1 to vector<16xi1>
        %reduce_sum3A_428 = tpu.scan <sum>, %get3A_426 masked %reduce_sum3A_427 : vector<16xi32>, vector<16xi1> -> vector<16xi32>
        %reduce_sum3A_429 = vector.extract %reduce_sum3A_428[15] : i32 from vector<16xi32>
        %lt3A_430 = arith.constant 200 : i32
        %lt3A_431 = arith.cmpi slt, %scan3A_417, %lt3A_430 : i32
        %add3A_432 = arith.addi %scan3A_417, %reduce_sum3A_429 : i32
        %ge3A = arith.constant 200 : i32
        %ge3A_433 = arith.cmpi sge, %add3A_432, %ge3A : i32
        %and3A_434 = arith.andi %lt3A_431, %ge3A_433 : i1
        %select_n3A_435 = arith.select %and3A_434, %sub3A_422, %scan3A_418 : i32
        %select_n3A_436 = arith.select %and3A_434, %scan3A_417, %scan3A_419 : i32
        %select_n3A_437 = arith.select %and3A_434, %reduce_sum3A_429, %scan3A_420 : i32
        %add3A_438 = arith.addi %scan3A_417, %reduce_sum3A_429 : i32
        scf.yield %add3A_438, %select_n3A_435, %select_n3A_436, %select_n3A_437 : i32, i32, i32, i32
      }
      %scan3A_68 = arith.constant 256 : i32
      %scan3A_69 = arith.constant 0 : i32
      %scan3A_70 = arith.constant 0 : i32
      %scan3A_71 = arith.constant 0 : i32
      %scan3A_72 = arith.constant 1250 : i32
      %scan3A_73 = arith.addi %scan3A_71, %scan3A_72 : i32
      %scan3A_74 = arith.constant 1 : i32
      %scan3A_75:2 = scf.for %scan3A_416 = %scan3A_71 to %scan3A_73 step %scan3A_74 iter_args(%scan3A_417 = %scan3A_69, %scan3A_418 = %scan3A_70) -> (i32, i32)  : i32 {
        %mul3A_419 = arith.constant 16 : i32
        %mul3A_420 = arith.muli %scan3A_416, %mul3A_419 : i32
        %get3A_421 = arith.index_cast %mul3A_420 : i32 to index
        %get3A_422 = tpu.vector_load %arg5[%get3A_421] {strides = array<i32>} : memref<20000xf32, #tpu.memory_space<vmem>>, vector<16xf32>,
        %gt3A_423 = arith.constant 0.00999999977 : f32
        %gt3A_424 = vector.broadcast %gt3A_423 : f32 to vector<16xf32>
        %gt3A_425 = arith.cmpf ogt, %get3A_422, %gt3A_424 : vector<16xf32>
        %bitcast_convert_type3A = tpu.bitcast %get3A_422 : vector<16xf32> -> vector<16xi32>
        %jit3A_426 = arith.constant 0 : i32
        %broadcast_in_dim3A_427 = vector.broadcast %jit3A_426 : i32 to vector<16xi32>
        %select_n3A_428 = arith.select %gt3A_425, %bitcast_convert_type3A, %broadcast_in_dim3A_427 : vector<16xi1>, vector<16xi32>
        %mul3A_429 = arith.constant 16 : i32
        %mul3A_430 = arith.muli %scan3A_416, %mul3A_429 : i32
        %add3A_431 = vector.broadcast %mul3A_430 : i32 to vector<16xi32>
        %add3A_432 = arith.addi %add3A_431, %iota3A : vector<16xi32>
        %shift_right_logical3A = arith.constant 18 : i32
        %shift_right_logical3A_433 = vector.broadcast %shift_right_logical3A : i32 to vector<16xi32>
        %shift_right_logical3A_434 = arith.shrui %select_n3A_428, %shift_right_logical3A_433 : vector<16xi32>
        %and3A_435 = arith.constant 255 : i32
        %and3A_436 = vector.broadcast %and3A_435 : i32 to vector<16xi32>
        %and3A_437 = arith.andi %shift_right_logical3A_434, %and3A_436 : vector<16xi32>
        %gt3A_438 = vector.broadcast %scan3A_67#1 : i32 to vector<16xi32>
        %gt3A_439 = arith.cmpi sgt, %and3A_437, %gt3A_438 : vector<16xi32>
        %eq3A = vector.broadcast %scan3A_67#1 : i32 to vector<16xi32>
        %eq3A_440 = arith.cmpi eq, %and3A_437, %eq3A : vector<16xi32>
        %swap3A_441 = arith.index_cast %scan3A_417 : i32 to index
        %swap3A_442 = tpu.vector_load %arg11[%swap3A_441] masked %gt3A_439 {strides = array<i32>} : memref<224xi32, #tpu.memory_space<vmem>>, vector<16xi32>, vector<16xi1>
        tpu.vector_store %arg11[%swap3A_441], %select_n3A_428 masked %gt3A_439 {strides = array<i32>} : memref<224xi32, #tpu.memory_space<vmem>>, vector<16xi32>, vector<16xi1>
        %swap3A_443 = arith.index_cast %scan3A_417 : i32 to index
        %swap3A_444 = tpu.vector_load %arg12[%swap3A_443] masked %gt3A_439 {strides = array<i32>} : memref<224xi32, #tpu.memory_space<vmem>>, vector<16xi32>, vector<16xi1>
        tpu.vector_store %arg12[%swap3A_443], %add3A_432 masked %gt3A_439 {strides = array<i32>} : memref<224xi32, #tpu.memory_space<vmem>>, vector<16xi32>, vector<16xi1>
        %swap3A_445 = arith.index_cast %scan3A_418 : i32 to index
        %swap3A_446 = tpu.vector_load %arg6[%swap3A_445] masked %eq3A_440 {strides = array<i32>} : memref<20016xi32, #tpu.memory_space<vmem>>, vector<16xi32>, vector<16xi1>
        tpu.vector_store %arg6[%swap3A_445], %select_n3A_428 masked %eq3A_440 {strides = array<i32>} : memref<20016xi32, #tpu.memory_space<vmem>>, vector<16xi32>, vector<16xi1>
        %swap3A_447 = arith.index_cast %scan3A_418 : i32 to index
        %swap3A_448 = tpu.vector_load %arg7[%swap3A_447] masked %eq3A_440 {strides = array<i32>} : memref<20016xi32, #tpu.memory_space<vmem>>, vector<16xi32>, vector<16xi1>
        tpu.vector_store %arg7[%swap3A_447], %add3A_432 masked %eq3A_440 {strides = array<i32>} : memref<20016xi32, #tpu.memory_space<vmem>>, vector<16xi32>, vector<16xi1>
        %jit3A_449 = arith.constant 1 : i32
        %jit3A_450 = arith.constant 0 : i32
        %broadcast_in_dim3A_451 = vector.broadcast %jit3A_449 : i32 to vector<16xi32>
        %broadcast_in_dim3A_452 = vector.broadcast %jit3A_450 : i32 to vector<16xi32>
        %select_n3A_453 = arith.select %gt3A_439, %broadcast_in_dim3A_451, %broadcast_in_dim3A_452 : vector<16xi1>, vector<16xi32>
        %reduce_sum3A = arith.constant true
        %reduce_sum3A_454 = vector.broadcast %reduce_sum3A : i1 to vector<16xi1>
        %reduce_sum3A_455 = tpu.scan <sum>, %select_n3A_453 masked %reduce_sum3A_454 : vector<16xi32>, vector<16xi1> -> vector<16xi32>
        %reduce_sum3A_456 = vector.extract %reduce_sum3A_455[15] : i32 from vector<16xi32>
        %add3A_457 = arith.addi %scan3A_417, %reduce_sum3A_456 : i32
        %jit3A_458 = arith.constant 1 : i32
        %jit3A_459 = arith.constant 0 : i32
        %broadcast_in_dim3A_460 = vector.broadcast %jit3A_458 : i32 to vector<16xi32>
        %broadcast_in_dim3A_461 = vector.broadcast %jit3A_459 : i32 to vector<16xi32>
        %select_n3A_462 = arith.select %eq3A_440, %broadcast_in_dim3A_460, %broadcast_in_dim3A_461 : vector<16xi1>, vector<16xi32>
        %reduce_sum3A_463 = arith.constant true
        %reduce_sum3A_464 = vector.broadcast %reduce_sum3A_463 : i1 to vector<16xi1>
        %reduce_sum3A_465 = tpu.scan <sum>, %select_n3A_462 masked %reduce_sum3A_464 : vector<16xi32>, vector<16xi1> -> vector<16xi32>
        %reduce_sum3A_466 = vector.extract %reduce_sum3A_465[15] : i32 from vector<16xi32>
        %add3A_467 = arith.addi %scan3A_418, %reduce_sum3A_466 : i32
        scf.yield %add3A_457, %add3A_467 : i32, i32
      }
      %scan3A_76 = arith.constant 1250 : i32
      %add3A_77 = arith.constant 15 : i32
      %add3A_78 = arith.addi %scan3A_75#1, %add3A_77 : i32
      %jit3A_79 = arith.constant 16 : i32
      %div3A_80 = arith.divsi %add3A_78, %jit3A_79 : i32
      %sign3A_81 = arith.constant 0 : i32
      %sign3A_82 = arith.cmpi sgt, %add3A_78, %sign3A_81 : i32
      %sign3A_83 = arith.extui %sign3A_82 : i1 to i32
      %sign3A_84 = arith.constant 0 : i32
      %sign3A_85 = arith.cmpi slt, %add3A_78, %sign3A_84 : i32
      %sign3A_86 = arith.extui %sign3A_85 : i1 to i32
      %sign3A_87 = arith.subi %sign3A_83, %sign3A_86 : i32
      %sign3A_88 = arith.constant 0 : i32
      %sign3A_89 = arith.cmpi sgt, %jit3A_79, %sign3A_88 : i32
      %sign3A_90 = arith.extui %sign3A_89 : i1 to i32
      %sign3A_91 = arith.constant 0 : i32
      %sign3A_92 = arith.cmpi slt, %jit3A_79, %sign3A_91 : i32
      %sign3A_93 = arith.extui %sign3A_92 : i1 to i32
      %sign3A_94 = arith.subi %sign3A_90, %sign3A_93 : i32
      %ne3A_95 = arith.cmpi ne, %sign3A_87, %sign3A_94 : i32
      %rem3A_96 = arith.remsi %add3A_78, %jit3A_79 : i32
      %ne3A_97 = arith.constant 0 : i32
      %ne3A_98 = arith.cmpi ne, %rem3A_96, %ne3A_97 : i32
      %and3A_99 = arith.andi %ne3A_95, %ne3A_98 : i1
      %sub3A_100 = arith.constant 1 : i32
      %sub3A_101 = arith.subi %div3A_80, %sub3A_100 : i32
      %select_n3A_102 = arith.select %and3A_99, %sub3A_101, %div3A_80 : i32
      %add3A_103 = arith.addi %scan3A_67#2, %scan3A_75#1 : i32
      %gt3A = arith.constant 200 : i32
      %gt3A_104 = arith.cmpi sgt, %add3A_103, %gt3A : i32
      %convert_element_type3A = arith.extui %gt3A_104 : i1 to i32
      %cond3A = arith.constant 0 : i32
      %cond3A_105 = arith.constant 0 : i32
      %cond3A_106 = arith.cmpi ne, %convert_element_type3A, %cond3A_105 : i32
      %cond3A_107:2 = scf.if %cond3A_106 -> (i32, i32) {
        %broadcast_in_dim3A_416 = arith.constant 0 : i32
        %broadcast_in_dim3A_417 = vector.broadcast %broadcast_in_dim3A_416 : i32 to vector<16xi32>
        %scan3A_418 = arith.constant 0 : i32
        %scan3A_419 = arith.constant 0 : i32
        %scan3A_420 = arith.constant 256 : i32
        %scan3A_421 = arith.addi %scan3A_419, %scan3A_420 : i32
        %scan3A_422 = arith.constant 1 : i32
        %scan3A_423 = scf.for %scan3A_457 = %scan3A_419 to %scan3A_421 step %scan3A_422 iter_args(%scan3A_458 = %scan3A_418) -> (i32)  : i32 {
          %mul3A_459 = arith.constant 16 : i32
          %mul3A_460 = arith.muli %scan3A_457, %mul3A_459 : i32
          %swap3A_461 = arith.index_cast %mul3A_460 : i32 to index
          %swap3A_462 = tpu.vector_load %arg10[%swap3A_461] {strides = array<i32>} : memref<4096xi32, #tpu.memory_space<vmem>>, vector<16xi32>,
          tpu.vector_store %arg10[%swap3A_461], %broadcast_in_dim3A_417 {strides = array<i32>} : memref<4096xi32, #tpu.memory_space<vmem>>, vector<16xi32>,
          %scan3A_463 = arith.constant 0 : i32
          scf.yield %scan3A_463 : i32
        }
        %scan3A_424 = arith.constant 256 : i32
        %while3A_425 = arith.constant 0 : i32
        %while3A_426 = arith.constant 0 : i32
        %while3A_427 = arith.subi %select_n3A_102, %while3A_425 : i32
        %while3A_428 = arith.addi %while3A_425, %while3A_427 : i32
        %while3A_429 = arith.constant 1 : i32
        %while3A_430 = arith.divsi %while3A_427, %while3A_429 : i32
        %while3A_431 = arith.muli %while3A_430, %while3A_429 : i32
        %while3A_432 = arith.addi %while3A_425, %while3A_431 : i32
        %while3A_433 = arith.constant 1 : i32
        %while3A_434 = scf.for %while3A_457 = %while3A_425 to %while3A_432 step %while3A_433 iter_args(%while3A_458 = %while3A_426) -> (i32)  : i32 {
          %mul3A_459 = arith.constant 16 : i32
          %mul3A_460 = arith.muli %while3A_457, %mul3A_459 : i32
          %get3A_461 = arith.index_cast %mul3A_460 : i32 to index
          %get3A_462 = tpu.vector_load %arg6[%get3A_461] {strides = array<i32>} : memref<20016xi32, #tpu.memory_space<vmem>>, vector<16xi32>,
          %mul3A_463 = arith.constant 16 : i32
          %mul3A_464 = arith.muli %while3A_457, %mul3A_463 : i32
          %add3A_465 = vector.broadcast %mul3A_464 : i32 to vector<16xi32>
          %add3A_466 = arith.addi %add3A_465, %iota3A : vector<16xi32>
          %lt3A_467 = vector.broadcast %scan3A_75#1 : i32 to vector<16xi32>
          %lt3A_468 = arith.cmpi slt, %add3A_466, %lt3A_467 : vector<16xi32>
          %shift_right_logical3A = arith.constant 10 : i32
          %shift_right_logical3A_469 = vector.broadcast %shift_right_logical3A : i32 to vector<16xi32>
          %shift_right_logical3A_470 = arith.shrui %get3A_462, %shift_right_logical3A_469 : vector<16xi32>
          %and3A_471 = arith.constant 255 : i32
          %and3A_472 = vector.broadcast %and3A_471 : i32 to vector<16xi32>
          %and3A_473 = arith.andi %shift_right_logical3A_470, %and3A_472 : vector<16xi32>
          %mul3A_474 = arith.constant 16 : i32
          %mul3A_475 = vector.broadcast %mul3A_474 : i32 to vector<16xi32>
          %mul3A_476 = arith.muli %and3A_473, %mul3A_475 : vector<16xi32>
          %add3A_477 = arith.addi %mul3A_476, %iota3A : vector<16xi32>
          tpu.vector_store_idx %arg10[%add3A_477], %broadcast_in_dim3A_0 masked %lt3A_468 {add = true} : memref<4096xi32, #tpu.memory_space<vmem>>[vector<16xi32>], vector<16xi32>, vector<16xi1>
          %while3A_478 = arith.constant 0 : i32
          scf.yield %while3A_478 : i32
        }
        %while3A_435 = arith.constant 1 : i32
        %while3A_436 = scf.for %while3A_457 = %while3A_432 to %while3A_428 step %while3A_435 iter_args(%while3A_458 = %while3A_434) -> (i32)  : i32 {
          %mul3A_459 = arith.constant 16 : i32
          %mul3A_460 = arith.muli %while3A_457, %mul3A_459 : i32
          %get3A_461 = arith.index_cast %mul3A_460 : i32 to index
          %get3A_462 = tpu.vector_load %arg6[%get3A_461] {strides = array<i32>} : memref<20016xi32, #tpu.memory_space<vmem>>, vector<16xi32>,
          %mul3A_463 = arith.constant 16 : i32
          %mul3A_464 = arith.muli %while3A_457, %mul3A_463 : i32
          %add3A_465 = vector.broadcast %mul3A_464 : i32 to vector<16xi32>
          %add3A_466 = arith.addi %add3A_465, %iota3A : vector<16xi32>
          %lt3A_467 = vector.broadcast %scan3A_75#1 : i32 to vector<16xi32>
          %lt3A_468 = arith.cmpi slt, %add3A_466, %lt3A_467 : vector<16xi32>
          %shift_right_logical3A = arith.constant 10 : i32
          %shift_right_logical3A_469 = vector.broadcast %shift_right_logical3A : i32 to vector<16xi32>
          %shift_right_logical3A_470 = arith.shrui %get3A_462, %shift_right_logical3A_469 : vector<16xi32>
          %and3A_471 = arith.constant 255 : i32
          %and3A_472 = vector.broadcast %and3A_471 : i32 to vector<16xi32>
          %and3A_473 = arith.andi %shift_right_logical3A_470, %and3A_472 : vector<16xi32>
          %mul3A_474 = arith.constant 16 : i32
          %mul3A_475 = vector.broadcast %mul3A_474 : i32 to vector<16xi32>
          %mul3A_476 = arith.muli %and3A_473, %mul3A_475 : vector<16xi32>
          %add3A_477 = arith.addi %mul3A_476, %iota3A : vector<16xi32>
          tpu.vector_store_idx %arg10[%add3A_477], %broadcast_in_dim3A_0 masked %lt3A_468 {add = true} : memref<4096xi32, #tpu.memory_space<vmem>>[vector<16xi32>], vector<16xi32>, vector<16xi1>
          %while3A_478 = arith.constant 0 : i32
          scf.yield %while3A_478 : i32
        }
        %scan3A_437 = arith.constant 0 : i32
        %scan3A_438 = arith.constant 0 : i32
        %scan3A_439 = arith.constant 0 : i32
        %scan3A_440 = arith.constant 256 : i32
        %scan3A_441 = arith.addi %scan3A_439, %scan3A_440 : i32
        %scan3A_442 = arith.constant 1 : i32
        %scan3A_443:4 = scf.for %scan3A_457 = %scan3A_439 to %scan3A_441 step %scan3A_442 iter_args(%scan3A_458 = %scan3A_67#2, %scan3A_459 = %scan3A_437, %scan3A_460 = %scan3A_67#2, %scan3A_461 = %scan3A_438) -> (i32, i32, i32, i32)  : i32 {
          %sub3A_462 = arith.constant 255 : i32
          %sub3A_463 = arith.subi %sub3A_462, %scan3A_457 : i32
          %mul3A_464 = arith.constant 16 : i32
          %mul3A_465 = arith.muli %sub3A_463, %mul3A_464 : i32
          %get3A_466 = arith.index_cast %mul3A_465 : i32 to index
          %get3A_467 = tpu.vector_load %arg10[%get3A_466] {strides = array<i32>} : memref<4096xi32, #tpu.memory_space<vmem>>, vector<16xi32>,
          %reduce_sum3A = arith.constant true
          %reduce_sum3A_468 = vector.broadcast %reduce_sum3A : i1 to vector<16xi1>
          %reduce_sum3A_469 = tpu.scan <sum>, %get3A_467 masked %reduce_sum3A_468 : vector<16xi32>, vector<16xi1> -> vector<16xi32>
          %reduce_sum3A_470 = vector.extract %reduce_sum3A_469[15] : i32 from vector<16xi32>
          %lt3A_471 = arith.constant 200 : i32
          %lt3A_472 = arith.cmpi slt, %scan3A_458, %lt3A_471 : i32
          %add3A_473 = arith.addi %scan3A_458, %reduce_sum3A_470 : i32
          %ge3A = arith.constant 200 : i32
          %ge3A_474 = arith.cmpi sge, %add3A_473, %ge3A : i32
          %and3A_475 = arith.andi %lt3A_472, %ge3A_474 : i1
          %select_n3A_476 = arith.select %and3A_475, %sub3A_463, %scan3A_459 : i32
          %select_n3A_477 = arith.select %and3A_475, %scan3A_458, %scan3A_460 : i32
          %select_n3A_478 = arith.select %and3A_475, %reduce_sum3A_470, %scan3A_461 : i32
          %add3A_479 = arith.addi %scan3A_458, %reduce_sum3A_470 : i32
          scf.yield %add3A_479, %select_n3A_476, %select_n3A_477, %select_n3A_478 : i32, i32, i32, i32
        }
        %scan3A_444 = arith.constant 256 : i32
        %while3A_445 = arith.constant 0 : i32
        %while3A_446 = arith.constant 0 : i32
        %while3A_447 = arith.subi %select_n3A_102, %while3A_445 : i32
        %while3A_448 = arith.addi %while3A_445, %while3A_447 : i32
        %while3A_449 = arith.constant 1 : i32
        %while3A_450 = arith.divsi %while3A_447, %while3A_449 : i32
        %while3A_451 = arith.muli %while3A_450, %while3A_449 : i32
        %while3A_452 = arith.addi %while3A_445, %while3A_451 : i32
        %while3A_453 = arith.constant 1 : i32
        %while3A_454:2 = scf.for %while3A_457 = %while3A_445 to %while3A_452 step %while3A_453 iter_args(%while3A_458 = %scan3A_67#2, %while3A_459 = %while3A_446) -> (i32, i32)  : i32 {
          %mul3A_460 = arith.constant 16 : i32
          %mul3A_461 = arith.muli %while3A_457, %mul3A_460 : i32
          %get3A_462 = arith.index_cast %mul3A_461 : i32 to index
          %get3A_463 = tpu.vector_load %arg6[%get3A_462] {strides = array<i32>} : memref<20016xi32, #tpu.memory_space<vmem>>, vector<16xi32>,
          %mul3A_464 = arith.constant 16 : i32
          %mul3A_465 = arith.muli %while3A_457, %mul3A_464 : i32
          %get3A_466 = arith.index_cast %mul3A_465 : i32 to index
          %get3A_467 = tpu.vector_load %arg7[%get3A_466] {strides = array<i32>} : memref<20016xi32, #tpu.memory_space<vmem>>, vector<16xi32>,
          %mul3A_468 = arith.constant 16 : i32
          %mul3A_469 = arith.muli %while3A_457, %mul3A_468 : i32
          %add3A_470 = vector.broadcast %mul3A_469 : i32 to vector<16xi32>
          %add3A_471 = arith.addi %add3A_470, %iota3A : vector<16xi32>
          %lt3A_472 = vector.broadcast %scan3A_75#1 : i32 to vector<16xi32>
          %lt3A_473 = arith.cmpi slt, %add3A_471, %lt3A_472 : vector<16xi32>
          %shift_right_logical3A = arith.constant 10 : i32
          %shift_right_logical3A_474 = vector.broadcast %shift_right_logical3A : i32 to vector<16xi32>
          %shift_right_logical3A_475 = arith.shrui %get3A_463, %shift_right_logical3A_474 : vector<16xi32>
          %and3A_476 = arith.constant 255 : i32
          %and3A_477 = vector.broadcast %and3A_476 : i32 to vector<16xi32>
          %and3A_478 = arith.andi %shift_right_logical3A_475, %and3A_477 : vector<16xi32>
          %gt3A_479 = vector.broadcast %scan3A_443#1 : i32 to vector<16xi32>
          %gt3A_480 = arith.cmpi sgt, %and3A_478, %gt3A_479 : vector<16xi32>
          %and3A_481 = arith.andi %gt3A_480, %lt3A_473 : vector<16xi1>
          %eq3A = vector.broadcast %scan3A_443#1 : i32 to vector<16xi32>
          %eq3A_482 = arith.cmpi eq, %and3A_478, %eq3A : vector<16xi32>
          %and3A_483 = arith.andi %eq3A_482, %lt3A_473 : vector<16xi1>
          %swap3A_484 = arith.index_cast %while3A_458 : i32 to index
          %swap3A_485 = tpu.vector_load %arg11[%swap3A_484] masked %and3A_481 {strides = array<i32>} : memref<224xi32, #tpu.memory_space<vmem>>, vector<16xi32>, vector<16xi1>
          tpu.vector_store %arg11[%swap3A_484], %get3A_463 masked %and3A_481 {strides = array<i32>} : memref<224xi32, #tpu.memory_space<vmem>>, vector<16xi32>, vector<16xi1>
          %swap3A_486 = arith.index_cast %while3A_458 : i32 to index
          %swap3A_487 = tpu.vector_load %arg12[%swap3A_486] masked %and3A_481 {strides = array<i32>} : memref<224xi32, #tpu.memory_space<vmem>>, vector<16xi32>, vector<16xi1>
          tpu.vector_store %arg12[%swap3A_486], %get3A_467 masked %and3A_481 {strides = array<i32>} : memref<224xi32, #tpu.memory_space<vmem>>, vector<16xi32>, vector<16xi1>
          %swap3A_488 = arith.index_cast %while3A_459 : i32 to index
          %swap3A_489 = tpu.vector_load %arg8[%swap3A_488] masked %and3A_483 {strides = array<i32>} : memref<20016xi32, #tpu.memory_space<vmem>>, vector<16xi32>, vector<16xi1>
          tpu.vector_store %arg8[%swap3A_488], %get3A_463 masked %and3A_483 {strides = array<i32>} : memref<20016xi32, #tpu.memory_space<vmem>>, vector<16xi32>, vector<16xi1>
          %swap3A_490 = arith.index_cast %while3A_459 : i32 to index
          %swap3A_491 = tpu.vector_load %arg9[%swap3A_490] masked %and3A_483 {strides = array<i32>} : memref<20016xi32, #tpu.memory_space<vmem>>, vector<16xi32>, vector<16xi1>
          tpu.vector_store %arg9[%swap3A_490], %get3A_467 masked %and3A_483 {strides = array<i32>} : memref<20016xi32, #tpu.memory_space<vmem>>, vector<16xi32>, vector<16xi1>
          %jit3A_492 = arith.constant 1 : i32
          %jit3A_493 = arith.constant 0 : i32
          %broadcast_in_dim3A_494 = vector.broadcast %jit3A_492 : i32 to vector<16xi32>
          %broadcast_in_dim3A_495 = vector.broadcast %jit3A_493 : i32 to vector<16xi32>
          %select_n3A_496 = arith.select %and3A_481, %broadcast_in_dim3A_494, %broadcast_in_dim3A_495 : vector<16xi1>, vector<16xi32>
          %reduce_sum3A = arith.constant true
          %reduce_sum3A_497 = vector.broadcast %reduce_sum3A : i1 to vector<16xi1>
          %reduce_sum3A_498 = tpu.scan <sum>, %select_n3A_496 masked %reduce_sum3A_497 : vector<16xi32>, vector<16xi1> -> vector<16xi32>
          %reduce_sum3A_499 = vector.extract %reduce_sum3A_498[15] : i32 from vector<16xi32>
          %add3A_500 = arith.addi %while3A_458, %reduce_sum3A_499 : i32
          %jit3A_501 = arith.constant 1 : i32
          %jit3A_502 = arith.constant 0 : i32
          %broadcast_in_dim3A_503 = vector.broadcast %jit3A_501 : i32 to vector<16xi32>
          %broadcast_in_dim3A_504 = vector.broadcast %jit3A_502 : i32 to vector<16xi32>
          %select_n3A_505 = arith.select %and3A_483, %broadcast_in_dim3A_503, %broadcast_in_dim3A_504 : vector<16xi1>, vector<16xi32>
          %reduce_sum3A_506 = arith.constant true
          %reduce_sum3A_507 = vector.broadcast %reduce_sum3A_506 : i1 to vector<16xi1>
          %reduce_sum3A_508 = tpu.scan <sum>, %select_n3A_505 masked %reduce_sum3A_507 : vector<16xi32>, vector<16xi1> -> vector<16xi32>
          %reduce_sum3A_509 = vector.extract %reduce_sum3A_508[15] : i32 from vector<16xi32>
          %add3A_510 = arith.addi %while3A_459, %reduce_sum3A_509 : i32
          scf.yield %add3A_500, %add3A_510 : i32, i32
        }
        %while3A_455 = arith.constant 1 : i32
        %while3A_456:2 = scf.for %while3A_457 = %while3A_452 to %while3A_448 step %while3A_455 iter_args(%while3A_458 = %while3A_454#0, %while3A_459 = %while3A_454#1) -> (i32, i32)  : i32 {
          %mul3A_460 = arith.constant 16 : i32
          %mul3A_461 = arith.muli %while3A_457, %mul3A_460 : i32
          %get3A_462 = arith.index_cast %mul3A_461 : i32 to index
          %get3A_463 = tpu.vector_load %arg6[%get3A_462] {strides = array<i32>} : memref<20016xi32, #tpu.memory_space<vmem>>, vector<16xi32>,
          %mul3A_464 = arith.constant 16 : i32
          %mul3A_465 = arith.muli %while3A_457, %mul3A_464 : i32
          %get3A_466 = arith.index_cast %mul3A_465 : i32 to index
          %get3A_467 = tpu.vector_load %arg7[%get3A_466] {strides = array<i32>} : memref<20016xi32, #tpu.memory_space<vmem>>, vector<16xi32>,
          %mul3A_468 = arith.constant 16 : i32
          %mul3A_469 = arith.muli %while3A_457, %mul3A_468 : i32
          %add3A_470 = vector.broadcast %mul3A_469 : i32 to vector<16xi32>
          %add3A_471 = arith.addi %add3A_470, %iota3A : vector<16xi32>
          %lt3A_472 = vector.broadcast %scan3A_75#1 : i32 to vector<16xi32>
          %lt3A_473 = arith.cmpi slt, %add3A_471, %lt3A_472 : vector<16xi32>
          %shift_right_logical3A = arith.constant 10 : i32
          %shift_right_logical3A_474 = vector.broadcast %shift_right_logical3A : i32 to vector<16xi32>
          %shift_right_logical3A_475 = arith.shrui %get3A_463, %shift_right_logical3A_474 : vector<16xi32>
          %and3A_476 = arith.constant 255 : i32
          %and3A_477 = vector.broadcast %and3A_476 : i32 to vector<16xi32>
          %and3A_478 = arith.andi %shift_right_logical3A_475, %and3A_477 : vector<16xi32>
          %gt3A_479 = vector.broadcast %scan3A_443#1 : i32 to vector<16xi32>
          %gt3A_480 = arith.cmpi sgt, %and3A_478, %gt3A_479 : vector<16xi32>
          %and3A_481 = arith.andi %gt3A_480, %lt3A_473 : vector<16xi1>
          %eq3A = vector.broadcast %scan3A_443#1 : i32 to vector<16xi32>
          %eq3A_482 = arith.cmpi eq, %and3A_478, %eq3A : vector<16xi32>
          %and3A_483 = arith.andi %eq3A_482, %lt3A_473 : vector<16xi1>
          %swap3A_484 = arith.index_cast %while3A_458 : i32 to index
          %swap3A_485 = tpu.vector_load %arg11[%swap3A_484] masked %and3A_481 {strides = array<i32>} : memref<224xi32, #tpu.memory_space<vmem>>, vector<16xi32>, vector<16xi1>
          tpu.vector_store %arg11[%swap3A_484], %get3A_463 masked %and3A_481 {strides = array<i32>} : memref<224xi32, #tpu.memory_space<vmem>>, vector<16xi32>, vector<16xi1>
          %swap3A_486 = arith.index_cast %while3A_458 : i32 to index
          %swap3A_487 = tpu.vector_load %arg12[%swap3A_486] masked %and3A_481 {strides = array<i32>} : memref<224xi32, #tpu.memory_space<vmem>>, vector<16xi32>, vector<16xi1>
          tpu.vector_store %arg12[%swap3A_486], %get3A_467 masked %and3A_481 {strides = array<i32>} : memref<224xi32, #tpu.memory_space<vmem>>, vector<16xi32>, vector<16xi1>
          %swap3A_488 = arith.index_cast %while3A_459 : i32 to index
          %swap3A_489 = tpu.vector_load %arg8[%swap3A_488] masked %and3A_483 {strides = array<i32>} : memref<20016xi32, #tpu.memory_space<vmem>>, vector<16xi32>, vector<16xi1>
          tpu.vector_store %arg8[%swap3A_488], %get3A_463 masked %and3A_483 {strides = array<i32>} : memref<20016xi32, #tpu.memory_space<vmem>>, vector<16xi32>, vector<16xi1>
          %swap3A_490 = arith.index_cast %while3A_459 : i32 to index
          %swap3A_491 = tpu.vector_load %arg9[%swap3A_490] masked %and3A_483 {strides = array<i32>} : memref<20016xi32, #tpu.memory_space<vmem>>, vector<16xi32>, vector<16xi1>
          tpu.vector_store %arg9[%swap3A_490], %get3A_467 masked %and3A_483 {strides = array<i32>} : memref<20016xi32, #tpu.memory_space<vmem>>, vector<16xi32>, vector<16xi1>
          %jit3A_492 = arith.constant 1 : i32
          %jit3A_493 = arith.constant 0 : i32
          %broadcast_in_dim3A_494 = vector.broadcast %jit3A_492 : i32 to vector<16xi32>
          %broadcast_in_dim3A_495 = vector.broadcast %jit3A_493 : i32 to vector<16xi32>
          %select_n3A_496 = arith.select %and3A_481, %broadcast_in_dim3A_494, %broadcast_in_dim3A_495 : vector<16xi1>, vector<16xi32>
          %reduce_sum3A = arith.constant true
          %reduce_sum3A_497 = vector.broadcast %reduce_sum3A : i1 to vector<16xi1>
          %reduce_sum3A_498 = tpu.scan <sum>, %select_n3A_496 masked %reduce_sum3A_497 : vector<16xi32>, vector<16xi1> -> vector<16xi32>
          %reduce_sum3A_499 = vector.extract %reduce_sum3A_498[15] : i32 from vector<16xi32>
          %add3A_500 = arith.addi %while3A_458, %reduce_sum3A_499 : i32
          %jit3A_501 = arith.constant 1 : i32
          %jit3A_502 = arith.constant 0 : i32
          %broadcast_in_dim3A_503 = vector.broadcast %jit3A_501 : i32 to vector<16xi32>
          %broadcast_in_dim3A_504 = vector.broadcast %jit3A_502 : i32 to vector<16xi32>
          %select_n3A_505 = arith.select %and3A_483, %broadcast_in_dim3A_503, %broadcast_in_dim3A_504 : vector<16xi1>, vector<16xi32>
          %reduce_sum3A_506 = arith.constant true
          %reduce_sum3A_507 = vector.broadcast %reduce_sum3A_506 : i1 to vector<16xi1>
          %reduce_sum3A_508 = tpu.scan <sum>, %select_n3A_505 masked %reduce_sum3A_507 : vector<16xi32>, vector<16xi1> -> vector<16xi32>
          %reduce_sum3A_509 = vector.extract %reduce_sum3A_508[15] : i32 from vector<16xi32>
          %add3A_510 = arith.addi %while3A_459, %reduce_sum3A_509 : i32
          scf.yield %add3A_500, %add3A_510 : i32, i32
        }
        scf.yield %scan3A_443#2, %while3A_456#1 : i32, i32
      } else {
        %while3A_416 = arith.constant 0 : i32
        %while3A_417 = arith.constant 0 : i32
        %while3A_418 = arith.subi %select_n3A_102, %while3A_416 : i32
        %while3A_419 = arith.addi %while3A_416, %while3A_418 : i32
        %while3A_420 = arith.constant 1 : i32
        %while3A_421 = arith.divsi %while3A_418, %while3A_420 : i32
        %while3A_422 = arith.muli %while3A_421, %while3A_420 : i32
        %while3A_423 = arith.addi %while3A_416, %while3A_422 : i32
        %while3A_424 = arith.constant 1 : i32
        %while3A_425 = scf.for %while3A_428 = %while3A_416 to %while3A_423 step %while3A_424 iter_args(%while3A_429 = %while3A_417) -> (i32)  : i32 {
          %mul3A_430 = arith.constant 16 : i32
          %mul3A_431 = arith.muli %while3A_428, %mul3A_430 : i32
          %add3A_432 = vector.broadcast %mul3A_431 : i32 to vector<16xi32>
          %add3A_433 = arith.addi %add3A_432, %iota3A : vector<16xi32>
          %lt3A_434 = vector.broadcast %scan3A_75#1 : i32 to vector<16xi32>
          %lt3A_435 = arith.cmpi slt, %add3A_433, %lt3A_434 : vector<16xi32>
          %mul3A_436 = arith.constant 16 : i32
          %mul3A_437 = arith.muli %while3A_428, %mul3A_436 : i32
          %get3A_438 = arith.index_cast %mul3A_437 : i32 to index
          %get3A_439 = tpu.vector_load %arg6[%get3A_438] {strides = array<i32>} : memref<20016xi32, #tpu.memory_space<vmem>>, vector<16xi32>,
          %mul3A_440 = arith.constant 16 : i32
          %mul3A_441 = arith.muli %while3A_428, %mul3A_440 : i32
          %get3A_442 = arith.index_cast %mul3A_441 : i32 to index
          %get3A_443 = tpu.vector_load %arg7[%get3A_442] {strides = array<i32>} : memref<20016xi32, #tpu.memory_space<vmem>>, vector<16xi32>,
          %mul3A_444 = arith.constant 16 : i32
          %mul3A_445 = arith.muli %while3A_428, %mul3A_444 : i32
          %swap3A_446 = arith.index_cast %mul3A_445 : i32 to index
          %swap3A_447 = tpu.vector_load %arg8[%swap3A_446] {strides = array<i32>} : memref<20016xi32, #tpu.memory_space<vmem>>, vector<16xi32>,
          tpu.vector_store %arg8[%swap3A_446], %get3A_439 {strides = array<i32>} : memref<20016xi32, #tpu.memory_space<vmem>>, vector<16xi32>,
          %mul3A_448 = arith.constant 16 : i32
          %mul3A_449 = arith.muli %while3A_428, %mul3A_448 : i32
          %swap3A_450 = arith.index_cast %mul3A_449 : i32 to index
          %swap3A_451 = tpu.vector_load %arg9[%swap3A_450] {strides = array<i32>} : memref<20016xi32, #tpu.memory_space<vmem>>, vector<16xi32>,
          tpu.vector_store %arg9[%swap3A_450], %get3A_443 {strides = array<i32>} : memref<20016xi32, #tpu.memory_space<vmem>>, vector<16xi32>,
          %while3A_452 = arith.constant 0 : i32
          scf.yield %while3A_452 : i32
        }
        %while3A_426 = arith.constant 1 : i32
        %while3A_427 = scf.for %while3A_428 = %while3A_423 to %while3A_419 step %while3A_426 iter_args(%while3A_429 = %while3A_425) -> (i32)  : i32 {
          %mul3A_430 = arith.constant 16 : i32
          %mul3A_431 = arith.muli %while3A_428, %mul3A_430 : i32
          %add3A_432 = vector.broadcast %mul3A_431 : i32 to vector<16xi32>
          %add3A_433 = arith.addi %add3A_432, %iota3A : vector<16xi32>
          %lt3A_434 = vector.broadcast %scan3A_75#1 : i32 to vector<16xi32>
          %lt3A_435 = arith.cmpi slt, %add3A_433, %lt3A_434 : vector<16xi32>
          %mul3A_436 = arith.constant 16 : i32
          %mul3A_437 = arith.muli %while3A_428, %mul3A_436 : i32
          %get3A_438 = arith.index_cast %mul3A_437 : i32 to index
          %get3A_439 = tpu.vector_load %arg6[%get3A_438] {strides = array<i32>} : memref<20016xi32, #tpu.memory_space<vmem>>, vector<16xi32>,
          %mul3A_440 = arith.constant 16 : i32
          %mul3A_441 = arith.muli %while3A_428, %mul3A_440 : i32
          %get3A_442 = arith.index_cast %mul3A_441 : i32 to index
          %get3A_443 = tpu.vector_load %arg7[%get3A_442] {strides = array<i32>} : memref<20016xi32, #tpu.memory_space<vmem>>, vector<16xi32>,
          %mul3A_444 = arith.constant 16 : i32
          %mul3A_445 = arith.muli %while3A_428, %mul3A_444 : i32
          %swap3A_446 = arith.index_cast %mul3A_445 : i32 to index
          %swap3A_447 = tpu.vector_load %arg8[%swap3A_446] {strides = array<i32>} : memref<20016xi32, #tpu.memory_space<vmem>>, vector<16xi32>,
          tpu.vector_store %arg8[%swap3A_446], %get3A_439 {strides = array<i32>} : memref<20016xi32, #tpu.memory_space<vmem>>, vector<16xi32>,
          %mul3A_448 = arith.constant 16 : i32
          %mul3A_449 = arith.muli %while3A_428, %mul3A_448 : i32
          %swap3A_450 = arith.index_cast %mul3A_449 : i32 to index
          %swap3A_451 = tpu.vector_load %arg9[%swap3A_450] {strides = array<i32>} : memref<20016xi32, #tpu.memory_space<vmem>>, vector<16xi32>,
          tpu.vector_store %arg9[%swap3A_450], %get3A_443 {strides = array<i32>} : memref<20016xi32, #tpu.memory_space<vmem>>, vector<16xi32>,
          %while3A_452 = arith.constant 0 : i32
          scf.yield %while3A_452 : i32
        }
        scf.yield %scan3A_67#2, %scan3A_75#1 : i32, i32
      }
      %add3A_108 = arith.constant 15 : i32
      %add3A_109 = arith.addi %cond3A_107#1, %add3A_108 : i32
      %jit3A_110 = arith.constant 16 : i32
      %div3A_111 = arith.divsi %add3A_109, %jit3A_110 : i32
      %sign3A_112 = arith.constant 0 : i32
      %sign3A_113 = arith.cmpi sgt, %add3A_109, %sign3A_112 : i32
      %sign3A_114 = arith.extui %sign3A_113 : i1 to i32
      %sign3A_115 = arith.constant 0 : i32
      %sign3A_116 = arith.cmpi slt, %add3A_109, %sign3A_115 : i32
      %sign3A_117 = arith.extui %sign3A_116 : i1 to i32
      %sign3A_118 = arith.subi %sign3A_114, %sign3A_117 : i32
      %sign3A_119 = arith.constant 0 : i32
      %sign3A_120 = arith.cmpi sgt, %jit3A_110, %sign3A_119 : i32
      %sign3A_121 = arith.extui %sign3A_120 : i1 to i32
      %sign3A_122 = arith.constant 0 : i32
      %sign3A_123 = arith.cmpi slt, %jit3A_110, %sign3A_122 : i32
      %sign3A_124 = arith.extui %sign3A_123 : i1 to i32
      %sign3A_125 = arith.subi %sign3A_121, %sign3A_124 : i32
      %ne3A_126 = arith.cmpi ne, %sign3A_118, %sign3A_125 : i32
      %rem3A_127 = arith.remsi %add3A_109, %jit3A_110 : i32
      %ne3A_128 = arith.constant 0 : i32
      %ne3A_129 = arith.cmpi ne, %rem3A_127, %ne3A_128 : i32
      %and3A_130 = arith.andi %ne3A_126, %ne3A_129 : i1
      %sub3A_131 = arith.constant 1 : i32
      %sub3A_132 = arith.subi %div3A_111, %sub3A_131 : i32
      %select_n3A_133 = arith.select %and3A_130, %sub3A_132, %div3A_111 : i32
      %add3A_134 = arith.addi %cond3A_107#0, %cond3A_107#1 : i32
      %gt3A_135 = arith.constant 200 : i32
      %gt3A_136 = arith.cmpi sgt, %add3A_134, %gt3A_135 : i32
      %convert_element_type3A_137 = arith.extui %gt3A_136 : i1 to i32
      %cond3A_138 = arith.constant 0 : i32
      %cond3A_139 = arith.constant 0 : i32
      %cond3A_140 = arith.cmpi ne, %convert_element_type3A_137, %cond3A_139 : i32
      %cond3A_141:2 = scf.if %cond3A_140 -> (i32, i32) {
        %broadcast_in_dim3A_416 = arith.constant 0 : i32
        %broadcast_in_dim3A_417 = vector.broadcast %broadcast_in_dim3A_416 : i32 to vector<16xi32>
        %scan3A_418 = arith.constant 0 : i32
        %scan3A_419 = arith.constant 0 : i32
        %scan3A_420 = arith.constant 256 : i32
        %scan3A_421 = arith.addi %scan3A_419, %scan3A_420 : i32
        %scan3A_422 = arith.constant 1 : i32
        %scan3A_423 = scf.for %scan3A_457 = %scan3A_419 to %scan3A_421 step %scan3A_422 iter_args(%scan3A_458 = %scan3A_418) -> (i32)  : i32 {
          %mul3A_459 = arith.constant 16 : i32
          %mul3A_460 = arith.muli %scan3A_457, %mul3A_459 : i32
          %swap3A_461 = arith.index_cast %mul3A_460 : i32 to index
          %swap3A_462 = tpu.vector_load %arg10[%swap3A_461] {strides = array<i32>} : memref<4096xi32, #tpu.memory_space<vmem>>, vector<16xi32>,
          tpu.vector_store %arg10[%swap3A_461], %broadcast_in_dim3A_417 {strides = array<i32>} : memref<4096xi32, #tpu.memory_space<vmem>>, vector<16xi32>,
          %scan3A_463 = arith.constant 0 : i32
          scf.yield %scan3A_463 : i32
        }
        %scan3A_424 = arith.constant 256 : i32
        %while3A_425 = arith.constant 0 : i32
        %while3A_426 = arith.constant 0 : i32
        %while3A_427 = arith.subi %select_n3A_133, %while3A_425 : i32
        %while3A_428 = arith.addi %while3A_425, %while3A_427 : i32
        %while3A_429 = arith.constant 1 : i32
        %while3A_430 = arith.divsi %while3A_427, %while3A_429 : i32
        %while3A_431 = arith.muli %while3A_430, %while3A_429 : i32
        %while3A_432 = arith.addi %while3A_425, %while3A_431 : i32
        %while3A_433 = arith.constant 1 : i32
        %while3A_434 = scf.for %while3A_457 = %while3A_425 to %while3A_432 step %while3A_433 iter_args(%while3A_458 = %while3A_426) -> (i32)  : i32 {
          %mul3A_459 = arith.constant 16 : i32
          %mul3A_460 = arith.muli %while3A_457, %mul3A_459 : i32
          %get3A_461 = arith.index_cast %mul3A_460 : i32 to index
          %get3A_462 = tpu.vector_load %arg8[%get3A_461] {strides = array<i32>} : memref<20016xi32, #tpu.memory_space<vmem>>, vector<16xi32>,
          %mul3A_463 = arith.constant 16 : i32
          %mul3A_464 = arith.muli %while3A_457, %mul3A_463 : i32
          %add3A_465 = vector.broadcast %mul3A_464 : i32 to vector<16xi32>
          %add3A_466 = arith.addi %add3A_465, %iota3A : vector<16xi32>
          %lt3A_467 = vector.broadcast %cond3A_107#1 : i32 to vector<16xi32>
          %lt3A_468 = arith.cmpi slt, %add3A_466, %lt3A_467 : vector<16xi32>
          %shift_right_logical3A = arith.constant 2 : i32
          %shift_right_logical3A_469 = vector.broadcast %shift_right_logical3A : i32 to vector<16xi32>
          %shift_right_logical3A_470 = arith.shrui %get3A_462, %shift_right_logical3A_469 : vector<16xi32>
          %and3A_471 = arith.constant 255 : i32
          %and3A_472 = vector.broadcast %and3A_471 : i32 to vector<16xi32>
          %and3A_473 = arith.andi %shift_right_logical3A_470, %and3A_472 : vector<16xi32>
          %mul3A_474 = arith.constant 16 : i32
          %mul3A_475 = vector.broadcast %mul3A_474 : i32 to vector<16xi32>
          %mul3A_476 = arith.muli %and3A_473, %mul3A_475 : vector<16xi32>
          %add3A_477 = arith.addi %mul3A_476, %iota3A : vector<16xi32>
          tpu.vector_store_idx %arg10[%add3A_477], %broadcast_in_dim3A_0 masked %lt3A_468 {add = true} : memref<4096xi32, #tpu.memory_space<vmem>>[vector<16xi32>], vector<16xi32>, vector<16xi1>
          %while3A_478 = arith.constant 0 : i32
          scf.yield %while3A_478 : i32
        }
        %while3A_435 = arith.constant 1 : i32
        %while3A_436 = scf.for %while3A_457 = %while3A_432 to %while3A_428 step %while3A_435 iter_args(%while3A_458 = %while3A_434) -> (i32)  : i32 {
          %mul3A_459 = arith.constant 16 : i32
          %mul3A_460 = arith.muli %while3A_457, %mul3A_459 : i32
          %get3A_461 = arith.index_cast %mul3A_460 : i32 to index
          %get3A_462 = tpu.vector_load %arg8[%get3A_461] {strides = array<i32>} : memref<20016xi32, #tpu.memory_space<vmem>>, vector<16xi32>,
          %mul3A_463 = arith.constant 16 : i32
          %mul3A_464 = arith.muli %while3A_457, %mul3A_463 : i32
          %add3A_465 = vector.broadcast %mul3A_464 : i32 to vector<16xi32>
          %add3A_466 = arith.addi %add3A_465, %iota3A : vector<16xi32>
          %lt3A_467 = vector.broadcast %cond3A_107#1 : i32 to vector<16xi32>
          %lt3A_468 = arith.cmpi slt, %add3A_466, %lt3A_467 : vector<16xi32>
          %shift_right_logical3A = arith.constant 2 : i32
          %shift_right_logical3A_469 = vector.broadcast %shift_right_logical3A : i32 to vector<16xi32>
          %shift_right_logical3A_470 = arith.shrui %get3A_462, %shift_right_logical3A_469 : vector<16xi32>
          %and3A_471 = arith.constant 255 : i32
          %and3A_472 = vector.broadcast %and3A_471 : i32 to vector<16xi32>
          %and3A_473 = arith.andi %shift_right_logical3A_470, %and3A_472 : vector<16xi32>
          %mul3A_474 = arith.constant 16 : i32
          %mul3A_475 = vector.broadcast %mul3A_474 : i32 to vector<16xi32>
          %mul3A_476 = arith.muli %and3A_473, %mul3A_475 : vector<16xi32>
          %add3A_477 = arith.addi %mul3A_476, %iota3A : vector<16xi32>
          tpu.vector_store_idx %arg10[%add3A_477], %broadcast_in_dim3A_0 masked %lt3A_468 {add = true} : memref<4096xi32, #tpu.memory_space<vmem>>[vector<16xi32>], vector<16xi32>, vector<16xi1>
          %while3A_478 = arith.constant 0 : i32
          scf.yield %while3A_478 : i32
        }
        %scan3A_437 = arith.constant 0 : i32
        %scan3A_438 = arith.constant 0 : i32
        %scan3A_439 = arith.constant 0 : i32
        %scan3A_440 = arith.constant 256 : i32
        %scan3A_441 = arith.addi %scan3A_439, %scan3A_440 : i32
        %scan3A_442 = arith.constant 1 : i32
        %scan3A_443:4 = scf.for %scan3A_457 = %scan3A_439 to %scan3A_441 step %scan3A_442 iter_args(%scan3A_458 = %cond3A_107#0, %scan3A_459 = %scan3A_437, %scan3A_460 = %cond3A_107#0, %scan3A_461 = %scan3A_438) -> (i32, i32, i32, i32)  : i32 {
          %sub3A_462 = arith.constant 255 : i32
          %sub3A_463 = arith.subi %sub3A_462, %scan3A_457 : i32
          %mul3A_464 = arith.constant 16 : i32
          %mul3A_465 = arith.muli %sub3A_463, %mul3A_464 : i32
          %get3A_466 = arith.index_cast %mul3A_465 : i32 to index
          %get3A_467 = tpu.vector_load %arg10[%get3A_466] {strides = array<i32>} : memref<4096xi32, #tpu.memory_space<vmem>>, vector<16xi32>,
          %reduce_sum3A = arith.constant true
          %reduce_sum3A_468 = vector.broadcast %reduce_sum3A : i1 to vector<16xi1>
          %reduce_sum3A_469 = tpu.scan <sum>, %get3A_467 masked %reduce_sum3A_468 : vector<16xi32>, vector<16xi1> -> vector<16xi32>
          %reduce_sum3A_470 = vector.extract %reduce_sum3A_469[15] : i32 from vector<16xi32>
          %lt3A_471 = arith.constant 200 : i32
          %lt3A_472 = arith.cmpi slt, %scan3A_458, %lt3A_471 : i32
          %add3A_473 = arith.addi %scan3A_458, %reduce_sum3A_470 : i32
          %ge3A = arith.constant 200 : i32
          %ge3A_474 = arith.cmpi sge, %add3A_473, %ge3A : i32
          %and3A_475 = arith.andi %lt3A_472, %ge3A_474 : i1
          %select_n3A_476 = arith.select %and3A_475, %sub3A_463, %scan3A_459 : i32
          %select_n3A_477 = arith.select %and3A_475, %scan3A_458, %scan3A_460 : i32
          %select_n3A_478 = arith.select %and3A_475, %reduce_sum3A_470, %scan3A_461 : i32
          %add3A_479 = arith.addi %scan3A_458, %reduce_sum3A_470 : i32
          scf.yield %add3A_479, %select_n3A_476, %select_n3A_477, %select_n3A_478 : i32, i32, i32, i32
        }
        %scan3A_444 = arith.constant 256 : i32
        %while3A_445 = arith.constant 0 : i32
        %while3A_446 = arith.constant 0 : i32
        %while3A_447 = arith.subi %select_n3A_133, %while3A_445 : i32
        %while3A_448 = arith.addi %while3A_445, %while3A_447 : i32
        %while3A_449 = arith.constant 1 : i32
        %while3A_450 = arith.divsi %while3A_447, %while3A_449 : i32
        %while3A_451 = arith.muli %while3A_450, %while3A_449 : i32
        %while3A_452 = arith.addi %while3A_445, %while3A_451 : i32
        %while3A_453 = arith.constant 1 : i32
        %while3A_454:2 = scf.for %while3A_457 = %while3A_445 to %while3A_452 step %while3A_453 iter_args(%while3A_458 = %cond3A_107#0, %while3A_459 = %while3A_446) -> (i32, i32)  : i32 {
          %mul3A_460 = arith.constant 16 : i32
          %mul3A_461 = arith.muli %while3A_457, %mul3A_460 : i32
          %get3A_462 = arith.index_cast %mul3A_461 : i32 to index
          %get3A_463 = tpu.vector_load %arg8[%get3A_462] {strides = array<i32>} : memref<20016xi32, #tpu.memory_space<vmem>>, vector<16xi32>,
          %mul3A_464 = arith.constant 16 : i32
          %mul3A_465 = arith.muli %while3A_457, %mul3A_464 : i32
          %get3A_466 = arith.index_cast %mul3A_465 : i32 to index
          %get3A_467 = tpu.vector_load %arg9[%get3A_466] {strides = array<i32>} : memref<20016xi32, #tpu.memory_space<vmem>>, vector<16xi32>,
          %mul3A_468 = arith.constant 16 : i32
          %mul3A_469 = arith.muli %while3A_457, %mul3A_468 : i32
          %add3A_470 = vector.broadcast %mul3A_469 : i32 to vector<16xi32>
          %add3A_471 = arith.addi %add3A_470, %iota3A : vector<16xi32>
          %lt3A_472 = vector.broadcast %cond3A_107#1 : i32 to vector<16xi32>
          %lt3A_473 = arith.cmpi slt, %add3A_471, %lt3A_472 : vector<16xi32>
          %shift_right_logical3A = arith.constant 2 : i32
          %shift_right_logical3A_474 = vector.broadcast %shift_right_logical3A : i32 to vector<16xi32>
          %shift_right_logical3A_475 = arith.shrui %get3A_463, %shift_right_logical3A_474 : vector<16xi32>
          %and3A_476 = arith.constant 255 : i32
          %and3A_477 = vector.broadcast %and3A_476 : i32 to vector<16xi32>
          %and3A_478 = arith.andi %shift_right_logical3A_475, %and3A_477 : vector<16xi32>
          %gt3A_479 = vector.broadcast %scan3A_443#1 : i32 to vector<16xi32>
          %gt3A_480 = arith.cmpi sgt, %and3A_478, %gt3A_479 : vector<16xi32>
          %and3A_481 = arith.andi %gt3A_480, %lt3A_473 : vector<16xi1>
          %eq3A = vector.broadcast %scan3A_443#1 : i32 to vector<16xi32>
          %eq3A_482 = arith.cmpi eq, %and3A_478, %eq3A : vector<16xi32>
          %and3A_483 = arith.andi %eq3A_482, %lt3A_473 : vector<16xi1>
          %swap3A_484 = arith.index_cast %while3A_458 : i32 to index
          %swap3A_485 = tpu.vector_load %arg11[%swap3A_484] masked %and3A_481 {strides = array<i32>} : memref<224xi32, #tpu.memory_space<vmem>>, vector<16xi32>, vector<16xi1>
          tpu.vector_store %arg11[%swap3A_484], %get3A_463 masked %and3A_481 {strides = array<i32>} : memref<224xi32, #tpu.memory_space<vmem>>, vector<16xi32>, vector<16xi1>
          %swap3A_486 = arith.index_cast %while3A_458 : i32 to index
          %swap3A_487 = tpu.vector_load %arg12[%swap3A_486] masked %and3A_481 {strides = array<i32>} : memref<224xi32, #tpu.memory_space<vmem>>, vector<16xi32>, vector<16xi1>
          tpu.vector_store %arg12[%swap3A_486], %get3A_467 masked %and3A_481 {strides = array<i32>} : memref<224xi32, #tpu.memory_space<vmem>>, vector<16xi32>, vector<16xi1>
          %swap3A_488 = arith.index_cast %while3A_459 : i32 to index
          %swap3A_489 = tpu.vector_load %arg6[%swap3A_488] masked %and3A_483 {strides = array<i32>} : memref<20016xi32, #tpu.memory_space<vmem>>, vector<16xi32>, vector<16xi1>
          tpu.vector_store %arg6[%swap3A_488], %get3A_463 masked %and3A_483 {strides = array<i32>} : memref<20016xi32, #tpu.memory_space<vmem>>, vector<16xi32>, vector<16xi1>
          %swap3A_490 = arith.index_cast %while3A_459 : i32 to index
          %swap3A_491 = tpu.vector_load %arg7[%swap3A_490] masked %and3A_483 {strides = array<i32>} : memref<20016xi32, #tpu.memory_space<vmem>>, vector<16xi32>, vector<16xi1>
          tpu.vector_store %arg7[%swap3A_490], %get3A_467 masked %and3A_483 {strides = array<i32>} : memref<20016xi32, #tpu.memory_space<vmem>>, vector<16xi32>, vector<16xi1>
          %jit3A_492 = arith.constant 1 : i32
          %jit3A_493 = arith.constant 0 : i32
          %broadcast_in_dim3A_494 = vector.broadcast %jit3A_492 : i32 to vector<16xi32>
          %broadcast_in_dim3A_495 = vector.broadcast %jit3A_493 : i32 to vector<16xi32>
          %select_n3A_496 = arith.select %and3A_481, %broadcast_in_dim3A_494, %broadcast_in_dim3A_495 : vector<16xi1>, vector<16xi32>
          %reduce_sum3A = arith.constant true
          %reduce_sum3A_497 = vector.broadcast %reduce_sum3A : i1 to vector<16xi1>
          %reduce_sum3A_498 = tpu.scan <sum>, %select_n3A_496 masked %reduce_sum3A_497 : vector<16xi32>, vector<16xi1> -> vector<16xi32>
          %reduce_sum3A_499 = vector.extract %reduce_sum3A_498[15] : i32 from vector<16xi32>
          %add3A_500 = arith.addi %while3A_458, %reduce_sum3A_499 : i32
          %jit3A_501 = arith.constant 1 : i32
          %jit3A_502 = arith.constant 0 : i32
          %broadcast_in_dim3A_503 = vector.broadcast %jit3A_501 : i32 to vector<16xi32>
          %broadcast_in_dim3A_504 = vector.broadcast %jit3A_502 : i32 to vector<16xi32>
          %select_n3A_505 = arith.select %and3A_483, %broadcast_in_dim3A_503, %broadcast_in_dim3A_504 : vector<16xi1>, vector<16xi32>
          %reduce_sum3A_506 = arith.constant true
          %reduce_sum3A_507 = vector.broadcast %reduce_sum3A_506 : i1 to vector<16xi1>
          %reduce_sum3A_508 = tpu.scan <sum>, %select_n3A_505 masked %reduce_sum3A_507 : vector<16xi32>, vector<16xi1> -> vector<16xi32>
          %reduce_sum3A_509 = vector.extract %reduce_sum3A_508[15] : i32 from vector<16xi32>
          %add3A_510 = arith.addi %while3A_459, %reduce_sum3A_509 : i32
          scf.yield %add3A_500, %add3A_510 : i32, i32
        }
        %while3A_455 = arith.constant 1 : i32
        %while3A_456:2 = scf.for %while3A_457 = %while3A_452 to %while3A_448 step %while3A_455 iter_args(%while3A_458 = %while3A_454#0, %while3A_459 = %while3A_454#1) -> (i32, i32)  : i32 {
          %mul3A_460 = arith.constant 16 : i32
          %mul3A_461 = arith.muli %while3A_457, %mul3A_460 : i32
          %get3A_462 = arith.index_cast %mul3A_461 : i32 to index
          %get3A_463 = tpu.vector_load %arg8[%get3A_462] {strides = array<i32>} : memref<20016xi32, #tpu.memory_space<vmem>>, vector<16xi32>,
          %mul3A_464 = arith.constant 16 : i32
          %mul3A_465 = arith.muli %while3A_457, %mul3A_464 : i32
          %get3A_466 = arith.index_cast %mul3A_465 : i32 to index
          %get3A_467 = tpu.vector_load %arg9[%get3A_466] {strides = array<i32>} : memref<20016xi32, #tpu.memory_space<vmem>>, vector<16xi32>,
          %mul3A_468 = arith.constant 16 : i32
          %mul3A_469 = arith.muli %while3A_457, %mul3A_468 : i32
          %add3A_470 = vector.broadcast %mul3A_469 : i32 to vector<16xi32>
          %add3A_471 = arith.addi %add3A_470, %iota3A : vector<16xi32>
          %lt3A_472 = vector.broadcast %cond3A_107#1 : i32 to vector<16xi32>
          %lt3A_473 = arith.cmpi slt, %add3A_471, %lt3A_472 : vector<16xi32>
          %shift_right_logical3A = arith.constant 2 : i32
          %shift_right_logical3A_474 = vector.broadcast %shift_right_logical3A : i32 to vector<16xi32>
          %shift_right_logical3A_475 = arith.shrui %get3A_463, %shift_right_logical3A_474 : vector<16xi32>
          %and3A_476 = arith.constant 255 : i32
          %and3A_477 = vector.broadcast %and3A_476 : i32 to vector<16xi32>
          %and3A_478 = arith.andi %shift_right_logical3A_475, %and3A_477 : vector<16xi32>
          %gt3A_479 = vector.broadcast %scan3A_443#1 : i32 to vector<16xi32>
          %gt3A_480 = arith.cmpi sgt, %and3A_478, %gt3A_479 : vector<16xi32>
          %and3A_481 = arith.andi %gt3A_480, %lt3A_473 : vector<16xi1>
          %eq3A = vector.broadcast %scan3A_443#1 : i32 to vector<16xi32>
          %eq3A_482 = arith.cmpi eq, %and3A_478, %eq3A : vector<16xi32>
          %and3A_483 = arith.andi %eq3A_482, %lt3A_473 : vector<16xi1>
          %swap3A_484 = arith.index_cast %while3A_458 : i32 to index
          %swap3A_485 = tpu.vector_load %arg11[%swap3A_484] masked %and3A_481 {strides = array<i32>} : memref<224xi32, #tpu.memory_space<vmem>>, vector<16xi32>, vector<16xi1>
          tpu.vector_store %arg11[%swap3A_484], %get3A_463 masked %and3A_481 {strides = array<i32>} : memref<224xi32, #tpu.memory_space<vmem>>, vector<16xi32>, vector<16xi1>
          %swap3A_486 = arith.index_cast %while3A_458 : i32 to index
          %swap3A_487 = tpu.vector_load %arg12[%swap3A_486] masked %and3A_481 {strides = array<i32>} : memref<224xi32, #tpu.memory_space<vmem>>, vector<16xi32>, vector<16xi1>
          tpu.vector_store %arg12[%swap3A_486], %get3A_467 masked %and3A_481 {strides = array<i32>} : memref<224xi32, #tpu.memory_space<vmem>>, vector<16xi32>, vector<16xi1>
          %swap3A_488 = arith.index_cast %while3A_459 : i32 to index
          %swap3A_489 = tpu.vector_load %arg6[%swap3A_488] masked %and3A_483 {strides = array<i32>} : memref<20016xi32, #tpu.memory_space<vmem>>, vector<16xi32>, vector<16xi1>
          tpu.vector_store %arg6[%swap3A_488], %get3A_463 masked %and3A_483 {strides = array<i32>} : memref<20016xi32, #tpu.memory_space<vmem>>, vector<16xi32>, vector<16xi1>
          %swap3A_490 = arith.index_cast %while3A_459 : i32 to index
          %swap3A_491 = tpu.vector_load %arg7[%swap3A_490] masked %and3A_483 {strides = array<i32>} : memref<20016xi32, #tpu.memory_space<vmem>>, vector<16xi32>, vector<16xi1>
          tpu.vector_store %arg7[%swap3A_490], %get3A_467 masked %and3A_483 {strides = array<i32>} : memref<20016xi32, #tpu.memory_space<vmem>>, vector<16xi32>, vector<16xi1>
          %jit3A_492 = arith.constant 1 : i32
          %jit3A_493 = arith.constant 0 : i32
          %broadcast_in_dim3A_494 = vector.broadcast %jit3A_492 : i32 to vector<16xi32>
          %broadcast_in_dim3A_495 = vector.broadcast %jit3A_493 : i32 to vector<16xi32>
          %select_n3A_496 = arith.select %and3A_481, %broadcast_in_dim3A_494, %broadcast_in_dim3A_495 : vector<16xi1>, vector<16xi32>
          %reduce_sum3A = arith.constant true
          %reduce_sum3A_497 = vector.broadcast %reduce_sum3A : i1 to vector<16xi1>
          %reduce_sum3A_498 = tpu.scan <sum>, %select_n3A_496 masked %reduce_sum3A_497 : vector<16xi32>, vector<16xi1> -> vector<16xi32>
          %reduce_sum3A_499 = vector.extract %reduce_sum3A_498[15] : i32 from vector<16xi32>
          %add3A_500 = arith.addi %while3A_458, %reduce_sum3A_499 : i32
          %jit3A_501 = arith.constant 1 : i32
          %jit3A_502 = arith.constant 0 : i32
          %broadcast_in_dim3A_503 = vector.broadcast %jit3A_501 : i32 to vector<16xi32>
          %broadcast_in_dim3A_504 = vector.broadcast %jit3A_502 : i32 to vector<16xi32>
          %select_n3A_505 = arith.select %and3A_483, %broadcast_in_dim3A_503, %broadcast_in_dim3A_504 : vector<16xi1>, vector<16xi32>
          %reduce_sum3A_506 = arith.constant true
          %reduce_sum3A_507 = vector.broadcast %reduce_sum3A_506 : i1 to vector<16xi1>
          %reduce_sum3A_508 = tpu.scan <sum>, %select_n3A_505 masked %reduce_sum3A_507 : vector<16xi32>, vector<16xi1> -> vector<16xi32>
          %reduce_sum3A_509 = vector.extract %reduce_sum3A_508[15] : i32 from vector<16xi32>
          %add3A_510 = arith.addi %while3A_459, %reduce_sum3A_509 : i32
          scf.yield %add3A_500, %add3A_510 : i32, i32
        }
        scf.yield %scan3A_443#2, %while3A_456#1 : i32, i32
      } else {
        %while3A_416 = arith.constant 0 : i32
        %while3A_417 = arith.constant 0 : i32
        %while3A_418 = arith.subi %select_n3A_133, %while3A_416 : i32
        %while3A_419 = arith.addi %while3A_416, %while3A_418 : i32
        %while3A_420 = arith.constant 1 : i32
        %while3A_421 = arith.divsi %while3A_418, %while3A_420 : i32
        %while3A_422 = arith.muli %while3A_421, %while3A_420 : i32
        %while3A_423 = arith.addi %while3A_416, %while3A_422 : i32
        %while3A_424 = arith.constant 1 : i32
        %while3A_425 = scf.for %while3A_428 = %while3A_416 to %while3A_423 step %while3A_424 iter_args(%while3A_429 = %while3A_417) -> (i32)  : i32 {
          %mul3A_430 = arith.constant 16 : i32
          %mul3A_431 = arith.muli %while3A_428, %mul3A_430 : i32
          %add3A_432 = vector.broadcast %mul3A_431 : i32 to vector<16xi32>
          %add3A_433 = arith.addi %add3A_432, %iota3A : vector<16xi32>
          %lt3A_434 = vector.broadcast %cond3A_107#1 : i32 to vector<16xi32>
          %lt3A_435 = arith.cmpi slt, %add3A_433, %lt3A_434 : vector<16xi32>
          %mul3A_436 = arith.constant 16 : i32
          %mul3A_437 = arith.muli %while3A_428, %mul3A_436 : i32
          %get3A_438 = arith.index_cast %mul3A_437 : i32 to index
          %get3A_439 = tpu.vector_load %arg8[%get3A_438] {strides = array<i32>} : memref<20016xi32, #tpu.memory_space<vmem>>, vector<16xi32>,
          %mul3A_440 = arith.constant 16 : i32
          %mul3A_441 = arith.muli %while3A_428, %mul3A_440 : i32
          %get3A_442 = arith.index_cast %mul3A_441 : i32 to index
          %get3A_443 = tpu.vector_load %arg9[%get3A_442] {strides = array<i32>} : memref<20016xi32, #tpu.memory_space<vmem>>, vector<16xi32>,
          %mul3A_444 = arith.constant 16 : i32
          %mul3A_445 = arith.muli %while3A_428, %mul3A_444 : i32
          %swap3A_446 = arith.index_cast %mul3A_445 : i32 to index
          %swap3A_447 = tpu.vector_load %arg6[%swap3A_446] {strides = array<i32>} : memref<20016xi32, #tpu.memory_space<vmem>>, vector<16xi32>,
          tpu.vector_store %arg6[%swap3A_446], %get3A_439 {strides = array<i32>} : memref<20016xi32, #tpu.memory_space<vmem>>, vector<16xi32>,
          %mul3A_448 = arith.constant 16 : i32
          %mul3A_449 = arith.muli %while3A_428, %mul3A_448 : i32
          %swap3A_450 = arith.index_cast %mul3A_449 : i32 to index
          %swap3A_451 = tpu.vector_load %arg7[%swap3A_450] {strides = array<i32>} : memref<20016xi32, #tpu.memory_space<vmem>>, vector<16xi32>,
          tpu.vector_store %arg7[%swap3A_450], %get3A_443 {strides = array<i32>} : memref<20016xi32, #tpu.memory_space<vmem>>, vector<16xi32>,
          %while3A_452 = arith.constant 0 : i32
          scf.yield %while3A_452 : i32
        }
        %while3A_426 = arith.constant 1 : i32
        %while3A_427 = scf.for %while3A_428 = %while3A_423 to %while3A_419 step %while3A_426 iter_args(%while3A_429 = %while3A_425) -> (i32)  : i32 {
          %mul3A_430 = arith.constant 16 : i32
          %mul3A_431 = arith.muli %while3A_428, %mul3A_430 : i32
          %add3A_432 = vector.broadcast %mul3A_431 : i32 to vector<16xi32>
          %add3A_433 = arith.addi %add3A_432, %iota3A : vector<16xi32>
          %lt3A_434 = vector.broadcast %cond3A_107#1 : i32 to vector<16xi32>
          %lt3A_435 = arith.cmpi slt, %add3A_433, %lt3A_434 : vector<16xi32>
          %mul3A_436 = arith.constant 16 : i32
          %mul3A_437 = arith.muli %while3A_428, %mul3A_436 : i32
          %get3A_438 = arith.index_cast %mul3A_437 : i32 to index
          %get3A_439 = tpu.vector_load %arg8[%get3A_438] {strides = array<i32>} : memref<20016xi32, #tpu.memory_space<vmem>>, vector<16xi32>,
          %mul3A_440 = arith.constant 16 : i32
          %mul3A_441 = arith.muli %while3A_428, %mul3A_440 : i32
          %get3A_442 = arith.index_cast %mul3A_441 : i32 to index
          %get3A_443 = tpu.vector_load %arg9[%get3A_442] {strides = array<i32>} : memref<20016xi32, #tpu.memory_space<vmem>>, vector<16xi32>,
          %mul3A_444 = arith.constant 16 : i32
          %mul3A_445 = arith.muli %while3A_428, %mul3A_444 : i32
          %swap3A_446 = arith.index_cast %mul3A_445 : i32 to index
          %swap3A_447 = tpu.vector_load %arg6[%swap3A_446] {strides = array<i32>} : memref<20016xi32, #tpu.memory_space<vmem>>, vector<16xi32>,
          tpu.vector_store %arg6[%swap3A_446], %get3A_439 {strides = array<i32>} : memref<20016xi32, #tpu.memory_space<vmem>>, vector<16xi32>,
          %mul3A_448 = arith.constant 16 : i32
          %mul3A_449 = arith.muli %while3A_428, %mul3A_448 : i32
          %swap3A_450 = arith.index_cast %mul3A_449 : i32 to index
          %swap3A_451 = tpu.vector_load %arg7[%swap3A_450] {strides = array<i32>} : memref<20016xi32, #tpu.memory_space<vmem>>, vector<16xi32>,
          tpu.vector_store %arg7[%swap3A_450], %get3A_443 {strides = array<i32>} : memref<20016xi32, #tpu.memory_space<vmem>>, vector<16xi32>,
          %while3A_452 = arith.constant 0 : i32
          scf.yield %while3A_452 : i32
        }
        scf.yield %cond3A_107#0, %cond3A_107#1 : i32, i32
      }
      %add3A_142 = arith.constant 15 : i32
      %add3A_143 = arith.addi %cond3A_141#1, %add3A_142 : i32
      %jit3A_144 = arith.constant 16 : i32
      %div3A_145 = arith.divsi %add3A_143, %jit3A_144 : i32
      %sign3A_146 = arith.constant 0 : i32
      %sign3A_147 = arith.cmpi sgt, %add3A_143, %sign3A_146 : i32
      %sign3A_148 = arith.extui %sign3A_147 : i1 to i32
      %sign3A_149 = arith.constant 0 : i32
      %sign3A_150 = arith.cmpi slt, %add3A_143, %sign3A_149 : i32
      %sign3A_151 = arith.extui %sign3A_150 : i1 to i32
      %sign3A_152 = arith.subi %sign3A_148, %sign3A_151 : i32
      %sign3A_153 = arith.constant 0 : i32
      %sign3A_154 = arith.cmpi sgt, %jit3A_144, %sign3A_153 : i32
      %sign3A_155 = arith.extui %sign3A_154 : i1 to i32
      %sign3A_156 = arith.constant 0 : i32
      %sign3A_157 = arith.cmpi slt, %jit3A_144, %sign3A_156 : i32
      %sign3A_158 = arith.extui %sign3A_157 : i1 to i32
      %sign3A_159 = arith.subi %sign3A_155, %sign3A_158 : i32
      %ne3A_160 = arith.cmpi ne, %sign3A_152, %sign3A_159 : i32
      %rem3A_161 = arith.remsi %add3A_143, %jit3A_144 : i32
      %ne3A_162 = arith.constant 0 : i32
      %ne3A_163 = arith.cmpi ne, %rem3A_161, %ne3A_162 : i32
      %and3A_164 = arith.andi %ne3A_160, %ne3A_163 : i1
      %sub3A_165 = arith.constant 1 : i32
      %sub3A_166 = arith.subi %div3A_145, %sub3A_165 : i32
      %select_n3A_167 = arith.select %and3A_164, %sub3A_166, %div3A_145 : i32
      %add3A_168 = arith.addi %cond3A_141#0, %cond3A_141#1 : i32
      %gt3A_169 = arith.constant 200 : i32
      %gt3A_170 = arith.cmpi sgt, %add3A_168, %gt3A_169 : i32
      %convert_element_type3A_171 = arith.extui %gt3A_170 : i1 to i32
      %cond3A_172 = arith.constant 0 : i32
      %cond3A_173 = arith.constant 0 : i32
      %cond3A_174 = arith.cmpi ne, %convert_element_type3A_171, %cond3A_173 : i32
      %cond3A_175:2 = scf.if %cond3A_174 -> (i32, i32) {
        %broadcast_in_dim3A_416 = arith.constant 0 : i32
        %broadcast_in_dim3A_417 = vector.broadcast %broadcast_in_dim3A_416 : i32 to vector<16xi32>
        %scan3A_418 = arith.constant 0 : i32
        %scan3A_419 = arith.constant 0 : i32
        %scan3A_420 = arith.constant 256 : i32
        %scan3A_421 = arith.addi %scan3A_419, %scan3A_420 : i32
        %scan3A_422 = arith.constant 1 : i32
        %scan3A_423 = scf.for %scan3A_457 = %scan3A_419 to %scan3A_421 step %scan3A_422 iter_args(%scan3A_458 = %scan3A_418) -> (i32)  : i32 {
          %mul3A_459 = arith.constant 16 : i32
          %mul3A_460 = arith.muli %scan3A_457, %mul3A_459 : i32
          %swap3A_461 = arith.index_cast %mul3A_460 : i32 to index
          %swap3A_462 = tpu.vector_load %arg10[%swap3A_461] {strides = array<i32>} : memref<4096xi32, #tpu.memory_space<vmem>>, vector<16xi32>,
          tpu.vector_store %arg10[%swap3A_461], %broadcast_in_dim3A_417 {strides = array<i32>} : memref<4096xi32, #tpu.memory_space<vmem>>, vector<16xi32>,
          %scan3A_463 = arith.constant 0 : i32
          scf.yield %scan3A_463 : i32
        }
        %scan3A_424 = arith.constant 256 : i32
        %while3A_425 = arith.constant 0 : i32
        %while3A_426 = arith.constant 0 : i32
        %while3A_427 = arith.subi %select_n3A_167, %while3A_425 : i32
        %while3A_428 = arith.addi %while3A_425, %while3A_427 : i32
        %while3A_429 = arith.constant 1 : i32
        %while3A_430 = arith.divsi %while3A_427, %while3A_429 : i32
        %while3A_431 = arith.muli %while3A_430, %while3A_429 : i32
        %while3A_432 = arith.addi %while3A_425, %while3A_431 : i32
        %while3A_433 = arith.constant 1 : i32
        %while3A_434 = scf.for %while3A_457 = %while3A_425 to %while3A_432 step %while3A_433 iter_args(%while3A_458 = %while3A_426) -> (i32)  : i32 {
          %mul3A_459 = arith.constant 16 : i32
          %mul3A_460 = arith.muli %while3A_457, %mul3A_459 : i32
          %get3A_461 = arith.index_cast %mul3A_460 : i32 to index
          %get3A_462 = tpu.vector_load %arg6[%get3A_461] {strides = array<i32>} : memref<20016xi32, #tpu.memory_space<vmem>>, vector<16xi32>,
          %mul3A_463 = arith.constant 16 : i32
          %mul3A_464 = arith.muli %while3A_457, %mul3A_463 : i32
          %add3A_465 = vector.broadcast %mul3A_464 : i32 to vector<16xi32>
          %add3A_466 = arith.addi %add3A_465, %iota3A : vector<16xi32>
          %lt3A_467 = vector.broadcast %cond3A_141#1 : i32 to vector<16xi32>
          %lt3A_468 = arith.cmpi slt, %add3A_466, %lt3A_467 : vector<16xi32>
          %shift_right_logical3A = arith.constant 0 : i32
          %shift_right_logical3A_469 = vector.broadcast %shift_right_logical3A : i32 to vector<16xi32>
          %shift_right_logical3A_470 = arith.shrui %get3A_462, %shift_right_logical3A_469 : vector<16xi32>
          %and3A_471 = arith.constant 255 : i32
          %and3A_472 = vector.broadcast %and3A_471 : i32 to vector<16xi32>
          %and3A_473 = arith.andi %shift_right_logical3A_470, %and3A_472 : vector<16xi32>
          %mul3A_474 = arith.constant 16 : i32
          %mul3A_475 = vector.broadcast %mul3A_474 : i32 to vector<16xi32>
          %mul3A_476 = arith.muli %and3A_473, %mul3A_475 : vector<16xi32>
          %add3A_477 = arith.addi %mul3A_476, %iota3A : vector<16xi32>
          tpu.vector_store_idx %arg10[%add3A_477], %broadcast_in_dim3A_0 masked %lt3A_468 {add = true} : memref<4096xi32, #tpu.memory_space<vmem>>[vector<16xi32>], vector<16xi32>, vector<16xi1>
          %while3A_478 = arith.constant 0 : i32
          scf.yield %while3A_478 : i32
        }
        %while3A_435 = arith.constant 1 : i32
        %while3A_436 = scf.for %while3A_457 = %while3A_432 to %while3A_428 step %while3A_435 iter_args(%while3A_458 = %while3A_434) -> (i32)  : i32 {
          %mul3A_459 = arith.constant 16 : i32
          %mul3A_460 = arith.muli %while3A_457, %mul3A_459 : i32
          %get3A_461 = arith.index_cast %mul3A_460 : i32 to index
          %get3A_462 = tpu.vector_load %arg6[%get3A_461] {strides = array<i32>} : memref<20016xi32, #tpu.memory_space<vmem>>, vector<16xi32>,
          %mul3A_463 = arith.constant 16 : i32
          %mul3A_464 = arith.muli %while3A_457, %mul3A_463 : i32
          %add3A_465 = vector.broadcast %mul3A_464 : i32 to vector<16xi32>
          %add3A_466 = arith.addi %add3A_465, %iota3A : vector<16xi32>
          %lt3A_467 = vector.broadcast %cond3A_141#1 : i32 to vector<16xi32>
          %lt3A_468 = arith.cmpi slt, %add3A_466, %lt3A_467 : vector<16xi32>
          %shift_right_logical3A = arith.constant 0 : i32
          %shift_right_logical3A_469 = vector.broadcast %shift_right_logical3A : i32 to vector<16xi32>
          %shift_right_logical3A_470 = arith.shrui %get3A_462, %shift_right_logical3A_469 : vector<16xi32>
          %and3A_471 = arith.constant 255 : i32
          %and3A_472 = vector.broadcast %and3A_471 : i32 to vector<16xi32>
          %and3A_473 = arith.andi %shift_right_logical3A_470, %and3A_472 : vector<16xi32>
          %mul3A_474 = arith.constant 16 : i32
          %mul3A_475 = vector.broadcast %mul3A_474 : i32 to vector<16xi32>
          %mul3A_476 = arith.muli %and3A_473, %mul3A_475 : vector<16xi32>
          %add3A_477 = arith.addi %mul3A_476, %iota3A : vector<16xi32>
          tpu.vector_store_idx %arg10[%add3A_477], %broadcast_in_dim3A_0 masked %lt3A_468 {add = true} : memref<4096xi32, #tpu.memory_space<vmem>>[vector<16xi32>], vector<16xi32>, vector<16xi1>
          %while3A_478 = arith.constant 0 : i32
          scf.yield %while3A_478 : i32
        }
        %scan3A_437 = arith.constant 0 : i32
        %scan3A_438 = arith.constant 0 : i32
        %scan3A_439 = arith.constant 0 : i32
        %scan3A_440 = arith.constant 256 : i32
        %scan3A_441 = arith.addi %scan3A_439, %scan3A_440 : i32
        %scan3A_442 = arith.constant 1 : i32
        %scan3A_443:4 = scf.for %scan3A_457 = %scan3A_439 to %scan3A_441 step %scan3A_442 iter_args(%scan3A_458 = %cond3A_141#0, %scan3A_459 = %scan3A_437, %scan3A_460 = %cond3A_141#0, %scan3A_461 = %scan3A_438) -> (i32, i32, i32, i32)  : i32 {
          %sub3A_462 = arith.constant 255 : i32
          %sub3A_463 = arith.subi %sub3A_462, %scan3A_457 : i32
          %mul3A_464 = arith.constant 16 : i32
          %mul3A_465 = arith.muli %sub3A_463, %mul3A_464 : i32
          %get3A_466 = arith.index_cast %mul3A_465 : i32 to index
          %get3A_467 = tpu.vector_load %arg10[%get3A_466] {strides = array<i32>} : memref<4096xi32, #tpu.memory_space<vmem>>, vector<16xi32>,
          %reduce_sum3A = arith.constant true
          %reduce_sum3A_468 = vector.broadcast %reduce_sum3A : i1 to vector<16xi1>
          %reduce_sum3A_469 = tpu.scan <sum>, %get3A_467 masked %reduce_sum3A_468 : vector<16xi32>, vector<16xi1> -> vector<16xi32>
          %reduce_sum3A_470 = vector.extract %reduce_sum3A_469[15] : i32 from vector<16xi32>
          %lt3A_471 = arith.constant 200 : i32
          %lt3A_472 = arith.cmpi slt, %scan3A_458, %lt3A_471 : i32
          %add3A_473 = arith.addi %scan3A_458, %reduce_sum3A_470 : i32
          %ge3A = arith.constant 200 : i32
          %ge3A_474 = arith.cmpi sge, %add3A_473, %ge3A : i32
          %and3A_475 = arith.andi %lt3A_472, %ge3A_474 : i1
          %select_n3A_476 = arith.select %and3A_475, %sub3A_463, %scan3A_459 : i32
          %select_n3A_477 = arith.select %and3A_475, %scan3A_458, %scan3A_460 : i32
          %select_n3A_478 = arith.select %and3A_475, %reduce_sum3A_470, %scan3A_461 : i32
          %add3A_479 = arith.addi %scan3A_458, %reduce_sum3A_470 : i32
          scf.yield %add3A_479, %select_n3A_476, %select_n3A_477, %select_n3A_478 : i32, i32, i32, i32
        }
        %scan3A_444 = arith.constant 256 : i32
        %while3A_445 = arith.constant 0 : i32
        %while3A_446 = arith.constant 0 : i32
        %while3A_447 = arith.subi %select_n3A_167, %while3A_445 : i32
        %while3A_448 = arith.addi %while3A_445, %while3A_447 : i32
        %while3A_449 = arith.constant 1 : i32
        %while3A_450 = arith.divsi %while3A_447, %while3A_449 : i32
        %while3A_451 = arith.muli %while3A_450, %while3A_449 : i32
        %while3A_452 = arith.addi %while3A_445, %while3A_451 : i32
        %while3A_453 = arith.constant 1 : i32
        %while3A_454:2 = scf.for %while3A_457 = %while3A_445 to %while3A_452 step %while3A_453 iter_args(%while3A_458 = %cond3A_141#0, %while3A_459 = %while3A_446) -> (i32, i32)  : i32 {
          %mul3A_460 = arith.constant 16 : i32
          %mul3A_461 = arith.muli %while3A_457, %mul3A_460 : i32
          %get3A_462 = arith.index_cast %mul3A_461 : i32 to index
          %get3A_463 = tpu.vector_load %arg6[%get3A_462] {strides = array<i32>} : memref<20016xi32, #tpu.memory_space<vmem>>, vector<16xi32>,
          %mul3A_464 = arith.constant 16 : i32
          %mul3A_465 = arith.muli %while3A_457, %mul3A_464 : i32
          %get3A_466 = arith.index_cast %mul3A_465 : i32 to index
          %get3A_467 = tpu.vector_load %arg7[%get3A_466] {strides = array<i32>} : memref<20016xi32, #tpu.memory_space<vmem>>, vector<16xi32>,
          %mul3A_468 = arith.constant 16 : i32
          %mul3A_469 = arith.muli %while3A_457, %mul3A_468 : i32
          %add3A_470 = vector.broadcast %mul3A_469 : i32 to vector<16xi32>
          %add3A_471 = arith.addi %add3A_470, %iota3A : vector<16xi32>
          %lt3A_472 = vector.broadcast %cond3A_141#1 : i32 to vector<16xi32>
          %lt3A_473 = arith.cmpi slt, %add3A_471, %lt3A_472 : vector<16xi32>
          %shift_right_logical3A = arith.constant 0 : i32
          %shift_right_logical3A_474 = vector.broadcast %shift_right_logical3A : i32 to vector<16xi32>
          %shift_right_logical3A_475 = arith.shrui %get3A_463, %shift_right_logical3A_474 : vector<16xi32>
          %and3A_476 = arith.constant 255 : i32
          %and3A_477 = vector.broadcast %and3A_476 : i32 to vector<16xi32>
          %and3A_478 = arith.andi %shift_right_logical3A_475, %and3A_477 : vector<16xi32>
          %gt3A_479 = vector.broadcast %scan3A_443#1 : i32 to vector<16xi32>
          %gt3A_480 = arith.cmpi sgt, %and3A_478, %gt3A_479 : vector<16xi32>
          %and3A_481 = arith.andi %gt3A_480, %lt3A_473 : vector<16xi1>
          %eq3A = vector.broadcast %scan3A_443#1 : i32 to vector<16xi32>
          %eq3A_482 = arith.cmpi eq, %and3A_478, %eq3A : vector<16xi32>
          %and3A_483 = arith.andi %eq3A_482, %lt3A_473 : vector<16xi1>
          %swap3A_484 = arith.index_cast %while3A_458 : i32 to index
          %swap3A_485 = tpu.vector_load %arg11[%swap3A_484] masked %and3A_481 {strides = array<i32>} : memref<224xi32, #tpu.memory_space<vmem>>, vector<16xi32>, vector<16xi1>
          tpu.vector_store %arg11[%swap3A_484], %get3A_463 masked %and3A_481 {strides = array<i32>} : memref<224xi32, #tpu.memory_space<vmem>>, vector<16xi32>, vector<16xi1>
          %swap3A_486 = arith.index_cast %while3A_458 : i32 to index
          %swap3A_487 = tpu.vector_load %arg12[%swap3A_486] masked %and3A_481 {strides = array<i32>} : memref<224xi32, #tpu.memory_space<vmem>>, vector<16xi32>, vector<16xi1>
          tpu.vector_store %arg12[%swap3A_486], %get3A_467 masked %and3A_481 {strides = array<i32>} : memref<224xi32, #tpu.memory_space<vmem>>, vector<16xi32>, vector<16xi1>
          %swap3A_488 = arith.index_cast %while3A_459 : i32 to index
          %swap3A_489 = tpu.vector_load %arg8[%swap3A_488] masked %and3A_483 {strides = array<i32>} : memref<20016xi32, #tpu.memory_space<vmem>>, vector<16xi32>, vector<16xi1>
          tpu.vector_store %arg8[%swap3A_488], %get3A_463 masked %and3A_483 {strides = array<i32>} : memref<20016xi32, #tpu.memory_space<vmem>>, vector<16xi32>, vector<16xi1>
          %swap3A_490 = arith.index_cast %while3A_459 : i32 to index
          %swap3A_491 = tpu.vector_load %arg9[%swap3A_490] masked %and3A_483 {strides = array<i32>} : memref<20016xi32, #tpu.memory_space<vmem>>, vector<16xi32>, vector<16xi1>
          tpu.vector_store %arg9[%swap3A_490], %get3A_467 masked %and3A_483 {strides = array<i32>} : memref<20016xi32, #tpu.memory_space<vmem>>, vector<16xi32>, vector<16xi1>
          %jit3A_492 = arith.constant 1 : i32
          %jit3A_493 = arith.constant 0 : i32
          %broadcast_in_dim3A_494 = vector.broadcast %jit3A_492 : i32 to vector<16xi32>
          %broadcast_in_dim3A_495 = vector.broadcast %jit3A_493 : i32 to vector<16xi32>
          %select_n3A_496 = arith.select %and3A_481, %broadcast_in_dim3A_494, %broadcast_in_dim3A_495 : vector<16xi1>, vector<16xi32>
          %reduce_sum3A = arith.constant true
          %reduce_sum3A_497 = vector.broadcast %reduce_sum3A : i1 to vector<16xi1>
          %reduce_sum3A_498 = tpu.scan <sum>, %select_n3A_496 masked %reduce_sum3A_497 : vector<16xi32>, vector<16xi1> -> vector<16xi32>
          %reduce_sum3A_499 = vector.extract %reduce_sum3A_498[15] : i32 from vector<16xi32>
          %add3A_500 = arith.addi %while3A_458, %reduce_sum3A_499 : i32
          %jit3A_501 = arith.constant 1 : i32
          %jit3A_502 = arith.constant 0 : i32
          %broadcast_in_dim3A_503 = vector.broadcast %jit3A_501 : i32 to vector<16xi32>
          %broadcast_in_dim3A_504 = vector.broadcast %jit3A_502 : i32 to vector<16xi32>
          %select_n3A_505 = arith.select %and3A_483, %broadcast_in_dim3A_503, %broadcast_in_dim3A_504 : vector<16xi1>, vector<16xi32>
          %reduce_sum3A_506 = arith.constant true
          %reduce_sum3A_507 = vector.broadcast %reduce_sum3A_506 : i1 to vector<16xi1>
          %reduce_sum3A_508 = tpu.scan <sum>, %select_n3A_505 masked %reduce_sum3A_507 : vector<16xi32>, vector<16xi1> -> vector<16xi32>
          %reduce_sum3A_509 = vector.extract %reduce_sum3A_508[15] : i32 from vector<16xi32>
          %add3A_510 = arith.addi %while3A_459, %reduce_sum3A_509 : i32
          scf.yield %add3A_500, %add3A_510 : i32, i32
        }
        %while3A_455 = arith.constant 1 : i32
        %while3A_456:2 = scf.for %while3A_457 = %while3A_452 to %while3A_448 step %while3A_455 iter_args(%while3A_458 = %while3A_454#0, %while3A_459 = %while3A_454#1) -> (i32, i32)  : i32 {
          %mul3A_460 = arith.constant 16 : i32
          %mul3A_461 = arith.muli %while3A_457, %mul3A_460 : i32
          %get3A_462 = arith.index_cast %mul3A_461 : i32 to index
          %get3A_463 = tpu.vector_load %arg6[%get3A_462] {strides = array<i32>} : memref<20016xi32, #tpu.memory_space<vmem>>, vector<16xi32>,
          %mul3A_464 = arith.constant 16 : i32
          %mul3A_465 = arith.muli %while3A_457, %mul3A_464 : i32
          %get3A_466 = arith.index_cast %mul3A_465 : i32 to index
          %get3A_467 = tpu.vector_load %arg7[%get3A_466] {strides = array<i32>} : memref<20016xi32, #tpu.memory_space<vmem>>, vector<16xi32>,
          %mul3A_468 = arith.constant 16 : i32
          %mul3A_469 = arith.muli %while3A_457, %mul3A_468 : i32
          %add3A_470 = vector.broadcast %mul3A_469 : i32 to vector<16xi32>
          %add3A_471 = arith.addi %add3A_470, %iota3A : vector<16xi32>
          %lt3A_472 = vector.broadcast %cond3A_141#1 : i32 to vector<16xi32>
          %lt3A_473 = arith.cmpi slt, %add3A_471, %lt3A_472 : vector<16xi32>
          %shift_right_logical3A = arith.constant 0 : i32
          %shift_right_logical3A_474 = vector.broadcast %shift_right_logical3A : i32 to vector<16xi32>
          %shift_right_logical3A_475 = arith.shrui %get3A_463, %shift_right_logical3A_474 : vector<16xi32>
          %and3A_476 = arith.constant 255 : i32
          %and3A_477 = vector.broadcast %and3A_476 : i32 to vector<16xi32>
          %and3A_478 = arith.andi %shift_right_logical3A_475, %and3A_477 : vector<16xi32>
          %gt3A_479 = vector.broadcast %scan3A_443#1 : i32 to vector<16xi32>
          %gt3A_480 = arith.cmpi sgt, %and3A_478, %gt3A_479 : vector<16xi32>
          %and3A_481 = arith.andi %gt3A_480, %lt3A_473 : vector<16xi1>
          %eq3A = vector.broadcast %scan3A_443#1 : i32 to vector<16xi32>
          %eq3A_482 = arith.cmpi eq, %and3A_478, %eq3A : vector<16xi32>
          %and3A_483 = arith.andi %eq3A_482, %lt3A_473 : vector<16xi1>
          %swap3A_484 = arith.index_cast %while3A_458 : i32 to index
          %swap3A_485 = tpu.vector_load %arg11[%swap3A_484] masked %and3A_481 {strides = array<i32>} : memref<224xi32, #tpu.memory_space<vmem>>, vector<16xi32>, vector<16xi1>
          tpu.vector_store %arg11[%swap3A_484], %get3A_463 masked %and3A_481 {strides = array<i32>} : memref<224xi32, #tpu.memory_space<vmem>>, vector<16xi32>, vector<16xi1>
          %swap3A_486 = arith.index_cast %while3A_458 : i32 to index
          %swap3A_487 = tpu.vector_load %arg12[%swap3A_486] masked %and3A_481 {strides = array<i32>} : memref<224xi32, #tpu.memory_space<vmem>>, vector<16xi32>, vector<16xi1>
          tpu.vector_store %arg12[%swap3A_486], %get3A_467 masked %and3A_481 {strides = array<i32>} : memref<224xi32, #tpu.memory_space<vmem>>, vector<16xi32>, vector<16xi1>
          %swap3A_488 = arith.index_cast %while3A_459 : i32 to index
          %swap3A_489 = tpu.vector_load %arg8[%swap3A_488] masked %and3A_483 {strides = array<i32>} : memref<20016xi32, #tpu.memory_space<vmem>>, vector<16xi32>, vector<16xi1>
          tpu.vector_store %arg8[%swap3A_488], %get3A_463 masked %and3A_483 {strides = array<i32>} : memref<20016xi32, #tpu.memory_space<vmem>>, vector<16xi32>, vector<16xi1>
          %swap3A_490 = arith.index_cast %while3A_459 : i32 to index
          %swap3A_491 = tpu.vector_load %arg9[%swap3A_490] masked %and3A_483 {strides = array<i32>} : memref<20016xi32, #tpu.memory_space<vmem>>, vector<16xi32>, vector<16xi1>
          tpu.vector_store %arg9[%swap3A_490], %get3A_467 masked %and3A_483 {strides = array<i32>} : memref<20016xi32, #tpu.memory_space<vmem>>, vector<16xi32>, vector<16xi1>
          %jit3A_492 = arith.constant 1 : i32
          %jit3A_493 = arith.constant 0 : i32
          %broadcast_in_dim3A_494 = vector.broadcast %jit3A_492 : i32 to vector<16xi32>
          %broadcast_in_dim3A_495 = vector.broadcast %jit3A_493 : i32 to vector<16xi32>
          %select_n3A_496 = arith.select %and3A_481, %broadcast_in_dim3A_494, %broadcast_in_dim3A_495 : vector<16xi1>, vector<16xi32>
          %reduce_sum3A = arith.constant true
          %reduce_sum3A_497 = vector.broadcast %reduce_sum3A : i1 to vector<16xi1>
          %reduce_sum3A_498 = tpu.scan <sum>, %select_n3A_496 masked %reduce_sum3A_497 : vector<16xi32>, vector<16xi1> -> vector<16xi32>
          %reduce_sum3A_499 = vector.extract %reduce_sum3A_498[15] : i32 from vector<16xi32>
          %add3A_500 = arith.addi %while3A_458, %reduce_sum3A_499 : i32
          %jit3A_501 = arith.constant 1 : i32
          %jit3A_502 = arith.constant 0 : i32
          %broadcast_in_dim3A_503 = vector.broadcast %jit3A_501 : i32 to vector<16xi32>
          %broadcast_in_dim3A_504 = vector.broadcast %jit3A_502 : i32 to vector<16xi32>
          %select_n3A_505 = arith.select %and3A_483, %broadcast_in_dim3A_503, %broadcast_in_dim3A_504 : vector<16xi1>, vector<16xi32>
          %reduce_sum3A_506 = arith.constant true
          %reduce_sum3A_507 = vector.broadcast %reduce_sum3A_506 : i1 to vector<16xi1>
          %reduce_sum3A_508 = tpu.scan <sum>, %select_n3A_505 masked %reduce_sum3A_507 : vector<16xi32>, vector<16xi1> -> vector<16xi32>
          %reduce_sum3A_509 = vector.extract %reduce_sum3A_508[15] : i32 from vector<16xi32>
          %add3A_510 = arith.addi %while3A_459, %reduce_sum3A_509 : i32
          scf.yield %add3A_500, %add3A_510 : i32, i32
        }
        scf.yield %scan3A_443#2, %while3A_456#1 : i32, i32
      } else {
        %while3A_416 = arith.constant 0 : i32
        %while3A_417 = arith.constant 0 : i32
        %while3A_418 = arith.subi %select_n3A_167, %while3A_416 : i32
        %while3A_419 = arith.addi %while3A_416, %while3A_418 : i32
        %while3A_420 = arith.constant 1 : i32
        %while3A_421 = arith.divsi %while3A_418, %while3A_420 : i32
        %while3A_422 = arith.muli %while3A_421, %while3A_420 : i32
        %while3A_423 = arith.addi %while3A_416, %while3A_422 : i32
        %while3A_424 = arith.constant 1 : i32
        %while3A_425 = scf.for %while3A_428 = %while3A_416 to %while3A_423 step %while3A_424 iter_args(%while3A_429 = %while3A_417) -> (i32)  : i32 {
          %mul3A_430 = arith.constant 16 : i32
          %mul3A_431 = arith.muli %while3A_428, %mul3A_430 : i32
          %add3A_432 = vector.broadcast %mul3A_431 : i32 to vector<16xi32>
          %add3A_433 = arith.addi %add3A_432, %iota3A : vector<16xi32>
          %lt3A_434 = vector.broadcast %cond3A_141#1 : i32 to vector<16xi32>
          %lt3A_435 = arith.cmpi slt, %add3A_433, %lt3A_434 : vector<16xi32>
          %mul3A_436 = arith.constant 16 : i32
          %mul3A_437 = arith.muli %while3A_428, %mul3A_436 : i32
          %get3A_438 = arith.index_cast %mul3A_437 : i32 to index
          %get3A_439 = tpu.vector_load %arg6[%get3A_438] {strides = array<i32>} : memref<20016xi32, #tpu.memory_space<vmem>>, vector<16xi32>,
          %mul3A_440 = arith.constant 16 : i32
          %mul3A_441 = arith.muli %while3A_428, %mul3A_440 : i32
          %get3A_442 = arith.index_cast %mul3A_441 : i32 to index
          %get3A_443 = tpu.vector_load %arg7[%get3A_442] {strides = array<i32>} : memref<20016xi32, #tpu.memory_space<vmem>>, vector<16xi32>,
          %mul3A_444 = arith.constant 16 : i32
          %mul3A_445 = arith.muli %while3A_428, %mul3A_444 : i32
          %swap3A_446 = arith.index_cast %mul3A_445 : i32 to index
          %swap3A_447 = tpu.vector_load %arg8[%swap3A_446] {strides = array<i32>} : memref<20016xi32, #tpu.memory_space<vmem>>, vector<16xi32>,
          tpu.vector_store %arg8[%swap3A_446], %get3A_439 {strides = array<i32>} : memref<20016xi32, #tpu.memory_space<vmem>>, vector<16xi32>,
          %mul3A_448 = arith.constant 16 : i32
          %mul3A_449 = arith.muli %while3A_428, %mul3A_448 : i32
          %swap3A_450 = arith.index_cast %mul3A_449 : i32 to index
          %swap3A_451 = tpu.vector_load %arg9[%swap3A_450] {strides = array<i32>} : memref<20016xi32, #tpu.memory_space<vmem>>, vector<16xi32>,
          tpu.vector_store %arg9[%swap3A_450], %get3A_443 {strides = array<i32>} : memref<20016xi32, #tpu.memory_space<vmem>>, vector<16xi32>,
          %while3A_452 = arith.constant 0 : i32
          scf.yield %while3A_452 : i32
        }
        %while3A_426 = arith.constant 1 : i32
        %while3A_427 = scf.for %while3A_428 = %while3A_423 to %while3A_419 step %while3A_426 iter_args(%while3A_429 = %while3A_425) -> (i32)  : i32 {
          %mul3A_430 = arith.constant 16 : i32
          %mul3A_431 = arith.muli %while3A_428, %mul3A_430 : i32
          %add3A_432 = vector.broadcast %mul3A_431 : i32 to vector<16xi32>
          %add3A_433 = arith.addi %add3A_432, %iota3A : vector<16xi32>
          %lt3A_434 = vector.broadcast %cond3A_141#1 : i32 to vector<16xi32>
          %lt3A_435 = arith.cmpi slt, %add3A_433, %lt3A_434 : vector<16xi32>
          %mul3A_436 = arith.constant 16 : i32
          %mul3A_437 = arith.muli %while3A_428, %mul3A_436 : i32
          %get3A_438 = arith.index_cast %mul3A_437 : i32 to index
          %get3A_439 = tpu.vector_load %arg6[%get3A_438] {strides = array<i32>} : memref<20016xi32, #tpu.memory_space<vmem>>, vector<16xi32>,
          %mul3A_440 = arith.constant 16 : i32
          %mul3A_441 = arith.muli %while3A_428, %mul3A_440 : i32
          %get3A_442 = arith.index_cast %mul3A_441 : i32 to index
          %get3A_443 = tpu.vector_load %arg7[%get3A_442] {strides = array<i32>} : memref<20016xi32, #tpu.memory_space<vmem>>, vector<16xi32>,
          %mul3A_444 = arith.constant 16 : i32
          %mul3A_445 = arith.muli %while3A_428, %mul3A_444 : i32
          %swap3A_446 = arith.index_cast %mul3A_445 : i32 to index
          %swap3A_447 = tpu.vector_load %arg8[%swap3A_446] {strides = array<i32>} : memref<20016xi32, #tpu.memory_space<vmem>>, vector<16xi32>,
          tpu.vector_store %arg8[%swap3A_446], %get3A_439 {strides = array<i32>} : memref<20016xi32, #tpu.memory_space<vmem>>, vector<16xi32>,
          %mul3A_448 = arith.constant 16 : i32
          %mul3A_449 = arith.muli %while3A_428, %mul3A_448 : i32
          %swap3A_450 = arith.index_cast %mul3A_449 : i32 to index
          %swap3A_451 = tpu.vector_load %arg9[%swap3A_450] {strides = array<i32>} : memref<20016xi32, #tpu.memory_space<vmem>>, vector<16xi32>,
          tpu.vector_store %arg9[%swap3A_450], %get3A_443 {strides = array<i32>} : memref<20016xi32, #tpu.memory_space<vmem>>, vector<16xi32>,
          %while3A_452 = arith.constant 0 : i32
          scf.yield %while3A_452 : i32
        }
        scf.yield %cond3A_141#0, %cond3A_141#1 : i32, i32
      }
      %scan3A_176 = arith.constant 0 : i32
      %scan3A_177 = arith.constant 0 : i32
      %scan3A_178 = arith.constant 14 : i32
      %scan3A_179 = arith.addi %scan3A_177, %scan3A_178 : i32
      %scan3A_180 = arith.constant 1 : i32
      %scan3A_181 = scf.for %scan3A_416 = %scan3A_177 to %scan3A_179 step %scan3A_180 iter_args(%scan3A_417 = %scan3A_176) -> (i32)  : i32 {
        %mul3A_418 = arith.constant 16 : i32
        %mul3A_419 = arith.muli %scan3A_416, %mul3A_418 : i32
        %add3A_420 = vector.broadcast %mul3A_419 : i32 to vector<16xi32>
        %add3A_421 = arith.addi %add3A_420, %iota3A : vector<16xi32>
        %lt3A_422 = vector.broadcast %cond3A_175#0 : i32 to vector<16xi32>
        %lt3A_423 = arith.cmpi slt, %add3A_421, %lt3A_422 : vector<16xi32>
        %mul3A_424 = arith.constant 16 : i32
        %mul3A_425 = arith.muli %scan3A_416, %mul3A_424 : i32
        %get3A_426 = arith.index_cast %mul3A_425 : i32 to index
        %get3A_427 = tpu.vector_load %arg11[%get3A_426] {strides = array<i32>} : memref<224xi32, #tpu.memory_space<vmem>>, vector<16xi32>,
        %jit3A_428 = arith.constant 0 : i32
        %broadcast_in_dim3A_429 = vector.broadcast %jit3A_428 : i32 to vector<16xi32>
        %select_n3A_430 = arith.select %lt3A_423, %get3A_427, %broadcast_in_dim3A_429 : vector<16xi1>, vector<16xi32>
        %mul3A_431 = arith.constant 16 : i32
        %mul3A_432 = arith.muli %scan3A_416, %mul3A_431 : i32
        %swap3A_433 = arith.index_cast %mul3A_432 : i32 to index
        %swap3A_434 = tpu.vector_load %arg13[%swap3A_433] {strides = array<i32>} : memref<224xi32, #tpu.memory_space<vmem>>, vector<16xi32>,
        tpu.vector_store %arg13[%swap3A_433], %select_n3A_430 {strides = array<i32>} : memref<224xi32, #tpu.memory_space<vmem>>, vector<16xi32>,
        %mul3A_435 = arith.constant 16 : i32
        %mul3A_436 = arith.muli %scan3A_416, %mul3A_435 : i32
        %get3A_437 = arith.index_cast %mul3A_436 : i32 to index
        %get3A_438 = tpu.vector_load %arg12[%get3A_437] {strides = array<i32>} : memref<224xi32, #tpu.memory_space<vmem>>, vector<16xi32>,
        %jit3A_439 = arith.constant 0 : i32
        %broadcast_in_dim3A_440 = vector.broadcast %jit3A_439 : i32 to vector<16xi32>
        %select_n3A_441 = arith.select %lt3A_423, %get3A_438, %broadcast_in_dim3A_440 : vector<16xi1>, vector<16xi32>
        %mul3A_442 = arith.constant 16 : i32
        %mul3A_443 = arith.muli %scan3A_416, %mul3A_442 : i32
        %swap3A_444 = arith.index_cast %mul3A_443 : i32 to index
        %swap3A_445 = tpu.vector_load %arg14[%swap3A_444] {strides = array<i32>} : memref<224xi32, #tpu.memory_space<vmem>>, vector<16xi32>,
        tpu.vector_store %arg14[%swap3A_444], %select_n3A_441 {strides = array<i32>} : memref<224xi32, #tpu.memory_space<vmem>>, vector<16xi32>,
        %scan3A_446 = arith.constant 0 : i32
        scf.yield %scan3A_446 : i32
      }
      %scan3A_182 = arith.constant 14 : i32
      %sub3A_183 = arith.constant 200 : i32
      %sub3A_184 = arith.subi %sub3A_183, %cond3A_175#0 : i32
      %add3A_185 = arith.constant 15 : i32
      %add3A_186 = arith.addi %sub3A_184, %add3A_185 : i32
      %jit3A_187 = arith.constant 16 : i32
      %div3A_188 = arith.divsi %add3A_186, %jit3A_187 : i32
      %sign3A_189 = arith.constant 0 : i32
      %sign3A_190 = arith.cmpi sgt, %add3A_186, %sign3A_189 : i32
      %sign3A_191 = arith.extui %sign3A_190 : i1 to i32
      %sign3A_192 = arith.constant 0 : i32
      %sign3A_193 = arith.cmpi slt, %add3A_186, %sign3A_192 : i32
      %sign3A_194 = arith.extui %sign3A_193 : i1 to i32
      %sign3A_195 = arith.subi %sign3A_191, %sign3A_194 : i32
      %sign3A_196 = arith.constant 0 : i32
      %sign3A_197 = arith.cmpi sgt, %jit3A_187, %sign3A_196 : i32
      %sign3A_198 = arith.extui %sign3A_197 : i1 to i32
      %sign3A_199 = arith.constant 0 : i32
      %sign3A_200 = arith.cmpi slt, %jit3A_187, %sign3A_199 : i32
      %sign3A_201 = arith.extui %sign3A_200 : i1 to i32
      %sign3A_202 = arith.subi %sign3A_198, %sign3A_201 : i32
      %ne3A_203 = arith.cmpi ne, %sign3A_195, %sign3A_202 : i32
      %rem3A_204 = arith.remsi %add3A_186, %jit3A_187 : i32
      %ne3A_205 = arith.constant 0 : i32
      %ne3A_206 = arith.cmpi ne, %rem3A_204, %ne3A_205 : i32
      %and3A_207 = arith.andi %ne3A_203, %ne3A_206 : i1
      %sub3A_208 = arith.constant 1 : i32
      %sub3A_209 = arith.subi %div3A_188, %sub3A_208 : i32
      %select_n3A_210 = arith.select %and3A_207, %sub3A_209, %div3A_188 : i32
      %while3A_211 = arith.constant 0 : i32
      %while3A_212 = arith.constant 0 : i32
      %while3A_213 = arith.subi %select_n3A_210, %while3A_211 : i32
      %while3A_214 = arith.addi %while3A_211, %while3A_213 : i32
      %while3A_215 = arith.constant 1 : i32
      %while3A_216 = arith.divsi %while3A_213, %while3A_215 : i32
      %while3A_217 = arith.muli %while3A_216, %while3A_215 : i32
      %while3A_218 = arith.addi %while3A_211, %while3A_217 : i32
      %while3A_219 = arith.constant 1 : i32
      %while3A_220 = scf.for %while3A_416 = %while3A_211 to %while3A_218 step %while3A_219 iter_args(%while3A_417 = %while3A_212) -> (i32)  : i32 {
        %mul3A_418 = arith.constant 16 : i32
        %mul3A_419 = arith.muli %while3A_416, %mul3A_418 : i32
        %add3A_420 = vector.broadcast %mul3A_419 : i32 to vector<16xi32>
        %add3A_421 = arith.addi %add3A_420, %iota3A : vector<16xi32>
        %lt3A_422 = vector.broadcast %sub3A_184 : i32 to vector<16xi32>
        %lt3A_423 = arith.cmpi slt, %add3A_421, %lt3A_422 : vector<16xi32>
        %mul3A_424 = arith.constant 16 : i32
        %mul3A_425 = arith.muli %while3A_416, %mul3A_424 : i32
        %get3A_426 = arith.index_cast %mul3A_425 : i32 to index
        %get3A_427 = tpu.vector_load %arg8[%get3A_426] {strides = array<i32>} : memref<20016xi32, #tpu.memory_space<vmem>>, vector<16xi32>,
        %mul3A_428 = arith.constant 16 : i32
        %mul3A_429 = arith.muli %while3A_416, %mul3A_428 : i32
        %get3A_430 = arith.index_cast %mul3A_429 : i32 to index
        %get3A_431 = tpu.vector_load %arg9[%get3A_430] {strides = array<i32>} : memref<20016xi32, #tpu.memory_space<vmem>>, vector<16xi32>,
        %add3A_432 = vector.broadcast %cond3A_175#0 : i32 to vector<16xi32>
        %add3A_433 = arith.addi %add3A_432, %add3A_421 : vector<16xi32>
        tpu.vector_store_idx %arg13[%add3A_433], %get3A_427 masked %lt3A_423 : memref<224xi32, #tpu.memory_space<vmem>>[vector<16xi32>], vector<16xi32>, vector<16xi1>
        %add3A_434 = vector.broadcast %cond3A_175#0 : i32 to vector<16xi32>
        %add3A_435 = arith.addi %add3A_434, %add3A_421 : vector<16xi32>
        tpu.vector_store_idx %arg14[%add3A_435], %get3A_431 masked %lt3A_423 : memref<224xi32, #tpu.memory_space<vmem>>[vector<16xi32>], vector<16xi32>, vector<16xi1>
        %while3A_436 = arith.constant 0 : i32
        scf.yield %while3A_436 : i32
      }
      %while3A_221 = arith.constant 1 : i32
      %while3A_222 = scf.for %while3A_416 = %while3A_218 to %while3A_214 step %while3A_221 iter_args(%while3A_417 = %while3A_220) -> (i32)  : i32 {
        %mul3A_418 = arith.constant 16 : i32
        %mul3A_419 = arith.muli %while3A_416, %mul3A_418 : i32
        %add3A_420 = vector.broadcast %mul3A_419 : i32 to vector<16xi32>
        %add3A_421 = arith.addi %add3A_420, %iota3A : vector<16xi32>
        %lt3A_422 = vector.broadcast %sub3A_184 : i32 to vector<16xi32>
        %lt3A_423 = arith.cmpi slt, %add3A_421, %lt3A_422 : vector<16xi32>
        %mul3A_424 = arith.constant 16 : i32
        %mul3A_425 = arith.muli %while3A_416, %mul3A_424 : i32
        %get3A_426 = arith.index_cast %mul3A_425 : i32 to index
        %get3A_427 = tpu.vector_load %arg8[%get3A_426] {strides = array<i32>} : memref<20016xi32, #tpu.memory_space<vmem>>, vector<16xi32>,
        %mul3A_428 = arith.constant 16 : i32
        %mul3A_429 = arith.muli %while3A_416, %mul3A_428 : i32
        %get3A_430 = arith.index_cast %mul3A_429 : i32 to index
        %get3A_431 = tpu.vector_load %arg9[%get3A_430] {strides = array<i32>} : memref<20016xi32, #tpu.memory_space<vmem>>, vector<16xi32>,
        %add3A_432 = vector.broadcast %cond3A_175#0 : i32 to vector<16xi32>
        %add3A_433 = arith.addi %add3A_432, %add3A_421 : vector<16xi32>
        tpu.vector_store_idx %arg13[%add3A_433], %get3A_427 masked %lt3A_423 : memref<224xi32, #tpu.memory_space<vmem>>[vector<16xi32>], vector<16xi32>, vector<16xi1>
        %add3A_434 = vector.broadcast %cond3A_175#0 : i32 to vector<16xi32>
        %add3A_435 = arith.addi %add3A_434, %add3A_421 : vector<16xi32>
        tpu.vector_store_idx %arg14[%add3A_435], %get3A_431 masked %lt3A_423 : memref<224xi32, #tpu.memory_space<vmem>>[vector<16xi32>], vector<16xi32>, vector<16xi1>
        %while3A_436 = arith.constant 0 : i32
        scf.yield %while3A_436 : i32
      }
      %get3A = arith.constant 0 : index
      %get3A_223 = tpu.vector_load %arg14[%get3A] {strides = array<i32>} : memref<224xi32, #tpu.memory_space<vmem>>, vector<16xi32>,
      %mul3A_224 = arith.constant 20000 : i32
      %mul3A_225 = arith.muli %select_n3A_43, %mul3A_224 : i32
      %add3A_226 = vector.broadcast %mul3A_225 : i32 to vector<16xi32>
      %add3A_227 = arith.addi %get3A_223, %add3A_226 : vector<16xi32>
      %swap3A = arith.constant 0 : i32
      %swap3A_228 = arith.index_cast %swap3A : i32 to index
      %swap3A_229 = arith.constant 0 : index
      %swap3A_230 = tpu.vector_load %arg15[%swap3A_228, %swap3A_229] {strides = array<i32>} : memref<2x112xi32, #tpu.memory_space<vmem>>, vector<16xi32>,
      tpu.vector_store %arg15[%swap3A_228, %swap3A_229], %add3A_227 {strides = array<i32>} : memref<2x112xi32, #tpu.memory_space<vmem>>, vector<16xi32>,
      %get3A_231 = arith.constant 16 : index
      %get3A_232 = tpu.vector_load %arg14[%get3A_231] {strides = array<i32>} : memref<224xi32, #tpu.memory_space<vmem>>, vector<16xi32>,
      %mul3A_233 = arith.constant 20000 : i32
      %mul3A_234 = arith.muli %select_n3A_43, %mul3A_233 : i32
      %add3A_235 = vector.broadcast %mul3A_234 : i32 to vector<16xi32>
      %add3A_236 = arith.addi %get3A_232, %add3A_235 : vector<16xi32>
      %swap3A_237 = arith.constant 0 : i32
      %swap3A_238 = arith.index_cast %swap3A_237 : i32 to index
      %swap3A_239 = arith.constant 16 : index
      %swap3A_240 = tpu.vector_load %arg15[%swap3A_238, %swap3A_239] {strides = array<i32>} : memref<2x112xi32, #tpu.memory_space<vmem>>, vector<16xi32>,
      tpu.vector_store %arg15[%swap3A_238, %swap3A_239], %add3A_236 {strides = array<i32>} : memref<2x112xi32, #tpu.memory_space<vmem>>, vector<16xi32>,
      %get3A_241 = arith.constant 32 : index
      %get3A_242 = tpu.vector_load %arg14[%get3A_241] {strides = array<i32>} : memref<224xi32, #tpu.memory_space<vmem>>, vector<16xi32>,
      %mul3A_243 = arith.constant 20000 : i32
      %mul3A_244 = arith.muli %select_n3A_43, %mul3A_243 : i32
      %add3A_245 = vector.broadcast %mul3A_244 : i32 to vector<16xi32>
      %add3A_246 = arith.addi %get3A_242, %add3A_245 : vector<16xi32>
      %swap3A_247 = arith.constant 0 : i32
      %swap3A_248 = arith.index_cast %swap3A_247 : i32 to index
      %swap3A_249 = arith.constant 32 : index
      %swap3A_250 = tpu.vector_load %arg15[%swap3A_248, %swap3A_249] {strides = array<i32>} : memref<2x112xi32, #tpu.memory_space<vmem>>, vector<16xi32>,
      tpu.vector_store %arg15[%swap3A_248, %swap3A_249], %add3A_246 {strides = array<i32>} : memref<2x112xi32, #tpu.memory_space<vmem>>, vector<16xi32>,
      %get3A_251 = arith.constant 48 : index
      %get3A_252 = tpu.vector_load %arg14[%get3A_251] {strides = array<i32>} : memref<224xi32, #tpu.memory_space<vmem>>, vector<16xi32>,
      %mul3A_253 = arith.constant 20000 : i32
      %mul3A_254 = arith.muli %select_n3A_43, %mul3A_253 : i32
      %add3A_255 = vector.broadcast %mul3A_254 : i32 to vector<16xi32>
      %add3A_256 = arith.addi %get3A_252, %add3A_255 : vector<16xi32>
      %swap3A_257 = arith.constant 0 : i32
      %swap3A_258 = arith.index_cast %swap3A_257 : i32 to index
      %swap3A_259 = arith.constant 48 : index
      %swap3A_260 = tpu.vector_load %arg15[%swap3A_258, %swap3A_259] {strides = array<i32>} : memref<2x112xi32, #tpu.memory_space<vmem>>, vector<16xi32>,
      tpu.vector_store %arg15[%swap3A_258, %swap3A_259], %add3A_256 {strides = array<i32>} : memref<2x112xi32, #tpu.memory_space<vmem>>, vector<16xi32>,
      %get3A_261 = arith.constant 64 : index
      %get3A_262 = tpu.vector_load %arg14[%get3A_261] {strides = array<i32>} : memref<224xi32, #tpu.memory_space<vmem>>, vector<16xi32>,
      %mul3A_263 = arith.constant 20000 : i32
      %mul3A_264 = arith.muli %select_n3A_43, %mul3A_263 : i32
      %add3A_265 = vector.broadcast %mul3A_264 : i32 to vector<16xi32>
      %add3A_266 = arith.addi %get3A_262, %add3A_265 : vector<16xi32>
      %swap3A_267 = arith.constant 0 : i32
      %swap3A_268 = arith.index_cast %swap3A_267 : i32 to index
      %swap3A_269 = arith.constant 64 : index
      %swap3A_270 = tpu.vector_load %arg15[%swap3A_268, %swap3A_269] {strides = array<i32>} : memref<2x112xi32, #tpu.memory_space<vmem>>, vector<16xi32>,
      tpu.vector_store %arg15[%swap3A_268, %swap3A_269], %add3A_266 {strides = array<i32>} : memref<2x112xi32, #tpu.memory_space<vmem>>, vector<16xi32>,
      %get3A_271 = arith.constant 80 : index
      %get3A_272 = tpu.vector_load %arg14[%get3A_271] {strides = array<i32>} : memref<224xi32, #tpu.memory_space<vmem>>, vector<16xi32>,
      %mul3A_273 = arith.constant 20000 : i32
      %mul3A_274 = arith.muli %select_n3A_43, %mul3A_273 : i32
      %add3A_275 = vector.broadcast %mul3A_274 : i32 to vector<16xi32>
      %add3A_276 = arith.addi %get3A_272, %add3A_275 : vector<16xi32>
      %swap3A_277 = arith.constant 0 : i32
      %swap3A_278 = arith.index_cast %swap3A_277 : i32 to index
      %swap3A_279 = arith.constant 80 : index
      %swap3A_280 = tpu.vector_load %arg15[%swap3A_278, %swap3A_279] {strides = array<i32>} : memref<2x112xi32, #tpu.memory_space<vmem>>, vector<16xi32>,
      tpu.vector_store %arg15[%swap3A_278, %swap3A_279], %add3A_276 {strides = array<i32>} : memref<2x112xi32, #tpu.memory_space<vmem>>, vector<16xi32>,
      %get3A_281 = arith.constant 96 : index
      %get3A_282 = tpu.vector_load %arg14[%get3A_281] {strides = array<i32>} : memref<224xi32, #tpu.memory_space<vmem>>, vector<16xi32>,
      %mul3A_283 = arith.constant 20000 : i32
      %mul3A_284 = arith.muli %select_n3A_43, %mul3A_283 : i32
      %add3A_285 = vector.broadcast %mul3A_284 : i32 to vector<16xi32>
      %add3A_286 = arith.addi %get3A_282, %add3A_285 : vector<16xi32>
      %swap3A_287 = arith.constant 0 : i32
      %swap3A_288 = arith.index_cast %swap3A_287 : i32 to index
      %swap3A_289 = arith.constant 96 : index
      %swap3A_290 = tpu.vector_load %arg15[%swap3A_288, %swap3A_289] {strides = array<i32>} : memref<2x112xi32, #tpu.memory_space<vmem>>, vector<16xi32>,
      tpu.vector_store %arg15[%swap3A_288, %swap3A_289], %add3A_286 {strides = array<i32>} : memref<2x112xi32, #tpu.memory_space<vmem>>, vector<16xi32>,
      %get3A_291 = arith.constant 112 : index
      %get3A_292 = tpu.vector_load %arg14[%get3A_291] {strides = array<i32>} : memref<224xi32, #tpu.memory_space<vmem>>, vector<16xi32>,
      %mul3A_293 = arith.constant 20000 : i32
      %mul3A_294 = arith.muli %select_n3A_43, %mul3A_293 : i32
      %add3A_295 = vector.broadcast %mul3A_294 : i32 to vector<16xi32>
      %add3A_296 = arith.addi %get3A_292, %add3A_295 : vector<16xi32>
      %swap3A_297 = arith.constant 1 : i32
      %swap3A_298 = arith.index_cast %swap3A_297 : i32 to index
      %swap3A_299 = arith.constant 0 : index
      %swap3A_300 = tpu.vector_load %arg15[%swap3A_298, %swap3A_299] {strides = array<i32>} : memref<2x112xi32, #tpu.memory_space<vmem>>, vector<16xi32>,
      tpu.vector_store %arg15[%swap3A_298, %swap3A_299], %add3A_296 {strides = array<i32>} : memref<2x112xi32, #tpu.memory_space<vmem>>, vector<16xi32>,
      %get3A_301 = arith.constant 128 : index
      %get3A_302 = tpu.vector_load %arg14[%get3A_301] {strides = array<i32>} : memref<224xi32, #tpu.memory_space<vmem>>, vector<16xi32>,
      %mul3A_303 = arith.constant 20000 : i32
      %mul3A_304 = arith.muli %select_n3A_43, %mul3A_303 : i32
      %add3A_305 = vector.broadcast %mul3A_304 : i32 to vector<16xi32>
      %add3A_306 = arith.addi %get3A_302, %add3A_305 : vector<16xi32>
      %swap3A_307 = arith.constant 1 : i32
      %swap3A_308 = arith.index_cast %swap3A_307 : i32 to index
      %swap3A_309 = arith.constant 16 : index
      %swap3A_310 = tpu.vector_load %arg15[%swap3A_308, %swap3A_309] {strides = array<i32>} : memref<2x112xi32, #tpu.memory_space<vmem>>, vector<16xi32>,
      tpu.vector_store %arg15[%swap3A_308, %swap3A_309], %add3A_306 {strides = array<i32>} : memref<2x112xi32, #tpu.memory_space<vmem>>, vector<16xi32>,
      %get3A_311 = arith.constant 144 : index
      %get3A_312 = tpu.vector_load %arg14[%get3A_311] {strides = array<i32>} : memref<224xi32, #tpu.memory_space<vmem>>, vector<16xi32>,
      %mul3A_313 = arith.constant 20000 : i32
      %mul3A_314 = arith.muli %select_n3A_43, %mul3A_313 : i32
      %add3A_315 = vector.broadcast %mul3A_314 : i32 to vector<16xi32>
      %add3A_316 = arith.addi %get3A_312, %add3A_315 : vector<16xi32>
      %swap3A_317 = arith.constant 1 : i32
      %swap3A_318 = arith.index_cast %swap3A_317 : i32 to index
      %swap3A_319 = arith.constant 32 : index
      %swap3A_320 = tpu.vector_load %arg15[%swap3A_318, %swap3A_319] {strides = array<i32>} : memref<2x112xi32, #tpu.memory_space<vmem>>, vector<16xi32>,
      tpu.vector_store %arg15[%swap3A_318, %swap3A_319], %add3A_316 {strides = array<i32>} : memref<2x112xi32, #tpu.memory_space<vmem>>, vector<16xi32>,
      %get3A_321 = arith.constant 160 : index
      %get3A_322 = tpu.vector_load %arg14[%get3A_321] {strides = array<i32>} : memref<224xi32, #tpu.memory_space<vmem>>, vector<16xi32>,
      %mul3A_323 = arith.constant 20000 : i32
      %mul3A_324 = arith.muli %select_n3A_43, %mul3A_323 : i32
      %add3A_325 = vector.broadcast %mul3A_324 : i32 to vector<16xi32>
      %add3A_326 = arith.addi %get3A_322, %add3A_325 : vector<16xi32>
      %swap3A_327 = arith.constant 1 : i32
      %swap3A_328 = arith.index_cast %swap3A_327 : i32 to index
      %swap3A_329 = arith.constant 48 : index
      %swap3A_330 = tpu.vector_load %arg15[%swap3A_328, %swap3A_329] {strides = array<i32>} : memref<2x112xi32, #tpu.memory_space<vmem>>, vector<16xi32>,
      tpu.vector_store %arg15[%swap3A_328, %swap3A_329], %add3A_326 {strides = array<i32>} : memref<2x112xi32, #tpu.memory_space<vmem>>, vector<16xi32>,
      %get3A_331 = arith.constant 176 : index
      %get3A_332 = tpu.vector_load %arg14[%get3A_331] {strides = array<i32>} : memref<224xi32, #tpu.memory_space<vmem>>, vector<16xi32>,
      %mul3A_333 = arith.constant 20000 : i32
      %mul3A_334 = arith.muli %select_n3A_43, %mul3A_333 : i32
      %add3A_335 = vector.broadcast %mul3A_334 : i32 to vector<16xi32>
      %add3A_336 = arith.addi %get3A_332, %add3A_335 : vector<16xi32>
      %swap3A_337 = arith.constant 1 : i32
      %swap3A_338 = arith.index_cast %swap3A_337 : i32 to index
      %swap3A_339 = arith.constant 64 : index
      %swap3A_340 = tpu.vector_load %arg15[%swap3A_338, %swap3A_339] {strides = array<i32>} : memref<2x112xi32, #tpu.memory_space<vmem>>, vector<16xi32>,
      tpu.vector_store %arg15[%swap3A_338, %swap3A_339], %add3A_336 {strides = array<i32>} : memref<2x112xi32, #tpu.memory_space<vmem>>, vector<16xi32>,
      %get3A_341 = arith.constant 192 : index
      %get3A_342 = tpu.vector_load %arg14[%get3A_341] {strides = array<i32>} : memref<224xi32, #tpu.memory_space<vmem>>, vector<16xi32>,
      %mul3A_343 = arith.constant 20000 : i32
      %mul3A_344 = arith.muli %select_n3A_43, %mul3A_343 : i32
      %add3A_345 = vector.broadcast %mul3A_344 : i32 to vector<16xi32>
      %add3A_346 = arith.addi %get3A_342, %add3A_345 : vector<16xi32>
      %swap3A_347 = arith.constant 1 : i32
      %swap3A_348 = arith.index_cast %swap3A_347 : i32 to index
      %swap3A_349 = arith.constant 80 : index
      %swap3A_350 = tpu.vector_load %arg15[%swap3A_348, %swap3A_349] {strides = array<i32>} : memref<2x112xi32, #tpu.memory_space<vmem>>, vector<16xi32>,
      tpu.vector_store %arg15[%swap3A_348, %swap3A_349], %add3A_346 {strides = array<i32>} : memref<2x112xi32, #tpu.memory_space<vmem>>, vector<16xi32>,
      %get3A_351 = arith.constant 208 : index
      %get3A_352 = tpu.vector_load %arg14[%get3A_351] {strides = array<i32>} : memref<224xi32, #tpu.memory_space<vmem>>, vector<16xi32>,
      %mul3A_353 = arith.constant 20000 : i32
      %mul3A_354 = arith.muli %select_n3A_43, %mul3A_353 : i32
      %add3A_355 = vector.broadcast %mul3A_354 : i32 to vector<16xi32>
      %add3A_356 = arith.addi %get3A_352, %add3A_355 : vector<16xi32>
      %swap3A_357 = arith.constant 1 : i32
      %swap3A_358 = arith.index_cast %swap3A_357 : i32 to index
      %swap3A_359 = arith.constant 96 : index
      %swap3A_360 = tpu.vector_load %arg15[%swap3A_358, %swap3A_359] {strides = array<i32>} : memref<2x112xi32, #tpu.memory_space<vmem>>, vector<16xi32>,
      tpu.vector_store %arg15[%swap3A_358, %swap3A_359], %add3A_356 {strides = array<i32>} : memref<2x112xi32, #tpu.memory_space<vmem>>, vector<16xi32>,
      %dma_start3A = arith.constant 0 : i32
      %dma_start3A_361 = arith.constant 0 : i32
      %dma_start3A_362 = arith.constant 0 : i32
      %dma_start3A_363 = tpu.memref_slice %arg16[%dma_start3A_361, %dma_start3A_362] : memref<224x8xf32, #tpu.memory_space<vmem>> -> memref<112x8xf32, #tpu.memory_space<vmem>>
      %dma_start3A_364 = arith.constant 0 : i32
      %dma_start3A_365 = tpu.memref_slice %arg15[%dma_start3A, %dma_start3A_364] : memref<2x112xi32, #tpu.memory_space<vmem>> -> memref<1x112xi32, #tpu.memory_space<vmem>>
      %dma_start3A_366 = tpu.memref_squeeze %dma_start3A_365 : memref<1x112xi32, #tpu.memory_space<vmem>> -> memref<112xi32, #tpu.memory_space<vmem>>
      %dma_start3A_367 = arith.constant 0 : i32
      %dma_start3A_368 = arith.constant 0 : i32
      %dma_start3A_369 = tpu.memref_slice %arg3[%dma_start3A_367, %dma_start3A_368] : memref<160000x8xf32, #tpu.memory_space<hbm>> -> memref<160000x8xf32, #tpu.memory_space<hbm>>
      tpu.enqueue_indirect_dma source(%dma_start3A_369 : memref<160000x8xf32, #tpu.memory_space<hbm>>) target(%dma_start3A_363 : memref<112x8xf32, #tpu.memory_space<vmem>>) offsets(%dma_start3A_366 : memref<112xi32, #tpu.memory_space<vmem>>) semaphore(%arg18 : memref<!tpu.dma_semaphore, #tpu.memory_space<semaphore_mem>>)
      %dma_wait3A = arith.constant 0 : i32
      %dma_wait3A_370 = arith.constant 0 : i32
      %dma_wait3A_371 = arith.constant 0 : i32
      %dma_wait3A_372 = tpu.memref_slice %arg16[%dma_wait3A_370, %dma_wait3A_371] : memref<224x8xf32, #tpu.memory_space<vmem>> -> memref<112x8xf32, #tpu.memory_space<vmem>>
      %dma_wait3A_373 = arith.constant 0 : i32
      %dma_wait3A_374 = tpu.memref_slice %arg15[%dma_wait3A, %dma_wait3A_373] : memref<2x112xi32, #tpu.memory_space<vmem>> -> memref<1x112xi32, #tpu.memory_space<vmem>>
      %dma_wait3A_375 = tpu.memref_squeeze %dma_wait3A_374 : memref<1x112xi32, #tpu.memory_space<vmem>> -> memref<112xi32, #tpu.memory_space<vmem>>
      %dma_wait3A_376 = arith.constant 0 : i32
      %dma_wait3A_377 = arith.constant 0 : i32
      %dma_wait3A_378 = tpu.memref_slice %arg3[%dma_wait3A_376, %dma_wait3A_377] : memref<160000x8xf32, #tpu.memory_space<hbm>> -> memref<160000x8xf32, #tpu.memory_space<hbm>>
      tpu.wait_indirect_dma semaphore(%arg18 : memref<!tpu.dma_semaphore, #tpu.memory_space<semaphore_mem>>) src(%dma_wait3A_378 : memref<160000x8xf32, #tpu.memory_space<hbm>>) dst(%dma_wait3A_372 : memref<112x8xf32, #tpu.memory_space<vmem>>)
      %dma_start3A_379 = arith.constant 1 : i32
      %dma_start3A_380 = arith.constant 112 : i32
      %dma_start3A_381 = arith.constant 0 : i32
      %dma_start3A_382 = tpu.memref_slice %arg16[%dma_start3A_380, %dma_start3A_381] : memref<224x8xf32, #tpu.memory_space<vmem>> -> memref<112x8xf32, #tpu.memory_space<vmem>>
      %dma_start3A_383 = arith.constant 0 : i32
      %dma_start3A_384 = tpu.memref_slice %arg15[%dma_start3A_379, %dma_start3A_383] : memref<2x112xi32, #tpu.memory_space<vmem>> -> memref<1x112xi32, #tpu.memory_space<vmem>>
      %dma_start3A_385 = tpu.memref_squeeze %dma_start3A_384 : memref<1x112xi32, #tpu.memory_space<vmem>> -> memref<112xi32, #tpu.memory_space<vmem>>
      %dma_start3A_386 = arith.constant 0 : i32
      %dma_start3A_387 = arith.constant 0 : i32
      %dma_start3A_388 = tpu.memref_slice %arg3[%dma_start3A_386, %dma_start3A_387] : memref<160000x8xf32, #tpu.memory_space<hbm>> -> memref<160000x8xf32, #tpu.memory_space<hbm>>
      tpu.enqueue_indirect_dma source(%dma_start3A_388 : memref<160000x8xf32, #tpu.memory_space<hbm>>) target(%dma_start3A_382 : memref<112x8xf32, #tpu.memory_space<vmem>>) offsets(%dma_start3A_385 : memref<112xi32, #tpu.memory_space<vmem>>) semaphore(%arg18 : memref<!tpu.dma_semaphore, #tpu.memory_space<semaphore_mem>>)
      %dma_wait3A_389 = arith.constant 1 : i32
      %dma_wait3A_390 = arith.constant 112 : i32
      %dma_wait3A_391 = arith.constant 0 : i32
      %dma_wait3A_392 = tpu.memref_slice %arg16[%dma_wait3A_390, %dma_wait3A_391] : memref<224x8xf32, #tpu.memory_space<vmem>> -> memref<112x8xf32, #tpu.memory_space<vmem>>
      %dma_wait3A_393 = arith.constant 0 : i32
      %dma_wait3A_394 = tpu.memref_slice %arg15[%dma_wait3A_389, %dma_wait3A_393] : memref<2x112xi32, #tpu.memory_space<vmem>> -> memref<1x112xi32, #tpu.memory_space<vmem>>
      %dma_wait3A_395 = tpu.memref_squeeze %dma_wait3A_394 : memref<1x112xi32, #tpu.memory_space<vmem>> -> memref<112xi32, #tpu.memory_space<vmem>>
      %dma_wait3A_396 = arith.constant 0 : i32
      %dma_wait3A_397 = arith.constant 0 : i32
      %dma_wait3A_398 = tpu.memref_slice %arg3[%dma_wait3A_396, %dma_wait3A_397] : memref<160000x8xf32, #tpu.memory_space<hbm>> -> memref<160000x8xf32, #tpu.memory_space<hbm>>
      tpu.wait_indirect_dma semaphore(%arg18 : memref<!tpu.dma_semaphore, #tpu.memory_space<semaphore_mem>>) src(%dma_wait3A_398 : memref<160000x8xf32, #tpu.memory_space<hbm>>) dst(%dma_wait3A_392 : memref<112x8xf32, #tpu.memory_space<vmem>>)
      %broadcast_in_dim3A_399 = arith.constant 0.000000e+00 : f32
      %broadcast_in_dim3A_400 = vector.broadcast %broadcast_in_dim3A_399 : f32 to vector<16xf32>
      %scan3A_401 = arith.constant 0 : i32
      %scan3A_402 = arith.constant 0 : i32
      %scan3A_403 = arith.constant 63 : i32
      %scan3A_404 = arith.addi %scan3A_402, %scan3A_403 : i32
      %scan3A_405 = arith.constant 1 : i32
      %scan3A_406 = scf.for %scan3A_416 = %scan3A_402 to %scan3A_404 step %scan3A_405 iter_args(%scan3A_417 = %scan3A_401) -> (i32)  : i32 {
        %mul3A_418 = arith.constant 16 : i32
        %mul3A_419 = arith.muli %scan3A_416, %mul3A_418 : i32
        %swap3A_420 = arith.index_cast %mul3A_419 : i32 to index
        %swap3A_421 = tpu.vector_load %arg17[%swap3A_420] {strides = array<i32>} : memref<1008xf32, #tpu.memory_space<vmem>>, vector<16xf32>,
        tpu.vector_store %arg17[%swap3A_420], %broadcast_in_dim3A_400 {strides = array<i32>} : memref<1008xf32, #tpu.memory_space<vmem>>, vector<16xf32>,
        %scan3A_422 = arith.constant 0 : i32
        scf.yield %scan3A_422 : i32
      }
      %scan3A_407 = arith.constant 63 : i32
      %scan3A_408 = arith.constant 0 : i32
      %scan3A_409 = arith.constant 0 : i32
      %scan3A_410 = arith.constant 14 : i32
      %scan3A_411 = arith.addi %scan3A_409, %scan3A_410 : i32
      %scan3A_412 = arith.constant 1 : i32
      %scan3A_413 = scf.for %scan3A_416 = %scan3A_409 to %scan3A_411 step %scan3A_412 iter_args(%scan3A_417 = %scan3A_408) -> (i32)  : i32 {
        %mul3A_418 = arith.constant 16 : i32
        %mul3A_419 = arith.muli %scan3A_416, %mul3A_418 : i32
        %get3A_420 = arith.index_cast %mul3A_419 : i32 to index
        %get3A_421 = tpu.vector_load %arg13[%get3A_420] {strides = array<i32>} : memref<224xi32, #tpu.memory_space<vmem>>, vector<16xi32>,
        %mul3A_422 = arith.constant 16 : i32
        %mul3A_423 = arith.muli %scan3A_416, %mul3A_422 : i32
        %add3A_424 = vector.broadcast %mul3A_423 : i32 to vector<16xi32>
        %add3A_425 = arith.addi %add3A_424, %iota3A : vector<16xi32>
        %broadcast_in_dim3A_426 = arith.constant 0 : i32
        %broadcast_in_dim3A_427 = vector.broadcast %broadcast_in_dim3A_426 : i32 to vector<16xi32>
        %scan3A_428 = arith.constant 0 : i32
        %scan3A_429 = arith.constant 14 : i32
        %scan3A_430 = arith.addi %scan3A_428, %scan3A_429 : i32
        %scan3A_431 = arith.constant 1 : i32
        %scan3A_432 = scf.for %scan3A_522 = %scan3A_428 to %scan3A_430 step %scan3A_431 iter_args(%scan3A_523 = %broadcast_in_dim3A_427) -> (vector<16xi32>)  : i32 {
          %mul3A_524 = arith.constant 16 : i32
          %mul3A_525 = arith.muli %scan3A_522, %mul3A_524 : i32
          %get3A_526 = arith.index_cast %mul3A_525 : i32 to index
          %get3A_527 = tpu.vector_load %arg13[%get3A_526] {strides = array<i32>} : memref<224xi32, #tpu.memory_space<vmem>>, vector<16xi32>,
          %mul3A_528 = arith.constant 16 : i32
          %mul3A_529 = arith.muli %scan3A_522, %mul3A_528 : i32
          %slice3A = vector.extract_strided_slice %get3A_527 {offsets = [0], sizes = [1], strides = [1]} : vector<16xi32> to vector<1xi32>
          %squeeze3A = vector.extract %slice3A[0] : i32 from vector<1xi32>
          %gt3A_530 = vector.broadcast %squeeze3A : i32 to vector<16xi32>
          %gt3A_531 = arith.cmpi sgt, %gt3A_530, %get3A_421 : vector<16xi32>
          %jit3A_532 = arith.constant 1 : i32
          %jit3A_533 = arith.constant 0 : i32
          %broadcast_in_dim3A_534 = vector.broadcast %jit3A_532 : i32 to vector<16xi32>
          %broadcast_in_dim3A_535 = vector.broadcast %jit3A_533 : i32 to vector<16xi32>
          %select_n3A_536 = arith.select %gt3A_531, %broadcast_in_dim3A_534, %broadcast_in_dim3A_535 : vector<16xi1>, vector<16xi32>
          %eq3A = vector.broadcast %squeeze3A : i32 to vector<16xi32>
          %eq3A_537 = arith.cmpi eq, %eq3A, %get3A_421 : vector<16xi32>
          %add3A_538 = arith.constant 0 : i32
          %add3A_539 = arith.addi %mul3A_529, %add3A_538 : i32
          %lt3A_540 = vector.broadcast %add3A_539 : i32 to vector<16xi32>
          %lt3A_541 = arith.cmpi slt, %lt3A_540, %add3A_425 : vector<16xi32>
          %and3A_542 = arith.andi %eq3A_537, %lt3A_541 : vector<16xi1>
          %jit3A_543 = arith.constant 1 : i32
          %jit3A_544 = arith.constant 0 : i32
          %broadcast_in_dim3A_545 = vector.broadcast %jit3A_543 : i32 to vector<16xi32>
          %broadcast_in_dim3A_546 = vector.broadcast %jit3A_544 : i32 to vector<16xi32>
          %select_n3A_547 = arith.select %and3A_542, %broadcast_in_dim3A_545, %broadcast_in_dim3A_546 : vector<16xi1>, vector<16xi32>
          %add3A_548 = arith.addi %scan3A_523, %select_n3A_536 : vector<16xi32>
          %add3A_549 = arith.addi %add3A_548, %select_n3A_547 : vector<16xi32>
          %slice3A_550 = vector.extract_strided_slice %get3A_527 {offsets = [1], sizes = [1], strides = [1]} : vector<16xi32> to vector<1xi32>
          %squeeze3A_551 = vector.extract %slice3A_550[0] : i32 from vector<1xi32>
          %gt3A_552 = vector.broadcast %squeeze3A_551 : i32 to vector<16xi32>
          %gt3A_553 = arith.cmpi sgt, %gt3A_552, %get3A_421 : vector<16xi32>
          %jit3A_554 = arith.constant 1 : i32
          %jit3A_555 = arith.constant 0 : i32
          %broadcast_in_dim3A_556 = vector.broadcast %jit3A_554 : i32 to vector<16xi32>
          %broadcast_in_dim3A_557 = vector.broadcast %jit3A_555 : i32 to vector<16xi32>
          %select_n3A_558 = arith.select %gt3A_553, %broadcast_in_dim3A_556, %broadcast_in_dim3A_557 : vector<16xi1>, vector<16xi32>
          %eq3A_559 = vector.broadcast %squeeze3A_551 : i32 to vector<16xi32>
          %eq3A_560 = arith.cmpi eq, %eq3A_559, %get3A_421 : vector<16xi32>
          %add3A_561 = arith.constant 1 : i32
          %add3A_562 = arith.addi %mul3A_529, %add3A_561 : i32
          %lt3A_563 = vector.broadcast %add3A_562 : i32 to vector<16xi32>
          %lt3A_564 = arith.cmpi slt, %lt3A_563, %add3A_425 : vector<16xi32>
          %and3A_565 = arith.andi %eq3A_560, %lt3A_564 : vector<16xi1>
          %jit3A_566 = arith.constant 1 : i32
          %jit3A_567 = arith.constant 0 : i32
          %broadcast_in_dim3A_568 = vector.broadcast %jit3A_566 : i32 to vector<16xi32>
          %broadcast_in_dim3A_569 = vector.broadcast %jit3A_567 : i32 to vector<16xi32>
          %select_n3A_570 = arith.select %and3A_565, %broadcast_in_dim3A_568, %broadcast_in_dim3A_569 : vector<16xi1>, vector<16xi32>
          %add3A_571 = arith.addi %add3A_549, %select_n3A_558 : vector<16xi32>
          %add3A_572 = arith.addi %add3A_571, %select_n3A_570 : vector<16xi32>
          %slice3A_573 = vector.extract_strided_slice %get3A_527 {offsets = [2], sizes = [1], strides = [1]} : vector<16xi32> to vector<1xi32>
          %squeeze3A_574 = vector.extract %slice3A_573[0] : i32 from vector<1xi32>
          %gt3A_575 = vector.broadcast %squeeze3A_574 : i32 to vector<16xi32>
          %gt3A_576 = arith.cmpi sgt, %gt3A_575, %get3A_421 : vector<16xi32>
          %jit3A_577 = arith.constant 1 : i32
          %jit3A_578 = arith.constant 0 : i32
          %broadcast_in_dim3A_579 = vector.broadcast %jit3A_577 : i32 to vector<16xi32>
          %broadcast_in_dim3A_580 = vector.broadcast %jit3A_578 : i32 to vector<16xi32>
          %select_n3A_581 = arith.select %gt3A_576, %broadcast_in_dim3A_579, %broadcast_in_dim3A_580 : vector<16xi1>, vector<16xi32>
          %eq3A_582 = vector.broadcast %squeeze3A_574 : i32 to vector<16xi32>
          %eq3A_583 = arith.cmpi eq, %eq3A_582, %get3A_421 : vector<16xi32>
          %add3A_584 = arith.constant 2 : i32
          %add3A_585 = arith.addi %mul3A_529, %add3A_584 : i32
          %lt3A_586 = vector.broadcast %add3A_585 : i32 to vector<16xi32>
          %lt3A_587 = arith.cmpi slt, %lt3A_586, %add3A_425 : vector<16xi32>
          %and3A_588 = arith.andi %eq3A_583, %lt3A_587 : vector<16xi1>
          %jit3A_589 = arith.constant 1 : i32
          %jit3A_590 = arith.constant 0 : i32
          %broadcast_in_dim3A_591 = vector.broadcast %jit3A_589 : i32 to vector<16xi32>
          %broadcast_in_dim3A_592 = vector.broadcast %jit3A_590 : i32 to vector<16xi32>
          %select_n3A_593 = arith.select %and3A_588, %broadcast_in_dim3A_591, %broadcast_in_dim3A_592 : vector<16xi1>, vector<16xi32>
          %add3A_594 = arith.addi %add3A_572, %select_n3A_581 : vector<16xi32>
          %add3A_595 = arith.addi %add3A_594, %select_n3A_593 : vector<16xi32>
          %slice3A_596 = vector.extract_strided_slice %get3A_527 {offsets = [3], sizes = [1], strides = [1]} : vector<16xi32> to vector<1xi32>
          %squeeze3A_597 = vector.extract %slice3A_596[0] : i32 from vector<1xi32>
          %gt3A_598 = vector.broadcast %squeeze3A_597 : i32 to vector<16xi32>
          %gt3A_599 = arith.cmpi sgt, %gt3A_598, %get3A_421 : vector<16xi32>
          %jit3A_600 = arith.constant 1 : i32
          %jit3A_601 = arith.constant 0 : i32
          %broadcast_in_dim3A_602 = vector.broadcast %jit3A_600 : i32 to vector<16xi32>
          %broadcast_in_dim3A_603 = vector.broadcast %jit3A_601 : i32 to vector<16xi32>
          %select_n3A_604 = arith.select %gt3A_599, %broadcast_in_dim3A_602, %broadcast_in_dim3A_603 : vector<16xi1>, vector<16xi32>
          %eq3A_605 = vector.broadcast %squeeze3A_597 : i32 to vector<16xi32>
          %eq3A_606 = arith.cmpi eq, %eq3A_605, %get3A_421 : vector<16xi32>
          %add3A_607 = arith.constant 3 : i32
          %add3A_608 = arith.addi %mul3A_529, %add3A_607 : i32
          %lt3A_609 = vector.broadcast %add3A_608 : i32 to vector<16xi32>
          %lt3A_610 = arith.cmpi slt, %lt3A_609, %add3A_425 : vector<16xi32>
          %and3A_611 = arith.andi %eq3A_606, %lt3A_610 : vector<16xi1>
          %jit3A_612 = arith.constant 1 : i32
          %jit3A_613 = arith.constant 0 : i32
          %broadcast_in_dim3A_614 = vector.broadcast %jit3A_612 : i32 to vector<16xi32>
          %broadcast_in_dim3A_615 = vector.broadcast %jit3A_613 : i32 to vector<16xi32>
          %select_n3A_616 = arith.select %and3A_611, %broadcast_in_dim3A_614, %broadcast_in_dim3A_615 : vector<16xi1>, vector<16xi32>
          %add3A_617 = arith.addi %add3A_595, %select_n3A_604 : vector<16xi32>
          %add3A_618 = arith.addi %add3A_617, %select_n3A_616 : vector<16xi32>
          %slice3A_619 = vector.extract_strided_slice %get3A_527 {offsets = [4], sizes = [1], strides = [1]} : vector<16xi32> to vector<1xi32>
          %squeeze3A_620 = vector.extract %slice3A_619[0] : i32 from vector<1xi32>
          %gt3A_621 = vector.broadcast %squeeze3A_620 : i32 to vector<16xi32>
          %gt3A_622 = arith.cmpi sgt, %gt3A_621, %get3A_421 : vector<16xi32>
          %jit3A_623 = arith.constant 1 : i32
          %jit3A_624 = arith.constant 0 : i32
          %broadcast_in_dim3A_625 = vector.broadcast %jit3A_623 : i32 to vector<16xi32>
          %broadcast_in_dim3A_626 = vector.broadcast %jit3A_624 : i32 to vector<16xi32>
          %select_n3A_627 = arith.select %gt3A_622, %broadcast_in_dim3A_625, %broadcast_in_dim3A_626 : vector<16xi1>, vector<16xi32>
          %eq3A_628 = vector.broadcast %squeeze3A_620 : i32 to vector<16xi32>
          %eq3A_629 = arith.cmpi eq, %eq3A_628, %get3A_421 : vector<16xi32>
          %add3A_630 = arith.constant 4 : i32
          %add3A_631 = arith.addi %mul3A_529, %add3A_630 : i32
          %lt3A_632 = vector.broadcast %add3A_631 : i32 to vector<16xi32>
          %lt3A_633 = arith.cmpi slt, %lt3A_632, %add3A_425 : vector<16xi32>
          %and3A_634 = arith.andi %eq3A_629, %lt3A_633 : vector<16xi1>
          %jit3A_635 = arith.constant 1 : i32
          %jit3A_636 = arith.constant 0 : i32
          %broadcast_in_dim3A_637 = vector.broadcast %jit3A_635 : i32 to vector<16xi32>
          %broadcast_in_dim3A_638 = vector.broadcast %jit3A_636 : i32 to vector<16xi32>
          %select_n3A_639 = arith.select %and3A_634, %broadcast_in_dim3A_637, %broadcast_in_dim3A_638 : vector<16xi1>, vector<16xi32>
          %add3A_640 = arith.addi %add3A_618, %select_n3A_627 : vector<16xi32>
          %add3A_641 = arith.addi %add3A_640, %select_n3A_639 : vector<16xi32>
          %slice3A_642 = vector.extract_strided_slice %get3A_527 {offsets = [5], sizes = [1], strides = [1]} : vector<16xi32> to vector<1xi32>
          %squeeze3A_643 = vector.extract %slice3A_642[0] : i32 from vector<1xi32>
          %gt3A_644 = vector.broadcast %squeeze3A_643 : i32 to vector<16xi32>
          %gt3A_645 = arith.cmpi sgt, %gt3A_644, %get3A_421 : vector<16xi32>
          %jit3A_646 = arith.constant 1 : i32
          %jit3A_647 = arith.constant 0 : i32
          %broadcast_in_dim3A_648 = vector.broadcast %jit3A_646 : i32 to vector<16xi32>
          %broadcast_in_dim3A_649 = vector.broadcast %jit3A_647 : i32 to vector<16xi32>
          %select_n3A_650 = arith.select %gt3A_645, %broadcast_in_dim3A_648, %broadcast_in_dim3A_649 : vector<16xi1>, vector<16xi32>
          %eq3A_651 = vector.broadcast %squeeze3A_643 : i32 to vector<16xi32>
          %eq3A_652 = arith.cmpi eq, %eq3A_651, %get3A_421 : vector<16xi32>
          %add3A_653 = arith.constant 5 : i32
          %add3A_654 = arith.addi %mul3A_529, %add3A_653 : i32
          %lt3A_655 = vector.broadcast %add3A_654 : i32 to vector<16xi32>
          %lt3A_656 = arith.cmpi slt, %lt3A_655, %add3A_425 : vector<16xi32>
          %and3A_657 = arith.andi %eq3A_652, %lt3A_656 : vector<16xi1>
          %jit3A_658 = arith.constant 1 : i32
          %jit3A_659 = arith.constant 0 : i32
          %broadcast_in_dim3A_660 = vector.broadcast %jit3A_658 : i32 to vector<16xi32>
          %broadcast_in_dim3A_661 = vector.broadcast %jit3A_659 : i32 to vector<16xi32>
          %select_n3A_662 = arith.select %and3A_657, %broadcast_in_dim3A_660, %broadcast_in_dim3A_661 : vector<16xi1>, vector<16xi32>
          %add3A_663 = arith.addi %add3A_641, %select_n3A_650 : vector<16xi32>
          %add3A_664 = arith.addi %add3A_663, %select_n3A_662 : vector<16xi32>
          %slice3A_665 = vector.extract_strided_slice %get3A_527 {offsets = [6], sizes = [1], strides = [1]} : vector<16xi32> to vector<1xi32>
          %squeeze3A_666 = vector.extract %slice3A_665[0] : i32 from vector<1xi32>
          %gt3A_667 = vector.broadcast %squeeze3A_666 : i32 to vector<16xi32>
          %gt3A_668 = arith.cmpi sgt, %gt3A_667, %get3A_421 : vector<16xi32>
          %jit3A_669 = arith.constant 1 : i32
          %jit3A_670 = arith.constant 0 : i32
          %broadcast_in_dim3A_671 = vector.broadcast %jit3A_669 : i32 to vector<16xi32>
          %broadcast_in_dim3A_672 = vector.broadcast %jit3A_670 : i32 to vector<16xi32>
          %select_n3A_673 = arith.select %gt3A_668, %broadcast_in_dim3A_671, %broadcast_in_dim3A_672 : vector<16xi1>, vector<16xi32>
          %eq3A_674 = vector.broadcast %squeeze3A_666 : i32 to vector<16xi32>
          %eq3A_675 = arith.cmpi eq, %eq3A_674, %get3A_421 : vector<16xi32>
          %add3A_676 = arith.constant 6 : i32
          %add3A_677 = arith.addi %mul3A_529, %add3A_676 : i32
          %lt3A_678 = vector.broadcast %add3A_677 : i32 to vector<16xi32>
          %lt3A_679 = arith.cmpi slt, %lt3A_678, %add3A_425 : vector<16xi32>
          %and3A_680 = arith.andi %eq3A_675, %lt3A_679 : vector<16xi1>
          %jit3A_681 = arith.constant 1 : i32
          %jit3A_682 = arith.constant 0 : i32
          %broadcast_in_dim3A_683 = vector.broadcast %jit3A_681 : i32 to vector<16xi32>
          %broadcast_in_dim3A_684 = vector.broadcast %jit3A_682 : i32 to vector<16xi32>
          %select_n3A_685 = arith.select %and3A_680, %broadcast_in_dim3A_683, %broadcast_in_dim3A_684 : vector<16xi1>, vector<16xi32>
          %add3A_686 = arith.addi %add3A_664, %select_n3A_673 : vector<16xi32>
          %add3A_687 = arith.addi %add3A_686, %select_n3A_685 : vector<16xi32>
          %slice3A_688 = vector.extract_strided_slice %get3A_527 {offsets = [7], sizes = [1], strides = [1]} : vector<16xi32> to vector<1xi32>
          %squeeze3A_689 = vector.extract %slice3A_688[0] : i32 from vector<1xi32>
          %gt3A_690 = vector.broadcast %squeeze3A_689 : i32 to vector<16xi32>
          %gt3A_691 = arith.cmpi sgt, %gt3A_690, %get3A_421 : vector<16xi32>
          %jit3A_692 = arith.constant 1 : i32
          %jit3A_693 = arith.constant 0 : i32
          %broadcast_in_dim3A_694 = vector.broadcast %jit3A_692 : i32 to vector<16xi32>
          %broadcast_in_dim3A_695 = vector.broadcast %jit3A_693 : i32 to vector<16xi32>
          %select_n3A_696 = arith.select %gt3A_691, %broadcast_in_dim3A_694, %broadcast_in_dim3A_695 : vector<16xi1>, vector<16xi32>
          %eq3A_697 = vector.broadcast %squeeze3A_689 : i32 to vector<16xi32>
          %eq3A_698 = arith.cmpi eq, %eq3A_697, %get3A_421 : vector<16xi32>
          %add3A_699 = arith.constant 7 : i32
          %add3A_700 = arith.addi %mul3A_529, %add3A_699 : i32
          %lt3A_701 = vector.broadcast %add3A_700 : i32 to vector<16xi32>
          %lt3A_702 = arith.cmpi slt, %lt3A_701, %add3A_425 : vector<16xi32>
          %and3A_703 = arith.andi %eq3A_698, %lt3A_702 : vector<16xi1>
          %jit3A_704 = arith.constant 1 : i32
          %jit3A_705 = arith.constant 0 : i32
          %broadcast_in_dim3A_706 = vector.broadcast %jit3A_704 : i32 to vector<16xi32>
          %broadcast_in_dim3A_707 = vector.broadcast %jit3A_705 : i32 to vector<16xi32>
          %select_n3A_708 = arith.select %and3A_703, %broadcast_in_dim3A_706, %broadcast_in_dim3A_707 : vector<16xi1>, vector<16xi32>
          %add3A_709 = arith.addi %add3A_687, %select_n3A_696 : vector<16xi32>
          %add3A_710 = arith.addi %add3A_709, %select_n3A_708 : vector<16xi32>
          %slice3A_711 = vector.extract_strided_slice %get3A_527 {offsets = [8], sizes = [1], strides = [1]} : vector<16xi32> to vector<1xi32>
          %squeeze3A_712 = vector.extract %slice3A_711[0] : i32 from vector<1xi32>
          %gt3A_713 = vector.broadcast %squeeze3A_712 : i32 to vector<16xi32>
          %gt3A_714 = arith.cmpi sgt, %gt3A_713, %get3A_421 : vector<16xi32>
          %jit3A_715 = arith.constant 1 : i32
          %jit3A_716 = arith.constant 0 : i32
          %broadcast_in_dim3A_717 = vector.broadcast %jit3A_715 : i32 to vector<16xi32>
          %broadcast_in_dim3A_718 = vector.broadcast %jit3A_716 : i32 to vector<16xi32>
          %select_n3A_719 = arith.select %gt3A_714, %broadcast_in_dim3A_717, %broadcast_in_dim3A_718 : vector<16xi1>, vector<16xi32>
          %eq3A_720 = vector.broadcast %squeeze3A_712 : i32 to vector<16xi32>
          %eq3A_721 = arith.cmpi eq, %eq3A_720, %get3A_421 : vector<16xi32>
          %add3A_722 = arith.constant 8 : i32
          %add3A_723 = arith.addi %mul3A_529, %add3A_722 : i32
          %lt3A_724 = vector.broadcast %add3A_723 : i32 to vector<16xi32>
          %lt3A_725 = arith.cmpi slt, %lt3A_724, %add3A_425 : vector<16xi32>
          %and3A_726 = arith.andi %eq3A_721, %lt3A_725 : vector<16xi1>
          %jit3A_727 = arith.constant 1 : i32
          %jit3A_728 = arith.constant 0 : i32
          %broadcast_in_dim3A_729 = vector.broadcast %jit3A_727 : i32 to vector<16xi32>
          %broadcast_in_dim3A_730 = vector.broadcast %jit3A_728 : i32 to vector<16xi32>
          %select_n3A_731 = arith.select %and3A_726, %broadcast_in_dim3A_729, %broadcast_in_dim3A_730 : vector<16xi1>, vector<16xi32>
          %add3A_732 = arith.addi %add3A_710, %select_n3A_719 : vector<16xi32>
          %add3A_733 = arith.addi %add3A_732, %select_n3A_731 : vector<16xi32>
          %slice3A_734 = vector.extract_strided_slice %get3A_527 {offsets = [9], sizes = [1], strides = [1]} : vector<16xi32> to vector<1xi32>
          %squeeze3A_735 = vector.extract %slice3A_734[0] : i32 from vector<1xi32>
          %gt3A_736 = vector.broadcast %squeeze3A_735 : i32 to vector<16xi32>
          %gt3A_737 = arith.cmpi sgt, %gt3A_736, %get3A_421 : vector<16xi32>
          %jit3A_738 = arith.constant 1 : i32
          %jit3A_739 = arith.constant 0 : i32
          %broadcast_in_dim3A_740 = vector.broadcast %jit3A_738 : i32 to vector<16xi32>
          %broadcast_in_dim3A_741 = vector.broadcast %jit3A_739 : i32 to vector<16xi32>
          %select_n3A_742 = arith.select %gt3A_737, %broadcast_in_dim3A_740, %broadcast_in_dim3A_741 : vector<16xi1>, vector<16xi32>
          %eq3A_743 = vector.broadcast %squeeze3A_735 : i32 to vector<16xi32>
          %eq3A_744 = arith.cmpi eq, %eq3A_743, %get3A_421 : vector<16xi32>
          %add3A_745 = arith.constant 9 : i32
          %add3A_746 = arith.addi %mul3A_529, %add3A_745 : i32
          %lt3A_747 = vector.broadcast %add3A_746 : i32 to vector<16xi32>
          %lt3A_748 = arith.cmpi slt, %lt3A_747, %add3A_425 : vector<16xi32>
          %and3A_749 = arith.andi %eq3A_744, %lt3A_748 : vector<16xi1>
          %jit3A_750 = arith.constant 1 : i32
          %jit3A_751 = arith.constant 0 : i32
          %broadcast_in_dim3A_752 = vector.broadcast %jit3A_750 : i32 to vector<16xi32>
          %broadcast_in_dim3A_753 = vector.broadcast %jit3A_751 : i32 to vector<16xi32>
          %select_n3A_754 = arith.select %and3A_749, %broadcast_in_dim3A_752, %broadcast_in_dim3A_753 : vector<16xi1>, vector<16xi32>
          %add3A_755 = arith.addi %add3A_733, %select_n3A_742 : vector<16xi32>
          %add3A_756 = arith.addi %add3A_755, %select_n3A_754 : vector<16xi32>
          %slice3A_757 = vector.extract_strided_slice %get3A_527 {offsets = [10], sizes = [1], strides = [1]} : vector<16xi32> to vector<1xi32>
          %squeeze3A_758 = vector.extract %slice3A_757[0] : i32 from vector<1xi32>
          %gt3A_759 = vector.broadcast %squeeze3A_758 : i32 to vector<16xi32>
          %gt3A_760 = arith.cmpi sgt, %gt3A_759, %get3A_421 : vector<16xi32>
          %jit3A_761 = arith.constant 1 : i32
          %jit3A_762 = arith.constant 0 : i32
          %broadcast_in_dim3A_763 = vector.broadcast %jit3A_761 : i32 to vector<16xi32>
          %broadcast_in_dim3A_764 = vector.broadcast %jit3A_762 : i32 to vector<16xi32>
          %select_n3A_765 = arith.select %gt3A_760, %broadcast_in_dim3A_763, %broadcast_in_dim3A_764 : vector<16xi1>, vector<16xi32>
          %eq3A_766 = vector.broadcast %squeeze3A_758 : i32 to vector<16xi32>
          %eq3A_767 = arith.cmpi eq, %eq3A_766, %get3A_421 : vector<16xi32>
          %add3A_768 = arith.constant 10 : i32
          %add3A_769 = arith.addi %mul3A_529, %add3A_768 : i32
          %lt3A_770 = vector.broadcast %add3A_769 : i32 to vector<16xi32>
          %lt3A_771 = arith.cmpi slt, %lt3A_770, %add3A_425 : vector<16xi32>
          %and3A_772 = arith.andi %eq3A_767, %lt3A_771 : vector<16xi1>
          %jit3A_773 = arith.constant 1 : i32
          %jit3A_774 = arith.constant 0 : i32
          %broadcast_in_dim3A_775 = vector.broadcast %jit3A_773 : i32 to vector<16xi32>
          %broadcast_in_dim3A_776 = vector.broadcast %jit3A_774 : i32 to vector<16xi32>
          %select_n3A_777 = arith.select %and3A_772, %broadcast_in_dim3A_775, %broadcast_in_dim3A_776 : vector<16xi1>, vector<16xi32>
          %add3A_778 = arith.addi %add3A_756, %select_n3A_765 : vector<16xi32>
          %add3A_779 = arith.addi %add3A_778, %select_n3A_777 : vector<16xi32>
          %slice3A_780 = vector.extract_strided_slice %get3A_527 {offsets = [11], sizes = [1], strides = [1]} : vector<16xi32> to vector<1xi32>
          %squeeze3A_781 = vector.extract %slice3A_780[0] : i32 from vector<1xi32>
          %gt3A_782 = vector.broadcast %squeeze3A_781 : i32 to vector<16xi32>
          %gt3A_783 = arith.cmpi sgt, %gt3A_782, %get3A_421 : vector<16xi32>
          %jit3A_784 = arith.constant 1 : i32
          %jit3A_785 = arith.constant 0 : i32
          %broadcast_in_dim3A_786 = vector.broadcast %jit3A_784 : i32 to vector<16xi32>
          %broadcast_in_dim3A_787 = vector.broadcast %jit3A_785 : i32 to vector<16xi32>
          %select_n3A_788 = arith.select %gt3A_783, %broadcast_in_dim3A_786, %broadcast_in_dim3A_787 : vector<16xi1>, vector<16xi32>
          %eq3A_789 = vector.broadcast %squeeze3A_781 : i32 to vector<16xi32>
          %eq3A_790 = arith.cmpi eq, %eq3A_789, %get3A_421 : vector<16xi32>
          %add3A_791 = arith.constant 11 : i32
          %add3A_792 = arith.addi %mul3A_529, %add3A_791 : i32
          %lt3A_793 = vector.broadcast %add3A_792 : i32 to vector<16xi32>
          %lt3A_794 = arith.cmpi slt, %lt3A_793, %add3A_425 : vector<16xi32>
          %and3A_795 = arith.andi %eq3A_790, %lt3A_794 : vector<16xi1>
          %jit3A_796 = arith.constant 1 : i32
          %jit3A_797 = arith.constant 0 : i32
          %broadcast_in_dim3A_798 = vector.broadcast %jit3A_796 : i32 to vector<16xi32>
          %broadcast_in_dim3A_799 = vector.broadcast %jit3A_797 : i32 to vector<16xi32>
          %select_n3A_800 = arith.select %and3A_795, %broadcast_in_dim3A_798, %broadcast_in_dim3A_799 : vector<16xi1>, vector<16xi32>
          %add3A_801 = arith.addi %add3A_779, %select_n3A_788 : vector<16xi32>
          %add3A_802 = arith.addi %add3A_801, %select_n3A_800 : vector<16xi32>
          %slice3A_803 = vector.extract_strided_slice %get3A_527 {offsets = [12], sizes = [1], strides = [1]} : vector<16xi32> to vector<1xi32>
          %squeeze3A_804 = vector.extract %slice3A_803[0] : i32 from vector<1xi32>
          %gt3A_805 = vector.broadcast %squeeze3A_804 : i32 to vector<16xi32>
          %gt3A_806 = arith.cmpi sgt, %gt3A_805, %get3A_421 : vector<16xi32>
          %jit3A_807 = arith.constant 1 : i32
          %jit3A_808 = arith.constant 0 : i32
          %broadcast_in_dim3A_809 = vector.broadcast %jit3A_807 : i32 to vector<16xi32>
          %broadcast_in_dim3A_810 = vector.broadcast %jit3A_808 : i32 to vector<16xi32>
          %select_n3A_811 = arith.select %gt3A_806, %broadcast_in_dim3A_809, %broadcast_in_dim3A_810 : vector<16xi1>, vector<16xi32>
          %eq3A_812 = vector.broadcast %squeeze3A_804 : i32 to vector<16xi32>
          %eq3A_813 = arith.cmpi eq, %eq3A_812, %get3A_421 : vector<16xi32>
          %add3A_814 = arith.constant 12 : i32
          %add3A_815 = arith.addi %mul3A_529, %add3A_814 : i32
          %lt3A_816 = vector.broadcast %add3A_815 : i32 to vector<16xi32>
          %lt3A_817 = arith.cmpi slt, %lt3A_816, %add3A_425 : vector<16xi32>
          %and3A_818 = arith.andi %eq3A_813, %lt3A_817 : vector<16xi1>
          %jit3A_819 = arith.constant 1 : i32
          %jit3A_820 = arith.constant 0 : i32
          %broadcast_in_dim3A_821 = vector.broadcast %jit3A_819 : i32 to vector<16xi32>
          %broadcast_in_dim3A_822 = vector.broadcast %jit3A_820 : i32 to vector<16xi32>
          %select_n3A_823 = arith.select %and3A_818, %broadcast_in_dim3A_821, %broadcast_in_dim3A_822 : vector<16xi1>, vector<16xi32>
          %add3A_824 = arith.addi %add3A_802, %select_n3A_811 : vector<16xi32>
          %add3A_825 = arith.addi %add3A_824, %select_n3A_823 : vector<16xi32>
          %slice3A_826 = vector.extract_strided_slice %get3A_527 {offsets = [13], sizes = [1], strides = [1]} : vector<16xi32> to vector<1xi32>
          %squeeze3A_827 = vector.extract %slice3A_826[0] : i32 from vector<1xi32>
          %gt3A_828 = vector.broadcast %squeeze3A_827 : i32 to vector<16xi32>
          %gt3A_829 = arith.cmpi sgt, %gt3A_828, %get3A_421 : vector<16xi32>
          %jit3A_830 = arith.constant 1 : i32
          %jit3A_831 = arith.constant 0 : i32
          %broadcast_in_dim3A_832 = vector.broadcast %jit3A_830 : i32 to vector<16xi32>
          %broadcast_in_dim3A_833 = vector.broadcast %jit3A_831 : i32 to vector<16xi32>
          %select_n3A_834 = arith.select %gt3A_829, %broadcast_in_dim3A_832, %broadcast_in_dim3A_833 : vector<16xi1>, vector<16xi32>
          %eq3A_835 = vector.broadcast %squeeze3A_827 : i32 to vector<16xi32>
          %eq3A_836 = arith.cmpi eq, %eq3A_835, %get3A_421 : vector<16xi32>
          %add3A_837 = arith.constant 13 : i32
          %add3A_838 = arith.addi %mul3A_529, %add3A_837 : i32
          %lt3A_839 = vector.broadcast %add3A_838 : i32 to vector<16xi32>
          %lt3A_840 = arith.cmpi slt, %lt3A_839, %add3A_425 : vector<16xi32>
          %and3A_841 = arith.andi %eq3A_836, %lt3A_840 : vector<16xi1>
          %jit3A_842 = arith.constant 1 : i32
          %jit3A_843 = arith.constant 0 : i32
          %broadcast_in_dim3A_844 = vector.broadcast %jit3A_842 : i32 to vector<16xi32>
          %broadcast_in_dim3A_845 = vector.broadcast %jit3A_843 : i32 to vector<16xi32>
          %select_n3A_846 = arith.select %and3A_841, %broadcast_in_dim3A_844, %broadcast_in_dim3A_845 : vector<16xi1>, vector<16xi32>
          %add3A_847 = arith.addi %add3A_825, %select_n3A_834 : vector<16xi32>
          %add3A_848 = arith.addi %add3A_847, %select_n3A_846 : vector<16xi32>
          %slice3A_849 = vector.extract_strided_slice %get3A_527 {offsets = [14], sizes = [1], strides = [1]} : vector<16xi32> to vector<1xi32>
          %squeeze3A_850 = vector.extract %slice3A_849[0] : i32 from vector<1xi32>
          %gt3A_851 = vector.broadcast %squeeze3A_850 : i32 to vector<16xi32>
          %gt3A_852 = arith.cmpi sgt, %gt3A_851, %get3A_421 : vector<16xi32>
          %jit3A_853 = arith.constant 1 : i32
          %jit3A_854 = arith.constant 0 : i32
          %broadcast_in_dim3A_855 = vector.broadcast %jit3A_853 : i32 to vector<16xi32>
          %broadcast_in_dim3A_856 = vector.broadcast %jit3A_854 : i32 to vector<16xi32>
          %select_n3A_857 = arith.select %gt3A_852, %broadcast_in_dim3A_855, %broadcast_in_dim3A_856 : vector<16xi1>, vector<16xi32>
          %eq3A_858 = vector.broadcast %squeeze3A_850 : i32 to vector<16xi32>
          %eq3A_859 = arith.cmpi eq, %eq3A_858, %get3A_421 : vector<16xi32>
          %add3A_860 = arith.constant 14 : i32
          %add3A_861 = arith.addi %mul3A_529, %add3A_860 : i32
          %lt3A_862 = vector.broadcast %add3A_861 : i32 to vector<16xi32>
          %lt3A_863 = arith.cmpi slt, %lt3A_862, %add3A_425 : vector<16xi32>
          %and3A_864 = arith.andi %eq3A_859, %lt3A_863 : vector<16xi1>
          %jit3A_865 = arith.constant 1 : i32
          %jit3A_866 = arith.constant 0 : i32
          %broadcast_in_dim3A_867 = vector.broadcast %jit3A_865 : i32 to vector<16xi32>
          %broadcast_in_dim3A_868 = vector.broadcast %jit3A_866 : i32 to vector<16xi32>
          %select_n3A_869 = arith.select %and3A_864, %broadcast_in_dim3A_867, %broadcast_in_dim3A_868 : vector<16xi1>, vector<16xi32>
          %add3A_870 = arith.addi %add3A_848, %select_n3A_857 : vector<16xi32>
          %add3A_871 = arith.addi %add3A_870, %select_n3A_869 : vector<16xi32>
          %slice3A_872 = vector.extract_strided_slice %get3A_527 {offsets = [15], sizes = [1], strides = [1]} : vector<16xi32> to vector<1xi32>
          %squeeze3A_873 = vector.extract %slice3A_872[0] : i32 from vector<1xi32>
          %gt3A_874 = vector.broadcast %squeeze3A_873 : i32 to vector<16xi32>
          %gt3A_875 = arith.cmpi sgt, %gt3A_874, %get3A_421 : vector<16xi32>
          %jit3A_876 = arith.constant 1 : i32
          %jit3A_877 = arith.constant 0 : i32
          %broadcast_in_dim3A_878 = vector.broadcast %jit3A_876 : i32 to vector<16xi32>
          %broadcast_in_dim3A_879 = vector.broadcast %jit3A_877 : i32 to vector<16xi32>
          %select_n3A_880 = arith.select %gt3A_875, %broadcast_in_dim3A_878, %broadcast_in_dim3A_879 : vector<16xi1>, vector<16xi32>
          %eq3A_881 = vector.broadcast %squeeze3A_873 : i32 to vector<16xi32>
          %eq3A_882 = arith.cmpi eq, %eq3A_881, %get3A_421 : vector<16xi32>
          %add3A_883 = arith.constant 15 : i32
          %add3A_884 = arith.addi %mul3A_529, %add3A_883 : i32
          %lt3A_885 = vector.broadcast %add3A_884 : i32 to vector<16xi32>
          %lt3A_886 = arith.cmpi slt, %lt3A_885, %add3A_425 : vector<16xi32>
          %and3A_887 = arith.andi %eq3A_882, %lt3A_886 : vector<16xi1>
          %jit3A_888 = arith.constant 1 : i32
          %jit3A_889 = arith.constant 0 : i32
          %broadcast_in_dim3A_890 = vector.broadcast %jit3A_888 : i32 to vector<16xi32>
          %broadcast_in_dim3A_891 = vector.broadcast %jit3A_889 : i32 to vector<16xi32>
          %select_n3A_892 = arith.select %and3A_887, %broadcast_in_dim3A_890, %broadcast_in_dim3A_891 : vector<16xi1>, vector<16xi32>
          %add3A_893 = arith.addi %add3A_871, %select_n3A_880 : vector<16xi32>
          %add3A_894 = arith.addi %add3A_893, %select_n3A_892 : vector<16xi32>
          scf.yield %add3A_894 : vector<16xi32>
        }
        %scan3A_433 = arith.constant 14 : i32
        %broadcast_in_dim3A_434 = arith.constant 0 : i32
        %broadcast_in_dim3A_435 = vector.broadcast %broadcast_in_dim3A_434 : i32 to vector<16xi32>
        %gather3A = tpu.vector_load_idx %arg16[%add3A_425, %broadcast_in_dim3A_435] : memref<224x8xf32, #tpu.memory_space<vmem>>[vector<16xi32>, vector<16xi32>], vector<16xf32>,
        %add3A_436 = arith.constant 1 : i32
        %add3A_437 = vector.broadcast %add3A_436 : i32 to vector<16xi32>
        %add3A_438 = arith.addi %broadcast_in_dim3A_435, %add3A_437 : vector<16xi32>
        %gather3A_439 = tpu.vector_load_idx %arg16[%add3A_425, %add3A_438] : memref<224x8xf32, #tpu.memory_space<vmem>>[vector<16xi32>, vector<16xi32>], vector<16xf32>,
        %add3A_440 = arith.constant 2 : i32
        %add3A_441 = vector.broadcast %add3A_440 : i32 to vector<16xi32>
        %add3A_442 = arith.addi %broadcast_in_dim3A_435, %add3A_441 : vector<16xi32>
        %gather3A_443 = tpu.vector_load_idx %arg16[%add3A_425, %add3A_442] : memref<224x8xf32, #tpu.memory_space<vmem>>[vector<16xi32>, vector<16xi32>], vector<16xf32>,
        %add3A_444 = arith.constant 3 : i32
        %add3A_445 = vector.broadcast %add3A_444 : i32 to vector<16xi32>
        %add3A_446 = arith.addi %broadcast_in_dim3A_435, %add3A_445 : vector<16xi32>
        %gather3A_447 = tpu.vector_load_idx %arg16[%add3A_425, %add3A_446] : memref<224x8xf32, #tpu.memory_space<vmem>>[vector<16xi32>, vector<16xi32>], vector<16xf32>,
        %add3A_448 = arith.constant 4 : i32
        %add3A_449 = vector.broadcast %add3A_448 : i32 to vector<16xi32>
        %add3A_450 = arith.addi %broadcast_in_dim3A_435, %add3A_449 : vector<16xi32>
        %gather3A_451 = tpu.vector_load_idx %arg16[%add3A_425, %add3A_450] : memref<224x8xf32, #tpu.memory_space<vmem>>[vector<16xi32>, vector<16xi32>], vector<16xf32>,
        %add3A_452 = arith.constant 5 : i32
        %add3A_453 = vector.broadcast %add3A_452 : i32 to vector<16xi32>
        %add3A_454 = arith.addi %broadcast_in_dim3A_435, %add3A_453 : vector<16xi32>
        %gather3A_455 = tpu.vector_load_idx %arg16[%add3A_425, %add3A_454] : memref<224x8xf32, #tpu.memory_space<vmem>>[vector<16xi32>, vector<16xi32>], vector<16xf32>,
        %add3A_456 = arith.constant 6 : i32
        %add3A_457 = vector.broadcast %add3A_456 : i32 to vector<16xi32>
        %add3A_458 = arith.addi %broadcast_in_dim3A_435, %add3A_457 : vector<16xi32>
        %gather3A_459 = tpu.vector_load_idx %arg16[%add3A_425, %add3A_458] : memref<224x8xf32, #tpu.memory_space<vmem>>[vector<16xi32>, vector<16xi32>], vector<16xf32>,
        %add3A_460 = arith.constant 7 : i32
        %add3A_461 = vector.broadcast %add3A_460 : i32 to vector<16xi32>
        %add3A_462 = arith.addi %broadcast_in_dim3A_435, %add3A_461 : vector<16xi32>
        %gather3A_463 = tpu.vector_load_idx %arg16[%add3A_425, %add3A_462] : memref<224x8xf32, #tpu.memory_space<vmem>>[vector<16xi32>, vector<16xi32>], vector<16xf32>,
        %mul3A_464 = arith.constant 1.000000e-01 : f32
        %mul3A_465 = vector.broadcast %mul3A_464 : f32 to vector<16xf32>
        %mul3A_466 = arith.mulf %gather3A, %mul3A_465 : vector<16xf32>
        %mul3A_467 = arith.mulf %mul3A_466, %gather3A_459 : vector<16xf32>
        %add3A_468 = arith.addf %gather3A_451, %mul3A_467 : vector<16xf32>
        %mul3A_469 = arith.constant 1.000000e-01 : f32
        %mul3A_470 = vector.broadcast %mul3A_469 : f32 to vector<16xf32>
        %mul3A_471 = arith.mulf %gather3A_439, %mul3A_470 : vector<16xf32>
        %mul3A_472 = arith.mulf %mul3A_471, %gather3A_463 : vector<16xf32>
        %add3A_473 = arith.addf %gather3A_455, %mul3A_472 : vector<16xf32>
        %mul3A_474 = arith.constant 2.000000e-01 : f32
        %mul3A_475 = vector.broadcast %mul3A_474 : f32 to vector<16xf32>
        %mul3A_476 = arith.mulf %gather3A_443, %mul3A_475 : vector<16xf32>
        %exp3A = math.exp %mul3A_476 : vector<16xf32>
        %mul3A_477 = arith.mulf %gather3A_459, %exp3A : vector<16xf32>
        %mul3A_478 = arith.constant 2.000000e-01 : f32
        %mul3A_479 = vector.broadcast %mul3A_478 : f32 to vector<16xf32>
        %mul3A_480 = arith.mulf %gather3A_447, %mul3A_479 : vector<16xf32>
        %exp3A_481 = math.exp %mul3A_480 : vector<16xf32>
        %mul3A_482 = arith.mulf %gather3A_463, %exp3A_481 : vector<16xf32>
        %bitcast_convert_type3A = tpu.bitcast %get3A_421 : vector<16xi32> -> vector<16xf32>
        %gt3A_483 = arith.constant 0.00999999977 : f32
        %gt3A_484 = vector.broadcast %gt3A_483 : f32 to vector<16xf32>
        %gt3A_485 = arith.cmpf ogt, %bitcast_convert_type3A, %gt3A_484 : vector<16xf32>
        %lt3A_486 = arith.constant 200 : i32
        %lt3A_487 = vector.broadcast %lt3A_486 : i32 to vector<16xi32>
        %lt3A_488 = arith.cmpi slt, %add3A_425, %lt3A_487 : vector<16xi32>
        %and3A_489 = arith.andi %gt3A_485, %lt3A_488 : vector<16xi1>
        %mul3A_490 = arith.constant 5 : i32
        %mul3A_491 = vector.broadcast %mul3A_490 : i32 to vector<16xi32>
        %mul3A_492 = arith.muli %scan3A_432, %mul3A_491 : vector<16xi32>
        tpu.vector_store_idx %arg17[%mul3A_492], %bitcast_convert_type3A masked %and3A_489 : memref<1008xf32, #tpu.memory_space<vmem>>[vector<16xi32>], vector<16xf32>, vector<16xi1>
        %add3A_493 = arith.constant 1 : i32
        %add3A_494 = vector.broadcast %add3A_493 : i32 to vector<16xi32>
        %add3A_495 = arith.addi %mul3A_492, %add3A_494 : vector<16xi32>
        %mul3A_496 = arith.constant 5.000000e-01 : f32
        %mul3A_497 = vector.broadcast %mul3A_496 : f32 to vector<16xf32>
        %mul3A_498 = arith.mulf %mul3A_477, %mul3A_497 : vector<16xf32>
        %sub3A_499 = arith.subf %add3A_468, %mul3A_498 : vector<16xf32>
        tpu.vector_store_idx %arg17[%add3A_495], %sub3A_499 masked %and3A_489 : memref<1008xf32, #tpu.memory_space<vmem>>[vector<16xi32>], vector<16xf32>, vector<16xi1>
        %add3A_500 = arith.constant 2 : i32
        %add3A_501 = vector.broadcast %add3A_500 : i32 to vector<16xi32>
        %add3A_502 = arith.addi %mul3A_492, %add3A_501 : vector<16xi32>
        %mul3A_503 = arith.constant 5.000000e-01 : f32
        %mul3A_504 = vector.broadcast %mul3A_503 : f32 to vector<16xf32>
        %mul3A_505 = arith.mulf %mul3A_482, %mul3A_504 : vector<16xf32>
        %sub3A_506 = arith.subf %add3A_473, %mul3A_505 : vector<16xf32>
        tpu.vector_store_idx %arg17[%add3A_502], %sub3A_506 masked %and3A_489 : memref<1008xf32, #tpu.memory_space<vmem>>[vector<16xi32>], vector<16xf32>, vector<16xi1>
        %add3A_507 = arith.constant 3 : i32
        %add3A_508 = vector.broadcast %add3A_507 : i32 to vector<16xi32>
        %add3A_509 = arith.addi %mul3A_492, %add3A_508 : vector<16xi32>
        %mul3A_510 = arith.constant 5.000000e-01 : f32
        %mul3A_511 = vector.broadcast %mul3A_510 : f32 to vector<16xf32>
        %mul3A_512 = arith.mulf %mul3A_477, %mul3A_511 : vector<16xf32>
        %add3A_513 = arith.addf %add3A_468, %mul3A_512 : vector<16xf32>
        tpu.vector_store_idx %arg17[%add3A_509], %add3A_513 masked %and3A_489 : memref<1008xf32, #tpu.memory_space<vmem>>[vector<16xi32>], vector<16xf32>, vector<16xi1>
        %add3A_514 = arith.constant 4 : i32
        %add3A_515 = vector.broadcast %add3A_514 : i32 to vector<16xi32>
        %add3A_516 = arith.addi %mul3A_492, %add3A_515 : vector<16xi32>
        %mul3A_517 = arith.constant 5.000000e-01 : f32
        %mul3A_518 = vector.broadcast %mul3A_517 : f32 to vector<16xf32>
        %mul3A_519 = arith.mulf %mul3A_482, %mul3A_518 : vector<16xf32>
        %add3A_520 = arith.addf %add3A_473, %mul3A_519 : vector<16xf32>
        tpu.vector_store_idx %arg17[%add3A_516], %add3A_520 masked %and3A_489 : memref<1008xf32, #tpu.memory_space<vmem>>[vector<16xi32>], vector<16xf32>, vector<16xi1>
        %scan3A_521 = arith.constant 0 : i32
        scf.yield %scan3A_521 : i32
      }
      %scan3A_414 = arith.constant 14 : i32
      "tpu.region"() ({
        %run_scoped3A = tpu.sem_alloc : memref<!tpu.dma_semaphore, #tpu.memory_space<semaphore_mem>>
        %dma_start3A_416 = arith.constant 0 : i32
        %dma_start3A_417 = tpu.memref_slice %arg17[%dma_start3A_416] : memref<1008xf32, #tpu.memory_space<vmem>> -> memref<1000xf32, #tpu.memory_space<vmem>>
        %dma_start3A_418 = arith.constant 0 : i32
        %dma_start3A_419 = tpu.memref_slice %arg4[%while3A_23, %dma_start3A_418] : memref<648x1000xf32, #tpu.memory_space<hbm>> -> memref<1x1000xf32, #tpu.memory_space<hbm>>
        %dma_start3A_420 = tpu.memref_squeeze %dma_start3A_419 : memref<1x1000xf32, #tpu.memory_space<hbm>> -> memref<1000xf32, #tpu.memory_space<hbm>>
        %dma_start3A_421 = arith.constant 0 : i32
        %dma_start3A_422 = tpu.memref_slice %arg4[%while3A_23, %dma_start3A_421] : memref<648x1000xf32, #tpu.memory_space<hbm>> -> memref<1x1000xf32, #tpu.memory_space<hbm>>
        %dma_start3A_423 = tpu.memref_squeeze %dma_start3A_422 : memref<1x1000xf32, #tpu.memory_space<hbm>> -> memref<1000xf32, #tpu.memory_space<hbm>>
        %dma_start3A_424 = arith.constant 0 : i32
        %dma_start3A_425 = tpu.memref_slice %arg17[%dma_start3A_424] : memref<1008xf32, #tpu.memory_space<vmem>> -> memref<1000xf32, #tpu.memory_space<vmem>>
        tpu.enqueue_dma source(%dma_start3A_425 : memref<1000xf32, #tpu.memory_space<vmem>>) target(%dma_start3A_423 : memref<1000xf32, #tpu.memory_space<hbm>>) target_semaphore(%run_scoped3A : memref<!tpu.dma_semaphore, #tpu.memory_space<semaphore_mem>>)
        %dma_wait3A_426 = arith.constant 0 : i32
        %dma_wait3A_427 = tpu.memref_slice %arg17[%dma_wait3A_426] : memref<1008xf32, #tpu.memory_space<vmem>> -> memref<1000xf32, #tpu.memory_space<vmem>>
        %dma_wait3A_428 = arith.constant 0 : i32
        %dma_wait3A_429 = tpu.memref_slice %arg4[%while3A_23, %dma_wait3A_428] : memref<648x1000xf32, #tpu.memory_space<hbm>> -> memref<1x1000xf32, #tpu.memory_space<hbm>>
        %dma_wait3A_430 = tpu.memref_squeeze %dma_wait3A_429 : memref<1x1000xf32, #tpu.memory_space<hbm>> -> memref<1000xf32, #tpu.memory_space<hbm>>
        %dma_wait3A_431 = arith.constant 0 : i32
        %dma_wait3A_432 = tpu.memref_slice %arg4[%while3A_23, %dma_wait3A_431] : memref<648x1000xf32, #tpu.memory_space<hbm>> -> memref<1x1000xf32, #tpu.memory_space<hbm>>
        %dma_wait3A_433 = tpu.memref_squeeze %dma_wait3A_432 : memref<1x1000xf32, #tpu.memory_space<hbm>> -> memref<1000xf32, #tpu.memory_space<hbm>>
        %dma_wait3A_434 = arith.constant 0 : i32
        %dma_wait3A_435 = tpu.memref_slice %arg17[%dma_wait3A_434] : memref<1008xf32, #tpu.memory_space<vmem>> -> memref<1000xf32, #tpu.memory_space<vmem>>
        tpu.wait_dma2 semaphore(%run_scoped3A : memref<!tpu.dma_semaphore, #tpu.memory_space<semaphore_mem>>) src(%dma_wait3A_435 : memref<1000xf32, #tpu.memory_space<vmem>>) dst(%dma_wait3A_433 : memref<1000xf32, #tpu.memory_space<hbm>>)
        tpu.yield
      }) : () -> ()
      %while3A_415 = arith.constant 0 : i32
      scf.yield %while3A_415 : i32
    }
    return
  }
}

</mosaic_0001>

<sc_bundles>
// kernel: _detect_sc.3.cloned.1.call-start
scs
__scs_entry_jumppad:
0x0: {  	(pc) =	sbr.rel $0x88, $3  }
0x1: {  	(tag) =	ssettag $0x0;
	lr =	simm.s32 $0x1  }
0x2: {  	[smem:$0x3F9F] =	sst lr;
	_ =	strace $0xD0000000  }
0x3: {  	_ = 	snop  }
0x4: {  	_ = 	snop  }
0x5: {  	_ = 	snop  }
0x6: {  	_ = 	snop  }
0x7: {  	_ = 	snop  }
__scs_overlays_trampoline_lowered:
0x8: {  	[smem:$0x3FAE] =	sst s0  }
0x9: {  	[smem:$0x3FAF] =	sst s1  }
0xa: {  	[smem:$0x3FB0] =	sst s2  }
0xb: {  	[smem:$0x3FB1] =	sst s3  }
0xc: {  	[smem:$0x3FB2] =	sst s4  }
0xd: {  	[smem:$0x3FB3] =	sst s5  }
0xe: {  	[smem:$0x3FB4] =	sst s6  }
0xf: {  	[smem:$0x3FB5] =	sst s7  }
0x10: {  	[smem:$0x3FB6] =	sst s8  }
0x11: {  	[smem:$0x3FB7] =	sst s9;
	s0 =	simm.s32 @!p0 $0x0  }
0x12: {  	s1 =	sld [smem:$0x3F9D];
	s0 =	simm.s32 @p0 $0x1  }
0x13: {  	[smem:$0x3FB8] =	sst s0;
	s0 =	simm.s32 @!p1 $0x0  }
0x14: {  	s2 =	sld [smem:$0x3F9C];
	s0 =	simm.s32 @p1 $0x1  }
0x15: {  	[smem:$0x3FB9] =	sst s0;
	s0 =	simm.s32 @!p2 $0x0  }
0x16: {  	s3 =	sld [smem:$0x3FDB];
	s0 =	simm.s32 @p2 $0x1  }
0x17: {  	s4 =	simm.s32 $0x1BF5;
	[smem:$0x3FBB] =	sst s0  }
0x18: {  	s0 =	sld [smem:$0x3F9E];
	_ =	swait.ge [sflag:s4], $0x0  }
0x19: {  	s7 =	sld [smem:$0x3F9F]  }
0x1a: {  	s8 =	sadd.s32 $0xFFFFE003, lr  }
0x1b: {  	s9 =	sadd.s32 $0xFFFFFEF7, lr;
	s5 =	simm.s32 $0xFFFFFFFF;
	p2 =	slt.u32 s8, $0xFFFFF086  }
0x1c: {  	p1 =	slt.u32 s9, $0xF7A;
	s5 =	simm.s32 @!p2 $0x0  }
0x1d: {  	s5 =	simm.s32 @p1 $0x1;
	p0 =	seq.s32 s7, s2  }
0x1e: {  	s7 =	smul.u32 @!p0 $0xF7A, s2;
	p2 =	seq.s32 @!p0 s5, $0x0  }
0x1f: {  	s9 =	smul.u32 $0xF7A, s1;
	s8 =	simm.s32 @!p0 $0x1BF5;
	p2 =	por !p2, p0  }
0x20: {  	[sflag:s8] =	ssyncset.s32 @!p0 $0xFFFFF086;
	s6 =	sadd.s32 @!p0 s3, s7;
	s7 =	simm.s32 @!p0 $0x108  }
0x21: {  	s3 =	sadd.s32 s3, s9;
	s6 =	sadd.s32 @!p0 $0x88, s6;
	s7 =	simm.s32 @p2 $0x1082  }
0x22: {  	[simem:s7], [sflag:s8] =	dma.local @!p0 [hbm:s6], $0xF7A  }
0x23: {  	s9 =	sor.u32 $0xD0000000, s2;
	s6 =	simm.s32 $0x108;
	_ =	swait.ge @!p0 [sflag:s8], $0x0  }
0x24: {  	s3 =	sadd.s32 $0x88, s3;
	s6 =	simm.s32 @!p1 $0x1082;
	[sflag:s4] =	ssyncset.s32 $0xFFFFF086  }
0x25: {  	[simem:s6], [sflag:s4] =	dma.local [hbm:s3], $0xF7A  }
0x26: {  	[smem:$0x3F9F] =	sst s1;
	(tag) =	ssettag s2;
	_ =	strace s9  }
0x27: {  	s1 =	sld [smem:$0x3FAF]  }
0x28: {  	s2 =	sld [smem:$0x3FB0]  }
0x29: {  	s4 =	sld [smem:$0x3FB2]  }
0x2a: {  	p0 =	seq.s32 s5, $0x0;
	s5 =	sld [smem:$0x3FB3]  }
0x2b: {  	s6 =	sld [smem:$0x3FB4]  }
0x2c: {  	s7 =	sld [smem:$0x3FB5]  }
0x2d: {  	s3 =	simm.s32 $0x108;
	s8 =	sld [smem:$0x3FB6]  }
0x2e: {  	s3 =	simm.s32 @!p0 $0x1082;
	s9 =	sld [smem:$0x3FB7]  }
0x2f: {  	lr =	sadd.s32 s0, s3;
	s0 =	sld [smem:$0x3FAE]  }
0x30: {  	s3 =	sld [smem:$0x3FB1]  }
0x31: {  	[smem:$0x3FBA] =	sst s10  }
0x32: {  	s10 =	sld [smem:$0x3FB8];
	_ =	sdelay $0x3  }
0x33: {  	p0 =	seq.s32 s10, $0x1;
	s10 =	sld [smem:$0x3FBA];
	_ =	sdelay $0x3  }
0x34: {  	[smem:$0x3FBA] =	sst s10  }
0x35: {  	s10 =	sld [smem:$0x3FB9];
	_ =	sdelay $0x3  }
0x36: {  	p1 =	seq.s32 s10, $0x1;
	s10 =	sld [smem:$0x3FBA];
	_ =	sdelay $0x3  }
0x37: {  	[smem:$0x3FBA] =	sst s10  }
0x38: {  	s10 =	sld [smem:$0x3FBB]  }
0x39: {  	_ = 	snop;
	(pc) =	sbr.ind lr, $3  }
0x3a: {  	_ = 	snop  }
0x3b: {  	_ = 	snop  }
0x3c: {  	p2 =	seq.s32 s10, $0x1;
	s10 =	sld [smem:$0x3FBA]  }
0x3d: {  	_ =	shalt  }
0x3e: {  	_ =	shalt  }
0x3f: {  	_ =	shalt  }
0x40: {  	_ =	shalt  }
0x41: {  	_ =	shalt  }
0x42: {  	_ =	shalt  }
0x43: {  	_ =	shalt  }
0x44: {  	_ =	shalt  }
0x45: {  	_ =	shalt  }
0x46: {  	_ =	shalt  }
0x47: {  	_ =	shalt  }
0x48: {  	_ =	shalt  }
0x49: {  	_ =	shalt  }
0x4a: {  	_ =	shalt  }
0x4b: {  	_ =	shalt  }
0x4c: {  	_ =	shalt  }
0x4d: {  	_ =	shalt  }
0x4e: {  	_ =	shalt  }
0x4f: {  	_ =	shalt  }
0x50: {  	_ =	shalt  }
0x51: {  	_ =	shalt  }
0x52: {  	_ =	shalt  }
0x53: {  	_ =	shalt  }
0x54: {  	_ =	shalt  }
0x55: {  	_ =	shalt  }
0x56: {  	_ =	shalt  }
0x57: {  	_ =	shalt  }
0x58: {  	_ =	shalt  }
0x59: {  	_ =	shalt  }
0x5a: {  	_ =	shalt  }
0x5b: {  	_ =	shalt  }
0x5c: {  	_ =	shalt  }
0x5d: {  	_ =	shalt  }
0x5e: {  	_ =	shalt  }
0x5f: {  	_ =	shalt  }
0x60: {  	_ =	shalt  }
0x61: {  	_ =	shalt  }
0x62: {  	_ =	shalt  }
0x63: {  	_ =	shalt  }
0x64: {  	_ =	shalt  }
0x65: {  	_ =	shalt  }
0x66: {  	_ =	shalt  }
0x67: {  	_ =	shalt  }
0x68: {  	_ =	shalt  }
0x69: {  	_ =	shalt  }
0x6a: {  	_ =	shalt  }
0x6b: {  	_ =	shalt  }
0x6c: {  	_ =	shalt  }
0x6d: {  	_ =	shalt  }
0x6e: {  	_ =	shalt  }
0x6f: {  	_ =	shalt  }
0x70: {  	_ =	shalt  }
0x71: {  	_ =	shalt  }
0x72: {  	_ =	shalt  }
0x73: {  	_ =	shalt  }
0x74: {  	_ =	shalt  }
0x75: {  	_ =	shalt  }
0x76: {  	_ =	shalt  }
0x77: {  	_ =	shalt  }
0x78: {  	_ =	shalt  }
0x79: {  	_ =	shalt  }
0x7a: {  	_ =	shalt  }
0x7b: {  	_ =	shalt  }
0x7c: {  	_ =	shalt  }
0x7d: {  	_ =	shalt  }
0x7e: {  	_ =	shalt  }
0x7f: {  	_ =	shalt  }
0x80: {  	_ =	shalt  }
0x81: {  	_ =	shalt  }
0x82: {  	_ =	shalt  }
0x83: {  	_ =	shalt  }
0x84: {  	_ =	shalt  }
0x85: {  	_ =	shalt  }
0x86: {  	_ =	shalt  }
0x87: {  	_ =	shalt  }
.Lfunc_end0:
.L_simem_size_0:
called_computation_lowered:
.L_overlay_start_0:
0x88: {  	s2 =	sld [smem:$0x3FD9]  }
0x89: {  	s3 =	sld [smem:$0x3FFE];
	_ =	sdelay $0x1  }
0x8a: {  	s1 =	srdreg.scid  }
0x8b: {  	s0 =	sand.u32 $0x1, s1  }
0x8c: {  	s16 =	sshll.u32 s0, $0xA;
	s2 =	sadd.s32 s3, s2  }
0x8d: {  	s2 =	sadd.s32 s2, s16  }
0x8e: {  	[smem:$0x3FC6] =	sst s2  }
0x8f: {  	_ = 	snop  }
0x90: {  	(tm) =	ssettm $0x1  }
0x91: {  	s17 =	sld [smem:$0x3FFB];
	_ =	sdelay $0x3  }
0x92: {  	_ =	strace s17  }
0x93: {  	s2 =	sld [smem:$0x3FFC];
	_ =	sdelay $0x3  }
0x94: {  	_ =	strace s2  }
0x95: {  	s2 =	sld [smem:$0x3FFD];
	_ =	sdelay $0x3  }
0x96: {  	_ =	strace s2  }
0x97: {  	_ =	strace $0x8FFFFFFF  }
0x98: {  	s18 =	sld [smem:$0x3FDB];
	_ =	sdelay $0x1  }
0x99: {  	s19 =	simm.s32 $_scs_section_size  }
0x9a: {  	s4 =	simm.s32 $_size__tile_overlayer_lowered;
	s5 =	simm.s32 $_tile_overlayer_lowered  }
0x9b: {  	s22 =	simm.s32 $0x1BFF;
	s21 =	sshll.u32 s5, $0x1;
	s2 =	sadd.s32 s19, s18  }
0x9c: {  	s6 =	simm.s32 $0x0;
	s20 =	sshll.u32 s4, $0x1;
	s4 =	sadd.s32 s21, s2  }
0x9d: {  	[timem:s6], [sflag:s22] =	dma.local [hbm:s4], s20  }
0x9e: {  	_ =	swait.ge [sflag:s22], s20  }
0x9f: {  	s3 =	ssub.s32 $0x0, s20;
	[sflag:s22] =	ssyncset.done $0x0  }
0xa0: {  	[sflag:s22] =	ssyncadd.s32 s3;
	_ =	sdelay $0x1  }
0xa1: {  	s23 =	simm.s32 $0x1B8B  }
0xa2: {  	_ =	swait.ge [sflag:s23], $0x1  }
0xa3: {  	[sflag:s23] =	ssyncset.done $0x0  }
0xa4: {  	s25 =	simm.s32 $0x1B8E;
	s24 =	sld [smem:$0x3FFE];
	[sflag:s23] =	ssyncadd.s32 $0xFFFFFFFF  }
0xa5: {  	s26 =	simm.s32 $execute0_lowered;
	[smem:$0x3FD2] =	sst s25  }
0xa6: {  	s4 =	sshll.u32 s26, $0x1;
	_ =	strace $0x80000046;
	[dreg:$0x1] =	wrdreg $0xFFFFFFFF  }
0xa7: {  	s28 =	simm.s32 $_size_execute0_lowered;
	s2 =	sadd.s32 s2, s4;
	[dreg:$0x0] =	wrdreg $0x0  }
0xa8: {  	s4 =	sshll.u32 s28, $0x1;
	[dreg:$0x2] =	wrdreg s2  }
0xa9: {  	[dreg:$0x3] =	wrdreg s4  }
0xaa: {  	[dreg:$0x4] =	wrdreg $0xC0  }
0xab: {  	_ =	task [dreg:s6], $0x5FFFF  }
0xac: {  	[dreg:$0x1] =	wrdreg $0xFFFFFFFF  }
0xad: {  	[dreg:$0x0] =	wrdreg $0x60  }
0xae: {  	[dreg:$0x2] =	wrdreg s24  }
0xaf: {  	[dreg:$0x3] =	wrdreg $0x9  }
0xb0: {  	_ =	task.clear_ibuf [dreg:s6], $0x4FFFF;
	_ =	strace $0x90000046  }
0xb1: {  	s29 =	simm.s32 $0x9;
	_ =	strace $0x80000048  }
0xb2: {  	_ =	swait.ge [sflag:s29], $0x1  }
0xb3: {  	[sflag:s29] =	ssyncadd.s32 $0xFFFFFFFF  }
0xb4: {  	_ =	strace $0x90000048  }
0xb5: {  	_ =	sfence  }
0xb6: {  	s30 =	sld [smem:$0x0];
	_ =	sdelay $0x2  }
0xb7: {  	s31 =	sshll.u32 s1, $0xD;
	s1 =	sshrl.u32 s1, $0x2  }
0xb8: {  	s3 =	sand.u32 $0x4000, s31;
	s1 =	sadd.s32 s1, s30  }
0xb9: {  	s0 =	sor.u32 s3, s0;
	s1 =	sshll.u32 s1, $0x11  }
0xba: {  	s0 =	sor.u32 s1, s0  }
0xbb: {  	s0 =	sadd.s32 $0x8F2B, s0  }
0xbc: {  	[sflag:s0] =	ssyncadd.remote.s32 $0x1  }
0xbd: {  	_ =	sfence.sel $0xFFFF  }
0xbe: {  	[dreg:$0x0] =	wrdreg $0xFFFFFFFF;
	(pc) =	sbr.abs _section_cstart, $3  }
0xbf: {  	[dreg:$0x1] =	wrdreg $0xFFFFFFFF  }
0xc0: {  	_ =	task.clear_ibuf [dreg:s6], $0x2FFFF;
	_ =	strace $0x9FFFFFFF  }
0xc1: {  	(tm) =	ssettm $0x7FFFFFFF  }
tec
execute0_lowered:
.L_overlay_start_1:
0x0: {  	(tag) =	ssettag $0x1  }
0x1: {  	s0 =	srdreg.scid;
	s2 =	stileid.u32  }
0x2: {  	s5 =	rddreg [dreg:$0x0];
	s4 =	simm.s32 $0x0;
	s8 =	simm.s32 $0x15  }
0x3: {  	s9 =	simm.s32 $0x2;
	s10 =	simm.s32 $0x186E0;
	s11 =	simm.s32 $0x1  }
0x4: {  	s12 =	simm.s32 $0x198A0;
	s13 =	simm.s32 $0x19980;
	s14 =	simm.s32 $0x70  }
0x5: {  	s15 =	simm.s32 $0x19A60;
	s0 =	sand.u32 $0x1, s0;
	s1 =	sshll.u32 s2, $0x1  }
0x6: {  	s16 =	simm.s32 $0x19B40;
	s17 =	simm.s32 $0x19AD0;
	s1 =	sor.u32 s0, s1  }
0x7: {  	s18 =	simm.s32 $0x19EC0;
	s19 =	simm.s32 $0x1A240;
	s3 =	smin.u32 s1, $0x8  }
0x8: {  	[smem:$0x7FF] =	sst s4;
	s1 =	smax.u32 s1, $0x8;
	s6 =	smul.u32 $0x15, s3  }
0x9: {  	s4 =	sadd.s32 $0x271400, s5;
	s0 =	ssub.s32 $0x2, s0;
	s1 =	smul.u32 $0x14, s1  }
.Ltmp0:
0xa: {  	p0 =	slt.u32 s2, $0x4;
	s7 =	sshrl.u32 s0, $0x1;
	(pc) =	sbr.rel .LBB2_1-.Ltmp0, $4  }
0xb: {  	_ =	strace $0x80000047;
	s8 =	simm.s32 @!p0 $0x14;
	s0 =	ssub.s32 s0, s7  }
0xc: {  	s3 =	sadd.s32 $0x400, s5;
	s0 =	smax.u32 s0, $0x1;
	s1 =	sadd.s32 s6, s1  }
0xd: {  	v0 =	vimm.s32 $0x0;
	v1 =	vlaneseq.u32;
	s6 =	sadd.s32 $0x18BE00, s5;
	[dreg:$0x3] =	wrdreg s0;
	s1 =	sadd.s32 $0xFFFFFF60, s1  }
0xe: {  	v2 =	vimm.s32 $0x1;
	v4 =	vimm.f32 $0.0e+00;
	v3 =	vor.u32 $0xFF8, v1;
	[dreg:$0x2] =	wrdreg s1;
	s7 =	sadd.s32 s8, s1;
	s1 =	simm.s32 $0x0  }
.LBB2_113:
0xf: {  	s1 =	rddreg [dreg:$0x4]  }
0x10: {  	s0 =	rddreg [dreg:$0x3];
	s1 =	sadd.s32 $0x1, s1  }
0x11: {  	p0 =	sne.s32 s1, s0  }
.Ltmp1:
0x12: {  	_ = 	snop;
	(pc) =	sbr.rel @!p0 .LBB2_114-.Ltmp1, $1  }
0x13: {  	_ =	sdelay $0x3  }
.LBB2_1:
0x14: {  	[dreg:$0x4] =	wrdreg s1  }
0x15: {  	s21 =	rddreg [dreg:$0x2]  }
.LBB2_2:
0x16: {  	s0 =	smul.u32 $0x9C4, s21;
	_ =	sdelay $0x1  }
0x17: {  	s1 =	sadd.s32 s3, s0;
	s0 =	simm.s32 $0x0  }
0x18: {  	[tilespmem:s0], [sflag:$0x2] =	stream.linear.gather [hbm4b:s1+s0], $0x4E20, $0x38;
	[tilespmem:$0x1A630] =	vst v63  }
0x19: {  	_ =	swait.ge [sflag:s9], $0x4E20  }
0x1a: {  	[sflag:s9] =	ssyncset.done $0x0  }
0x1b: {  	s5 =	simm.s32 $0x0;
	s1 =	simm.s32 $0x40;
	[sflag:s9] =	ssyncadd.s32 $0xFFFFB1E0  }
.LBB2_3:
0x1c: {  	p0 =	sne.s32 s1, $0x3FC0;
	[tilespmem:s5+$0x186E0] =	vst v0;
	s5 =	smov.u32 s1;
	s1 =	sadd.s32 $0x40, s1  }
.Ltmp2:
0x1d: {  	(pc) =	sbr.rel @p0 .LBB2_3-.Ltmp2, $2  }
0x1e: {  	_ =	sdelay $0x2  }
0x1f: {  	s5 =	sshra.s32 s5, $0x2  }
0x20: {  	[tilespmem:s5+$0x186E0] =	vst v0  }
.LBB2_5:
0x21: {  	s1 =	sshra.s32 s0, $0x2  }
0x22: {  	v5 =	vld [tilespmem:s1+$0x0];
	_ =	sdelay $0x4  }
0x23: {  	v6 =	vshrl.u32 v5, $0xE  }
0x24: {  	v6 =	vand.u32 $0xFF0, v6  }
0x25: {  	vm0 =	vgt.f32 v5, $9.999999770e-03;
	v5 =	vor.u32 v1, v6  }
0x26: {  	p0 =	seq.s32 s0, $0x13840;
	v5 =	vsel vm0, v5, v1  }
.Ltmp3:
0x27: {  	_ = 	snop;
	(pc) =	sbr.rel @!p0 .LBB2_5-.Ltmp3, $2  }
0x28: {  	_ =	sdelay $0x2  }
0x29: {  	s0 =	sadd.s32 $0x40, s0;
	[tilespmem:v5+s10+$0x0] =	vst.idx.add.s32.msk $0xffff, v2  }
0x2a: {  	s0 =	simm.s32 $0x196D0  }
0x2b: {  	v5 =	vld [tilespmem:s0+$0x0];
	_ =	sdelay $0x4  }
0x2c: {  	(xrf0) =	vadd.scan.msk.s32 $0xffff, v5;
	_ =	sdelay $0x5  }
0x2d: {  	v5, _, _ =	vpop (xrf0)  }
0x2e: {  	(v2sf) =	vpush v5, $0xF;
	_ =	sdelay $0x1  }
0x2f: {  	s20 =	simm.s32 $0x196C0  }
0x30: {  	v5 =	vld [tilespmem:s20+$0x0]  }
0x31: {  	s23 =	simm.s32 $0x196B0  }
0x32: {  	v6 =	vld [tilespmem:s23+$0x0];
	_ =	sdelay $0x2  }
0x33: {  	(xrf0) =	vadd.scan.msk.s32 $0xffff, v5;
	_ =	sdelay $0x1  }
0x34: {  	(xrf0) =	vadd.scan.msk.s32 $0xffff, v6;
	_ =	sdelay $0x2  }
0x35: {  	s24 =	simm.s32 $0x196A0  }
0x36: {  	v7 =	vld [tilespmem:s24+$0x0];
	v6, _, _ =	vpop (xrf0)  }
0x37: {  	s31 =	spop (v2sf);
	(v2sf) =	vpush v6, $0xF  }
0x38: {  	v6, _, _ =	vpop (xrf0)  }
0x39: {  	(v2sf) =	vpush v6, $0xF;
	_ =	sdelay $0x1  }
0x3a: {  	s25 =	simm.s32 $0x19690;
	(xrf0) =	vadd.scan.msk.s32 $0xffff, v7  }
0x3b: {  	v5 =	vld [tilespmem:s25+$0x0]  }
0x3c: {  	s22 =	simm.s32 $0x0  }
0x3d: {  	s26 =	simm.s32 $0xFF;
	s29 =	simm.s32 $0xFE;
	s28 =	simm.s32 $0xFD  }
0x3e: {  	s8 =	simm.s32 $0x19680;
	p1 =	por $0x1, $0x1;
	s1 =	simm.s32 $0x0  }
0x3f: {  	s24 =	simm.s32 $0xFB;
	s23 =	simm.s32 $0xFA;
	s30 =	sadd.s32 $0x0, s31  }
0x40: {  	s0 =	simm.s32 $0x0;
	s25 =	simm.s32 $0xFC;
	(xrf0) =	vadd.scan.msk.s32 $0xffff, v5;
	v5, _, _ =	vpop (xrf0);
	p2 =	sgt.s32 s30, $0xC7  }
.LBB2_7:
0x41: {  	p0 =	seq.s32 s23, $0x0;
	p1 =	por !p1, !p2;
	s5 =	smov.u32 s23  }
0x42: {  	v6 =	vld [tilespmem:s8+$0x0];
	(v2sf) =	vpush v5, $0xF;
	s23 =	sadd.s32 $0xFFFFFFFF, s23;
	s31 =	smov.u32 s1;
	s1 =	smov.u32 s30  }
.Ltmp4:
0x43: {  	p1 =	por !p1, !p1;
	(pc) =	sbr.rel @!p0 .LBB2_7-.Ltmp4, $4  }
0x44: {  	s22 =	smov.u32 @p1 s26;
	s0 =	smov.u32 @p1 s31;
	s26 =	smov.u32 s29  }
0x45: {  	s29 =	smov.u32 s28;
	s28 =	smov.u32 s25;
	s31 =	spop (v2sf)  }
0x46: {  	s25 =	smov.u32 s24;
	s24 =	smov.u32 s5;
	s30 =	sadd.s32 s30, s31  }
0x47: {  	s8 =	sadd.s32 $0xFFFFFFF0, s8;
	p1 =	slt.s32 s1, $0xC8;
	(xrf0) =	vadd.scan.msk.s32 $0xffff, v6;
	v5, _, _ =	vpop (xrf0);
	p2 =	sgt.s32 s30, $0xC7  }
0x48: {  	_ =	sdelay $0x4  }
0x49: {  	(v2sf) =	vpush v5, $0xF;
	v5, _, _ =	vpop (xrf0)  }
0x4a: {  	(v2sf) =	vpush v5, $0xF;
	_ =	sdelay $0x7  }
0x4b: {  	s5 =	spop (v2sf)  }
0x4c: {  	p0 =	por !p1, !p2;
	s5 =	sadd.s32 s30, s5  }
0x4d: {  	p3 =	slt.s32 s30, $0xC8;
	p0 =	por !p0, !p0;
	p4 =	sgt.s32 s5, $0xC7  }
0x4e: {  	s22 =	smov.u32 @p0 s26;
	p5 =	slt.s32 s5, $0xC8;
	p1 =	por !p3, !p4  }
0x4f: {  	s0 =	smov.u32 @p0 s1;
	p1 =	por !p1, !p1;
	s8 =	spop (v2sf)  }
0x50: {  	s22 =	smov.u32 @p1 s29;
	s0 =	smov.u32 @p1 s30;
	s8 =	sadd.s32 s5, s8  }
0x51: {  	p3 =	sgt.s32 s8, $0xC7;
	p2 =	slt.s32 s8, $0xC8;
	s31 =	spop (v2sf)  }
0x52: {  	p6 =	por !p5, !p3;
	s1 =	sadd.s32 s8, s31;
	s23 =	spop (v2sf)  }
0x53: {  	p0 =	por !p6, !p6;
	p3 =	sgt.s32 s1, $0xC7;
	s23 =	sadd.s32 s1, s23  }
0x54: {  	p4 =	slt.s32 s1, $0xC8;
	p1 =	por !p2, !p3;
	p5 =	sgt.s32 s23, $0xC7  }
0x55: {  	s22 =	smov.u32 @p0 s28;
	p1 =	por !p1, !p1;
	p6 =	por !p4, !p5  }
0x56: {  	s0 =	smov.u32 @p0 s5;
	s22 =	smov.u32 @p1 s25;
	p0 =	por !p6, !p6  }
0x57: {  	s22 =	smov.u32 @p0 s24  }
0x58: {  	v5 =	vmov s22;
	s22 =	simm.s32 $0x0  }
0x59: {  	v6 =	vld [tilespmem:s22+$0x0];
	_ =	sdelay $0x4  }
0x5a: {  	vm0 =	vgt.f32 v6, $9.999999770e-03  }
0x5b: {  	v6 =	vnsel vm0, $0x0, v6  }
0x5c: {  	v7 =	vshrl.u32 v6, $0x12  }
0x5d: {  	v7 =	vand.u32 $0xFF, v7  }
0x5e: {  	vm15 =	vgt.u32 v7, v5  }
0x5f: {  	vm1 =	veq.s32 v7, v5;
	v7 =	vsel vm15, $0x1, v0  }
0x60: {  	v8 =	vsel vm1, $0x1, v0;
	(xrf0) =	vadd.scan.msk.s32 $0xffff, v7  }
0x61: {  	(xrf0) =	vadd.scan.msk.s32 $0xffff, v8;
	_ =	sdelay $0x2  }
0x62: {  	[tilespmem:s22+$0x196E0] =	vst.msk vm15, v6;
	v7 =	vor.u32 s22, v1  }
0x63: {  	[tilespmem:s22+$0x197C0] =	vst.msk vm15, v7  }
0x64: {  	[tilespmem:s22+$0x4E20] =	vst.msk vm1, v6;
	v6, _, _ =	vpop (xrf0)  }
0x65: {  	(v2sf) =	vpush v6, $0xF;
	v6, _, _ =	vpop (xrf0)  }
0x66: {  	s0 =	smov.u32 @p1 s8;
	s25 =	simm.s32 $0x10;
	s23 =	simm.s32 $0x10;
	[tilespmem:s22+$0x9C50] =	vst.msk vm1, v7;
	(v2sf) =	vpush v6, $0xF  }
0x67: {  	s0 =	smov.u32 @p0 s1;
	s1 =	simm.s32 $0x20;
	s24 =	simm.s32 $0x0;
	v6 =	vld [tilespmem:s25+$0x0]  }
.LBB2_9:
0x68: {  	p0 =	sne.s32 s1, $0x4E10;
	_ =	sdelay $0x3  }
0x69: {  	vm0 =	vgt.f32 v6, $9.999999770e-03  }
0x6a: {  	v6 =	vnsel vm0, $0x0, v6  }
0x6b: {  	v7 =	vshrl.u32 v6, $0x12  }
0x6c: {  	v7 =	vand.u32 $0xFF, v7  }
0x6d: {  	vm0 =	vgt.u32 v7, v5;
	vm1 =	veq.s32 v7, v5  }
0x6e: {  	v7 =	vsel vm0, $0x1, v0;
	v8 =	vsel vm1, $0x1, v0  }
0x6f: {  	(xrf0) =	vadd.scan.msk.s32 $0xffff, v7  }
0x70: {  	(xrf0) =	vadd.scan.msk.s32 $0xffff, v8  }
0x71: {  	s5 =	spop (v2sf)  }
0x72: {  	s22 =	sadd.s32 s22, s5;
	s5 =	spop (v2sf)  }
0x73: {  	v7 =	vor.u32 s25, v1;
	s25 =	smov.u32 s1;
	[tilespmem:s22+$0x196E0] =	vst.msk vm0, v6;
	s24 =	sadd.s32 s24, s5  }
.Ltmp5:
0x74: {  	[tilespmem:s22+$0x197C0] =	vst.msk vm0, v7;
	(pc) =	sbr.rel @p0 .LBB2_9-.Ltmp5, $4  }
0x75: {  	[tilespmem:s24+$0x4E20] =	vst.msk vm1, v6;
	v6, _, _ =	vpop (xrf0)  }
0x76: {  	[tilespmem:s24+$0x9C50] =	vst.msk vm1, v7;
	(v2sf) =	vpush v6, $0xF;
	v6, _, _ =	vpop (xrf0)  }
0x77: {  	s23 =	sadd.s32 $0x10, s23;
	(v2sf) =	vpush v6, $0xF  }
0x78: {  	s1 =	sadd.s32 $0x10, s1;
	v6 =	vld [tilespmem:s23+$0x0]  }
0x79: {  	_ =	sdelay $0x3  }
0x7a: {  	vm0 =	vgt.f32 v6, $9.999999770e-03  }
0x7b: {  	v6 =	vnsel vm0, $0x0, v6  }
0x7c: {  	v7 =	vshrl.u32 v6, $0x12  }
0x7d: {  	v7 =	vand.u32 $0xFF, v7  }
0x7e: {  	vm1 =	vgt.u32 v7, v5  }
0x7f: {  	vm15 =	veq.s32 v7, v5;
	v5 =	vsel vm1, $0x1, v0  }
0x80: {  	v7 =	vsel vm15, $0x1, v0;
	(xrf0) =	vadd.scan.msk.s32 $0xffff, v5  }
0x81: {  	(xrf0) =	vadd.scan.msk.s32 $0xffff, v7;
	_ =	sdelay $0x4  }
0x82: {  	v5, _, _ =	vpop (xrf0)  }
0x83: {  	(v2sf) =	vpush v5, $0xF;
	v5, _, _ =	vpop (xrf0)  }
0x84: {  	(v2sf) =	vpush v5, $0xF;
	_ =	sdelay $0xb  }
0x85: {  	s1 =	spop (v2sf)  }
0x86: {  	s5 =	spop (v2sf)  }
0x87: {  	s8 =	spop (v2sf)  }
0x88: {  	s5 =	sadd.s32 s24, s5;
	s8 =	spop (v2sf)  }
0x89: {  	s24 =	sadd.s32 s5, s8  }
0x8a: {  	s8 =	sadd.s32 $0xF, s24  }
0x8b: {  	s23 =	sand.u32 $0xF, s8  }
0x8c: {  	s31 =	sadd.s32 s0, s24;
	p1 =	slt.s32 s8, $0x1;
	p0 =	sne.s32 s23, $0x0  }
0x8d: {  	p0 =	por !p1, !p0;
	p1 =	sgt.s32 s31, $0xC8  }
.Ltmp6:
0x8e: {  	s1 =	sadd.s32 s22, s1;
	s30 =	sshra.s32 s8, $0x1F;
	(pc) =	sbr.rel @!p1 .LBB2_11-.Ltmp6, $4  }
0x8f: {  	[tilespmem:s1+$0x196E0] =	vst.msk vm1, v6;
	v5 =	vor.u32 s25, v1;
	s22 =	sshrl.u32 s30, $0x1C  }
0x90: {  	[tilespmem:s1+$0x197C0] =	vst.msk vm1, v5;
	s1 =	simm.s32 $0x1;
	s8 =	sadd.s32 s22, s8;
	p0 =	por !p0, !p0  }
0x91: {  	[tilespmem:s5+$0x4E20] =	vst.msk vm15, v6;
	s8 =	sshra.s32 s8, $0x4;
	s1 =	simm.s32 @!p0 $0x0  }
0x92: {  	[tilespmem:s5+$0x9C50] =	vst.msk vm15, v5;
	s25 =	ssub.s32 s8, s1  }
0x93: {  	s1 =	simm.s32 $0x40;
	s5 =	simm.s32 $0x0  }
.LBB2_19:
0x94: {  	p0 =	seq.s32 s1, $0x3FC0;
	[tilespmem:s5+$0x186E0] =	vst v0;
	s5 =	smov.u32 s1;
	s1 =	sadd.s32 $0x40, s1  }
.Ltmp7:
0x95: {  	(pc) =	sbr.rel @!p0 .LBB2_19-.Ltmp7, $2  }
0x96: {  	_ =	sdelay $0x2  }
0x97: {  	s5 =	sshra.s32 s5, $0x2  }
0x98: {  	[tilespmem:s5+$0x186E0] =	vst v0  }
0x99: {  	p0 =	sgt.s32 s25, $0x0  }
.Ltmp8:
0x9a: {  	_ = 	snop;
	(pc) =	sbr.rel @!p0 .LBB2_14-.Ltmp8, $2  }
0x9b: {  	_ =	sdelay $0x2  }
0x9c: {  	v5 =	vmov s24  }
0x9d: {  	p1 =	seq.s32 s25, $0x1  }
.Ltmp9:
0x9e: {  	_ = 	snop;
	(pc) =	sbr.rel @p1 .LBB2_22-.Ltmp9, $3  }
0x9f: {  	_ =	sdelay $0x1  }
0xa0: {  	s5 =	simm.s32 $0x4E20  }
0xa1: {  	s1 =	simm.s32 $0x0;
	p0 =	por $0x0, $0x0;
	v6 =	vld [tilespmem:s5+$0x0];
	s5 =	sadd.s32 $0xFFFFFFFF, s25  }
0xa2: {  	_ =	sdelay $0x3  }
0xa3: {  	v7 =	vor.u32 s1, v1;
	v6 =	vshrl.u32 v6, $0x6  }
0xa4: {  	vm0 =	vlt.s32 v7, v5;
	v6 =	vand.u32 $0xFF0, v6  }
0xa5: {  	v6 =	vor.u32 v1, v6  }
0xa6: {  	p1 =	seq.s32 s5, $0x1  }
.Ltmp10:
0xa7: {  	_ = 	snop;
	(pc) =	sbr.rel @p1 .LBB2_24-.Ltmp10, $3  }
0xa8: {  	_ =	sdelay $0x1  }
0xa9: {  	s8 =	simm.s32 $0x4E30;
	[tilespmem:v6+s10+$0x0] =	vst.idx.add.s32.msk vm0, v2  }
0xaa: {  	s22 =	sadd.s32 $0xFFFFFFFF, s5;
	p0 =	por $0x1, $0x1;
	s5 =	simm.s32 $0x0;
	v6 =	vld [tilespmem:s8+$0x0]  }
.LBB2_25:
0xab: {  	p1 =	seq.s32 s22, $0x1;
	_ =	sdelay $0x2  }
0xac: {  	s5 =	sadd.s32 $0x10, s5  }
0xad: {  	v7 =	vor.u32 s5, v1;
	v6 =	vshrl.u32 v6, $0x6  }
0xae: {  	vm0 =	vlt.s32 v7, v5;
	v6 =	vand.u32 $0xFF0, v6  }
0xaf: {  	v6 =	vor.u32 v1, v6;
	_ =	sdelay $0x1  }
.Ltmp11:
0xb0: {  	(pc) =	sbr.rel @!p1 .LBB2_25-.Ltmp11, $3  }
0xb1: {  	_ =	sdelay $0x1  }
0xb2: {  	s8 =	sadd.s32 $0x10, s8;
	[tilespmem:v6+s10+$0x0] =	vst.idx.add.s32.msk vm0, v2  }
0xb3: {  	s22 =	sadd.s32 $0xFFFFFFFF, s22;
	v6 =	vld [tilespmem:s8+$0x0]  }
.LBB2_26:
0xb4: {  	_ =	sdelay $0x1  }
0xb5: {  	s5 =	sadd.s32 @p0 $0x10, s5  }
0xb6: {  	s1 =	smov.u32 @p0 s5  }
0xb7: {  	v7 =	vor.u32 s1, v1;
	v6 =	vshrl.u32 v6, $0x6  }
0xb8: {  	vm0 =	vlt.s32 v7, v5;
	v6 =	vand.u32 $0xFF0, v6  }
0xb9: {  	v6 =	vor.u32 v1, v6;
	_ =	sdelay $0x4  }
0xba: {  	[tilespmem:v6+s10+$0x0] =	vst.idx.add.s32.msk vm0, v2  }
.LBB2_14:
0xbb: {  	s1 =	simm.s32 $0x196D0  }
0xbc: {  	v6 =	vld [tilespmem:s1+$0x0];
	_ =	sdelay $0x4  }
0xbd: {  	(xrf0) =	vadd.scan.msk.s32 $0xffff, v6;
	_ =	sdelay $0x5  }
0xbe: {  	v6, _, _ =	vpop (xrf0)  }
0xbf: {  	(v2sf) =	vpush v6, $0xF;
	_ =	sdelay $0x1  }
0xc0: {  	s5 =	simm.s32 $0x196C0  }
0xc1: {  	v6 =	vld [tilespmem:s5+$0x0]  }
0xc2: {  	s8 =	simm.s32 $0x196B0  }
0xc3: {  	v7 =	vld [tilespmem:s8+$0x0];
	_ =	sdelay $0x2  }
0xc4: {  	(xrf0) =	vadd.scan.msk.s32 $0xffff, v6;
	_ =	sdelay $0x1  }
0xc5: {  	(xrf0) =	vadd.scan.msk.s32 $0xffff, v7;
	_ =	sdelay $0x2  }
0xc6: {  	s20 =	simm.s32 $0x196A0  }
0xc7: {  	v8 =	vld [tilespmem:s20+$0x0];
	v7, _, _ =	vpop (xrf0)  }
0xc8: {  	s23 =	spop (v2sf);
	(v2sf) =	vpush v7, $0xF  }
0xc9: {  	v7, _, _ =	vpop (xrf0)  }
0xca: {  	(v2sf) =	vpush v7, $0xF;
	_ =	sdelay $0x1  }
0xcb: {  	s22 =	simm.s32 $0x19690;
	(xrf0) =	vadd.scan.msk.s32 $0xffff, v8  }
0xcc: {  	v6 =	vld [tilespmem:s22+$0x0]  }
0xcd: {  	s24 =	simm.s32 $0x0  }
0xce: {  	s29 =	simm.s32 $0xFF;
	s31 =	simm.s32 $0xFE;
	s30 =	simm.s32 $0xFD  }
0xcf: {  	s28 =	simm.s32 $0xFC;
	s26 =	simm.s32 $0xFB;
	p1 =	slt.s32 s0, $0xC8  }
0xd0: {  	s8 =	simm.s32 $0xFA;
	s5 =	simm.s32 $0x19680;
	s1 =	sadd.s32 s0, s23  }
0xd1: {  	s22 =	smov.u32 s0;
	(xrf0) =	vadd.scan.msk.s32 $0xffff, v6;
	v6, _, _ =	vpop (xrf0);
	s23 =	smov.u32 s0;
	p2 =	sgt.s32 s1, $0xC7  }
.LBB2_15:
0xd2: {  	p0 =	seq.s32 s8, $0x0;
	p1 =	por !p1, !p2;
	s20 =	smov.u32 s8  }
0xd3: {  	v7 =	vld [tilespmem:s5+$0x0];
	(v2sf) =	vpush v6, $0xF;
	s8 =	sadd.s32 $0xFFFFFFFF, s8;
	s2 =	smov.u32 s23;
	s23 =	smov.u32 s1  }
.Ltmp12:
0xd4: {  	p1 =	por !p1, !p1;
	(pc) =	sbr.rel @!p0 .LBB2_15-.Ltmp12, $4  }
0xd5: {  	s24 =	smov.u32 @p1 s29;
	s22 =	smov.u32 @p1 s2;
	s29 =	smov.u32 s31  }
0xd6: {  	s31 =	smov.u32 s30;
	s30 =	smov.u32 s28;
	s2 =	spop (v2sf)  }
0xd7: {  	s28 =	smov.u32 s26;
	s26 =	smov.u32 s20;
	s1 =	sadd.s32 s1, s2  }
0xd8: {  	s5 =	sadd.s32 $0xFFFFFFF0, s5;
	p1 =	slt.s32 s23, $0xC8;
	(xrf0) =	vadd.scan.msk.s32 $0xffff, v7;
	v6, _, _ =	vpop (xrf0);
	p2 =	sgt.s32 s1, $0xC7  }
0xd9: {  	_ =	sdelay $0x4  }
0xda: {  	(v2sf) =	vpush v6, $0xF;
	v6, _, _ =	vpop (xrf0)  }
0xdb: {  	(v2sf) =	vpush v6, $0xF;
	_ =	sdelay $0x7  }
0xdc: {  	s2 =	spop (v2sf);
	p0 =	por !p1, !p2  }
0xdd: {  	p0 =	por !p0, !p0;
	s2 =	sadd.s32 s1, s2  }
0xde: {  	p3 =	slt.s32 s1, $0xC8;
	p4 =	sgt.s32 s2, $0xC7;
	s24 =	smov.u32 @p0 s29  }
0xdf: {  	p5 =	slt.s32 s2, $0xC8;
	p1 =	por !p3, !p4;
	s5 =	spop (v2sf)  }
0xe0: {  	s22 =	smov.u32 @p0 s23;
	p1 =	por !p1, !p1;
	s5 =	sadd.s32 s2, s5  }
0xe1: {  	s24 =	smov.u32 @p1 s31;
	s22 =	smov.u32 @p1 s1;
	p3 =	sgt.s32 s5, $0xC7  }
0xe2: {  	p2 =	slt.s32 s5, $0xC8;
	p6 =	por !p5, !p3;
	s31 =	spop (v2sf)  }
0xe3: {  	p0 =	por !p6, !p6;
	s1 =	sadd.s32 s5, s31;
	s8 =	spop (v2sf)  }
0xe4: {  	s24 =	smov.u32 @p0 s30;
	p3 =	sgt.s32 s1, $0xC7;
	s8 =	sadd.s32 s1, s8  }
0xe5: {  	p4 =	slt.s32 s1, $0xC8;
	p1 =	por !p2, !p3;
	p5 =	sgt.s32 s8, $0xC7  }
0xe6: {  	s22 =	smov.u32 @p0 s2;
	p1 =	por !p1, !p1;
	p6 =	por !p4, !p5  }
0xe7: {  	s24 =	smov.u32 @p1 s28;
	s22 =	smov.u32 @p1 s5;
	p0 =	por !p6, !p6  }
0xe8: {  	s24 =	smov.u32 @p0 s26;
	s22 =	smov.u32 @p0 s1;
	p0 =	slt.s32 s25, $0x1  }
.Ltmp13:
0xe9: {  	_ = 	snop;
	(pc) =	sbr.rel @p0 .LBB2_17-.Ltmp13, $1  }
0xea: {  	_ =	sdelay $0x3  }
0xeb: {  	s1 =	simm.s32 $0x4E20  }
0xec: {  	v6 =	vld [tilespmem:s1+$0x0];
	_ =	sdelay $0x4  }
0xed: {  	v7 =	vmov s24;
	s24 =	simm.s32 $0x0;
	v8 =	vshrl.u32 v6, $0xA  }
0xee: {  	p1 =	seq.s32 s25, $0x1;
	v9 =	vor.u32 s24, v1;
	v8 =	vand.u32 $0xFF, v8  }
.Ltmp14:
0xef: {  	vm0 =	vlt.s32 v9, v5;
	vm1 =	vgt.u32 v8, v7;
	(pc) =	sbr.rel @p1 .LBB2_28-.Ltmp14, $4  }
0xf0: {  	vm2 =	veq.s32 v8, v7;
	vm1 =	vmand vm0, vm1  }
0xf1: {  	vm0 =	vmand vm0, vm2;
	v8 =	vsel vm1, $0x1, v0  }
0xf2: {  	s5 =	simm.s32 $0x9C50;
	v9 =	vsel vm0, $0x1, v0;
	(xrf0) =	vadd.scan.msk.s32 $0xffff, v8  }
0xf3: {  	p0 =	por $0x0, $0x0;
	s1 =	sadd.s32 $0xFFFFFFFF, s25;
	v8 =	vld [tilespmem:s5+$0x0];
	(xrf0) =	vadd.scan.msk.s32 $0xffff, v9  }
0xf4: {  	_ =	sdelay $0x3  }
0xf5: {  	s26 =	simm.s32 $0x10;
	v9, _, _ =	vpop (xrf0)  }
0xf6: {  	[tilespmem:s0+$0x196E0] =	vst.msk vm1, v6;
	(v2sf) =	vpush v9, $0xF;
	v9 =	vor.u32 s26, v1  }
0xf7: {  	[tilespmem:s0+$0x197C0] =	vst.msk vm1, v8  }
0xf8: {  	[tilespmem:s24+$0xEA80] =	vst.msk vm0, v6  }
0xf9: {  	[tilespmem:s24+$0x138B0] =	vst.msk vm0, v8;
	vm0 =	vlt.s32 v9, v5;
	v9, _, _ =	vpop (xrf0)  }
0xfa: {  	s25 =	simm.s32 $0x4E30;
	(v2sf) =	vpush v9, $0xF  }
0xfb: {  	v6 =	vld [tilespmem:s25+$0x0];
	_ =	sdelay $0x4  }
0xfc: {  	v8 =	vshrl.u32 v6, $0xA  }
0xfd: {  	v8 =	vand.u32 $0xFF, v8  }
0xfe: {  	vm1 =	vgt.u32 v8, v7  }
0xff: {  	p1 =	seq.s32 s1, $0x1;
	vm2 =	veq.s32 v8, v7;
	vm1 =	vmand vm0, vm1  }
.Ltmp15:
0x100: {  	vm0 =	vmand vm0, vm2;
	v8 =	vsel vm1, $0x1, v0;
	(pc) =	sbr.rel @p1 .LBB2_30-.Ltmp15, $4  }
0x101: {  	s30 =	sadd.s32 $0xFFFFFFFF, s1;
	s1 =	simm.s32 $0x9C60;
	v10 =	vsel vm0, $0x1, v0;
	(xrf0) =	vadd.scan.msk.s32 $0xffff, v8  }
0x102: {  	v8 =	vld [tilespmem:s1+$0x0];
	(xrf0) =	vadd.scan.msk.s32 $0xffff, v10  }
0x103: {  	p0 =	por $0x1, $0x1  }
0x104: {  	s28 =	smov.u32 s0;
	s29 =	simm.s32 $0x0;
	s5 =	spop (v2sf)  }
.LBB2_31:
0x105: {  	p1 =	seq.s32 s30, $0x1;
	s28 =	sadd.s32 s28, s5;
	s2 =	spop (v2sf)  }
0x106: {  	s30 =	sadd.s32 $0xFFFFFFFF, s30;
	[tilespmem:s28+$0x196E0] =	vst.msk vm1, v6;
	s29 =	sadd.s32 s29, s2  }
0x107: {  	[tilespmem:s28+$0x197C0] =	vst.msk vm1, v8;
	v9, _, _ =	vpop (xrf0)  }
0x108: {  	[tilespmem:s29+$0xEA80] =	vst.msk vm0, v6;
	(v2sf) =	vpush v9, $0xF;
	v6, _, _ =	vpop (xrf0)  }
0x109: {  	s25 =	sadd.s32 $0x10, s25;
	[tilespmem:s29+$0x138B0] =	vst.msk vm0, v8;
	(v2sf) =	vpush v6, $0xF  }
0x10a: {  	v6 =	vld [tilespmem:s25+$0x0];
	_ =	sdelay $0x4  }
0x10b: {  	s26 =	sadd.s32 $0x10, s26;
	v8 =	vshrl.u32 v6, $0xA  }
0x10c: {  	v9 =	vor.u32 s26, v1;
	v8 =	vand.u32 $0xFF, v8  }
0x10d: {  	vm0 =	vlt.s32 v9, v5;
	vm1 =	vgt.u32 v8, v7;
	vm2 =	veq.s32 v8, v7  }
0x10e: {  	vm1 =	vmand vm0, vm1;
	vm0 =	vmand vm0, vm2  }
.Ltmp16:
0x10f: {  	v8 =	vsel vm1, $0x1, v0;
	v9 =	vsel vm0, $0x1, v0;
	(pc) =	sbr.rel @!p1 .LBB2_31-.Ltmp16, $3  }
0x110: {  	s1 =	sadd.s32 $0x10, s1;
	(xrf0) =	vadd.scan.msk.s32 $0xffff, v8  }
0x111: {  	v8 =	vld [tilespmem:s1+$0x0];
	(xrf0) =	vadd.scan.msk.s32 $0xffff, v9;
	_ =	sdelay $0x1  }
0x112: {  	s5 =	spop (v2sf)  }
.LBB2_32:
0x113: {  	_ =	sdelay $0x1  }
0x114: {  	v5, _, _ =	vpop (xrf0)  }
0x115: {  	(v2sf) =	vpush v5, $0xF;
	v5, _, _ =	vpop (xrf0)  }
0x116: {  	(v2sf) =	vpush v5, $0xF;
	_ =	sdelay $0xa  }
0x117: {  	s1 =	sadd.s32 @p0 s28, s5  }
.Ltmp17:
0x118: {  	s2 =	spop @p0 (v2sf);
	s0 =	smov.u32 @p0 s1;
	(pc) =	sbr.rel .LBB2_39-.Ltmp17, $4  }
0x119: {  	s1 =	sadd.s32 @p0 s29, s2;
	[tilespmem:s0+$0x196E0] =	vst.msk vm1, v6  }
0x11a: {  	s24 =	smov.u32 @p0 s1;
	[tilespmem:s0+$0x197C0] =	vst.msk vm1, v8;
	s31 =	spop (v2sf)  }
0x11b: {  	[tilespmem:s24+$0xEA80] =	vst.msk vm0, v6;
	s0 =	spop (v2sf)  }
0x11c: {  	[tilespmem:s24+$0x138B0] =	vst.msk vm0, v8;
	s24 =	sadd.s32 s24, s0  }
.LBB2_11:
0x11d: {  	p0 =	sgt.s32 s25, $0x0  }
.Ltmp18:
0x11e: {  	_ = 	snop;
	(pc) =	sbr.rel @!p0 .LBB2_12-.Ltmp18, $1  }
0x11f: {  	_ =	sdelay $0x3  }
0x120: {  	p1 =	sne.s32 s25, $0x1  }
.Ltmp19:
0x121: {  	_ = 	snop;
	(pc) =	sbr.rel @!p1 .LBB2_34-.Ltmp19, $4  }
0x122: {  	_ = 	snop  }
0x123: {  	s8 =	simm.s32 $0x4E20  }
0x124: {  	s5 =	simm.s32 $0x9C50;
	s22 =	simm.s32 $0xEA80;
	v5 =	vld [tilespmem:s8+$0x0]  }
0x125: {  	s1 =	simm.s32 $0x138B0;
	p0 =	por $0x0, $0x0;
	v6 =	vld [tilespmem:s5+$0x0];
	s5 =	sadd.s32 $0xFFFFFFFF, s25  }
0x126: {  	_ = 	snop  }
0x127: {  	p1 =	sne.s32 s5, $0x1  }
.Ltmp20:
0x128: {  	_ = 	snop;
	(pc) =	sbr.rel @!p1 .LBB2_36-.Ltmp20, $4  }
0x129: {  	[tilespmem:s22+$0x0] =	vst v5  }
0x12a: {  	s8 =	simm.s32 $0x4E30;
	[tilespmem:s1+$0x0] =	vst v6  }
0x12b: {  	s25 =	simm.s32 $0x9C60;
	s26 =	sadd.s32 $0xFFFFFFFF, s5;
	v5 =	vld [tilespmem:s8+$0x0]  }
0x12c: {  	p0 =	por $0x1, $0x1;
	s5 =	simm.s32 $0xEA80;
	s23 =	simm.s32 $0x138B0;
	v6 =	vld [tilespmem:s25+$0x0]  }
.LBB2_37:
0x12d: {  	p1 =	sne.s32 s26, $0x1;
	_ =	sdelay $0x1  }
.Ltmp21:
0x12e: {  	s5 =	sadd.s32 $0x10, s5;
	(pc) =	sbr.rel @p1 .LBB2_37-.Ltmp21, $4  }
0x12f: {  	s23 =	sadd.s32 $0x10, s23;
	[tilespmem:s5+$0x0] =	vst v5  }
0x130: {  	s8 =	sadd.s32 $0x10, s8;
	[tilespmem:s23+$0x0] =	vst v6  }
0x131: {  	s25 =	sadd.s32 $0x10, s25;
	v5 =	vld [tilespmem:s8+$0x0]  }
0x132: {  	s26 =	sadd.s32 $0xFFFFFFFF, s26;
	v6 =	vld [tilespmem:s25+$0x0]  }
.LBB2_38:
.Ltmp22:
0x133: {  	_ = 	snop;
	(pc) =	sbr.rel .LBB2_39-.Ltmp22, $4  }
0x134: {  	s2 =	sadd.s32 @p0 $0x10, s5  }
0x135: {  	s22 =	smov.u32 @p0 s2;
	s2 =	sadd.s32 @p0 $0x10, s23  }
0x136: {  	s1 =	smov.u32 @p0 s2;
	[tilespmem:s22+$0x0] =	vst v5  }
0x137: {  	s22 =	smov.u32 s0;
	[tilespmem:s1+$0x0] =	vst v6  }
.LBB2_17:
.Ltmp23:
0x138: {  	(pc) =	sbr.rel .LBB2_39-.Ltmp23, $2  }
0x139: {  	_ =	sdelay $0x2  }
0x13a: {  	s24 =	simm.s32 $0x0  }
.LBB2_12:
0x13b: {  	s22 =	smov.u32 s0  }
.LBB2_39:
0x13c: {  	s0 =	sadd.s32 $0xF, s24  }
0x13d: {  	s2 =	sand.u32 $0xF, s0  }
0x13e: {  	s1 =	sshra.s32 s0, $0x1F;
	p0 =	slt.s32 s0, $0x1;
	p1 =	sne.s32 s2, $0x0  }
0x13f: {  	s31 =	sadd.s32 s22, s24;
	s1 =	sshrl.u32 s1, $0x1C;
	p0 =	por !p0, !p1  }
0x140: {  	s0 =	sadd.s32 s1, s0;
	s1 =	simm.s32 $0x1;
	p0 =	por !p0, !p0  }
0x141: {  	s1 =	simm.s32 @!p0 $0x0;
	p0 =	sgt.s32 s31, $0xC8  }
.Ltmp24:
0x142: {  	_ = 	snop;
	(pc) =	sbr.rel @!p0 .LBB2_40-.Ltmp24, $3  }
0x143: {  	_ =	sdelay $0x1  }
0x144: {  	s0 =	sshra.s32 s0, $0x4  }
0x145: {  	s25 =	ssub.s32 s0, s1  }
0x146: {  	s0 =	simm.s32 $0x40;
	s1 =	simm.s32 $0x0  }
.LBB2_48:
0x147: {  	p0 =	seq.s32 s0, $0x3FC0;
	[tilespmem:s1+$0x186E0] =	vst v0;
	s1 =	smov.u32 s0;
	s0 =	sadd.s32 $0x40, s0  }
.Ltmp25:
0x148: {  	(pc) =	sbr.rel @!p0 .LBB2_48-.Ltmp25, $2  }
0x149: {  	_ =	sdelay $0x2  }
0x14a: {  	s1 =	sshra.s32 s1, $0x2  }
0x14b: {  	[tilespmem:s1+$0x186E0] =	vst v0  }
0x14c: {  	p0 =	sgt.s32 s25, $0x0  }
.Ltmp26:
0x14d: {  	_ = 	snop;
	(pc) =	sbr.rel @!p0 .LBB2_43-.Ltmp26, $2  }
0x14e: {  	_ =	sdelay $0x2  }
0x14f: {  	v5 =	vmov s24  }
0x150: {  	p1 =	seq.s32 s25, $0x1  }
.Ltmp27:
0x151: {  	_ = 	snop;
	(pc) =	sbr.rel @p1 .LBB2_51-.Ltmp27, $3  }
0x152: {  	_ =	sdelay $0x1  }
0x153: {  	s0 =	simm.s32 $0xEA80  }
0x154: {  	s1 =	simm.s32 $0x0;
	p0 =	por $0x0, $0x0;
	v6 =	vld [tilespmem:s0+$0x0];
	s0 =	sadd.s32 $0xFFFFFFFF, s25  }
0x155: {  	_ =	sdelay $0x3  }
0x156: {  	v7 =	vor.u32 s1, v1;
	v6 =	vshll.u32 v6, $0x2  }
0x157: {  	vm0 =	vlt.s32 v7, v5;
	v6 =	vand.u32 $0xFF0, v6  }
0x158: {  	v6 =	vor.u32 v1, v6  }
0x159: {  	p1 =	seq.s32 s0, $0x1  }
.Ltmp28:
0x15a: {  	_ = 	snop;
	(pc) =	sbr.rel @p1 .LBB2_53-.Ltmp28, $3  }
0x15b: {  	_ =	sdelay $0x1  }
0x15c: {  	s5 =	simm.s32 $0xEA90;
	[tilespmem:v6+s10+$0x0] =	vst.idx.add.s32.msk vm0, v2  }
0x15d: {  	s8 =	sadd.s32 $0xFFFFFFFF, s0;
	p0 =	por $0x1, $0x1;
	s0 =	simm.s32 $0x0;
	v6 =	vld [tilespmem:s5+$0x0]  }
.LBB2_54:
0x15e: {  	p1 =	seq.s32 s8, $0x1;
	_ =	sdelay $0x2  }
0x15f: {  	s0 =	sadd.s32 $0x10, s0  }
0x160: {  	v7 =	vor.u32 s0, v1;
	v6 =	vshll.u32 v6, $0x2  }
0x161: {  	vm0 =	vlt.s32 v7, v5;
	v6 =	vand.u32 $0xFF0, v6  }
0x162: {  	v6 =	vor.u32 v1, v6;
	_ =	sdelay $0x1  }
.Ltmp29:
0x163: {  	(pc) =	sbr.rel @!p1 .LBB2_54-.Ltmp29, $3  }
0x164: {  	_ =	sdelay $0x1  }
0x165: {  	s5 =	sadd.s32 $0x10, s5;
	[tilespmem:v6+s10+$0x0] =	vst.idx.add.s32.msk vm0, v2  }
0x166: {  	s8 =	sadd.s32 $0xFFFFFFFF, s8;
	v6 =	vld [tilespmem:s5+$0x0]  }
.LBB2_55:
0x167: {  	_ =	sdelay $0x1  }
0x168: {  	s0 =	sadd.s32 @p0 $0x10, s0  }
0x169: {  	s1 =	smov.u32 @p0 s0  }
0x16a: {  	v7 =	vor.u32 s1, v1;
	v6 =	vshll.u32 v6, $0x2  }
0x16b: {  	vm0 =	vlt.s32 v7, v5;
	v6 =	vand.u32 $0xFF0, v6  }
0x16c: {  	v6 =	vor.u32 v1, v6;
	_ =	sdelay $0x4  }
0x16d: {  	[tilespmem:v6+s10+$0x0] =	vst.idx.add.s32.msk vm0, v2  }
.LBB2_43:
0x16e: {  	s0 =	simm.s32 $0x196D0  }
0x16f: {  	v6 =	vld [tilespmem:s0+$0x0];
	_ =	sdelay $0x4  }
0x170: {  	(xrf0) =	vadd.scan.msk.s32 $0xffff, v6;
	_ =	sdelay $0x5  }
0x171: {  	v6, _, _ =	vpop (xrf0)  }
0x172: {  	(v2sf) =	vpush v6, $0xF;
	_ =	sdelay $0x1  }
0x173: {  	s2 =	simm.s32 $0x196C0  }
0x174: {  	v6 =	vld [tilespmem:s2+$0x0]  }
0x175: {  	s5 =	simm.s32 $0x196B0  }
0x176: {  	v7 =	vld [tilespmem:s5+$0x0];
	_ =	sdelay $0x2  }
0x177: {  	(xrf0) =	vadd.scan.msk.s32 $0xffff, v6;
	_ =	sdelay $0x1  }
0x178: {  	(xrf0) =	vadd.scan.msk.s32 $0xffff, v7;
	_ =	sdelay $0x2  }
0x179: {  	s8 =	simm.s32 $0x196A0  }
0x17a: {  	v8 =	vld [tilespmem:s8+$0x0];
	v7, _, _ =	vpop (xrf0)  }
0x17b: {  	s23 =	spop (v2sf);
	(v2sf) =	vpush v7, $0xF  }
0x17c: {  	v7, _, _ =	vpop (xrf0)  }
0x17d: {  	(v2sf) =	vpush v7, $0xF;
	_ =	sdelay $0x1  }
0x17e: {  	s20 =	simm.s32 $0x19690;
	(xrf0) =	vadd.scan.msk.s32 $0xffff, v8  }
0x17f: {  	v6 =	vld [tilespmem:s20+$0x0]  }
0x180: {  	s24 =	simm.s32 $0x0  }
0x181: {  	s29 =	simm.s32 $0xFF;
	s31 =	simm.s32 $0xFE;
	s30 =	simm.s32 $0xFD  }
0x182: {  	s28 =	simm.s32 $0xFC;
	s26 =	simm.s32 $0xFB;
	p1 =	slt.s32 s22, $0xC8  }
0x183: {  	s8 =	simm.s32 $0xFA;
	s5 =	simm.s32 $0x19680;
	s1 =	sadd.s32 s22, s23  }
0x184: {  	s0 =	smov.u32 s22;
	(xrf0) =	vadd.scan.msk.s32 $0xffff, v6;
	v6, _, _ =	vpop (xrf0);
	s23 =	smov.u32 s22;
	p2 =	sgt.s32 s1, $0xC7  }
.LBB2_44:
0x185: {  	p0 =	seq.s32 s8, $0x0;
	p1 =	por !p1, !p2;
	s2 =	smov.u32 s8  }
0x186: {  	v7 =	vld [tilespmem:s5+$0x0];
	(v2sf) =	vpush v6, $0xF;
	s8 =	sadd.s32 $0xFFFFFFFF, s8;
	s20 =	smov.u32 s0;
	s0 =	smov.u32 s1  }
.Ltmp30:
0x187: {  	p1 =	por !p1, !p1;
	(pc) =	sbr.rel @!p0 .LBB2_44-.Ltmp30, $4  }
0x188: {  	s24 =	smov.u32 @p1 s29;
	s23 =	smov.u32 @p1 s20;
	s29 =	smov.u32 s31  }
0x189: {  	s31 =	smov.u32 s30;
	s30 =	smov.u32 s28;
	s20 =	spop (v2sf)  }
0x18a: {  	s28 =	smov.u32 s26;
	s26 =	smov.u32 s2;
	s1 =	sadd.s32 s1, s20  }
0x18b: {  	s5 =	sadd.s32 $0xFFFFFFF0, s5;
	p1 =	slt.s32 s0, $0xC8;
	(xrf0) =	vadd.scan.msk.s32 $0xffff, v7;
	v6, _, _ =	vpop (xrf0);
	p2 =	sgt.s32 s1, $0xC7  }
0x18c: {  	_ =	sdelay $0x4  }
0x18d: {  	(v2sf) =	vpush v6, $0xF;
	v6, _, _ =	vpop (xrf0)  }
0x18e: {  	(v2sf) =	vpush v6, $0xF;
	_ =	sdelay $0x7  }
0x18f: {  	s2 =	spop (v2sf);
	p0 =	por !p1, !p2  }
0x190: {  	p0 =	por !p0, !p0;
	s2 =	sadd.s32 s1, s2  }
0x191: {  	p3 =	slt.s32 s1, $0xC8;
	p4 =	sgt.s32 s2, $0xC7;
	s24 =	smov.u32 @p0 s29  }
0x192: {  	p5 =	slt.s32 s2, $0xC8;
	p1 =	por !p3, !p4;
	s5 =	spop (v2sf)  }
0x193: {  	s23 =	smov.u32 @p0 s0;
	p1 =	por !p1, !p1;
	s5 =	sadd.s32 s2, s5  }
0x194: {  	s24 =	smov.u32 @p1 s31;
	s23 =	smov.u32 @p1 s1;
	p3 =	sgt.s32 s5, $0xC7  }
0x195: {  	p2 =	slt.s32 s5, $0xC8;
	p6 =	por !p5, !p3;
	s29 =	spop (v2sf)  }
0x196: {  	p0 =	por !p6, !p6;
	s0 =	sadd.s32 s5, s29;
	s31 =	spop (v2sf)  }
0x197: {  	s24 =	smov.u32 @p0 s30;
	p3 =	sgt.s32 s0, $0xC7;
	s1 =	sadd.s32 s0, s31  }
0x198: {  	p4 =	slt.s32 s0, $0xC8;
	p1 =	por !p2, !p3;
	p5 =	sgt.s32 s1, $0xC7  }
0x199: {  	s23 =	smov.u32 @p0 s2;
	p1 =	por !p1, !p1;
	p6 =	por !p4, !p5  }
0x19a: {  	s24 =	smov.u32 @p1 s28;
	s23 =	smov.u32 @p1 s5;
	p0 =	por !p6, !p6  }
0x19b: {  	s24 =	smov.u32 @p0 s26;
	s23 =	smov.u32 @p0 s0;
	p0 =	slt.s32 s25, $0x1  }
.Ltmp31:
0x19c: {  	_ = 	snop;
	(pc) =	sbr.rel @p0 .LBB2_46-.Ltmp31, $1  }
0x19d: {  	_ =	sdelay $0x3  }
0x19e: {  	s0 =	simm.s32 $0xEA80  }
0x19f: {  	v6 =	vld [tilespmem:s0+$0x0];
	_ =	sdelay $0x4  }
0x1a0: {  	v7 =	vmov s24;
	s24 =	simm.s32 $0x0;
	v8 =	vshrl.u32 v6, $0x2  }
0x1a1: {  	p1 =	seq.s32 s25, $0x1;
	v9 =	vor.u32 s24, v1;
	v8 =	vand.u32 $0xFF, v8  }
.Ltmp32:
0x1a2: {  	vm0 =	vlt.s32 v9, v5;
	vm1 =	vgt.u32 v8, v7;
	(pc) =	sbr.rel @p1 .LBB2_57-.Ltmp32, $4  }
0x1a3: {  	vm2 =	veq.s32 v8, v7;
	vm1 =	vmand vm0, vm1  }
0x1a4: {  	vm0 =	vmand vm0, vm2;
	v8 =	vsel vm1, $0x1, v0  }
0x1a5: {  	s1 =	simm.s32 $0x138B0;
	v9 =	vsel vm0, $0x1, v0;
	(xrf0) =	vadd.scan.msk.s32 $0xffff, v8  }
0x1a6: {  	p0 =	por $0x0, $0x0;
	s0 =	sadd.s32 $0xFFFFFFFF, s25;
	v8 =	vld [tilespmem:s1+$0x0];
	(xrf0) =	vadd.scan.msk.s32 $0xffff, v9  }
0x1a7: {  	_ =	sdelay $0x3  }
0x1a8: {  	s26 =	simm.s32 $0x10;
	v9, _, _ =	vpop (xrf0)  }
0x1a9: {  	[tilespmem:s22+$0x196E0] =	vst.msk vm1, v6;
	(v2sf) =	vpush v9, $0xF;
	v9 =	vor.u32 s26, v1  }
0x1aa: {  	[tilespmem:s22+$0x197C0] =	vst.msk vm1, v8  }
0x1ab: {  	[tilespmem:s24+$0x4E20] =	vst.msk vm0, v6  }
0x1ac: {  	[tilespmem:s24+$0x9C50] =	vst.msk vm0, v8;
	vm0 =	vlt.s32 v9, v5;
	v9, _, _ =	vpop (xrf0)  }
0x1ad: {  	s25 =	simm.s32 $0xEA90;
	(v2sf) =	vpush v9, $0xF  }
0x1ae: {  	v6 =	vld [tilespmem:s25+$0x0];
	_ =	sdelay $0x4  }
0x1af: {  	v8 =	vshrl.u32 v6, $0x2  }
0x1b0: {  	v8 =	vand.u32 $0xFF, v8  }
0x1b1: {  	vm1 =	vgt.u32 v8, v7  }
0x1b2: {  	p1 =	seq.s32 s0, $0x1;
	vm2 =	veq.s32 v8, v7;
	vm1 =	vmand vm0, vm1  }
.Ltmp33:
0x1b3: {  	vm0 =	vmand vm0, vm2;
	v8 =	vsel vm1, $0x1, v0;
	(pc) =	sbr.rel @p1 .LBB2_59-.Ltmp33, $4  }
0x1b4: {  	s1 =	simm.s32 $0x138C0;
	v10 =	vsel vm0, $0x1, v0;
	(xrf0) =	vadd.scan.msk.s32 $0xffff, v8  }
0x1b5: {  	v8 =	vld [tilespmem:s1+$0x0];
	(xrf0) =	vadd.scan.msk.s32 $0xffff, v10  }
0x1b6: {  	s30 =	sadd.s32 $0xFFFFFFFF, s0;
	p0 =	por $0x1, $0x1  }
0x1b7: {  	s28 =	smov.u32 s22;
	s29 =	simm.s32 $0x0;
	s0 =	spop (v2sf)  }
.LBB2_60:
0x1b8: {  	p1 =	seq.s32 s30, $0x1;
	s28 =	sadd.s32 s28, s0;
	s0 =	spop (v2sf)  }
0x1b9: {  	s30 =	sadd.s32 $0xFFFFFFFF, s30;
	[tilespmem:s28+$0x196E0] =	vst.msk vm1, v6;
	s29 =	sadd.s32 s29, s0  }
0x1ba: {  	[tilespmem:s28+$0x197C0] =	vst.msk vm1, v8;
	v9, _, _ =	vpop (xrf0)  }
0x1bb: {  	[tilespmem:s29+$0x4E20] =	vst.msk vm0, v6;
	(v2sf) =	vpush v9, $0xF;
	v6, _, _ =	vpop (xrf0)  }
0x1bc: {  	s25 =	sadd.s32 $0x10, s25;
	[tilespmem:s29+$0x9C50] =	vst.msk vm0, v8;
	(v2sf) =	vpush v6, $0xF  }
0x1bd: {  	v6 =	vld [tilespmem:s25+$0x0];
	_ =	sdelay $0x4  }
0x1be: {  	s26 =	sadd.s32 $0x10, s26;
	v8 =	vshrl.u32 v6, $0x2  }
0x1bf: {  	v9 =	vor.u32 s26, v1;
	v8 =	vand.u32 $0xFF, v8  }
0x1c0: {  	vm0 =	vlt.s32 v9, v5;
	vm1 =	vgt.u32 v8, v7;
	vm2 =	veq.s32 v8, v7  }
0x1c1: {  	vm1 =	vmand vm0, vm1;
	vm0 =	vmand vm0, vm2  }
.Ltmp34:
0x1c2: {  	v8 =	vsel vm1, $0x1, v0;
	v9 =	vsel vm0, $0x1, v0;
	(pc) =	sbr.rel @!p1 .LBB2_60-.Ltmp34, $3  }
0x1c3: {  	s1 =	sadd.s32 $0x10, s1;
	(xrf0) =	vadd.scan.msk.s32 $0xffff, v8  }
0x1c4: {  	v8 =	vld [tilespmem:s1+$0x0];
	(xrf0) =	vadd.scan.msk.s32 $0xffff, v9;
	_ =	sdelay $0x1  }
0x1c5: {  	s0 =	spop (v2sf)  }
.LBB2_61:
0x1c6: {  	_ =	sdelay $0x1  }
0x1c7: {  	v5, _, _ =	vpop (xrf0)  }
0x1c8: {  	(v2sf) =	vpush v5, $0xF;
	v5, _, _ =	vpop (xrf0)  }
0x1c9: {  	(v2sf) =	vpush v5, $0xF;
	_ =	sdelay $0xa  }
0x1ca: {  	s0 =	sadd.s32 @p0 s28, s0  }
.Ltmp35:
0x1cb: {  	s1 =	spop @p0 (v2sf);
	s22 =	smov.u32 @p0 s0;
	(pc) =	sbr.rel .LBB2_68-.Ltmp35, $4  }
0x1cc: {  	s0 =	sadd.s32 @p0 s29, s1;
	[tilespmem:s22+$0x196E0] =	vst.msk vm1, v6  }
0x1cd: {  	s24 =	smov.u32 @p0 s0;
	[tilespmem:s22+$0x197C0] =	vst.msk vm1, v8;
	s31 =	spop (v2sf)  }
0x1ce: {  	[tilespmem:s24+$0x4E20] =	vst.msk vm0, v6;
	s0 =	spop (v2sf)  }
0x1cf: {  	[tilespmem:s24+$0x9C50] =	vst.msk vm0, v8;
	s24 =	sadd.s32 s24, s0  }
.LBB2_40:
0x1d0: {  	p0 =	sgt.s32 s25, $0x0  }
.Ltmp36:
0x1d1: {  	_ = 	snop;
	(pc) =	sbr.rel @!p0 .LBB2_41-.Ltmp36, $1  }
0x1d2: {  	_ =	sdelay $0x3  }
0x1d3: {  	p1 =	sne.s32 s25, $0x1  }
.Ltmp37:
0x1d4: {  	_ = 	snop;
	(pc) =	sbr.rel @!p1 .LBB2_63-.Ltmp37, $4  }
0x1d5: {  	_ = 	snop  }
0x1d6: {  	s5 =	simm.s32 $0xEA80  }
0x1d7: {  	s0 =	simm.s32 $0x138B0;
	s23 =	simm.s32 $0x4E20;
	v5 =	vld [tilespmem:s5+$0x0]  }
0x1d8: {  	s1 =	simm.s32 $0x9C50;
	p0 =	por $0x0, $0x0;
	v6 =	vld [tilespmem:s0+$0x0];
	s0 =	sadd.s32 $0xFFFFFFFF, s25  }
0x1d9: {  	_ = 	snop  }
0x1da: {  	p1 =	sne.s32 s0, $0x1  }
.Ltmp38:
0x1db: {  	_ = 	snop;
	(pc) =	sbr.rel @!p1 .LBB2_65-.Ltmp38, $4  }
0x1dc: {  	[tilespmem:s23+$0x0] =	vst v5  }
0x1dd: {  	s5 =	simm.s32 $0xEA90;
	[tilespmem:s1+$0x0] =	vst v6  }
0x1de: {  	s25 =	simm.s32 $0x138C0;
	s26 =	sadd.s32 $0xFFFFFFFF, s0;
	v5 =	vld [tilespmem:s5+$0x0]  }
0x1df: {  	p0 =	por $0x1, $0x1;
	s0 =	simm.s32 $0x4E20;
	s8 =	simm.s32 $0x9C50;
	v6 =	vld [tilespmem:s25+$0x0]  }
.LBB2_66:
0x1e0: {  	p1 =	sne.s32 s26, $0x1;
	_ =	sdelay $0x1  }
.Ltmp39:
0x1e1: {  	s0 =	sadd.s32 $0x10, s0;
	(pc) =	sbr.rel @p1 .LBB2_66-.Ltmp39, $4  }
0x1e2: {  	s8 =	sadd.s32 $0x10, s8;
	[tilespmem:s0+$0x0] =	vst v5  }
0x1e3: {  	s5 =	sadd.s32 $0x10, s5;
	[tilespmem:s8+$0x0] =	vst v6  }
0x1e4: {  	s25 =	sadd.s32 $0x10, s25;
	v5 =	vld [tilespmem:s5+$0x0]  }
0x1e5: {  	s26 =	sadd.s32 $0xFFFFFFFF, s26;
	v6 =	vld [tilespmem:s25+$0x0]  }
.LBB2_67:
.Ltmp40:
0x1e6: {  	_ = 	snop;
	(pc) =	sbr.rel .LBB2_68-.Ltmp40, $4  }
0x1e7: {  	s0 =	sadd.s32 @p0 $0x10, s0  }
0x1e8: {  	s23 =	smov.u32 @p0 s0;
	s0 =	sadd.s32 @p0 $0x10, s8  }
0x1e9: {  	s1 =	smov.u32 @p0 s0;
	[tilespmem:s23+$0x0] =	vst v5  }
0x1ea: {  	s23 =	smov.u32 s22;
	[tilespmem:s1+$0x0] =	vst v6  }
.LBB2_46:
.Ltmp41:
0x1eb: {  	(pc) =	sbr.rel .LBB2_68-.Ltmp41, $2  }
0x1ec: {  	_ =	sdelay $0x2  }
0x1ed: {  	s24 =	simm.s32 $0x0  }
.LBB2_41:
0x1ee: {  	s23 =	smov.u32 s22  }
.LBB2_68:
0x1ef: {  	s0 =	sadd.s32 $0xF, s24  }
0x1f0: {  	s2 =	sand.u32 $0xF, s0  }
0x1f1: {  	s1 =	sshra.s32 s0, $0x1F;
	p0 =	slt.s32 s0, $0x1;
	p1 =	sne.s32 s2, $0x0  }
0x1f2: {  	s31 =	sadd.s32 s23, s24;
	s1 =	sshrl.u32 s1, $0x1C;
	p0 =	por !p0, !p1  }
0x1f3: {  	s0 =	sadd.s32 s1, s0;
	s1 =	simm.s32 $0x1;
	p0 =	por !p0, !p0  }
0x1f4: {  	s1 =	simm.s32 @!p0 $0x0;
	p0 =	sgt.s32 s31, $0xC8  }
.Ltmp42:
0x1f5: {  	_ = 	snop;
	(pc) =	sbr.rel @!p0 .LBB2_69-.Ltmp42, $3  }
0x1f6: {  	_ =	sdelay $0x1  }
0x1f7: {  	s0 =	sshra.s32 s0, $0x4  }
0x1f8: {  	s25 =	ssub.s32 s0, s1  }
0x1f9: {  	s0 =	simm.s32 $0x40;
	s1 =	simm.s32 $0x0  }
.LBB2_78:
0x1fa: {  	p0 =	seq.s32 s0, $0x3FC0;
	[tilespmem:s1+$0x186E0] =	vst v0;
	s1 =	smov.u32 s0;
	s0 =	sadd.s32 $0x40, s0  }
.Ltmp43:
0x1fb: {  	(pc) =	sbr.rel @!p0 .LBB2_78-.Ltmp43, $2  }
0x1fc: {  	_ =	sdelay $0x2  }
0x1fd: {  	s1 =	sshra.s32 s1, $0x2  }
0x1fe: {  	[tilespmem:s1+$0x186E0] =	vst v0  }
0x1ff: {  	p0 =	sgt.s32 s25, $0x0  }
.Ltmp44:
0x200: {  	_ = 	snop;
	(pc) =	sbr.rel @!p0 .LBB2_72-.Ltmp44, $2  }
0x201: {  	_ =	sdelay $0x2  }
0x202: {  	v5 =	vmov s24  }
0x203: {  	p1 =	seq.s32 s25, $0x1  }
.Ltmp45:
0x204: {  	_ = 	snop;
	(pc) =	sbr.rel @p1 .LBB2_81-.Ltmp45, $3  }
0x205: {  	_ =	sdelay $0x1  }
0x206: {  	s0 =	simm.s32 $0x4E20  }
0x207: {  	s1 =	simm.s32 $0x0;
	p0 =	por $0x0, $0x0;
	v6 =	vld [tilespmem:s0+$0x0];
	s0 =	sadd.s32 $0xFFFFFFFF, s25  }
0x208: {  	_ =	sdelay $0x3  }
0x209: {  	v7 =	vor.u32 s1, v1;
	v6 =	vshll.u32 v6, $0x4  }
0x20a: {  	vm0 =	vlt.s32 v7, v5;
	v6 =	vor.u32 v1, v6  }
0x20b: {  	v6 =	vand.u32 v3, v6  }
0x20c: {  	p1 =	seq.s32 s0, $0x1  }
.Ltmp46:
0x20d: {  	_ = 	snop;
	(pc) =	sbr.rel @p1 .LBB2_83-.Ltmp46, $3  }
0x20e: {  	_ =	sdelay $0x1  }
0x20f: {  	s5 =	simm.s32 $0x4E30;
	[tilespmem:v6+s10+$0x0] =	vst.idx.add.s32.msk vm0, v2  }
0x210: {  	s8 =	sadd.s32 $0xFFFFFFFF, s0;
	p0 =	por $0x1, $0x1;
	s0 =	simm.s32 $0x0;
	v6 =	vld [tilespmem:s5+$0x0]  }
.LBB2_84:
0x211: {  	p1 =	seq.s32 s8, $0x1;
	_ =	sdelay $0x2  }
0x212: {  	s0 =	sadd.s32 $0x10, s0  }
0x213: {  	v7 =	vor.u32 s0, v1;
	v6 =	vshll.u32 v6, $0x4  }
0x214: {  	vm0 =	vlt.s32 v7, v5;
	v6 =	vor.u32 v1, v6  }
0x215: {  	v6 =	vand.u32 v3, v6;
	_ =	sdelay $0x1  }
.Ltmp47:
0x216: {  	(pc) =	sbr.rel @!p1 .LBB2_84-.Ltmp47, $3  }
0x217: {  	_ =	sdelay $0x1  }
0x218: {  	s5 =	sadd.s32 $0x10, s5;
	[tilespmem:v6+s10+$0x0] =	vst.idx.add.s32.msk vm0, v2  }
0x219: {  	s8 =	sadd.s32 $0xFFFFFFFF, s8;
	v6 =	vld [tilespmem:s5+$0x0]  }
.LBB2_85:
0x21a: {  	_ =	sdelay $0x1  }
0x21b: {  	s0 =	sadd.s32 @p0 $0x10, s0  }
0x21c: {  	s1 =	smov.u32 @p0 s0  }
0x21d: {  	v7 =	vor.u32 s1, v1;
	v6 =	vshll.u32 v6, $0x4  }
0x21e: {  	vm0 =	vlt.s32 v7, v5;
	v6 =	vor.u32 v1, v6  }
0x21f: {  	v6 =	vand.u32 v3, v6;
	_ =	sdelay $0x4  }
0x220: {  	[tilespmem:v6+s10+$0x0] =	vst.idx.add.s32.msk vm0, v2  }
.LBB2_72:
0x221: {  	s0 =	simm.s32 $0x196D0  }
0x222: {  	v6 =	vld [tilespmem:s0+$0x0];
	_ =	sdelay $0x4  }
0x223: {  	(xrf0) =	vadd.scan.msk.s32 $0xffff, v6;
	_ =	sdelay $0x5  }
0x224: {  	v6, _, _ =	vpop (xrf0)  }
0x225: {  	(v2sf) =	vpush v6, $0xF;
	_ =	sdelay $0x1  }
0x226: {  	s2 =	simm.s32 $0x196C0  }
0x227: {  	v6 =	vld [tilespmem:s2+$0x0]  }
0x228: {  	s5 =	simm.s32 $0x196B0  }
0x229: {  	v7 =	vld [tilespmem:s5+$0x0];
	_ =	sdelay $0x2  }
0x22a: {  	(xrf0) =	vadd.scan.msk.s32 $0xffff, v6;
	_ =	sdelay $0x1  }
0x22b: {  	(xrf0) =	vadd.scan.msk.s32 $0xffff, v7;
	_ =	sdelay $0x2  }
0x22c: {  	s8 =	simm.s32 $0x196A0  }
0x22d: {  	v8 =	vld [tilespmem:s8+$0x0];
	v7, _, _ =	vpop (xrf0)  }
0x22e: {  	s22 =	spop (v2sf);
	(v2sf) =	vpush v7, $0xF  }
0x22f: {  	v7, _, _ =	vpop (xrf0)  }
0x230: {  	(v2sf) =	vpush v7, $0xF;
	_ =	sdelay $0x1  }
0x231: {  	s20 =	simm.s32 $0x19690;
	(xrf0) =	vadd.scan.msk.s32 $0xffff, v8  }
0x232: {  	v6 =	vld [tilespmem:s20+$0x0]  }
0x233: {  	s24 =	simm.s32 $0x0  }
0x234: {  	s29 =	simm.s32 $0xFF;
	s31 =	simm.s32 $0xFE;
	s30 =	simm.s32 $0xFD  }
0x235: {  	s28 =	simm.s32 $0xFC;
	s26 =	simm.s32 $0xFB;
	p1 =	slt.s32 s23, $0xC8  }
0x236: {  	s8 =	simm.s32 $0xFA;
	s5 =	simm.s32 $0x19680;
	s1 =	sadd.s32 s23, s22  }
0x237: {  	s0 =	smov.u32 s23;
	(xrf0) =	vadd.scan.msk.s32 $0xffff, v6;
	v6, _, _ =	vpop (xrf0);
	s22 =	smov.u32 s23;
	p2 =	sgt.s32 s1, $0xC7  }
.LBB2_73:
0x238: {  	p0 =	seq.s32 s8, $0x0;
	p1 =	por !p1, !p2;
	s2 =	smov.u32 s8  }
0x239: {  	v7 =	vld [tilespmem:s5+$0x0];
	(v2sf) =	vpush v6, $0xF;
	s8 =	sadd.s32 $0xFFFFFFFF, s8;
	s20 =	smov.u32 s0;
	s0 =	smov.u32 s1  }
.Ltmp48:
0x23a: {  	p1 =	por !p1, !p1;
	(pc) =	sbr.rel @!p0 .LBB2_73-.Ltmp48, $4  }
0x23b: {  	s24 =	smov.u32 @p1 s29;
	s22 =	smov.u32 @p1 s20;
	s29 =	smov.u32 s31  }
0x23c: {  	s31 =	smov.u32 s30;
	s30 =	smov.u32 s28;
	s20 =	spop (v2sf)  }
0x23d: {  	s28 =	smov.u32 s26;
	s26 =	smov.u32 s2;
	s1 =	sadd.s32 s1, s20  }
0x23e: {  	s5 =	sadd.s32 $0xFFFFFFF0, s5;
	p1 =	slt.s32 s0, $0xC8;
	(xrf0) =	vadd.scan.msk.s32 $0xffff, v7;
	v6, _, _ =	vpop (xrf0);
	p2 =	sgt.s32 s1, $0xC7  }
0x23f: {  	_ =	sdelay $0x4  }
0x240: {  	(v2sf) =	vpush v6, $0xF;
	v6, _, _ =	vpop (xrf0)  }
0x241: {  	(v2sf) =	vpush v6, $0xF;
	_ =	sdelay $0x7  }
0x242: {  	s2 =	spop (v2sf);
	p0 =	por !p1, !p2  }
0x243: {  	p0 =	por !p0, !p0;
	s2 =	sadd.s32 s1, s2  }
0x244: {  	p3 =	slt.s32 s1, $0xC8;
	p4 =	sgt.s32 s2, $0xC7;
	s24 =	smov.u32 @p0 s29  }
0x245: {  	p5 =	slt.s32 s2, $0xC8;
	p1 =	por !p3, !p4;
	s5 =	spop (v2sf)  }
0x246: {  	s22 =	smov.u32 @p0 s0;
	p1 =	por !p1, !p1;
	s5 =	sadd.s32 s2, s5  }
0x247: {  	s24 =	smov.u32 @p1 s31;
	s22 =	smov.u32 @p1 s1;
	p3 =	sgt.s32 s5, $0xC7  }
0x248: {  	p2 =	slt.s32 s5, $0xC8;
	p6 =	por !p5, !p3;
	s29 =	spop (v2sf)  }
0x249: {  	p0 =	por !p6, !p6;
	s0 =	sadd.s32 s5, s29;
	s31 =	spop (v2sf)  }
0x24a: {  	s24 =	smov.u32 @p0 s30;
	p3 =	sgt.s32 s0, $0xC7;
	s1 =	sadd.s32 s0, s31  }
0x24b: {  	p4 =	slt.s32 s0, $0xC8;
	p1 =	por !p2, !p3;
	p5 =	sgt.s32 s1, $0xC7  }
0x24c: {  	s22 =	smov.u32 @p0 s2;
	p1 =	por !p1, !p1;
	p6 =	por !p4, !p5  }
0x24d: {  	s24 =	smov.u32 @p1 s28;
	s22 =	smov.u32 @p1 s5;
	p0 =	por !p6, !p6  }
0x24e: {  	s24 =	smov.u32 @p0 s26;
	s22 =	smov.u32 @p0 s0;
	p0 =	slt.s32 s25, $0x1  }
.Ltmp49:
0x24f: {  	_ = 	snop;
	(pc) =	sbr.rel @p0 .LBB2_96-.Ltmp49, $1  }
0x250: {  	_ =	sdelay $0x3  }
0x251: {  	s0 =	simm.s32 $0x4E20  }
0x252: {  	v6 =	vld [tilespmem:s0+$0x0];
	_ =	sdelay $0x3  }
0x253: {  	v7 =	vmov s24;
	s24 =	simm.s32 $0x0  }
0x254: {  	p1 =	seq.s32 s25, $0x1;
	v8 =	vor.u32 s24, v1;
	v9 =	vand.u32 $0xFF, v6  }
.Ltmp50:
0x255: {  	vm0 =	vlt.s32 v8, v5;
	vm1 =	vgt.u32 v9, v7;
	(pc) =	sbr.rel @p1 .LBB2_76-.Ltmp50, $4  }
0x256: {  	vm2 =	veq.s32 v9, v7;
	vm1 =	vmand vm0, vm1  }
0x257: {  	vm0 =	vmand vm0, vm2;
	v8 =	vsel vm1, $0x1, v0  }
0x258: {  	s1 =	simm.s32 $0x9C50;
	v9 =	vsel vm0, $0x1, v0;
	(xrf0) =	vadd.scan.msk.s32 $0xffff, v8  }
0x259: {  	p0 =	por $0x0, $0x0;
	s0 =	sadd.s32 $0xFFFFFFFF, s25;
	v8 =	vld [tilespmem:s1+$0x0];
	(xrf0) =	vadd.scan.msk.s32 $0xffff, v9  }
0x25a: {  	_ =	sdelay $0x2  }
0x25b: {  	[tilespmem:s23+$0x196E0] =	vst.msk vm1, v6  }
0x25c: {  	[tilespmem:s23+$0x197C0] =	vst.msk vm1, v8  }
0x25d: {  	[tilespmem:s24+$0xEA80] =	vst.msk vm0, v6  }
0x25e: {  	s25 =	simm.s32 $0x4E30;
	[tilespmem:s24+$0x138B0] =	vst.msk vm0, v8  }
0x25f: {  	v6 =	vld [tilespmem:s25+$0x0];
	_ =	sdelay $0x3  }
0x260: {  	v9, _, _ =	vpop (xrf0)  }
0x261: {  	(v2sf) =	vpush v9, $0xF;
	v9 =	vand.u32 $0xFF, v6;
	_ =	sdelay $0x2  }
0x262: {  	vm1 =	vgt.u32 v9, v7;
	vm2 =	veq.s32 v9, v7;
	v9, _, _ =	vpop (xrf0)  }
0x263: {  	(v2sf) =	vpush v9, $0xF;
	_ =	sdelay $0x5  }
0x264: {  	s26 =	simm.s32 $0x10  }
0x265: {  	v8 =	vor.u32 s26, v1  }
0x266: {  	vm0 =	vlt.s32 v8, v5  }
0x267: {  	p1 =	seq.s32 s0, $0x1;
	vm1 =	vmand vm0, vm1  }
.Ltmp51:
0x268: {  	vm0 =	vmand vm0, vm2;
	v8 =	vsel vm1, $0x1, v0;
	(pc) =	sbr.rel @p1 .LBB2_87-.Ltmp51, $4  }
0x269: {  	s30 =	simm.s32 $0x9C60;
	v10 =	vsel vm0, $0x1, v0;
	(xrf0) =	vadd.scan.msk.s32 $0xffff, v8  }
0x26a: {  	v8 =	vld [tilespmem:s30+$0x0];
	(xrf0) =	vadd.scan.msk.s32 $0xffff, v10  }
0x26b: {  	s1 =	sadd.s32 $0xFFFFFFFF, s0;
	p0 =	por $0x1, $0x1  }
0x26c: {  	s28 =	smov.u32 s23;
	s29 =	simm.s32 $0x0;
	s0 =	spop (v2sf)  }
.LBB2_88:
0x26d: {  	p1 =	seq.s32 s1, $0x1;
	s28 =	sadd.s32 s28, s0;
	s0 =	spop (v2sf)  }
0x26e: {  	s1 =	sadd.s32 $0xFFFFFFFF, s1;
	[tilespmem:s28+$0x196E0] =	vst.msk vm1, v6;
	s29 =	sadd.s32 s29, s0  }
0x26f: {  	[tilespmem:s28+$0x197C0] =	vst.msk vm1, v8;
	v9, _, _ =	vpop (xrf0)  }
0x270: {  	[tilespmem:s29+$0xEA80] =	vst.msk vm0, v6;
	(v2sf) =	vpush v9, $0xF;
	v6, _, _ =	vpop (xrf0)  }
0x271: {  	[tilespmem:s29+$0x138B0] =	vst.msk vm0, v8;
	(v2sf) =	vpush v6, $0xF  }
0x272: {  	s25 =	sadd.s32 $0x10, s25  }
0x273: {  	v6 =	vld [tilespmem:s25+$0x0];
	_ =	sdelay $0x3  }
0x274: {  	s26 =	sadd.s32 $0x10, s26  }
0x275: {  	v8 =	vor.u32 s26, v1;
	v9 =	vand.u32 $0xFF, v6  }
0x276: {  	vm0 =	vlt.s32 v8, v5;
	vm1 =	vgt.u32 v9, v7;
	vm2 =	veq.s32 v9, v7  }
0x277: {  	vm1 =	vmand vm0, vm1;
	vm0 =	vmand vm0, vm2  }
.Ltmp52:
0x278: {  	v8 =	vsel vm1, $0x1, v0;
	v9 =	vsel vm0, $0x1, v0;
	(pc) =	sbr.rel @!p1 .LBB2_88-.Ltmp52, $3  }
0x279: {  	s30 =	sadd.s32 $0x10, s30;
	(xrf0) =	vadd.scan.msk.s32 $0xffff, v8  }
0x27a: {  	v8 =	vld [tilespmem:s30+$0x0];
	(xrf0) =	vadd.scan.msk.s32 $0xffff, v9;
	_ =	sdelay $0x1  }
0x27b: {  	s0 =	spop (v2sf)  }
.LBB2_89:
0x27c: {  	_ =	sdelay $0x1  }
0x27d: {  	v5, _, _ =	vpop (xrf0)  }
0x27e: {  	(v2sf) =	vpush v5, $0xF;
	v5, _, _ =	vpop (xrf0)  }
0x27f: {  	(v2sf) =	vpush v5, $0xF;
	_ =	sdelay $0x9  }
0x280: {  	s0 =	sadd.s32 @p0 s28, s0  }
.Ltmp53:
0x281: {  	s1 =	spop @p0 (v2sf);
	s23 =	smov.u32 @p0 s0;
	(pc) =	sbr.rel .LBB2_96-.Ltmp53, $4  }
0x282: {  	s0 =	sadd.s32 @p0 s29, s1;
	[tilespmem:s23+$0x196E0] =	vst.msk vm1, v6  }
0x283: {  	s24 =	smov.u32 @p0 s0;
	[tilespmem:s23+$0x197C0] =	vst.msk vm1, v8  }
0x284: {  	[tilespmem:s24+$0xEA80] =	vst.msk vm0, v6;
	s30 =	spop (v2sf)  }
0x285: {  	[tilespmem:s24+$0x138B0] =	vst.msk vm0, v8;
	s31 =	spop (v2sf)  }
.LBB2_69:
0x286: {  	p0 =	sgt.s32 s25, $0x0  }
.Ltmp54:
0x287: {  	_ = 	snop;
	(pc) =	sbr.rel @!p0 .LBB2_70-.Ltmp54, $1  }
0x288: {  	_ =	sdelay $0x3  }
0x289: {  	p1 =	sne.s32 s25, $0x1  }
.Ltmp55:
0x28a: {  	_ = 	snop;
	(pc) =	sbr.rel @!p1 .LBB2_91-.Ltmp55, $4  }
0x28b: {  	_ = 	snop  }
0x28c: {  	s5 =	simm.s32 $0x4E20  }
0x28d: {  	s0 =	simm.s32 $0x9C50;
	s22 =	simm.s32 $0xEA80;
	v5 =	vld [tilespmem:s5+$0x0]  }
0x28e: {  	s1 =	simm.s32 $0x138B0;
	p0 =	por $0x0, $0x0;
	v6 =	vld [tilespmem:s0+$0x0];
	s0 =	sadd.s32 $0xFFFFFFFF, s25  }
0x28f: {  	_ = 	snop  }
0x290: {  	p1 =	sne.s32 s0, $0x1  }
.Ltmp56:
0x291: {  	_ = 	snop;
	(pc) =	sbr.rel @!p1 .LBB2_93-.Ltmp56, $4  }
0x292: {  	[tilespmem:s22+$0x0] =	vst v5  }
0x293: {  	s5 =	simm.s32 $0x4E30;
	[tilespmem:s1+$0x0] =	vst v6  }
0x294: {  	s24 =	simm.s32 $0x9C60;
	s25 =	sadd.s32 $0xFFFFFFFF, s0;
	v5 =	vld [tilespmem:s5+$0x0]  }
0x295: {  	p0 =	por $0x1, $0x1;
	s0 =	simm.s32 $0xEA80;
	s8 =	simm.s32 $0x138B0;
	v6 =	vld [tilespmem:s24+$0x0]  }
.LBB2_94:
0x296: {  	p1 =	sne.s32 s25, $0x1;
	_ =	sdelay $0x1  }
.Ltmp57:
0x297: {  	s0 =	sadd.s32 $0x10, s0;
	(pc) =	sbr.rel @p1 .LBB2_94-.Ltmp57, $4  }
0x298: {  	s8 =	sadd.s32 $0x10, s8;
	[tilespmem:s0+$0x0] =	vst v5  }
0x299: {  	s5 =	sadd.s32 $0x10, s5;
	[tilespmem:s8+$0x0] =	vst v6  }
0x29a: {  	s24 =	sadd.s32 $0x10, s24;
	v5 =	vld [tilespmem:s5+$0x0]  }
0x29b: {  	s25 =	sadd.s32 $0xFFFFFFFF, s25;
	v6 =	vld [tilespmem:s24+$0x0]  }
.LBB2_95:
.Ltmp58:
0x29c: {  	_ = 	snop;
	(pc) =	sbr.rel .LBB2_96-.Ltmp58, $4  }
0x29d: {  	s0 =	sadd.s32 @p0 $0x10, s0  }
0x29e: {  	s22 =	smov.u32 @p0 s0;
	s0 =	sadd.s32 @p0 $0x10, s8  }
0x29f: {  	s1 =	smov.u32 @p0 s0;
	[tilespmem:s22+$0x0] =	vst v5  }
0x2a0: {  	s22 =	smov.u32 s23;
	[tilespmem:s1+$0x0] =	vst v6  }
.LBB2_70:
0x2a1: {  	s22 =	smov.u32 s23  }
.LBB2_96:
0x2a2: {  	s0 =	simm.s32 $0x196E0  }
0x2a3: {  	v6 =	vld [tilespmem:s0+$0x0];
	_ =	sdelay $0x1  }
0x2a4: {  	s1 =	simm.s32 $0x0  }
0x2a5: {  	v5 =	vmov s22;
	v7 =	vor.u32 s1, v1  }
0x2a6: {  	vm0 =	vlt.s32 v7, v5  }
0x2a7: {  	s8 =	simm.s32 $0x198A0;
	v6 =	vnsel vm0, $0x0, v6  }
0x2a8: {  	s5 =	simm.s32 $0x197C0;
	[tilespmem:s8+$0x0] =	vst v6  }
0x2a9: {  	v6 =	vld [tilespmem:s5+$0x0];
	_ =	sdelay $0x2  }
0x2aa: {  	s31 =	smulhi.u32 $0xCA4587E7, s21  }
0x2ab: {  	s24 =	simm.s32 $0x10  }
0x2ac: {  	s25 =	simm.s32 $0x19990;
	s1 =	simm.s32 $0x19980;
	s23 =	sshrl.u32 s31, $0x6;
	v6 =	vnsel vm0, $0x0, v6  }
.LBB2_97:
0x2ad: {  	[tilespmem:s1+$0x0] =	vst v6;
	s0 =	sadd.s32 $0x10, s0;
	s8 =	sadd.s32 $0x10, s8;
	s5 =	sadd.s32 $0x10, s5  }
0x2ae: {  	p0 =	sne.s32 s24, $0xD0;
	s2 =	smov.u32 s24;
	s24 =	sadd.s32 $0x10, s24;
	v6 =	vld [tilespmem:s0+$0x0]  }
0x2af: {  	s1 =	smov.u32 s25;
	_ =	sdelay $0x1  }
0x2b0: {  	v7 =	vor.u32 s2, v1  }
0x2b1: {  	vm0 =	vlt.s32 v7, v5  }
0x2b2: {  	v6 =	vnsel vm0, $0x0, v6  }
0x2b3: {  	[tilespmem:s8+$0x0] =	vst v6  }
0x2b4: {  	v6 =	vld [tilespmem:s5+$0x0]  }
.Ltmp59:
0x2b5: {  	(pc) =	sbr.rel @p0 .LBB2_97-.Ltmp59, $2  }
0x2b6: {  	_ =	sdelay $0x2  }
0x2b7: {  	s25 =	sadd.s32 $0x10, s25;
	v6 =	vnsel vm0, $0x0, v6  }
0x2b8: {  	s0 =	ssub.s32 $0xD7, s22;
	p0 =	sne.s32 s22, $0xD7;
	s2 =	simm.s32 $0x1  }
0x2b9: {  	s5 =	sshra.s32 s0, $0x1F;
	s2 =	simm.s32 @!p0 $0x0  }
0x2ba: {  	s8 =	sand.u32 $0xF, s0;
	s2 =	sor.u32 s2, s5  }
0x2bb: {  	p1 =	sne.s32 s8, $0x0;
	p6 =	sne.s32 s2, $0x1  }
0x2bc: {  	s31 =	sshrl.u32 s5, $0x1C;
	p0 =	por !p1, !p6  }
0x2bd: {  	s0 =	sadd.s32 s31, s0;
	s2 =	simm.s32 $0x1;
	p0 =	por !p0, !p0  }
0x2be: {  	s0 =	sshra.s32 s0, $0x4;
	s2 =	simm.s32 @!p0 $0x0  }
0x2bf: {  	s5 =	ssub.s32 s0, s2  }
0x2c0: {  	p0 =	slt.s32 s5, $0x1  }
.Ltmp60:
0x2c1: {  	_ = 	snop;
	(pc) =	sbr.rel @p0 .LBB2_106-.Ltmp60, $2  }
0x2c2: {  	_ =	sdelay $0x2  }
0x2c3: {  	[tilespmem:s1+$0x0] =	vst v6  }
0x2c4: {  	p1 =	sne.s32 s5, $0x1  }
.Ltmp61:
0x2c5: {  	_ = 	snop;
	(pc) =	sbr.rel @!p1 .LBB2_100-.Ltmp61, $4  }
0x2c6: {  	_ = 	snop  }
0x2c7: {  	s0 =	ssub.s32 $0xC8, s22;
	s1 =	simm.s32 $0x0  }
0x2c8: {  	s8 =	sadd.s32 $0xFFFFFFFF, s5;
	v6 =	vmov s0;
	v7 =	vor.u32 s1, v1  }
0x2c9: {  	p0 =	por $0x0, $0x0;
	s0 =	simm.s32 $0xEA80;
	s1 =	simm.s32 $0x138B0;
	vm1 =	vlt.s32 v7, v6  }
0x2ca: {  	v8 =	vld [tilespmem:s0+$0x0];
	v9 =	vadd.s32 v5, v7  }
0x2cb: {  	v10 =	vld [tilespmem:s1+$0x0];
	p1 =	sne.s32 s8, $0x1  }
.Ltmp62:
0x2cc: {  	_ = 	snop;
	(pc) =	sbr.rel @!p1 .LBB2_102-.Ltmp62, $4  }
0x2cd: {  	_ = 	snop  }
0x2ce: {  	s5 =	simm.s32 $0x10  }
0x2cf: {  	s22 =	sadd.s32 $0xFFFFFFFF, s8;
	v7 =	vor.u32 s5, v1;
	[tilespmem:v9+s12+$0x0] =	vst.idx.msk vm1, v8  }
0x2d0: {  	s0 =	simm.s32 $0xEA90;
	p0 =	por $0x1, $0x1;
	s8 =	simm.s32 $0x138B0;
	vm0 =	vlt.s32 v7, v6;
	[tilespmem:v9+s13+$0x0] =	vst.idx.msk vm1, v10  }
.LBB2_103:
0x2d1: {  	p1 =	sne.s32 s22, $0x1;
	v8 =	vld [tilespmem:s0+$0x0];
	v9 =	vadd.s32 v5, v7;
	s8 =	sadd.s32 $0x10, s8  }
0x2d2: {  	v10 =	vld [tilespmem:s8+$0x0]  }
.Ltmp63:
0x2d3: {  	(pc) =	sbr.rel @p1 .LBB2_103-.Ltmp63, $4  }
0x2d4: {  	_ = 	snop  }
0x2d5: {  	s5 =	sadd.s32 $0x10, s5  }
0x2d6: {  	v7 =	vor.u32 s5, v1;
	[tilespmem:v9+s12+$0x0] =	vst.idx.msk vm0, v8  }
0x2d7: {  	s22 =	sadd.s32 $0xFFFFFFFF, s22;
	s0 =	sadd.s32 $0x10, s0;
	[tilespmem:v9+s13+$0x0] =	vst.idx.msk vm0, v10;
	vm0 =	vlt.s32 v7, v6  }
0x2d8: {  	vm1 =	vmmov vm0  }
.LBB2_105:
0x2d9: {  	s2 =	sadd.s32 @p0 $0x10, s8  }
0x2da: {  	v6 =	vld [tilespmem:s0+$0x0];
	v5 =	vadd.s32 v5, v7;
	s1 =	smov.u32 @p0 s2  }
0x2db: {  	v7 =	vld [tilespmem:s1+$0x0];
	_ =	sdelay $0x3  }
0x2dc: {  	[tilespmem:v5+s12+$0x0] =	vst.idx.msk vm1, v6  }
0x2dd: {  	[tilespmem:v5+s13+$0x0] =	vst.idx.msk vm1, v7  }
.LBB2_106:
0x2de: {  	v5 =	vld [tilespmem:$0x19980]  }
0x2df: {  	v6 =	vld [tilespmem:$0x19990]  }
0x2e0: {  	v7 =	vld [tilespmem:$0x199A0]  }
0x2e1: {  	s0 =	smul.u32 $0x4E20, s23;
	v8 =	vld [tilespmem:$0x199B0]  }
0x2e2: {  	v9 =	vld [tilespmem:$0x199C0]  }
0x2e3: {  	v10 =	vld [tilespmem:$0x199D0];
	v5 =	vadd.s32 s0, v5  }
0x2e4: {  	[tilespmem:$0x19A60] =	vst v5;
	v5 =	vadd.s32 s0, v6;
	v6 =	vld [tilespmem:$0x199E0]  }
0x2e5: {  	[tilespmem:$0x19A70] =	vst v5;
	v5 =	vadd.s32 s0, v7;
	v7 =	vld [tilespmem:$0x199F0]  }
0x2e6: {  	v60 =	vld [tilespmem:$0x19A00];
	[tilespmem:$0x19A80] =	vst v5;
	v5 =	vadd.s32 s0, v8  }
0x2e7: {  	v61 =	vld [tilespmem:$0x19A10];
	[tilespmem:$0x19A90] =	vst v5;
	v5 =	vadd.s32 s0, v9  }
0x2e8: {  	v62 =	vld [tilespmem:$0x19A20];
	[tilespmem:$0x19AA0] =	vst v5;
	v5 =	vadd.s32 s0, v10  }
0x2e9: {  	[tilespmem:$0x19AB0] =	vst v5;
	v5 =	vadd.s32 s0, v6;
	v6 =	vld [tilespmem:$0x19A30]  }
0x2ea: {  	[tilespmem:$0x19AC0] =	vst v5;
	v5 =	vadd.s32 s0, v7;
	v7 =	vld [tilespmem:$0x19A40]  }
0x2eb: {  	v63 =	vld [tilespmem:$0x19A50];
	[tilespmem:$0x19AD0] =	vst v5;
	v5 =	vadd.s32 s0, v60  }
0x2ec: {  	[tilespmem:$0x19AE0] =	vst v5;
	v5 =	vadd.s32 s0, v61  }
0x2ed: {  	[tilespmem:$0x19AF0] =	vst v5;
	v5 =	vadd.s32 s0, v62  }
0x2ee: {  	[tilespmem:$0x19B00] =	vst v5;
	v5 =	vadd.s32 s0, v6  }
0x2ef: {  	[tilespmem:$0x19B10] =	vst v5;
	v5 =	vadd.s32 s0, v7  }
0x2f0: {  	[tilespmem:$0x19B20] =	vst v5;
	v5 =	vadd.s32 s0, v63  }
0x2f1: {  	[tilespmem:$0x19B30] =	vst v5  }
0x2f2: {  	[tilespmem:s16], [sflag:$0x1] =	stream.indirect.gather [hbm4b:s4+s14], $0x8, s15, s14, $0xb8;
	[tilespmem:$0x1A630] =	vst v63  }
0x2f3: {  	_ =	swait.ge [sflag:s11], $0x380  }
0x2f4: {  	[sflag:s11] =	ssyncset.done $0x0  }
0x2f5: {  	[sflag:s11] =	ssyncadd.s32 $0xFFFFFC80  }
0x2f6: {  	[tilespmem:s18], [sflag:$0x1] =	stream.indirect.gather [hbm4b:s4+s14], $0x8, s17, s14, $0xb8;
	[tilespmem:$0x1A630] =	vst v63  }
0x2f7: {  	_ =	swait.ge [sflag:s11], $0x380  }
0x2f8: {  	s22 =	simm.s32 $0x0;
	[sflag:s11] =	ssyncset.done $0x0  }
0x2f9: {  	s1 =	simm.s32 $0x0;
	s0 =	simm.s32 $0x40;
	[sflag:s11] =	ssyncadd.s32 $0xFFFFFC80  }
.LBB2_107:
0x2fa: {  	p0 =	sne.s32 s0, $0xF80;
	[tilespmem:s1+$0x1A240] =	vst v4;
	s1 =	smov.u32 s0;
	s0 =	sadd.s32 $0x40, s0  }
.Ltmp64:
0x2fb: {  	(pc) =	sbr.rel @p0 .LBB2_107-.Ltmp64, $2  }
0x2fc: {  	_ =	sdelay $0x2  }
0x2fd: {  	s1 =	sshra.s32 s1, $0x2  }
0x2fe: {  	[tilespmem:s1+$0x1A240] =	vst v4  }
.LBB2_109:
0x2ff: {  	s0 =	sshll.u32 s22, $0x4;
	s1 =	simm.s32 $0xF;
	v10 =	vimm.s32 $0x0;
	s2 =	simm.s32 $0xD  }
0x300: {  	s5 =	simm.s32 $0xE;
	s8 =	simm.s32 $0xB;
	s20 =	simm.s32 $0xC;
	v5 =	vor.u32 s0, v1;
	v6 =	vmov s1;
	v7 =	vmov s2  }
0x301: {  	s29 =	simm.s32 $0x7;
	s30 =	simm.s32 $0x8;
	s31 =	simm.s32 $0x9;
	v8 =	vmov s5;
	v9 =	vmov s8;
	v11 =	vmov s20  }
0x302: {  	s24 =	simm.s32 $0x4;
	s25 =	simm.s32 $0x5;
	s26 =	simm.s32 $0x6;
	v12 =	vmov s29;
	v13 =	vmov s30;
	v14 =	vmov s31  }
0x303: {  	s28 =	simm.s32 $0xA;
	s29 =	simm.s32 $0x2;
	v15 =	vmov s24;
	v16 =	vmov s25;
	v17 =	vmov s26  }
0x304: {  	s23 =	simm.s32 $0x198A0;
	s30 =	simm.s32 $0x3;
	s31 =	simm.s32 $0x0;
	vm3 =	vlt.u32 v6, v5;
	v6 =	vmov s28;
	v19 =	vmov s29  }
0x305: {  	v21 =	vld [tilespmem:s23+$0x0];
	v22 =	vmov s30;
	v20 =	vmov s31;
	vm6 =	vlt.u32 v7, v5  }
0x306: {  	vm5 =	vlt.u32 v8, v5;
	vm8 =	vlt.u32 v9, v5;
	vm7 =	vlt.u32 v11, v5  }
0x307: {  	s28 =	simm.s32 $0x1;
	vm0 =	vlt.u32 v12, v5;
	vm15 =	vlt.u32 v13, v5;
	vm4 =	vlt.u32 v14, v5  }
0x308: {  	vm10 =	vlt.u32 v16, v5;
	vm11 =	vlt.u32 v15, v5;
	v18 =	vmov s28  }
0x309: {  	vm9 =	vlt.u32 v6, v5;
	v6 =	vimm.s32 $0x0;
	vm12 =	vlt.u32 v22, v5  }
0x30a: {  	v6 =	vsel vm0, $0xFFFFFFFF, v6;
	v8 =	vbroadcast v21, $0xE;
	v7 =	vbroadcast v21, $0xF  }
0x30b: {  	vm0 =	vlt.u32 v17, v5;
	v11 =	vbroadcast v21, $0xC;
	v9 =	vbroadcast v21, $0xD  }
0x30c: {  	[tilespmem:$0x1FFE0] =	vst v6;
	v6 =	vimm.s32 $0x0;
	v13 =	vbroadcast v21, $0xA;
	v12 =	vbroadcast v21, $0xB  }
0x30d: {  	v6 =	vsel vm0, $0xFFFFFFFF, v6;
	v15 =	vbroadcast v21, $0x8;
	v14 =	vbroadcast v21, $0x9  }
0x30e: {  	vm13 =	vlt.u32 v19, v5;
	v17 =	vbroadcast v21, $0x6;
	v16 =	vbroadcast v21, $0x7;
	[tilespmem:$0x1FFF0] =	vst v6;
	v6 =	vld [tilespmem:s0+$0x198A0]  }
0x30f: {  	s24 =	simm.s32 $0x1F;
	vm14 =	vlt.u32 v18, v5;
	v19 =	vbroadcast v21, $0x4;
	v18 =	vbroadcast v21, $0x5  }
.LBB2_110:
0x310: {  	v22 =	vimm.s32 $0x0  }
0x311: {  	vm2 =	vlt.u32 v20, v5;
	v20 =	vbroadcast v21, $0x2;
	v23 =	vbroadcast v21, $0x0  }
0x312: {  	v24 =	vimm.s32 $0x0;
	v55 =	vimm.s32 $0x0;
	v56 =	vimm.s32 $0x0  }
0x313: {  	v57 =	vimm.s32 $0x0;
	v22 =	vsel vm9, $0xFFFFFFFF, v22;
	vm0 =	veq.s32 v7, v6  }
0x314: {  	v58 =	vimm.s32 $0x0;
	[tilespmem:$0x1FF30] =	vst v22;
	v22 =	vimm.s32 $0x0;
	v24 =	vsel vm0, $0xFFFFFFFF, v24  }
0x315: {  	v59 =	vimm.s32 $0x0;
	vm0 =	veq.s32 v11, v6;
	v22 =	vsel vm8, $0xFFFFFFFF, v22;
	[tilespmem:$0x1FFC0] =	vst v24  }
0x316: {  	v60 =	vimm.s32 $0x0;
	v24 =	vsel vm0, $0xFFFFFFFF, v55;
	vm0 =	veq.s32 v9, v6;
	[tilespmem:$0x1FF50] =	vst v22  }
0x317: {  	v61 =	vimm.s32 $0x0;
	v22 =	vimm.s32 $0x0;
	[tilespmem:$0x1FF60] =	vst v24;
	v24 =	vsel vm0, $0xFFFFFFFF, v56  }
0x318: {  	v62 =	vimm.s32 $0x0;
	vm0 =	veq.s32 v8, v6;
	v22 =	vsel vm7, $0xFFFFFFFF, v22;
	[tilespmem:$0x1FF80] =	vst v24  }
0x319: {  	vm1 =	vmmov vm15;
	v24 =	vsel vm0, $0xFFFFFFFF, v57;
	vm0 =	veq.s32 v14, v6;
	[tilespmem:$0x1FF70] =	vst v22  }
0x31a: {  	vm15 =	vgt.s32 v23, v6;
	v22 =	vimm.s32 $0x0;
	[tilespmem:$0x1FFA0] =	vst v24;
	v24 =	vsel vm0, $0xFFFFFFFF, v58  }
0x31b: {  	v63 =	vsel vm15, $0x1, v0;
	vm0 =	veq.s32 v13, v6;
	v22 =	vsel vm6, $0xFFFFFFFF, v22;
	[tilespmem:$0x1FF10] =	vst v24  }
0x31c: {  	vm15 =	veq.s32 v23, v6;
	v24 =	vsel vm0, $0xFFFFFFFF, v59;
	[tilespmem:$0x1FF90] =	vst v22;
	v22 =	vimm.s32 $0x0  }
0x31d: {  	v10 =	vadd.s32 v63, v10;
	vm0 =	veq.s32 v12, v6;
	[tilespmem:$0x1FF20] =	vst v24;
	v22 =	vsel vm3, $0xFFFFFFFF, v22  }
0x31e: {  	v24 =	vsel vm0, $0xFFFFFFFF, v60;
	vm0 =	veq.s32 v16, v6;
	[tilespmem:$0x1FFD0] =	vst v22;
	v22 =	vimm.s32 $0x0  }
0x31f: {  	vm2 =	vmand vm2, vm15;
	[tilespmem:$0x1FF40] =	vst v24;
	v24 =	vsel vm0, $0xFFFFFFFF, v61;
	v22 =	vsel vm5, $0xFFFFFFFF, v22  }
0x320: {  	vm0 =	veq.s32 v15, v6;
	[tilespmem:$0x1FFB0] =	vst v22;
	v22 =	vbroadcast v21, $0x3;
	v21 =	vbroadcast v21, $0x1  }
0x321: {  	vm6 =	veq.s32 v19, v6;
	vm3 =	veq.s32 v20, v6;
	[tilespmem:$0x1FEF0] =	vst v24;
	v24 =	vsel vm0, $0xFFFFFFFF, v62  }
0x322: {  	vm0 =	veq.s32 v18, v6;
	vm5 =	veq.s32 v17, v6;
	vm9 =	vgt.s32 v21, v6  }
0x323: {  	vm8 =	veq.s32 v21, v6;
	v21 =	vsel vm9, $0x1, v0;
	vm9 =	vgt.s32 v20, v6  }
0x324: {  	v20 =	vsel vm9, $0x1, v0;
	vm9 =	vgt.s32 v22, v6;
	v10 =	vadd.s32 v21, v10  }
0x325: {  	v21 =	vsel vm9, $0x1, v0;
	vm9 =	vgt.s32 v19, v6;
	v10 =	vadd.s32 v20, v10  }
0x326: {  	v19 =	vsel vm9, $0x1, v0;
	vm9 =	vgt.s32 v18, v6;
	v10 =	vadd.s32 v21, v10  }
0x327: {  	v18 =	vsel vm9, $0x1, v0;
	vm9 =	vgt.s32 v17, v6;
	v10 =	vadd.s32 v19, v10  }
0x328: {  	v17 =	vsel vm9, $0x1, v0;
	vm9 =	vgt.s32 v16, v6;
	v10 =	vadd.s32 v18, v10  }
0x329: {  	v16 =	vsel vm9, $0x1, v0;
	vm9 =	vgt.s32 v15, v6;
	v10 =	vadd.s32 v17, v10  }
0x32a: {  	v15 =	vsel vm9, $0x1, v0;
	vm9 =	vgt.s32 v14, v6;
	v10 =	vadd.s32 v16, v10  }
0x32b: {  	v14 =	vsel vm9, $0x1, v0;
	vm9 =	vgt.s32 v13, v6;
	v10 =	vadd.s32 v15, v10  }
0x32c: {  	v13 =	vsel vm9, $0x1, v0;
	vm9 =	vgt.s32 v12, v6;
	v10 =	vadd.s32 v14, v10  }
0x32d: {  	v12 =	vsel vm9, $0x1, v0;
	vm9 =	vgt.s32 v11, v6;
	v10 =	vadd.s32 v13, v10  }
0x32e: {  	v11 =	vsel vm9, $0x1, v0;
	vm9 =	vgt.s32 v9, v6;
	v9 =	vadd.s32 v12, v10  }
0x32f: {  	v10 =	vsel vm9, $0x1, v0;
	vm9 =	vgt.s32 v8, v6;
	v8 =	vadd.s32 v11, v9  }
0x330: {  	v9 =	vsel vm9, $0x1, v0;
	vm9 =	vgt.s32 v7, v6;
	v7 =	vadd.s32 v10, v8  }
0x331: {  	vm7 =	veq.s32 v22, v6;
	v10 =	vld [tilespmem:$0x1FFF0];
	v8 =	vsel vm9, $0x1, v0;
	v7 =	vadd.s32 v9, v7  }
0x332: {  	v9 =	vsel vm2, $0x1, v0;
	vm2 =	vmand vm14, vm8;
	v7 =	vadd.s32 v8, v7  }
0x333: {  	v8 =	vsel vm2, $0x1, v0;
	vm2 =	vmand vm13, vm3;
	v7 =	vadd.s32 v9, v7  }
0x334: {  	v9 =	vsel vm2, $0x1, v0;
	vm2 =	vmand vm12, vm7;
	v7 =	vadd.s32 v8, v7  }
0x335: {  	vm0 =	vmand vm10, vm0;
	v8 =	vsel vm2, $0x1, v0;
	v7 =	vadd.s32 v9, v7  }
0x336: {  	v7 =	vadd.s32 v8, v7;
	v8 =	vsel vm0, $0x1, v0;
	vm0 =	vnez.u8 v10;
	v10 =	vld [tilespmem:$0x1FFE0];
	_ =	sdelay $0x2  }
0x337: {  	vm2 =	vmand vm11, vm6  }
0x338: {  	v9 =	vsel vm2, $0x1, v0;
	vm0 =	vmand vm0, vm5  }
0x339: {  	v7 =	vadd.s32 v9, v7;
	v9 =	vsel vm0, $0x1, v0;
	vm0 =	vnez.u8 v10;
	v10 =	vld [tilespmem:$0x1FEF0];
	_ =	sdelay $0x3  }
0x33a: {  	[tilespmem:$0x1FF00] =	vst v24  }
0x33b: {  	vm2 =	vnez.u8 v10;
	v10 =	vld [tilespmem:$0x1FF00];
	_ =	sdelay $0x3  }
0x33c: {  	vm0 =	vmand vm0, vm2  }
0x33d: {  	v7 =	vadd.s32 v8, v7;
	v8 =	vsel vm0, $0x1, v0;
	vm0 =	vnez.u8 v10;
	v10 =	vld [tilespmem:$0x1FF10];
	_ =	sdelay $0x3  }
0x33e: {  	vm0 =	vmand vm1, vm0  }
0x33f: {  	v7 =	vadd.s32 v9, v7;
	v9 =	vsel vm0, $0x1, v0;
	vm0 =	vnez.u8 v10;
	v10 =	vld [tilespmem:$0x1FF20];
	_ =	sdelay $0x3  }
0x340: {  	vm0 =	vmand vm4, vm0  }
0x341: {  	v7 =	vadd.s32 v8, v7;
	v8 =	vsel vm0, $0x1, v0;
	vm0 =	vnez.u8 v10;
	v10 =	vld [tilespmem:$0x1FF30];
	_ =	sdelay $0x4  }
0x342: {  	vm1 =	vnez.u8 v10;
	v10 =	vld [tilespmem:$0x1FF40];
	_ =	sdelay $0x3  }
0x343: {  	vm0 =	vmand vm1, vm0  }
0x344: {  	v7 =	vadd.s32 v9, v7;
	v9 =	vsel vm0, $0x1, v0;
	vm0 =	vnez.u8 v10;
	v10 =	vld [tilespmem:$0x1FF50];
	_ =	sdelay $0x4  }
0x345: {  	vm1 =	vnez.u8 v10;
	v10 =	vld [tilespmem:$0x1FF60];
	_ =	sdelay $0x3  }
0x346: {  	vm0 =	vmand vm1, vm0  }
0x347: {  	v7 =	vadd.s32 v8, v7;
	v8 =	vsel vm0, $0x1, v0;
	vm0 =	vnez.u8 v10;
	v10 =	vld [tilespmem:$0x1FF70];
	_ =	sdelay $0x4  }
0x348: {  	vm1 =	vnez.u8 v10;
	v10 =	vld [tilespmem:$0x1FF80];
	_ =	sdelay $0x3  }
0x349: {  	vm0 =	vmand vm1, vm0  }
0x34a: {  	v7 =	vadd.s32 v9, v7;
	v9 =	vsel vm0, $0x1, v0;
	vm0 =	vnez.u8 v10;
	v10 =	vld [tilespmem:$0x1FF90];
	_ =	sdelay $0x4  }
0x34b: {  	vm1 =	vnez.u8 v10;
	v10 =	vld [tilespmem:$0x1FFA0];
	_ =	sdelay $0x3  }
0x34c: {  	vm0 =	vmand vm1, vm0  }
0x34d: {  	v7 =	vadd.s32 v8, v7;
	v8 =	vsel vm0, $0x1, v0;
	vm0 =	vnez.u8 v10;
	v10 =	vld [tilespmem:$0x1FFB0]  }
0x34e: {  	s23 =	sadd.s32 $0x10, s23  }
0x34f: {  	v21 =	vld [tilespmem:s23+$0x0]  }
0x350: {  	s29 =	sadd.s32 $0xFFFFFFF3, s24  }
0x351: {  	s25 =	sadd.s32 $0xFFFFFFF6, s24;
	s28 =	sadd.s32 $0xFFFFFFF2, s24;
	v22 =	vmov s29  }
0x352: {  	s20 =	sadd.s32 $0xFFFFFFFA, s24;
	s26 =	sadd.s32 $0xFFFFFFF7, s24;
	v19 =	vmov s28;
	v17 =	vmov s25;
	vm1 =	vnez.u8 v10;
	v10 =	vld [tilespmem:$0x1FFC0]  }
0x353: {  	s30 =	sadd.s32 $0xFFFFFFF8, s24;
	s31 =	sadd.s32 $0xFFFFFFF9, s24;
	v18 =	vmov s26;
	vm10 =	vlt.u32 v17, v5;
	v15 =	vmov s20  }
0x354: {  	v17 =	vbroadcast v21, $0x6;
	v14 =	vmov s31;
	s31 =	sadd.s32 $0xFFFFFFF1, s24;
	v13 =	vmov s30  }
0x355: {  	s5 =	sadd.s32 $0xFFFFFFFC, s24;
	s8 =	sadd.s32 $0xFFFFFFFD, s24;
	v20 =	vmov s31;
	vm15 =	vlt.u32 v14, v5;
	v14 =	vbroadcast v21, $0x9  }
0x356: {  	v12 =	vmov s8;
	v11 =	vmov s5;
	vm0 =	vmand vm1, vm0  }
0x357: {  	s30 =	sadd.s32 $0xFFFFFFF4, s24;
	s8 =	sadd.s32 $0xFFFFFFF5, s24;
	v7 =	vadd.s32 v9, v7;
	v9 =	vsel vm0, $0x1, v0;
	vm0 =	vnez.u8 v10;
	v10 =	vld [tilespmem:$0x1FFD0]  }
0x358: {  	v23 =	vmov s30;
	v16 =	vmov s8;
	vm8 =	vlt.u32 v11, v5  }
0x359: {  	v11 =	vbroadcast v21, $0xC;
	vm14 =	vlt.u32 v19, v5;
	v19 =	vbroadcast v21, $0x4  }
0x35a: {  	vm13 =	vlt.u32 v22, v5;
	vm7 =	vlt.u32 v12, v5;
	v12 =	vbroadcast v21, $0xB  }
0x35b: {  	vm11 =	vlt.u32 v16, v5;
	v16 =	vbroadcast v21, $0x7;
	vm4 =	vlt.u32 v15, v5  }
0x35c: {  	v15 =	vbroadcast v21, $0x8;
	v7 =	vadd.s32 v8, v7;
	vm1 =	vnez.u8 v10  }
0x35d: {  	s2 =	sadd.s32 $0xFFFFFFFB, s24;
	v7 =	vadd.s32 v9, v7;
	v9 =	vmov s24;
	vm0 =	vmand vm1, vm0  }
0x35e: {  	s0 =	sadd.s32 $0xFFFFFFFE, s24;
	vm3 =	vlt.u32 v9, v5;
	v9 =	vmov s2;
	v8 =	vsel vm0, $0x1, v0  }
0x35f: {  	p0 =	sne.s32 s24, $0xDF;
	vm9 =	vlt.u32 v9, v5;
	v10 =	vadd.s32 v8, v7;
	v7 =	vmov s0  }
.Ltmp65:
0x360: {  	vm0 =	vlt.u32 v13, v5;
	vm6 =	vlt.u32 v7, v5;
	v7 =	vimm.s32 $0x0;
	(pc) =	sbr.rel @p0 .LBB2_110-.Ltmp65, $4  }
0x361: {  	s1 =	sadd.s32 $0xFFFFFFFF, s24;
	v9 =	vbroadcast v21, $0xD;
	v13 =	vbroadcast v21, $0xA;
	v7 =	vsel vm0, $0xFFFFFFFF, v7  }
0x362: {  	v8 =	vmov s1;
	vm0 =	vlt.u32 v18, v5;
	[tilespmem:$0x1FFE0] =	vst v7;
	v7 =	vimm.s32 $0x0  }
0x363: {  	vm5 =	vlt.u32 v8, v5;
	v8 =	vbroadcast v21, $0xE;
	v7 =	vsel vm0, $0xFFFFFFFF, v7  }
0x364: {  	vm12 =	vlt.u32 v23, v5;
	s24 =	sadd.s32 $0x10, s24;
	v18 =	vbroadcast v21, $0x5;
	[tilespmem:$0x1FFF0] =	vst v7;
	v7 =	vbroadcast v21, $0xF  }
0x365: {  	v22 =	vbroadcast v21, $0x0  }
0x366: {  	v23 =	vbroadcast v21, $0x1;
	v24 =	vbroadcast v21, $0x2;
	vm2 =	vgt.s32 v19, v6  }
0x367: {  	v52 =	vbroadcast v21, $0x3;
	v62 =	vshll.u32 v5, $0x3;
	v29 =	vsel vm2, $0x1, v0  }
0x368: {  	vm2 =	vgt.s32 v16, v6;
	v44 =	vor.u32 $0x1, v62;
	v45 =	vor.u32 $0x6, v62  }
0x369: {  	v46 =	vor.u32 $0x7, v62;
	v48 =	vor.u32 $0x4, v62;
	v51 =	vor.u32 $0x5, v62  }
0x36a: {  	vm0 =	vgt.s32 v22, v6;
	vm1 =	vgt.s32 v23, v6;
	v32 =	vsel vm2, $0x1, v0  }
0x36b: {  	vm2 =	vgt.s32 v13, v6;
	v25 =	vsel vm0, $0x1, v0;
	v26 =	vsel vm1, $0x1, v0  }
0x36c: {  	vm0 =	vgt.s32 v24, v6;
	vm1 =	vgt.s32 v52, v6;
	v35 =	vsel vm2, $0x1, v0  }
0x36d: {  	vm2 =	vgt.s32 v9, v6;
	v27 =	vsel vm0, $0x1, v0;
	v28 =	vsel vm1, $0x1, v0  }
0x36e: {  	vm0 =	vgt.s32 v18, v6;
	vm1 =	vgt.s32 v17, v6;
	v38 =	vsel vm2, $0x1, v0  }
0x36f: {  	vm2 =	vgt.s32 v8, v6;
	v10 =	vadd.s32 v25, v10;
	v30 =	vsel vm0, $0x1, v0  }
0x370: {  	v31 =	vsel vm1, $0x1, v0;
	vm0 =	vgt.s32 v15, v6;
	vm1 =	vgt.s32 v14, v6  }
0x371: {  	v53 =	vsel vm2, $0x1, v0;
	v10 =	vadd.s32 v26, v10;
	v33 =	vsel vm0, $0x1, v0  }
0x372: {  	v34 =	vsel vm1, $0x1, v0;
	vm0 =	vgt.s32 v12, v6;
	vm1 =	vgt.s32 v11, v6  }
0x373: {  	v10 =	vadd.s32 v27, v10;
	v36 =	vsel vm0, $0x1, v0;
	v37 =	vsel vm1, $0x1, v0  }
0x374: {  	vm0 =	vlt.u32 v20, v5;
	vm1 =	veq.s32 v22, v6;
	v10 =	vadd.s32 v28, v10  }
0x375: {  	vm0 =	vmand vm0, vm1;
	vm1 =	vgt.s32 v7, v6;
	v10 =	vadd.s32 v29, v10  }
0x376: {  	v54 =	vsel vm1, $0x1, v0;
	vm1 =	veq.s32 v23, v6;
	v10 =	vadd.s32 v30, v10  }
0x377: {  	v61 =	vld [tilespmem:$0x1FFF0];
	v55 =	vsel vm0, $0x1, v0;
	vm14 =	vmand vm14, vm1;
	v10 =	vadd.s32 v31, v10  }
0x378: {  	v56 =	vsel vm14, $0x1, v0;
	vm14 =	veq.s32 v24, v6;
	v10 =	vadd.s32 v32, v10  }
0x379: {  	v32 =	vor.u32 $0x2, v62;
	vm0 =	vmand vm13, vm14;
	vm14 =	veq.s32 v52, v6  }
0x37a: {  	vm13 =	veq.s32 v19, v6;
	v10 =	vadd.s32 v33, v10;
	v33 =	vor.u32 $0x3, v62  }
0x37b: {  	v57 =	vsel vm0, $0x1, v0;
	vm12 =	vmand vm12, vm14;
	vm0 =	vmand vm11, vm13  }
0x37c: {  	vm14 =	veq.s32 v18, v6;
	vm13 =	vnez.u8 v61;
	v10 =	vadd.s32 v34, v10  }
0x37d: {  	v58 =	vsel vm12, $0x1, v0;
	v59 =	vsel vm0, $0x1, v0;
	v10 =	vadd.s32 v35, v10  }
0x37e: {  	v34 =	vld [tilespmem:$0x1FFE0];
	vm11 =	vmand vm10, vm14;
	vm12 =	veq.s32 v17, v6;
	v10 =	vadd.s32 v36, v10  }
0x37f: {  	vm14 =	veq.s32 v16, v6;
	v60 =	vsel vm11, $0x1, v0;
	v10 =	vadd.s32 v37, v10  }
0x380: {  	vm0 =	vmand vm13, vm12;
	vm11 =	veq.s32 v15, v6;
	v10 =	vadd.s32 v38, v10  }
0x381: {  	vm13 =	veq.s32 v14, v6;
	v63 =	vsel vm0, $0x1, v0;
	v37 =	vld.idx.msk [tilespmem:v32+s16+$0x0], $0xffff;
	v10 =	vadd.s32 v53, v10  }
0x382: {  	vm12 =	vmand vm15, vm11;
	vm11 =	veq.s32 v8, v6;
	v16 =	vld.idx.msk [tilespmem:v33+s16+$0x0], $0xffff;
	v10 =	vadd.s32 v54, v10  }
0x383: {  	v36 =	vsel vm12, $0x1, v0;
	vm10 =	vnez.u8 v34;
	v10 =	vadd.s32 v55, v10  }
0x384: {  	vm12 =	veq.s32 v7, v6;
	vm0 =	vmand vm10, vm14;
	v10 =	vadd.s32 v56, v10  }
0x385: {  	vm14 =	veq.s32 v13, v6;
	vm10 =	veq.s32 v9, v6;
	v10 =	vadd.s32 v57, v10  }
0x386: {  	v35 =	vsel vm0, $0x1, v0;
	v13 =	vmul.f32 $2.000000030e-01, v37;
	v10 =	vadd.s32 v58, v10  }
0x387: {  	vm0 =	vmand vm4, vm13;
	v43 =	vmul.f32 $2.000000030e-01, v16;
	v10 =	vadd.s32 v59, v10  }
0x388: {  	vm15 =	vmand vm9, vm14;
	v13 =	vmul.f32 $1.442695020e+00, v13;
	v42 =	vadd.s32 v60, v10  }
0x389: {  	vm4 =	veq.s32 v12, v6;
	v10 =	vmul.f32 $1.442695020e+00, v43;
	v9 =	vadd.s32 v63, v42  }
0x38a: {  	v38 =	vsel vm0, $0x1, v0;
	(erf) = vpow2.f32 v13;
	v9 =	vadd.s32 v35, v9  }
0x38b: {  	v39 =	vsel vm15, $0x1, v0;
	(erf) = vpow2.f32 v10;
	v9 =	vadd.s32 v36, v9  }
0x38c: {  	vm0 =	vmand vm8, vm4;
	vm8 =	veq.s32 v11, v6;
	v9 =	vadd.s32 v38, v9  }
0x38d: {  	v50 =	vld.idx.msk [tilespmem:v62+s16+$0x0], $0xffff;
	v40 =	vsel vm0, $0x1, v0;
	vm9 =	vmand vm7, vm8;
	v9 =	vadd.s32 v39, v9  }
0x38e: {  	v52 =	vld.idx.msk [tilespmem:v44+s16+$0x0], $0xffff;
	vm0 =	vmand vm6, vm10;
	v41 =	vsel vm9, $0x1, v0;
	v49 =	vadd.s32 v40, v9  }
0x38f: {  	v54 =	vld.idx.msk [tilespmem:v45+s16+$0x0], $0xffff;
	v47 =	vsel vm0, $0x1, v0;
	vm0 =	vmand vm5, vm11;
	v7 =	vadd.s32 v41, v49  }
0x390: {  	vm13 =	vmand vm3, vm12;
	v56 =	vld.idx.msk [tilespmem:v46+s16+$0x0], $0xffff;
	v53 =	vsel vm0, $0x1, v0;
	v7 =	vadd.s32 v47, v7  }
0x391: {  	vm14 =	vgt.f32 v6, $9.999999770e-03;
	v55 =	vsel vm13, $0x1, v0;
	v57 =	vld.idx.msk [tilespmem:v48+s16+$0x0], $0xffff;
	v7 =	vadd.s32 v53, v7  }
0x392: {  	v11 =	vld.idx.msk [tilespmem:v51+s16+$0x0], $0xffff;
	vm15 =	vlt.u32 v5, $0xC8;
	v9 =	vmul.f32 $1.000000010e-01, v50;
	v7 =	vadd.s32 v55, v7  }
0x393: {  	v8 =	vmul.f32 $1.000000010e-01, v52;
	vm0 =	vmand vm15, vm14;
	v5 =	vpop (erf);
	v7 =	vmul.u32 $0x5, v7  }
0x394: {  	v9 =	vmul.f32 v54, v9;
	v5 =	vmul.f32 v54, v5;
	v58 =	vpop (erf)  }
0x395: {  	v8 =	vmul.f32 v56, v8;
	v10 =	vmul.f32 v56, v58;
	v59 =	vadd.s32 $0x1, v7  }
0x396: {  	v9 =	vadd.f32 v9, v57;
	v5 =	vmul.f32 $5.000000000e-01, v5;
	v60 =	vadd.s32 $0x2, v7  }
0x397: {  	s22 =	sadd.s32 $0x1, s22;
	v8 =	vadd.f32 v8, v11;
	v61 =	vadd.s32 $0x3, v7;
	v10 =	vmul.f32 $5.000000000e-01, v10  }
0x398: {  	p0 =	sne.s32 s22, $0xE;
	v63 =	vadd.s32 $0x4, v7;
	v62 =	vsub.f32 v9, v5  }
.Ltmp66:
0x399: {  	[tilespmem:v7+s19+$0x0] =	vst.idx.msk vm0, v6;
	v6 =	vsub.f32 v8, v10;
	(pc) =	sbr.rel @p0 .LBB2_109-.Ltmp66, $4  }
0x39a: {  	v5 =	vadd.f32 v5, v9;
	[tilespmem:v59+s19+$0x0] =	vst.idx.msk vm0, v62  }
0x39b: {  	[tilespmem:v60+s19+$0x0] =	vst.idx.msk vm0, v6;
	v6 =	vadd.f32 v10, v8  }
0x39c: {  	[tilespmem:v61+s19+$0x0] =	vst.idx.msk vm0, v5  }
0x39d: {  	[tilespmem:v63+s19+$0x0] =	vst.idx.msk vm0, v6  }
0x39e: {  	s0 =	smul.u32 $0x7D, s21  }
0x39f: {  	s21 =	sadd.s32 $0x1, s21  }
0x3a0: {  	s1 =	simm.s32 $0x0;
	p0 =	slt.u32 s21, s7;
	s0 =	sadd.s32 s6, s0  }
0x3a1: {  	[hbm4b:s0+s1] =	stream.linear.scatter [tilespmem:s19], [sflag:$0x2], $0x3E8, $0x38;
	[tilespmem:$0x1A630] =	vst v63  }
.Ltmp67:
0x3a2: {  	_ = 	snop;
	(pc) =	sbr.rel @p0 .LBB2_2-.Ltmp67, $4  }
.Ltmp68:
0x3a3: {  	_ = 	snop;
	(pc) =	sbr.rel @!p0 .LBB2_113-.Ltmp68, $4  }
0x3a4: {  	_ =	swait.ge [sflag:s9], $0x3E8  }
0x3a5: {  	[sflag:s9] =	ssyncset.done $0x0  }
0x3a6: {  	[sflag:s9] =	ssyncadd.s32 $0xFFFFFC18  }
0x3a7: {  	_ = 	snop  }
.LBB2_100:
.Ltmp69:
0x3a8: {  	(pc) =	sbr.rel .LBB2_105-.Ltmp69, $2  }
0x3a9: {  	_ =	sdelay $0x2  }
0x3aa: {  	s8 =	simm.s32 $0x138B0  }
.LBB2_102:
.Ltmp70:
0x3ab: {  	(pc) =	sbr.rel .LBB2_105-.Ltmp70, $2  }
0x3ac: {  	_ =	sdelay $0x2  }
0x3ad: {  	s8 =	simm.s32 $0x138B0;
	vm1 =	vmmov vm0  }
.LBB2_22:
.Ltmp71:
0x3ae: {  	(pc) =	sbr.rel .LBB2_26-.Ltmp71, $2  }
0x3af: {  	_ =	sdelay $0x2  }
0x3b0: {  	s5 =	simm.s32 $0x0  }
.LBB2_28:
.Ltmp72:
0x3b1: {  	(pc) =	sbr.rel .LBB2_32-.Ltmp72, $2  }
0x3b2: {  	_ =	sdelay $0x2  }
0x3b3: {  	s28 =	smov.u32 s0;
	s29 =	simm.s32 $0x0  }
.LBB2_34:
.Ltmp73:
0x3b4: {  	(pc) =	sbr.rel .LBB2_38-.Ltmp73, $2  }
0x3b5: {  	_ =	sdelay $0x2  }
0x3b6: {  	s5 =	simm.s32 $0xEA80;
	s23 =	simm.s32 $0x138B0  }
.LBB2_51:
.Ltmp74:
0x3b7: {  	(pc) =	sbr.rel .LBB2_55-.Ltmp74, $2  }
0x3b8: {  	_ =	sdelay $0x2  }
0x3b9: {  	s0 =	simm.s32 $0x0  }
.LBB2_57:
.Ltmp75:
0x3ba: {  	(pc) =	sbr.rel .LBB2_61-.Ltmp75, $2  }
0x3bb: {  	_ =	sdelay $0x2  }
0x3bc: {  	s28 =	smov.u32 s22;
	s29 =	simm.s32 $0x0  }
.LBB2_63:
.Ltmp76:
0x3bd: {  	(pc) =	sbr.rel .LBB2_67-.Ltmp76, $2  }
0x3be: {  	_ =	sdelay $0x2  }
0x3bf: {  	s0 =	simm.s32 $0x4E20;
	s8 =	simm.s32 $0x9C50  }
.LBB2_81:
.Ltmp77:
0x3c0: {  	(pc) =	sbr.rel .LBB2_85-.Ltmp77, $2  }
0x3c1: {  	_ =	sdelay $0x2  }
0x3c2: {  	s0 =	simm.s32 $0x0  }
.LBB2_76:
.Ltmp78:
0x3c3: {  	(pc) =	sbr.rel .LBB2_89-.Ltmp78, $2  }
0x3c4: {  	_ =	sdelay $0x2  }
0x3c5: {  	s28 =	smov.u32 s23;
	s29 =	simm.s32 $0x0  }
.LBB2_91:
.Ltmp79:
0x3c6: {  	(pc) =	sbr.rel .LBB2_95-.Ltmp79, $2  }
0x3c7: {  	_ =	sdelay $0x2  }
0x3c8: {  	s0 =	simm.s32 $0xEA80;
	s8 =	simm.s32 $0x138B0  }
.LBB2_24:
.Ltmp80:
0x3c9: {  	(pc) =	sbr.rel .LBB2_26-.Ltmp80, $2  }
0x3ca: {  	_ =	sdelay $0x2  }
0x3cb: {  	s5 =	simm.s32 $0x0  }
.LBB2_30:
.Ltmp81:
0x3cc: {  	(pc) =	sbr.rel .LBB2_32-.Ltmp81, $2  }
0x3cd: {  	_ =	sdelay $0x2  }
0x3ce: {  	s28 =	smov.u32 s0;
	s29 =	simm.s32 $0x0  }
.LBB2_36:
.Ltmp82:
0x3cf: {  	(pc) =	sbr.rel .LBB2_38-.Ltmp82, $2  }
0x3d0: {  	_ =	sdelay $0x2  }
0x3d1: {  	s5 =	simm.s32 $0xEA80;
	s23 =	simm.s32 $0x138B0  }
.LBB2_53:
.Ltmp83:
0x3d2: {  	(pc) =	sbr.rel .LBB2_55-.Ltmp83, $2  }
0x3d3: {  	_ =	sdelay $0x2  }
0x3d4: {  	s0 =	simm.s32 $0x0  }
.LBB2_59:
.Ltmp84:
0x3d5: {  	(pc) =	sbr.rel .LBB2_61-.Ltmp84, $2  }
0x3d6: {  	_ =	sdelay $0x2  }
0x3d7: {  	s28 =	smov.u32 s22;
	s29 =	simm.s32 $0x0  }
.LBB2_65:
.Ltmp85:
0x3d8: {  	(pc) =	sbr.rel .LBB2_67-.Ltmp85, $2  }
0x3d9: {  	_ =	sdelay $0x2  }
0x3da: {  	s0 =	simm.s32 $0x4E20;
	s8 =	simm.s32 $0x9C50  }
.LBB2_83:
.Ltmp86:
0x3db: {  	(pc) =	sbr.rel .LBB2_85-.Ltmp86, $2  }
0x3dc: {  	_ =	sdelay $0x2  }
0x3dd: {  	s0 =	simm.s32 $0x0  }
.LBB2_87:
.Ltmp87:
0x3de: {  	(pc) =	sbr.rel .LBB2_89-.Ltmp87, $2  }
0x3df: {  	_ =	sdelay $0x2  }
0x3e0: {  	s28 =	smov.u32 s23;
	s29 =	simm.s32 $0x0  }
.LBB2_93:
.Ltmp88:
0x3e1: {  	(pc) =	sbr.rel .LBB2_95-.Ltmp88, $2  }
0x3e2: {  	_ =	sdelay $0x2  }
0x3e3: {  	s0 =	simm.s32 $0xEA80;
	s8 =	simm.s32 $0x138B0  }
.LBB2_114:
0x3e4: {  	_ =	sfence.sel $0x180000  }
0x3e5: {  	[bflag:$0x0] =	sbarrier.arrive $0xFFFF  }
0x3e6: {  	_ =	strace $0x90000047  }
0x3e7: {  	s0 =	stileid.u32;
	[bflag:$0x2] =	sbarrier.arrive $0xFFFF  }
0x3e8: {  	p0 =	sne.s32 s0, $0x0;
	s0 =	rddreg [dreg:$0x1]  }
0x3e9: {  	s0 =	sadd.s32 @!p0 $0x100000, s0  }
0x3ea: {  	[sflag:s0] =	ssyncadd.tile.s32 @!p0 $0x1;
	_ =	shalt  }
.Lfunc_end2:
_tile_overlayer_lowered:
.L_overlay_start_2:
0x3eb: {  	(tag) =	ssettag $0x2  }
0x3ec: {  	s0 =	rddreg [dreg:$0x0];
	s2 =	stileid.u32  }
0x3ed: {  	s1 =	rddreg [dreg:$0x1];
	p0 =	sne.s32 s2, $0x0  }
0x3ee: {  	s3 =	rddreg [dreg:$0x2];
	[bflag:$0x3] =	sbarrier.arrive $0xFFFF;
	s2 =	simm.s32 @!p0 $0x1C02  }
0x3ef: {  	[timem:s3], [sflag:s2] =	dma.local @!p0 [hbm:s0], s1  }
0x3f0: {  	s0 =	simm.s32 @!p0 $0x2  }
0x3f1: {  	_ =	swait.ge @!p0 [sflag:s0], s1  }
0x3f2: {  	s1 =	ssub.s32 @!p0 $0x0, s1;
	[sflag:s0] =	ssyncset.done @!p0 $0x0  }
0x3f3: {  	[sflag:s0] =	ssyncadd.s32 @!p0 s1  }
0x3f4: {  	[bflag:$0x3] =	sbarrier.arrive $0xFFFF  }
0x3f5: {  	_ =	shalt  }

</sc_bundles>
